<compile_context>
chip_gen: v7x
topology: tpu7x:2x2x1
jax: 0.10.2.dev20260603
libtpu: 0.0.44.dev20260713+nightly
codegen_flags: <defaults>
</compile_context>

<pallas_src>
import functools

import jax
import jax.numpy as jnp
from jax import lax
from jax.experimental import pallas as pl
from jax.experimental.pallas import tpu as pltpu
from jax.experimental.pallas import tpu_sc as plsc

N = 20000
NPAD = 20480
K = 16
BR = 512
BC = 2048
GW = 32
NB = NPAD // GW
MARGIN = 1e-4

CCAP = 1024
NW = 32
RPW = N // NW
MV = NB // 16


def _sq_dist(a_blk, bt_blk):
    ab = lax.dot_general(
        a_blk, bt_blk,
        dimension_numbers=(((1,), (0,)), ((), ())),
        preferred_element_type=jnp.float32,
    )
    a2 = jnp.sum(a_blk * a_blk, axis=1, keepdims=True)
    b2 = jnp.sum(bt_blk * bt_blk, axis=0)[None, :]
    return (a2 + b2) - 2.0 * ab


def _dist_body(a_ref, bt_ref, o_ref):
    j = pl.program_id(1)
    d = jnp.sqrt(jnp.maximum(_sq_dist(a_ref[...], bt_ref[...]), 0.0))
    col = j * BC + lax.broadcasted_iota(jnp.int32, (BR, BC), 1)
    o_ref[...] = jnp.where(col >= N, jnp.inf, d)


def _distances(a_pad, bt_pad):
    return pl.pallas_call(
        _dist_body,
        grid=(NPAD // BR, NPAD // BC),
        in_specs=[
            pl.BlockSpec((BR, 3), lambda i, j: (i, 0)),
            pl.BlockSpec((3, BC), lambda i, j: (0, j)),
        ],
        out_specs=pl.BlockSpec((BR, BC), lambda i, j: (i, j)),
        out_shape=jax.ShapeDtypeStruct((NPAD, NPAD), jnp.float32),
    )(a_pad, bt_pad)


BCM = 4096


def _mblock_body(a_ref, bt_ref, m_ref):
    jc = pl.program_id(1)
    sq = _sq_dist(a_ref[...], bt_ref[...])
    cc = jc * BCM + lax.broadcasted_iota(jnp.int32, (BCM, BR), 0)
    sq = jnp.where(cc >= N, jnp.inf, sq)
    gm = jnp.min(sq.reshape(BCM // GW, GW, BR), axis=1)
    m_ref[...] = jnp.sqrt(jnp.maximum(gm, 0.0)).T


def _blockmins(a_pad, bt_pad):
    return pl.pallas_call(
        _mblock_body,
        grid=(NPAD // BR, NPAD // BCM),
        in_specs=[
            pl.BlockSpec((BCM, 3), lambda i, j: (j, 0)),
            pl.BlockSpec((3, BR), lambda i, j: (0, i)),
        ],
        out_specs=pl.BlockSpec((BR, BCM // GW), lambda i, j: (i, j)),
        out_shape=jax.ShapeDtypeStruct((NPAD, NB), jnp.float32),
    )(a_pad, bt_pad)


def _lex_lt(ka, ia, kb, ib):
    return (ka < kb) | ((ka == kb) & (ia < ib))


def _splat_gather(x, idx_const):
    return lax.gather(
        x, idx_const,
        dimension_numbers=lax.GatherDimensionNumbers(
            offset_dims=(), collapsed_slice_dims=(0,), start_index_map=(0,)),
        slice_sizes=(1,),
        mode=lax.GatherScatterMode.PROMISE_IN_BOUNDS)


def _tie_repair(kv, ki, asc=True):
    lane = lax.iota(jnp.int32, 16)
    left = jnp.maximum(lane - 1, 0)[:, None]
    right = jnp.minimum(lane + 1, 15)[:, None]
    even = (lane % 2) == 0
    for _ in range(2):
        for start_even in (True, False):
            pick_r = even if start_even else ~even
            kl = _splat_gather(kv, left)
            il = _splat_gather(ki, left)
            kr = _splat_gather(kv, right)
            ir = _splat_gather(ki, right)
            if asc:
                take_r = pick_r & (kv == kr) & (ir < ki)
                take_l = (~pick_r) & (kv == kl) & (il > ki)
            else:
                take_r = pick_r & (kv == kr) & (ir > ki)
                take_l = (~pick_r) & (kv == kl) & (il < ki)
            ki = jnp.where(take_r, ir, jnp.where(take_l, il, ki))
    return kv, ki


def _row_topk(dbuf, mbuf, bids, cvals, cidx):
    lane = lax.iota(jnp.int32, 16)

    def abody(i, em):
        return jnp.minimum(em, mbuf[pl.ds(i * 16, 16)])

    em = lax.fori_loop(1, MV, abody, mbuf[pl.ds(0, 16)], unroll=8)
    tvec = jnp.full((16,), jnp.max(em) + MARGIN, jnp.float32)

    def bbody(mb, ptr):
        mv = mbuf[pl.ds(mb * 16, 16)]
        msk = mv <= tvec
        bidv = mb * 16 + lane
        plsc.store_compressed(bids.at[pl.ds(ptr, 16)], bidv, mask=msk)
        cnt = plsc.all_reduce_population_count(msk)
        return ptr + cnt[0]

    nh = lax.fori_loop(0, MV, bbody, 0, unroll=4)

    def merge_into(kv, ki, nk_raw, ni_raw):
        nk, ni = plsc.sort_key_val(nk_raw, ni_raw, descending=True)
        nk, ni = _tie_repair(nk, ni, asc=False)
        lt = _lex_lt(nk, ni, kv, ki)
        lk = jnp.where(lt, nk, kv)
        li = jnp.where(lt, ni, ki)
        kv2, ki2 = plsc.sort_key_val(lk, li)
        return _tie_repair(kv2, ki2, asc=True)

    kv0 = jnp.full((16,), jnp.inf, jnp.float32)
    ki0 = jnp.zeros((16,), jnp.int32)

    def cbody(hi, ptr):
        bid = bids[pl.ds(hi, 16)][0]
        for h in range(GW // 16):
            v = dbuf[pl.ds(bid * GW + h * 16, 16)]
            msk = v <= tvec
            p = jnp.minimum(ptr, CCAP)
            plsc.store_compressed(cvals.at[pl.ds(p, 16)], v, mask=msk)
            plsc.store_compressed(cidx.at[pl.ds(p, 16)],
                                  bid * GW + h * 16 + lane, mask=msk)
            cnt = plsc.all_reduce_population_count(msk)
            ptr = ptr + cnt[0]
        return ptr

    nc = lax.fori_loop(0, nh, cbody, 0)

    def fast(kv, ki):
        cvals[pl.ds(nc, 16)] = kv0
        cidx[pl.ds(nc, 16)] = ki0

        def fbody(ci, carry):
            kv, ki = carry
            return merge_into(kv, ki, cvals[pl.ds(ci * 16, 16)],
                              cidx[pl.ds(ci * 16, 16)])

        return lax.fori_loop(0, (nc + 15) // 16, fbody, (kv, ki))

    def slow(kv, ki):
        def sbody(hi, carry):
            kv, ki = carry
            bid = bids[pl.ds(hi, 16)][0]
            for h in range(GW // 16):
                v = dbuf[pl.ds(bid * GW + h * 16, 16)]
                kv, ki = merge_into(kv, ki, v, bid * GW + h * 16 + lane)
            return kv, ki

        return lax.fori_loop(0, nh, sbody, (kv, ki))

    return lax.cond(nc <= CCAP, fast, slow, kv0, ki0)


def _topk_sc(d, m):
    mesh = plsc.VectorSubcoreMesh(core_axis_name="c", subcore_axis_name="s")

    @functools.partial(
        pl.kernel,
        mesh=mesh,
        compiler_params=pltpu.CompilerParams(needs_layout_passes=False),
        out_type=jax.ShapeDtypeStruct((N * K,), jnp.float32),
        scratch_types=[
            pltpu.VMEM((NPAD,), jnp.float32),
            pltpu.VMEM((NPAD,), jnp.float32),
            pltpu.VMEM((NB,), jnp.float32),
            pltpu.VMEM((NB,), jnp.float32),
            pltpu.VMEM((NB + 16,), jnp.int32),
            pltpu.VMEM((CCAP + 32,), jnp.float32),
            pltpu.VMEM((CCAP + 32,), jnp.int32),
            pltpu.VMEM((RPW * K,), jnp.float32),
            pltpu.SemaphoreType.DMA,
            pltpu.SemaphoreType.DMA,
            pltpu.SemaphoreType.DMA,
            pltpu.SemaphoreType.DMA,
        ],
    )
    def k(d_hbm, m_hbm, out_hbm, dbuf0, dbuf1, mbuf0, mbuf1, bids, cvals,
          cidx, out_v, dsem0, dsem1, msem0, msem1):
        wid = lax.axis_index("s") * 2 + lax.axis_index("c")
        row0 = wid * RPW
        dbufs = (dbuf0, dbuf1)
        msems = (msem0, msem1)
        mbufs = (mbuf0, mbuf1)
        dsems = (dsem0, dsem1)

        pltpu.async_copy(d_hbm.at[row0], dbuf0, dsem0)
        pltpu.async_copy(m_hbm.at[row0], mbuf0, msem0)

        def outer(i2, _):
            for b in range(2):
                r = i2 * 2 + b
                row = row0 + r
                pltpu.async_copy(d_hbm.at[row + 1], dbufs[1 - b], dsems[1 - b])
                pltpu.async_copy(m_hbm.at[row + 1], mbufs[1 - b], msems[1 - b])
                pltpu.make_async_copy(d_hbm.at[row], dbufs[b], dsems[b]).wait()
                pltpu.make_async_copy(m_hbm.at[row], mbufs[b], msems[b]).wait()
                kv, ki = _row_topk(dbufs[b], mbufs[b], bids, cvals, cidx)

                @pl.when(r < RPW)
                def _():
                    out_v[pl.ds(r * K, K)] = ki.astype(jnp.float32)

            return 0

        lax.fori_loop(0, (RPW + 2) // 2, outer, 0)
        pltpu.make_async_copy(d_hbm.at[row0 + RPW + 1], dbuf0, dsem0).wait()
        pltpu.make_async_copy(m_hbm.at[row0 + RPW + 1], mbuf0, msem0).wait()
        pltpu.sync_copy(out_v, out_hbm.at[pl.ds(row0 * K, RPW * K)])

    out = k(d, m)
    return out.reshape(N, K)


def kernel(barycenters):
    a_pad = jnp.zeros((NPAD, 3), jnp.float32)
    a_pad = a_pad.at[:N].set(barycenters)
    bt_pad = jnp.zeros((3, NPAD), jnp.float32)
    bt_pad = bt_pad.at[:, :N].set(barycenters.T)
    d = _distances(a_pad, bt_pad)
    m = _blockmins(a_pad, bt_pad)
    return _topk_sc(d, m)

# --- scband reference (transcript-rebuilt; emitter-appended) ---
"""Pipeline reference for scband-knn-5454608466219 (READ-ONLY COPY).

The authoritative reference and input builder live on the scoring server;
editing this copy changes nothing except your own understanding.
"""

import jax, jax.numpy as jnp
import numpy as np

K = 16
BATCH_SIZE = 2048

def _cdist(a, b):
    a2 = jnp.sum(a * a, axis=1, keepdims=True)
    b2 = jnp.sum(b * b, axis=1)[None, :]
    sq = a2 + b2 - 2.0 * (a @ b.T)
    return jnp.sqrt(jnp.maximum(sq, 0.0))

def setup_inputs(seed: int = 0) -> dict:
    key = jax.random.key(seed)
    barycenters = jax.random.normal(key, (20000, 3), dtype=jnp.float32)
    return {"barycenters": barycenters}

def reference(barycenters):
    n = barycenters.shape[0]
    modulo = n % BATCH_SIZE
    nb_iter = (n - modulo) // BATCH_SIZE
    chunks = []
    for i in range(nb_iter):
        i_start, i_end = i * BATCH_SIZE, (i + 1) * BATCH_SIZE
        distances = _cdist(barycenters[i_start:i_end], barycenters)
        _, neighbors = jax.lax.top_k(-distances, K)
        chunks.append(neighbors)
    if modulo != 0:
        distances = _cdist(barycenters[-modulo:], barycenters)
        _, neighbors = jax.lax.top_k(-distances, K)
        chunks.append(neighbors)
    indices_knn = jnp.concatenate(chunks, axis=0).astype(jnp.float32)
    return indices_knn

if __name__ == "__main__":
    import jax
    _d = setup_inputs()
    print(jax.jit(kernel)(*tuple(_d.values())))

</pallas_src>

<mosaic_0001>
#map = affine_map<(d0, d1) -> (0, 0)>
#map1 = affine_map<(d0, d1) -> (0)>
module attributes {stable_mosaic.version = 14 : i64} {
  func.func @k(%arg0: i32, %arg1: i32, %arg2: memref<20480x20480xf32, #tpu.memory_space<hbm>>, %arg3: memref<20480x640xf32, #tpu.memory_space<hbm>>, %arg4: memref<320000xf32, #tpu.memory_space<hbm>>, %arg5: memref<20480xf32, #tpu.memory_space<vmem>>, %arg6: memref<20480xf32, #tpu.memory_space<vmem>>, %arg7: memref<640xf32, #tpu.memory_space<vmem>>, %arg8: memref<640xf32, #tpu.memory_space<vmem>>, %arg9: memref<656xi32, #tpu.memory_space<vmem>>, %arg10: memref<1056xf32, #tpu.memory_space<vmem>>, %arg11: memref<1056xi32, #tpu.memory_space<vmem>>, %arg12: memref<10000xf32, #tpu.memory_space<vmem>>, %arg13: memref<!tpu.dma_semaphore, #tpu.memory_space<semaphore_mem>>, %arg14: memref<!tpu.dma_semaphore, #tpu.memory_space<semaphore_mem>>, %arg15: memref<!tpu.dma_semaphore, #tpu.memory_space<semaphore_mem>>, %arg16: memref<!tpu.dma_semaphore, #tpu.memory_space<semaphore_mem>>) attributes {dimension_semantics = [#tpu.dimension_semantics<core_parallel>, #tpu.dimension_semantics<subcore_parallel>], iteration_bounds = array<i64: 2, 16>, scalar_prefetch = 0 : i64, scratch_operands = 12 : i64, tpu.core_type = #tpu.core_type<sc_vector_subcore>, window_params = [{transform_indices = #map}, {transform_indices = #map}, {transform_indices = #map1}]} {
    %mul3A = arith.constant 2 : i32
    %mul3A_0 = arith.muli %arg1, %mul3A : i32
    %add3A = arith.addi %mul3A_0, %arg0 : i32
    %mul3A_1 = arith.constant 625 : i32
    %mul3A_2 = arith.muli %add3A, %mul3A_1 : i32
    %dma_start3A = arith.constant 0 : i32
    %dma_start3A_3 = tpu.memref_slice %arg2[%mul3A_2, %dma_start3A] : memref<20480x20480xf32, #tpu.memory_space<hbm>> -> memref<1x20480xf32, #tpu.memory_space<hbm>>
    %dma_start3A_4 = tpu.memref_squeeze %dma_start3A_3 : memref<1x20480xf32, #tpu.memory_space<hbm>> -> memref<20480xf32, #tpu.memory_space<hbm>>
    %dma_start3A_5 = arith.constant 0 : i32
    %dma_start3A_6 = tpu.memref_slice %arg2[%mul3A_2, %dma_start3A_5] : memref<20480x20480xf32, #tpu.memory_space<hbm>> -> memref<1x20480xf32, #tpu.memory_space<hbm>>
    %dma_start3A_7 = tpu.memref_squeeze %dma_start3A_6 : memref<1x20480xf32, #tpu.memory_space<hbm>> -> memref<20480xf32, #tpu.memory_space<hbm>>
    tpu.enqueue_dma source(%dma_start3A_7 : memref<20480xf32, #tpu.memory_space<hbm>>) target(%arg5 : memref<20480xf32, #tpu.memory_space<vmem>>) target_semaphore(%arg13 : memref<!tpu.dma_semaphore, #tpu.memory_space<semaphore_mem>>)
    %dma_start3A_8 = arith.constant 0 : i32
    %dma_start3A_9 = tpu.memref_slice %arg3[%mul3A_2, %dma_start3A_8] : memref<20480x640xf32, #tpu.memory_space<hbm>> -> memref<1x640xf32, #tpu.memory_space<hbm>>
    %dma_start3A_10 = tpu.memref_squeeze %dma_start3A_9 : memref<1x640xf32, #tpu.memory_space<hbm>> -> memref<640xf32, #tpu.memory_space<hbm>>
    %dma_start3A_11 = arith.constant 0 : i32
    %dma_start3A_12 = tpu.memref_slice %arg3[%mul3A_2, %dma_start3A_11] : memref<20480x640xf32, #tpu.memory_space<hbm>> -> memref<1x640xf32, #tpu.memory_space<hbm>>
    %dma_start3A_13 = tpu.memref_squeeze %dma_start3A_12 : memref<1x640xf32, #tpu.memory_space<hbm>> -> memref<640xf32, #tpu.memory_space<hbm>>
    tpu.enqueue_dma source(%dma_start3A_13 : memref<640xf32, #tpu.memory_space<hbm>>) target(%arg7 : memref<640xf32, #tpu.memory_space<vmem>>) target_semaphore(%arg15 : memref<!tpu.dma_semaphore, #tpu.memory_space<semaphore_mem>>)
    %scan3A = arith.constant 0 : i32
    %scan3A_14 = arith.constant 0 : i32
    %scan3A_15 = arith.constant 313 : i32
    %scan3A_16 = arith.addi %scan3A_14, %scan3A_15 : i32
    %scan3A_17 = arith.constant 1 : i32
    %scan3A_18 = scf.for %scan3A_41 = %scan3A_14 to %scan3A_16 step %scan3A_17 iter_args(%scan3A_42 = %scan3A) -> (i32)  : i32 {
      %mul3A_43 = arith.constant 2 : i32
      %mul3A_44 = arith.muli %scan3A_41, %mul3A_43 : i32
      %add3A_45 = arith.constant 0 : i32
      %add3A_46 = arith.addi %mul3A_44, %add3A_45 : i32
      %add3A_47 = arith.addi %mul3A_2, %add3A_46 : i32
      %add3A_48 = arith.constant 1 : i32
      %add3A_49 = arith.addi %add3A_47, %add3A_48 : i32
      %dma_start3A_50 = arith.constant 0 : i32
      %dma_start3A_51 = tpu.memref_slice %arg2[%add3A_49, %dma_start3A_50] : memref<20480x20480xf32, #tpu.memory_space<hbm>> -> memref<1x20480xf32, #tpu.memory_space<hbm>>
      %dma_start3A_52 = tpu.memref_squeeze %dma_start3A_51 : memref<1x20480xf32, #tpu.memory_space<hbm>> -> memref<20480xf32, #tpu.memory_space<hbm>>
      %dma_start3A_53 = arith.constant 0 : i32
      %dma_start3A_54 = tpu.memref_slice %arg2[%add3A_49, %dma_start3A_53] : memref<20480x20480xf32, #tpu.memory_space<hbm>> -> memref<1x20480xf32, #tpu.memory_space<hbm>>
      %dma_start3A_55 = tpu.memref_squeeze %dma_start3A_54 : memref<1x20480xf32, #tpu.memory_space<hbm>> -> memref<20480xf32, #tpu.memory_space<hbm>>
      tpu.enqueue_dma source(%dma_start3A_55 : memref<20480xf32, #tpu.memory_space<hbm>>) target(%arg6 : memref<20480xf32, #tpu.memory_space<vmem>>) target_semaphore(%arg14 : memref<!tpu.dma_semaphore, #tpu.memory_space<semaphore_mem>>)
      %add3A_56 = arith.constant 1 : i32
      %add3A_57 = arith.addi %add3A_47, %add3A_56 : i32
      %dma_start3A_58 = arith.constant 0 : i32
      %dma_start3A_59 = tpu.memref_slice %arg3[%add3A_57, %dma_start3A_58] : memref<20480x640xf32, #tpu.memory_space<hbm>> -> memref<1x640xf32, #tpu.memory_space<hbm>>
      %dma_start3A_60 = tpu.memref_squeeze %dma_start3A_59 : memref<1x640xf32, #tpu.memory_space<hbm>> -> memref<640xf32, #tpu.memory_space<hbm>>
      %dma_start3A_61 = arith.constant 0 : i32
      %dma_start3A_62 = tpu.memref_slice %arg3[%add3A_57, %dma_start3A_61] : memref<20480x640xf32, #tpu.memory_space<hbm>> -> memref<1x640xf32, #tpu.memory_space<hbm>>
      %dma_start3A_63 = tpu.memref_squeeze %dma_start3A_62 : memref<1x640xf32, #tpu.memory_space<hbm>> -> memref<640xf32, #tpu.memory_space<hbm>>
      tpu.enqueue_dma source(%dma_start3A_63 : memref<640xf32, #tpu.memory_space<hbm>>) target(%arg8 : memref<640xf32, #tpu.memory_space<vmem>>) target_semaphore(%arg16 : memref<!tpu.dma_semaphore, #tpu.memory_space<semaphore_mem>>)
      %dma_wait3A_64 = arith.constant 0 : i32
      %dma_wait3A_65 = tpu.memref_slice %arg2[%add3A_47, %dma_wait3A_64] : memref<20480x20480xf32, #tpu.memory_space<hbm>> -> memref<1x20480xf32, #tpu.memory_space<hbm>>
      %dma_wait3A_66 = tpu.memref_squeeze %dma_wait3A_65 : memref<1x20480xf32, #tpu.memory_space<hbm>> -> memref<20480xf32, #tpu.memory_space<hbm>>
      %dma_wait3A_67 = arith.constant 0 : i32
      %dma_wait3A_68 = tpu.memref_slice %arg2[%add3A_47, %dma_wait3A_67] : memref<20480x20480xf32, #tpu.memory_space<hbm>> -> memref<1x20480xf32, #tpu.memory_space<hbm>>
      %dma_wait3A_69 = tpu.memref_squeeze %dma_wait3A_68 : memref<1x20480xf32, #tpu.memory_space<hbm>> -> memref<20480xf32, #tpu.memory_space<hbm>>
      tpu.wait_dma2 semaphore(%arg13 : memref<!tpu.dma_semaphore, #tpu.memory_space<semaphore_mem>>) src(%dma_wait3A_69 : memref<20480xf32, #tpu.memory_space<hbm>>) dst(%arg5 : memref<20480xf32, #tpu.memory_space<vmem>>)
      %dma_wait3A_70 = arith.constant 0 : i32
      %dma_wait3A_71 = tpu.memref_slice %arg3[%add3A_47, %dma_wait3A_70] : memref<20480x640xf32, #tpu.memory_space<hbm>> -> memref<1x640xf32, #tpu.memory_space<hbm>>
      %dma_wait3A_72 = tpu.memref_squeeze %dma_wait3A_71 : memref<1x640xf32, #tpu.memory_space<hbm>> -> memref<640xf32, #tpu.memory_space<hbm>>
      %dma_wait3A_73 = arith.constant 0 : i32
      %dma_wait3A_74 = tpu.memref_slice %arg3[%add3A_47, %dma_wait3A_73] : memref<20480x640xf32, #tpu.memory_space<hbm>> -> memref<1x640xf32, #tpu.memory_space<hbm>>
      %dma_wait3A_75 = tpu.memref_squeeze %dma_wait3A_74 : memref<1x640xf32, #tpu.memory_space<hbm>> -> memref<640xf32, #tpu.memory_space<hbm>>
      tpu.wait_dma2 semaphore(%arg15 : memref<!tpu.dma_semaphore, #tpu.memory_space<semaphore_mem>>) src(%dma_wait3A_75 : memref<640xf32, #tpu.memory_space<hbm>>) dst(%arg7 : memref<640xf32, #tpu.memory_space<vmem>>)
      %iota3A = tpu.iota {dimensions = array<i32: 0>} : vector<16xi32>
      %get3A = arith.constant 0 : index
      %get3A_76 = tpu.vector_load %arg7[%get3A] {strides = array<i32>} : memref<640xf32, #tpu.memory_space<vmem>>, vector<16xf32>,
      %scan3A_77 = arith.constant 1 : i32
      %scan3A_78 = arith.constant 32 : i32
      %scan3A_79 = arith.addi %scan3A_77, %scan3A_78 : i32
      %scan3A_80 = arith.constant 8 : i32
      %scan3A_81 = scf.for %scan3A_298 = %scan3A_77 to %scan3A_79 step %scan3A_80 iter_args(%scan3A_299 = %get3A_76) -> (vector<16xf32>)  : i32 {
        %mul3A_300 = arith.constant 16 : i32
        %mul3A_301 = arith.muli %scan3A_298, %mul3A_300 : i32
        %get3A_302 = arith.index_cast %mul3A_301 : i32 to index
        %get3A_303 = tpu.vector_load %arg7[%get3A_302] {strides = array<i32>} : memref<640xf32, #tpu.memory_space<vmem>>, vector<16xf32>,
        %min3A_304 = arith.minimumf %scan3A_299, %get3A_303 : vector<16xf32>
        %scan3A_305 = arith.constant 1 : i32
        %scan3A_306 = arith.addi %scan3A_298, %scan3A_305 : i32
        %mul3A_307 = arith.constant 16 : i32
        %mul3A_308 = arith.muli %scan3A_306, %mul3A_307 : i32
        %get3A_309 = arith.index_cast %mul3A_308 : i32 to index
        %get3A_310 = tpu.vector_load %arg7[%get3A_309] {strides = array<i32>} : memref<640xf32, #tpu.memory_space<vmem>>, vector<16xf32>,
        %min3A_311 = arith.minimumf %min3A_304, %get3A_310 : vector<16xf32>
        %scan3A_312 = arith.constant 2 : i32
        %scan3A_313 = arith.addi %scan3A_298, %scan3A_312 : i32
        %mul3A_314 = arith.constant 16 : i32
        %mul3A_315 = arith.muli %scan3A_313, %mul3A_314 : i32
        %get3A_316 = arith.index_cast %mul3A_315 : i32 to index
        %get3A_317 = tpu.vector_load %arg7[%get3A_316] {strides = array<i32>} : memref<640xf32, #tpu.memory_space<vmem>>, vector<16xf32>,
        %min3A_318 = arith.minimumf %min3A_311, %get3A_317 : vector<16xf32>
        %scan3A_319 = arith.constant 3 : i32
        %scan3A_320 = arith.addi %scan3A_298, %scan3A_319 : i32
        %mul3A_321 = arith.constant 16 : i32
        %mul3A_322 = arith.muli %scan3A_320, %mul3A_321 : i32
        %get3A_323 = arith.index_cast %mul3A_322 : i32 to index
        %get3A_324 = tpu.vector_load %arg7[%get3A_323] {strides = array<i32>} : memref<640xf32, #tpu.memory_space<vmem>>, vector<16xf32>,
        %min3A_325 = arith.minimumf %min3A_318, %get3A_324 : vector<16xf32>
        %scan3A_326 = arith.constant 4 : i32
        %scan3A_327 = arith.addi %scan3A_298, %scan3A_326 : i32
        %mul3A_328 = arith.constant 16 : i32
        %mul3A_329 = arith.muli %scan3A_327, %mul3A_328 : i32
        %get3A_330 = arith.index_cast %mul3A_329 : i32 to index
        %get3A_331 = tpu.vector_load %arg7[%get3A_330] {strides = array<i32>} : memref<640xf32, #tpu.memory_space<vmem>>, vector<16xf32>,
        %min3A_332 = arith.minimumf %min3A_325, %get3A_331 : vector<16xf32>
        %scan3A_333 = arith.constant 5 : i32
        %scan3A_334 = arith.addi %scan3A_298, %scan3A_333 : i32
        %mul3A_335 = arith.constant 16 : i32
        %mul3A_336 = arith.muli %scan3A_334, %mul3A_335 : i32
        %get3A_337 = arith.index_cast %mul3A_336 : i32 to index
        %get3A_338 = tpu.vector_load %arg7[%get3A_337] {strides = array<i32>} : memref<640xf32, #tpu.memory_space<vmem>>, vector<16xf32>,
        %min3A_339 = arith.minimumf %min3A_332, %get3A_338 : vector<16xf32>
        %scan3A_340 = arith.constant 6 : i32
        %scan3A_341 = arith.addi %scan3A_298, %scan3A_340 : i32
        %mul3A_342 = arith.constant 16 : i32
        %mul3A_343 = arith.muli %scan3A_341, %mul3A_342 : i32
        %get3A_344 = arith.index_cast %mul3A_343 : i32 to index
        %get3A_345 = tpu.vector_load %arg7[%get3A_344] {strides = array<i32>} : memref<640xf32, #tpu.memory_space<vmem>>, vector<16xf32>,
        %min3A_346 = arith.minimumf %min3A_339, %get3A_345 : vector<16xf32>
        %scan3A_347 = arith.constant 7 : i32
        %scan3A_348 = arith.addi %scan3A_298, %scan3A_347 : i32
        %mul3A_349 = arith.constant 16 : i32
        %mul3A_350 = arith.muli %scan3A_348, %mul3A_349 : i32
        %get3A_351 = arith.index_cast %mul3A_350 : i32 to index
        %get3A_352 = tpu.vector_load %arg7[%get3A_351] {strides = array<i32>} : memref<640xf32, #tpu.memory_space<vmem>>, vector<16xf32>,
        %min3A_353 = arith.minimumf %min3A_346, %get3A_352 : vector<16xf32>
        scf.yield %min3A_353 : vector<16xf32>
      }
      %scan3A_82 = arith.constant 32 : i32
      %scan3A_83 = arith.addi %scan3A_77, %scan3A_82 : i32
      %mul3A_84 = arith.constant 16 : i32
      %mul3A_85 = arith.muli %scan3A_83, %mul3A_84 : i32
      %get3A_86 = arith.index_cast %mul3A_85 : i32 to index
      %get3A_87 = tpu.vector_load %arg7[%get3A_86] {strides = array<i32>} : memref<640xf32, #tpu.memory_space<vmem>>, vector<16xf32>,
      %min3A = arith.minimumf %scan3A_81, %get3A_87 : vector<16xf32>
      %scan3A_88 = arith.constant 33 : i32
      %scan3A_89 = arith.addi %scan3A_77, %scan3A_88 : i32
      %mul3A_90 = arith.constant 16 : i32
      %mul3A_91 = arith.muli %scan3A_89, %mul3A_90 : i32
      %get3A_92 = arith.index_cast %mul3A_91 : i32 to index
      %get3A_93 = tpu.vector_load %arg7[%get3A_92] {strides = array<i32>} : memref<640xf32, #tpu.memory_space<vmem>>, vector<16xf32>,
      %min3A_94 = arith.minimumf %min3A, %get3A_93 : vector<16xf32>
      %scan3A_95 = arith.constant 34 : i32
      %scan3A_96 = arith.addi %scan3A_77, %scan3A_95 : i32
      %mul3A_97 = arith.constant 16 : i32
      %mul3A_98 = arith.muli %scan3A_96, %mul3A_97 : i32
      %get3A_99 = arith.index_cast %mul3A_98 : i32 to index
      %get3A_100 = tpu.vector_load %arg7[%get3A_99] {strides = array<i32>} : memref<640xf32, #tpu.memory_space<vmem>>, vector<16xf32>,
      %min3A_101 = arith.minimumf %min3A_94, %get3A_100 : vector<16xf32>
      %scan3A_102 = arith.constant 35 : i32
      %scan3A_103 = arith.addi %scan3A_77, %scan3A_102 : i32
      %mul3A_104 = arith.constant 16 : i32
      %mul3A_105 = arith.muli %scan3A_103, %mul3A_104 : i32
      %get3A_106 = arith.index_cast %mul3A_105 : i32 to index
      %get3A_107 = tpu.vector_load %arg7[%get3A_106] {strides = array<i32>} : memref<640xf32, #tpu.memory_space<vmem>>, vector<16xf32>,
      %min3A_108 = arith.minimumf %min3A_101, %get3A_107 : vector<16xf32>
      %scan3A_109 = arith.constant 36 : i32
      %scan3A_110 = arith.addi %scan3A_77, %scan3A_109 : i32
      %mul3A_111 = arith.constant 16 : i32
      %mul3A_112 = arith.muli %scan3A_110, %mul3A_111 : i32
      %get3A_113 = arith.index_cast %mul3A_112 : i32 to index
      %get3A_114 = tpu.vector_load %arg7[%get3A_113] {strides = array<i32>} : memref<640xf32, #tpu.memory_space<vmem>>, vector<16xf32>,
      %min3A_115 = arith.minimumf %min3A_108, %get3A_114 : vector<16xf32>
      %scan3A_116 = arith.constant 37 : i32
      %scan3A_117 = arith.addi %scan3A_77, %scan3A_116 : i32
      %mul3A_118 = arith.constant 16 : i32
      %mul3A_119 = arith.muli %scan3A_117, %mul3A_118 : i32
      %get3A_120 = arith.index_cast %mul3A_119 : i32 to index
      %get3A_121 = tpu.vector_load %arg7[%get3A_120] {strides = array<i32>} : memref<640xf32, #tpu.memory_space<vmem>>, vector<16xf32>,
      %min3A_122 = arith.minimumf %min3A_115, %get3A_121 : vector<16xf32>
      %scan3A_123 = arith.constant 38 : i32
      %scan3A_124 = arith.addi %scan3A_77, %scan3A_123 : i32
      %mul3A_125 = arith.constant 16 : i32
      %mul3A_126 = arith.muli %scan3A_124, %mul3A_125 : i32
      %get3A_127 = arith.index_cast %mul3A_126 : i32 to index
      %get3A_128 = tpu.vector_load %arg7[%get3A_127] {strides = array<i32>} : memref<640xf32, #tpu.memory_space<vmem>>, vector<16xf32>,
      %min3A_129 = arith.minimumf %min3A_122, %get3A_128 : vector<16xf32>
      %scan3A_130 = arith.constant 39 : i32
      %reduce_max3A = arith.constant true
      %reduce_max3A_131 = vector.broadcast %reduce_max3A : i1 to vector<16xi1>
      %reduce_max3A_132 = tpu.scan <max>, %min3A_129 masked %reduce_max3A_131 : vector<16xf32>, vector<16xi1> -> vector<16xf32>
      %reduce_max3A_133 = vector.extract %reduce_max3A_132[15] : f32 from vector<16xf32>
      %add3A_134 = arith.constant 9.99999974E-5 : f32
      %add3A_135 = arith.addf %reduce_max3A_133, %add3A_134 : f32
      %broadcast_in_dim3A = vector.broadcast %add3A_135 : f32 to vector<16xf32>
      %scan3A_136 = arith.constant 0 : i32
      %scan3A_137 = arith.constant 0 : i32
      %scan3A_138 = arith.constant 40 : i32
      %scan3A_139 = arith.addi %scan3A_137, %scan3A_138 : i32
      %scan3A_140 = arith.constant 4 : i32
      %scan3A_141 = scf.for %scan3A_298 = %scan3A_137 to %scan3A_139 step %scan3A_140 iter_args(%scan3A_299 = %scan3A_136) -> (i32)  : i32 {
        %mul3A_300 = arith.constant 16 : i32
        %mul3A_301 = arith.muli %scan3A_298, %mul3A_300 : i32
        %get3A_302 = arith.index_cast %mul3A_301 : i32 to index
        %get3A_303 = tpu.vector_load %arg7[%get3A_302] {strides = array<i32>} : memref<640xf32, #tpu.memory_space<vmem>>, vector<16xf32>,
        %le3A_304 = arith.cmpf ole, %get3A_303, %broadcast_in_dim3A : vector<16xf32>
        %mul3A_305 = arith.constant 16 : i32
        %mul3A_306 = arith.muli %scan3A_298, %mul3A_305 : i32
        %add3A_307 = vector.broadcast %mul3A_306 : i32 to vector<16xi32>
        %add3A_308 = arith.addi %add3A_307, %iota3A : vector<16xi32>
        %swap3A = arith.index_cast %scan3A_299 : i32 to index
        %swap3A_309 = tpu.vector_load %arg9[%swap3A] masked %le3A_304 {strides = array<i32>} : memref<656xi32, #tpu.memory_space<vmem>>, vector<16xi32>, vector<16xi1>
        tpu.vector_store %arg9[%swap3A], %add3A_308 masked %le3A_304 {strides = array<i32>} : memref<656xi32, #tpu.memory_space<vmem>>, vector<16xi32>, vector<16xi1>
        %all_reduce_population_count3A = tpu.all_reduce %le3A_304 {dim = 0 : i64, kind = #tpu.reduction_kind<sum>} : vector<16xi1> -> vector<16xi32>
        %slice3A = vector.extract_strided_slice %all_reduce_population_count3A {offsets = [0], sizes = [1], strides = [1]} : vector<16xi32> to vector<1xi32>
        %squeeze3A = vector.extract %slice3A[0] : i32 from vector<1xi32>
        %add3A_310 = arith.addi %scan3A_299, %squeeze3A : i32
        %scan3A_311 = arith.constant 1 : i32
        %scan3A_312 = arith.addi %scan3A_298, %scan3A_311 : i32
        %mul3A_313 = arith.constant 16 : i32
        %mul3A_314 = arith.muli %scan3A_312, %mul3A_313 : i32
        %get3A_315 = arith.index_cast %mul3A_314 : i32 to index
        %get3A_316 = tpu.vector_load %arg7[%get3A_315] {strides = array<i32>} : memref<640xf32, #tpu.memory_space<vmem>>, vector<16xf32>,
        %le3A_317 = arith.cmpf ole, %get3A_316, %broadcast_in_dim3A : vector<16xf32>
        %mul3A_318 = arith.constant 16 : i32
        %mul3A_319 = arith.muli %scan3A_312, %mul3A_318 : i32
        %add3A_320 = vector.broadcast %mul3A_319 : i32 to vector<16xi32>
        %add3A_321 = arith.addi %add3A_320, %iota3A : vector<16xi32>
        %swap3A_322 = arith.index_cast %add3A_310 : i32 to index
        %swap3A_323 = tpu.vector_load %arg9[%swap3A_322] masked %le3A_317 {strides = array<i32>} : memref<656xi32, #tpu.memory_space<vmem>>, vector<16xi32>, vector<16xi1>
        tpu.vector_store %arg9[%swap3A_322], %add3A_321 masked %le3A_317 {strides = array<i32>} : memref<656xi32, #tpu.memory_space<vmem>>, vector<16xi32>, vector<16xi1>
        %all_reduce_population_count3A_324 = tpu.all_reduce %le3A_317 {dim = 0 : i64, kind = #tpu.reduction_kind<sum>} : vector<16xi1> -> vector<16xi32>
        %slice3A_325 = vector.extract_strided_slice %all_reduce_population_count3A_324 {offsets = [0], sizes = [1], strides = [1]} : vector<16xi32> to vector<1xi32>
        %squeeze3A_326 = vector.extract %slice3A_325[0] : i32 from vector<1xi32>
        %add3A_327 = arith.addi %add3A_310, %squeeze3A_326 : i32
        %scan3A_328 = arith.constant 2 : i32
        %scan3A_329 = arith.addi %scan3A_298, %scan3A_328 : i32
        %mul3A_330 = arith.constant 16 : i32
        %mul3A_331 = arith.muli %scan3A_329, %mul3A_330 : i32
        %get3A_332 = arith.index_cast %mul3A_331 : i32 to index
        %get3A_333 = tpu.vector_load %arg7[%get3A_332] {strides = array<i32>} : memref<640xf32, #tpu.memory_space<vmem>>, vector<16xf32>,
        %le3A_334 = arith.cmpf ole, %get3A_333, %broadcast_in_dim3A : vector<16xf32>
        %mul3A_335 = arith.constant 16 : i32
        %mul3A_336 = arith.muli %scan3A_329, %mul3A_335 : i32
        %add3A_337 = vector.broadcast %mul3A_336 : i32 to vector<16xi32>
        %add3A_338 = arith.addi %add3A_337, %iota3A : vector<16xi32>
        %swap3A_339 = arith.index_cast %add3A_327 : i32 to index
        %swap3A_340 = tpu.vector_load %arg9[%swap3A_339] masked %le3A_334 {strides = array<i32>} : memref<656xi32, #tpu.memory_space<vmem>>, vector<16xi32>, vector<16xi1>
        tpu.vector_store %arg9[%swap3A_339], %add3A_338 masked %le3A_334 {strides = array<i32>} : memref<656xi32, #tpu.memory_space<vmem>>, vector<16xi32>, vector<16xi1>
        %all_reduce_population_count3A_341 = tpu.all_reduce %le3A_334 {dim = 0 : i64, kind = #tpu.reduction_kind<sum>} : vector<16xi1> -> vector<16xi32>
        %slice3A_342 = vector.extract_strided_slice %all_reduce_population_count3A_341 {offsets = [0], sizes = [1], strides = [1]} : vector<16xi32> to vector<1xi32>
        %squeeze3A_343 = vector.extract %slice3A_342[0] : i32 from vector<1xi32>
        %add3A_344 = arith.addi %add3A_327, %squeeze3A_343 : i32
        %scan3A_345 = arith.constant 3 : i32
        %scan3A_346 = arith.addi %scan3A_298, %scan3A_345 : i32
        %mul3A_347 = arith.constant 16 : i32
        %mul3A_348 = arith.muli %scan3A_346, %mul3A_347 : i32
        %get3A_349 = arith.index_cast %mul3A_348 : i32 to index
        %get3A_350 = tpu.vector_load %arg7[%get3A_349] {strides = array<i32>} : memref<640xf32, #tpu.memory_space<vmem>>, vector<16xf32>,
        %le3A_351 = arith.cmpf ole, %get3A_350, %broadcast_in_dim3A : vector<16xf32>
        %mul3A_352 = arith.constant 16 : i32
        %mul3A_353 = arith.muli %scan3A_346, %mul3A_352 : i32
        %add3A_354 = vector.broadcast %mul3A_353 : i32 to vector<16xi32>
        %add3A_355 = arith.addi %add3A_354, %iota3A : vector<16xi32>
        %swap3A_356 = arith.index_cast %add3A_344 : i32 to index
        %swap3A_357 = tpu.vector_load %arg9[%swap3A_356] masked %le3A_351 {strides = array<i32>} : memref<656xi32, #tpu.memory_space<vmem>>, vector<16xi32>, vector<16xi1>
        tpu.vector_store %arg9[%swap3A_356], %add3A_355 masked %le3A_351 {strides = array<i32>} : memref<656xi32, #tpu.memory_space<vmem>>, vector<16xi32>, vector<16xi1>
        %all_reduce_population_count3A_358 = tpu.all_reduce %le3A_351 {dim = 0 : i64, kind = #tpu.reduction_kind<sum>} : vector<16xi1> -> vector<16xi32>
        %slice3A_359 = vector.extract_strided_slice %all_reduce_population_count3A_358 {offsets = [0], sizes = [1], strides = [1]} : vector<16xi32> to vector<1xi32>
        %squeeze3A_360 = vector.extract %slice3A_359[0] : i32 from vector<1xi32>
        %add3A_361 = arith.addi %add3A_344, %squeeze3A_360 : i32
        scf.yield %add3A_361 : i32
      }
      %scan3A_142 = arith.constant 40 : i32
      %broadcast_in_dim3A_143 = arith.constant 0x7F800000 : f32
      %broadcast_in_dim3A_144 = vector.broadcast %broadcast_in_dim3A_143 : f32 to vector<16xf32>
      %broadcast_in_dim3A_145 = arith.constant 0 : i32
      %broadcast_in_dim3A_146 = vector.broadcast %broadcast_in_dim3A_145 : i32 to vector<16xi32>
      %while3A = arith.constant 0 : i32
      %while3A_147 = arith.constant 0 : i32
      %while3A_148 = arith.subi %scan3A_141, %while3A : i32
      %while3A_149 = arith.addi %while3A, %while3A_148 : i32
      %while3A_150 = arith.constant 1 : i32
      %while3A_151 = arith.divsi %while3A_148, %while3A_150 : i32
      %while3A_152 = arith.muli %while3A_151, %while3A_150 : i32
      %while3A_153 = arith.addi %while3A, %while3A_152 : i32
      %while3A_154 = arith.constant 1 : i32
      %while3A_155 = scf.for %while3A_298 = %while3A to %while3A_153 step %while3A_154 iter_args(%while3A_299 = %while3A_147) -> (i32)  : i32 {
        %get3A_300 = arith.index_cast %while3A_298 : i32 to index
        %get3A_301 = tpu.vector_load %arg9[%get3A_300] {strides = array<i32>} : memref<656xi32, #tpu.memory_space<vmem>>, vector<16xi32>,
        %slice3A = vector.extract_strided_slice %get3A_301 {offsets = [0], sizes = [1], strides = [1]} : vector<16xi32> to vector<1xi32>
        %squeeze3A = vector.extract %slice3A[0] : i32 from vector<1xi32>
        %mul3A_302 = arith.constant 32 : i32
        %mul3A_303 = arith.muli %squeeze3A, %mul3A_302 : i32
        %add3A_304 = arith.constant 0 : i32
        %add3A_305 = arith.addi %mul3A_303, %add3A_304 : i32
        %get3A_306 = arith.index_cast %add3A_305 : i32 to index
        %get3A_307 = tpu.vector_load %arg5[%get3A_306] {strides = array<i32>} : memref<20480xf32, #tpu.memory_space<vmem>>, vector<16xf32>,
        %le3A_308 = arith.cmpf ole, %get3A_307, %broadcast_in_dim3A : vector<16xf32>
        %min3A_309 = arith.constant 1024 : i32
        %min3A_310 = arith.minsi %while3A_299, %min3A_309 : i32
        %swap3A = arith.index_cast %min3A_310 : i32 to index
        %swap3A_311 = tpu.vector_load %arg10[%swap3A] masked %le3A_308 {strides = array<i32>} : memref<1056xf32, #tpu.memory_space<vmem>>, vector<16xf32>, vector<16xi1>
        tpu.vector_store %arg10[%swap3A], %get3A_307 masked %le3A_308 {strides = array<i32>} : memref<1056xf32, #tpu.memory_space<vmem>>, vector<16xf32>, vector<16xi1>
        %mul3A_312 = arith.constant 32 : i32
        %mul3A_313 = arith.muli %squeeze3A, %mul3A_312 : i32
        %add3A_314 = arith.constant 0 : i32
        %add3A_315 = arith.addi %mul3A_313, %add3A_314 : i32
        %add3A_316 = vector.broadcast %add3A_315 : i32 to vector<16xi32>
        %add3A_317 = arith.addi %add3A_316, %iota3A : vector<16xi32>
        %swap3A_318 = arith.index_cast %min3A_310 : i32 to index
        %swap3A_319 = tpu.vector_load %arg11[%swap3A_318] masked %le3A_308 {strides = array<i32>} : memref<1056xi32, #tpu.memory_space<vmem>>, vector<16xi32>, vector<16xi1>
        tpu.vector_store %arg11[%swap3A_318], %add3A_317 masked %le3A_308 {strides = array<i32>} : memref<1056xi32, #tpu.memory_space<vmem>>, vector<16xi32>, vector<16xi1>
        %all_reduce_population_count3A = tpu.all_reduce %le3A_308 {dim = 0 : i64, kind = #tpu.reduction_kind<sum>} : vector<16xi1> -> vector<16xi32>
        %slice3A_320 = vector.extract_strided_slice %all_reduce_population_count3A {offsets = [0], sizes = [1], strides = [1]} : vector<16xi32> to vector<1xi32>
        %squeeze3A_321 = vector.extract %slice3A_320[0] : i32 from vector<1xi32>
        %add3A_322 = arith.addi %while3A_299, %squeeze3A_321 : i32
        %mul3A_323 = arith.constant 32 : i32
        %mul3A_324 = arith.muli %squeeze3A, %mul3A_323 : i32
        %add3A_325 = arith.constant 16 : i32
        %add3A_326 = arith.addi %mul3A_324, %add3A_325 : i32
        %get3A_327 = arith.index_cast %add3A_326 : i32 to index
        %get3A_328 = tpu.vector_load %arg5[%get3A_327] {strides = array<i32>} : memref<20480xf32, #tpu.memory_space<vmem>>, vector<16xf32>,
        %le3A_329 = arith.cmpf ole, %get3A_328, %broadcast_in_dim3A : vector<16xf32>
        %min3A_330 = arith.constant 1024 : i32
        %min3A_331 = arith.minsi %add3A_322, %min3A_330 : i32
        %swap3A_332 = arith.index_cast %min3A_331 : i32 to index
        %swap3A_333 = tpu.vector_load %arg10[%swap3A_332] masked %le3A_329 {strides = array<i32>} : memref<1056xf32, #tpu.memory_space<vmem>>, vector<16xf32>, vector<16xi1>
        tpu.vector_store %arg10[%swap3A_332], %get3A_328 masked %le3A_329 {strides = array<i32>} : memref<1056xf32, #tpu.memory_space<vmem>>, vector<16xf32>, vector<16xi1>
        %mul3A_334 = arith.constant 32 : i32
        %mul3A_335 = arith.muli %squeeze3A, %mul3A_334 : i32
        %add3A_336 = arith.constant 16 : i32
        %add3A_337 = arith.addi %mul3A_335, %add3A_336 : i32
        %add3A_338 = vector.broadcast %add3A_337 : i32 to vector<16xi32>
        %add3A_339 = arith.addi %add3A_338, %iota3A : vector<16xi32>
        %swap3A_340 = arith.index_cast %min3A_331 : i32 to index
        %swap3A_341 = tpu.vector_load %arg11[%swap3A_340] masked %le3A_329 {strides = array<i32>} : memref<1056xi32, #tpu.memory_space<vmem>>, vector<16xi32>, vector<16xi1>
        tpu.vector_store %arg11[%swap3A_340], %add3A_339 masked %le3A_329 {strides = array<i32>} : memref<1056xi32, #tpu.memory_space<vmem>>, vector<16xi32>, vector<16xi1>
        %all_reduce_population_count3A_342 = tpu.all_reduce %le3A_329 {dim = 0 : i64, kind = #tpu.reduction_kind<sum>} : vector<16xi1> -> vector<16xi32>
        %slice3A_343 = vector.extract_strided_slice %all_reduce_population_count3A_342 {offsets = [0], sizes = [1], strides = [1]} : vector<16xi32> to vector<1xi32>
        %squeeze3A_344 = vector.extract %slice3A_343[0] : i32 from vector<1xi32>
        %add3A_345 = arith.addi %add3A_322, %squeeze3A_344 : i32
        scf.yield %add3A_345 : i32
      }
      %while3A_156 = arith.constant 1 : i32
      %while3A_157 = scf.for %while3A_298 = %while3A_153 to %while3A_149 step %while3A_156 iter_args(%while3A_299 = %while3A_155) -> (i32)  : i32 {
        %get3A_300 = arith.index_cast %while3A_298 : i32 to index
        %get3A_301 = tpu.vector_load %arg9[%get3A_300] {strides = array<i32>} : memref<656xi32, #tpu.memory_space<vmem>>, vector<16xi32>,
        %slice3A = vector.extract_strided_slice %get3A_301 {offsets = [0], sizes = [1], strides = [1]} : vector<16xi32> to vector<1xi32>
        %squeeze3A = vector.extract %slice3A[0] : i32 from vector<1xi32>
        %mul3A_302 = arith.constant 32 : i32
        %mul3A_303 = arith.muli %squeeze3A, %mul3A_302 : i32
        %add3A_304 = arith.constant 0 : i32
        %add3A_305 = arith.addi %mul3A_303, %add3A_304 : i32
        %get3A_306 = arith.index_cast %add3A_305 : i32 to index
        %get3A_307 = tpu.vector_load %arg5[%get3A_306] {strides = array<i32>} : memref<20480xf32, #tpu.memory_space<vmem>>, vector<16xf32>,
        %le3A_308 = arith.cmpf ole, %get3A_307, %broadcast_in_dim3A : vector<16xf32>
        %min3A_309 = arith.constant 1024 : i32
        %min3A_310 = arith.minsi %while3A_299, %min3A_309 : i32
        %swap3A = arith.index_cast %min3A_310 : i32 to index
        %swap3A_311 = tpu.vector_load %arg10[%swap3A] masked %le3A_308 {strides = array<i32>} : memref<1056xf32, #tpu.memory_space<vmem>>, vector<16xf32>, vector<16xi1>
        tpu.vector_store %arg10[%swap3A], %get3A_307 masked %le3A_308 {strides = array<i32>} : memref<1056xf32, #tpu.memory_space<vmem>>, vector<16xf32>, vector<16xi1>
        %mul3A_312 = arith.constant 32 : i32
        %mul3A_313 = arith.muli %squeeze3A, %mul3A_312 : i32
        %add3A_314 = arith.constant 0 : i32
        %add3A_315 = arith.addi %mul3A_313, %add3A_314 : i32
        %add3A_316 = vector.broadcast %add3A_315 : i32 to vector<16xi32>
        %add3A_317 = arith.addi %add3A_316, %iota3A : vector<16xi32>
        %swap3A_318 = arith.index_cast %min3A_310 : i32 to index
        %swap3A_319 = tpu.vector_load %arg11[%swap3A_318] masked %le3A_308 {strides = array<i32>} : memref<1056xi32, #tpu.memory_space<vmem>>, vector<16xi32>, vector<16xi1>
        tpu.vector_store %arg11[%swap3A_318], %add3A_317 masked %le3A_308 {strides = array<i32>} : memref<1056xi32, #tpu.memory_space<vmem>>, vector<16xi32>, vector<16xi1>
        %all_reduce_population_count3A = tpu.all_reduce %le3A_308 {dim = 0 : i64, kind = #tpu.reduction_kind<sum>} : vector<16xi1> -> vector<16xi32>
        %slice3A_320 = vector.extract_strided_slice %all_reduce_population_count3A {offsets = [0], sizes = [1], strides = [1]} : vector<16xi32> to vector<1xi32>
        %squeeze3A_321 = vector.extract %slice3A_320[0] : i32 from vector<1xi32>
        %add3A_322 = arith.addi %while3A_299, %squeeze3A_321 : i32
        %mul3A_323 = arith.constant 32 : i32
        %mul3A_324 = arith.muli %squeeze3A, %mul3A_323 : i32
        %add3A_325 = arith.constant 16 : i32
        %add3A_326 = arith.addi %mul3A_324, %add3A_325 : i32
        %get3A_327 = arith.index_cast %add3A_326 : i32 to index
        %get3A_328 = tpu.vector_load %arg5[%get3A_327] {strides = array<i32>} : memref<20480xf32, #tpu.memory_space<vmem>>, vector<16xf32>,
        %le3A_329 = arith.cmpf ole, %get3A_328, %broadcast_in_dim3A : vector<16xf32>
        %min3A_330 = arith.constant 1024 : i32
        %min3A_331 = arith.minsi %add3A_322, %min3A_330 : i32
        %swap3A_332 = arith.index_cast %min3A_331 : i32 to index
        %swap3A_333 = tpu.vector_load %arg10[%swap3A_332] masked %le3A_329 {strides = array<i32>} : memref<1056xf32, #tpu.memory_space<vmem>>, vector<16xf32>, vector<16xi1>
        tpu.vector_store %arg10[%swap3A_332], %get3A_328 masked %le3A_329 {strides = array<i32>} : memref<1056xf32, #tpu.memory_space<vmem>>, vector<16xf32>, vector<16xi1>
        %mul3A_334 = arith.constant 32 : i32
        %mul3A_335 = arith.muli %squeeze3A, %mul3A_334 : i32
        %add3A_336 = arith.constant 16 : i32
        %add3A_337 = arith.addi %mul3A_335, %add3A_336 : i32
        %add3A_338 = vector.broadcast %add3A_337 : i32 to vector<16xi32>
        %add3A_339 = arith.addi %add3A_338, %iota3A : vector<16xi32>
        %swap3A_340 = arith.index_cast %min3A_331 : i32 to index
        %swap3A_341 = tpu.vector_load %arg11[%swap3A_340] masked %le3A_329 {strides = array<i32>} : memref<1056xi32, #tpu.memory_space<vmem>>, vector<16xi32>, vector<16xi1>
        tpu.vector_store %arg11[%swap3A_340], %add3A_339 masked %le3A_329 {strides = array<i32>} : memref<1056xi32, #tpu.memory_space<vmem>>, vector<16xi32>, vector<16xi1>
        %all_reduce_population_count3A_342 = tpu.all_reduce %le3A_329 {dim = 0 : i64, kind = #tpu.reduction_kind<sum>} : vector<16xi1> -> vector<16xi32>
        %slice3A_343 = vector.extract_strided_slice %all_reduce_population_count3A_342 {offsets = [0], sizes = [1], strides = [1]} : vector<16xi32> to vector<1xi32>
        %squeeze3A_344 = vector.extract %slice3A_343[0] : i32 from vector<1xi32>
        %add3A_345 = arith.addi %add3A_322, %squeeze3A_344 : i32
        scf.yield %add3A_345 : i32
      }
      %le3A = arith.constant 1024 : i32
      %le3A_158 = arith.cmpi sle, %while3A_157, %le3A : i32
      %convert_element_type3A = arith.extui %le3A_158 : i1 to i32
      %cond3A = arith.constant 0 : i32
      %cond3A_159 = arith.cmpi ne, %convert_element_type3A, %cond3A : i32
      %cond3A_160:2 = scf.if %cond3A_159 -> (vector<16xf32>, vector<16xi32>) {
        %swap3A = arith.index_cast %while3A_157 : i32 to index
        %swap3A_298 = tpu.vector_load %arg10[%swap3A] {strides = array<i32>} : memref<1056xf32, #tpu.memory_space<vmem>>, vector<16xf32>,
        tpu.vector_store %arg10[%swap3A], %broadcast_in_dim3A_144 {strides = array<i32>} : memref<1056xf32, #tpu.memory_space<vmem>>, vector<16xf32>,
        %swap3A_299 = arith.index_cast %while3A_157 : i32 to index
        %swap3A_300 = tpu.vector_load %arg11[%swap3A_299] {strides = array<i32>} : memref<1056xi32, #tpu.memory_space<vmem>>, vector<16xi32>,
        tpu.vector_store %arg11[%swap3A_299], %broadcast_in_dim3A_146 {strides = array<i32>} : memref<1056xi32, #tpu.memory_space<vmem>>, vector<16xi32>,
        %add3A_301 = arith.constant 15 : i32
        %add3A_302 = arith.addi %while3A_157, %add3A_301 : i32
        %jit3A = arith.constant 16 : i32
        %div3A = arith.divsi %add3A_302, %jit3A : i32
        %sign3A = arith.constant 0 : i32
        %sign3A_303 = arith.cmpi sgt, %add3A_302, %sign3A : i32
        %sign3A_304 = arith.extui %sign3A_303 : i1 to i32
        %sign3A_305 = arith.constant 0 : i32
        %sign3A_306 = arith.cmpi slt, %add3A_302, %sign3A_305 : i32
        %sign3A_307 = arith.extui %sign3A_306 : i1 to i32
        %sign3A_308 = arith.subi %sign3A_304, %sign3A_307 : i32
        %sign3A_309 = arith.constant 0 : i32
        %sign3A_310 = arith.cmpi sgt, %jit3A, %sign3A_309 : i32
        %sign3A_311 = arith.extui %sign3A_310 : i1 to i32
        %sign3A_312 = arith.constant 0 : i32
        %sign3A_313 = arith.cmpi slt, %jit3A, %sign3A_312 : i32
        %sign3A_314 = arith.extui %sign3A_313 : i1 to i32
        %sign3A_315 = arith.subi %sign3A_311, %sign3A_314 : i32
        %ne3A = arith.cmpi ne, %sign3A_308, %sign3A_315 : i32
        %rem3A = arith.remsi %add3A_302, %jit3A : i32
        %ne3A_316 = arith.constant 0 : i32
        %ne3A_317 = arith.cmpi ne, %rem3A, %ne3A_316 : i32
        %and3A = arith.andi %ne3A, %ne3A_317 : i1
        %sub3A = arith.constant 1 : i32
        %sub3A_318 = arith.subi %div3A, %sub3A : i32
        %select_n3A = arith.select %and3A, %sub3A_318, %div3A : i32
        %while3A_319 = arith.constant 0 : i32
        %while3A_320 = arith.subi %select_n3A, %while3A_319 : i32
        %while3A_321 = arith.addi %while3A_319, %while3A_320 : i32
        %while3A_322 = arith.constant 1 : i32
        %while3A_323 = arith.divsi %while3A_320, %while3A_322 : i32
        %while3A_324 = arith.muli %while3A_323, %while3A_322 : i32
        %while3A_325 = arith.addi %while3A_319, %while3A_324 : i32
        %while3A_326 = arith.constant 1 : i32
        %while3A_327:2 = scf.for %while3A_330 = %while3A_319 to %while3A_325 step %while3A_326 iter_args(%while3A_331 = %broadcast_in_dim3A_144, %while3A_332 = %broadcast_in_dim3A_146) -> (vector<16xf32>, vector<16xi32>)  : i32 {
          %mul3A_333 = arith.constant 16 : i32
          %mul3A_334 = arith.muli %while3A_330, %mul3A_333 : i32
          %get3A_335 = arith.index_cast %mul3A_334 : i32 to index
          %get3A_336 = tpu.vector_load %arg10[%get3A_335] {strides = array<i32>} : memref<1056xf32, #tpu.memory_space<vmem>>, vector<16xf32>,
          %mul3A_337 = arith.constant 16 : i32
          %mul3A_338 = arith.muli %while3A_330, %mul3A_337 : i32
          %get3A_339 = arith.index_cast %mul3A_338 : i32 to index
          %get3A_340 = tpu.vector_load %arg11[%get3A_339] {strides = array<i32>} : memref<1056xi32, #tpu.memory_space<vmem>>, vector<16xi32>,
          %masked_sort3A = arith.constant dense<true> : vector<16xi1>
          %masked_sort3A_341, %masked_sort3A_342, %masked_sort3A_343 = tpu.sort %get3A_336, %get3A_340 masked %masked_sort3A {descending = true} : (vector<16xf32>, vector<16xi32>, vector<16xi1>) -> (vector<16xi1>, vector<16xf32>, vector<16xi32>)
          %iota3A_344 = tpu.iota {dimensions = array<i32: 0>} : vector<16xi32>
          %sub3A_345 = arith.constant 1 : i32
          %sub3A_346 = vector.broadcast %sub3A_345 : i32 to vector<16xi32>
          %sub3A_347 = arith.subi %iota3A_344, %sub3A_346 : vector<16xi32>
          %max3A = arith.constant 0 : i32
          %max3A_348 = vector.broadcast %max3A : i32 to vector<16xi32>
          %max3A_349 = arith.maxsi %sub3A_347, %max3A_348 : vector<16xi32>
          %broadcast_in_dim3A_350 = vector.shape_cast %max3A_349 : vector<16xi32> to vector<16x1xi32>
          %add3A_351 = arith.constant 1 : i32
          %add3A_352 = vector.broadcast %add3A_351 : i32 to vector<16xi32>
          %add3A_353 = arith.addi %iota3A_344, %add3A_352 : vector<16xi32>
          %min3A_354 = arith.constant 15 : i32
          %min3A_355 = vector.broadcast %min3A_354 : i32 to vector<16xi32>
          %min3A_356 = arith.minsi %add3A_353, %min3A_355 : vector<16xi32>
          %broadcast_in_dim3A_357 = vector.shape_cast %min3A_356 : vector<16xi32> to vector<16x1xi32>
          %jit3A_358 = arith.constant 2 : i32
          %eq3A = arith.constant 0 : i32
          %eq3A_359 = arith.cmpi eq, %jit3A_358, %eq3A : i32
          %jit3A_360 = arith.constant 1 : i32
          %select_n3A_361 = arith.select %eq3A_359, %jit3A_360, %jit3A_358 : i32
          %rem3A_362 = vector.broadcast %select_n3A_361 : i32 to vector<16xi32>
          %rem3A_363 = arith.remsi %iota3A_344, %rem3A_362 : vector<16xi32>
          %ne3A_364 = arith.constant 0 : i32
          %ne3A_365 = vector.broadcast %ne3A_364 : i32 to vector<16xi32>
          %ne3A_366 = arith.cmpi ne, %rem3A_363, %ne3A_365 : vector<16xi32>
          %lt3A_367 = arith.constant 0 : i32
          %lt3A_368 = vector.broadcast %lt3A_367 : i32 to vector<16xi32>
          %lt3A_369 = arith.cmpi slt, %rem3A_363, %lt3A_368 : vector<16xi32>
          %lt3A_370 = arith.constant 0 : i32
          %lt3A_371 = arith.cmpi slt, %select_n3A_361, %lt3A_370 : i32
          %ne3A_372 = vector.broadcast %lt3A_371 : i1 to vector<16xi1>
          %ne3A_373 = vector.broadcast %ne3A_372 : vector<16xi1> to vector<16xi1>
          %ne3A_374 = arith.xori %lt3A_369, %ne3A_373 : vector<16xi1>
          %and3A_375 = arith.andi %ne3A_374, %ne3A_366 : vector<16xi1>
          %add3A_376 = vector.broadcast %select_n3A_361 : i32 to vector<16xi32>
          %add3A_377 = arith.addi %rem3A_363, %add3A_376 : vector<16xi32>
          %select_n3A_378 = arith.select %and3A_375, %add3A_377, %rem3A_363 : vector<16xi1>, vector<16xi32>
          %eq3A_379 = arith.constant 0 : i32
          %eq3A_380 = vector.broadcast %eq3A_379 : i32 to vector<16xi32>
          %eq3A_381 = arith.cmpi eq, %select_n3A_378, %eq3A_380 : vector<16xi32>
          %gather3A = vector.shape_cast %broadcast_in_dim3A_350 : vector<16x1xi32> to vector<16xi32>
          %gather3A_382 = tpu.dynamic_gather %masked_sort3A_342[%gather3A] in [0] : vector<16xf32>, vector<16xi32> -> vector<16xf32>
          %gather3A_383 = vector.shape_cast %broadcast_in_dim3A_350 : vector<16x1xi32> to vector<16xi32>
          %gather3A_384 = tpu.dynamic_gather %masked_sort3A_343[%gather3A_383] in [0] : vector<16xi32>, vector<16xi32> -> vector<16xi32>
          %gather3A_385 = vector.shape_cast %broadcast_in_dim3A_357 : vector<16x1xi32> to vector<16xi32>
          %gather3A_386 = tpu.dynamic_gather %masked_sort3A_342[%gather3A_385] in [0] : vector<16xf32>, vector<16xi32> -> vector<16xf32>
          %gather3A_387 = vector.shape_cast %broadcast_in_dim3A_357 : vector<16x1xi32> to vector<16xi32>
          %gather3A_388 = tpu.dynamic_gather %masked_sort3A_343[%gather3A_387] in [0] : vector<16xi32>, vector<16xi32> -> vector<16xi32>
          %eq3A_389 = arith.cmpf oeq, %masked_sort3A_342, %gather3A_386 : vector<16xf32>
          %and3A_390 = arith.andi %eq3A_381, %eq3A_389 : vector<16xi1>
          %gt3A = arith.cmpi sgt, %gather3A_388, %masked_sort3A_343 : vector<16xi32>
          %and3A_391 = arith.andi %and3A_390, %gt3A : vector<16xi1>
          %not3A = arith.constant dense<true> : vector<16xi1>
          %not3A_392 = arith.xori %eq3A_381, %not3A : vector<16xi1>
          %eq3A_393 = arith.cmpf oeq, %masked_sort3A_342, %gather3A_382 : vector<16xf32>
          %and3A_394 = arith.andi %not3A_392, %eq3A_393 : vector<16xi1>
          %lt3A_395 = arith.cmpi slt, %gather3A_384, %masked_sort3A_343 : vector<16xi32>
          %and3A_396 = arith.andi %and3A_394, %lt3A_395 : vector<16xi1>
          %select_n3A_397 = arith.select %and3A_396, %gather3A_384, %masked_sort3A_343 : vector<16xi1>, vector<16xi32>
          %select_n3A_398 = arith.select %and3A_391, %gather3A_388, %select_n3A_397 : vector<16xi1>, vector<16xi32>
          %not3A_399 = arith.constant dense<true> : vector<16xi1>
          %not3A_400 = arith.xori %eq3A_381, %not3A_399 : vector<16xi1>
          %gather3A_401 = vector.shape_cast %broadcast_in_dim3A_350 : vector<16x1xi32> to vector<16xi32>
          %gather3A_402 = tpu.dynamic_gather %masked_sort3A_342[%gather3A_401] in [0] : vector<16xf32>, vector<16xi32> -> vector<16xf32>
          %gather3A_403 = vector.shape_cast %broadcast_in_dim3A_350 : vector<16x1xi32> to vector<16xi32>
          %gather3A_404 = tpu.dynamic_gather %select_n3A_398[%gather3A_403] in [0] : vector<16xi32>, vector<16xi32> -> vector<16xi32>
          %gather3A_405 = vector.shape_cast %broadcast_in_dim3A_357 : vector<16x1xi32> to vector<16xi32>
          %gather3A_406 = tpu.dynamic_gather %masked_sort3A_342[%gather3A_405] in [0] : vector<16xf32>, vector<16xi32> -> vector<16xf32>
          %gather3A_407 = vector.shape_cast %broadcast_in_dim3A_357 : vector<16x1xi32> to vector<16xi32>
          %gather3A_408 = tpu.dynamic_gather %select_n3A_398[%gather3A_407] in [0] : vector<16xi32>, vector<16xi32> -> vector<16xi32>
          %eq3A_409 = arith.cmpf oeq, %masked_sort3A_342, %gather3A_406 : vector<16xf32>
          %and3A_410 = arith.andi %not3A_400, %eq3A_409 : vector<16xi1>
          %gt3A_411 = arith.cmpi sgt, %gather3A_408, %select_n3A_398 : vector<16xi32>
          %and3A_412 = arith.andi %and3A_410, %gt3A_411 : vector<16xi1>
          %not3A_413 = arith.constant dense<true> : vector<16xi1>
          %not3A_414 = arith.xori %not3A_400, %not3A_413 : vector<16xi1>
          %eq3A_415 = arith.cmpf oeq, %masked_sort3A_342, %gather3A_402 : vector<16xf32>
          %and3A_416 = arith.andi %not3A_414, %eq3A_415 : vector<16xi1>
          %lt3A_417 = arith.cmpi slt, %gather3A_404, %select_n3A_398 : vector<16xi32>
          %and3A_418 = arith.andi %and3A_416, %lt3A_417 : vector<16xi1>
          %select_n3A_419 = arith.select %and3A_418, %gather3A_404, %select_n3A_398 : vector<16xi1>, vector<16xi32>
          %select_n3A_420 = arith.select %and3A_412, %gather3A_408, %select_n3A_419 : vector<16xi1>, vector<16xi32>
          %gather3A_421 = vector.shape_cast %broadcast_in_dim3A_350 : vector<16x1xi32> to vector<16xi32>
          %gather3A_422 = tpu.dynamic_gather %masked_sort3A_342[%gather3A_421] in [0] : vector<16xf32>, vector<16xi32> -> vector<16xf32>
          %gather3A_423 = vector.shape_cast %broadcast_in_dim3A_350 : vector<16x1xi32> to vector<16xi32>
          %gather3A_424 = tpu.dynamic_gather %select_n3A_420[%gather3A_423] in [0] : vector<16xi32>, vector<16xi32> -> vector<16xi32>
          %gather3A_425 = vector.shape_cast %broadcast_in_dim3A_357 : vector<16x1xi32> to vector<16xi32>
          %gather3A_426 = tpu.dynamic_gather %masked_sort3A_342[%gather3A_425] in [0] : vector<16xf32>, vector<16xi32> -> vector<16xf32>
          %gather3A_427 = vector.shape_cast %broadcast_in_dim3A_357 : vector<16x1xi32> to vector<16xi32>
          %gather3A_428 = tpu.dynamic_gather %select_n3A_420[%gather3A_427] in [0] : vector<16xi32>, vector<16xi32> -> vector<16xi32>
          %eq3A_429 = arith.cmpf oeq, %masked_sort3A_342, %gather3A_426 : vector<16xf32>
          %and3A_430 = arith.andi %eq3A_381, %eq3A_429 : vector<16xi1>
          %gt3A_431 = arith.cmpi sgt, %gather3A_428, %select_n3A_420 : vector<16xi32>
          %and3A_432 = arith.andi %and3A_430, %gt3A_431 : vector<16xi1>
          %not3A_433 = arith.constant dense<true> : vector<16xi1>
          %not3A_434 = arith.xori %eq3A_381, %not3A_433 : vector<16xi1>
          %eq3A_435 = arith.cmpf oeq, %masked_sort3A_342, %gather3A_422 : vector<16xf32>
          %and3A_436 = arith.andi %not3A_434, %eq3A_435 : vector<16xi1>
          %lt3A_437 = arith.cmpi slt, %gather3A_424, %select_n3A_420 : vector<16xi32>
          %and3A_438 = arith.andi %and3A_436, %lt3A_437 : vector<16xi1>
          %select_n3A_439 = arith.select %and3A_438, %gather3A_424, %select_n3A_420 : vector<16xi1>, vector<16xi32>
          %select_n3A_440 = arith.select %and3A_432, %gather3A_428, %select_n3A_439 : vector<16xi1>, vector<16xi32>
          %not3A_441 = arith.constant dense<true> : vector<16xi1>
          %not3A_442 = arith.xori %eq3A_381, %not3A_441 : vector<16xi1>
          %gather3A_443 = vector.shape_cast %broadcast_in_dim3A_350 : vector<16x1xi32> to vector<16xi32>
          %gather3A_444 = tpu.dynamic_gather %masked_sort3A_342[%gather3A_443] in [0] : vector<16xf32>, vector<16xi32> -> vector<16xf32>
          %gather3A_445 = vector.shape_cast %broadcast_in_dim3A_350 : vector<16x1xi32> to vector<16xi32>
          %gather3A_446 = tpu.dynamic_gather %select_n3A_440[%gather3A_445] in [0] : vector<16xi32>, vector<16xi32> -> vector<16xi32>
          %gather3A_447 = vector.shape_cast %broadcast_in_dim3A_357 : vector<16x1xi32> to vector<16xi32>
          %gather3A_448 = tpu.dynamic_gather %masked_sort3A_342[%gather3A_447] in [0] : vector<16xf32>, vector<16xi32> -> vector<16xf32>
          %gather3A_449 = vector.shape_cast %broadcast_in_dim3A_357 : vector<16x1xi32> to vector<16xi32>
          %gather3A_450 = tpu.dynamic_gather %select_n3A_440[%gather3A_449] in [0] : vector<16xi32>, vector<16xi32> -> vector<16xi32>
          %eq3A_451 = arith.cmpf oeq, %masked_sort3A_342, %gather3A_448 : vector<16xf32>
          %and3A_452 = arith.andi %not3A_442, %eq3A_451 : vector<16xi1>
          %gt3A_453 = arith.cmpi sgt, %gather3A_450, %select_n3A_440 : vector<16xi32>
          %and3A_454 = arith.andi %and3A_452, %gt3A_453 : vector<16xi1>
          %not3A_455 = arith.constant dense<true> : vector<16xi1>
          %not3A_456 = arith.xori %not3A_442, %not3A_455 : vector<16xi1>
          %eq3A_457 = arith.cmpf oeq, %masked_sort3A_342, %gather3A_444 : vector<16xf32>
          %and3A_458 = arith.andi %not3A_456, %eq3A_457 : vector<16xi1>
          %lt3A_459 = arith.cmpi slt, %gather3A_446, %select_n3A_440 : vector<16xi32>
          %and3A_460 = arith.andi %and3A_458, %lt3A_459 : vector<16xi1>
          %select_n3A_461 = arith.select %and3A_460, %gather3A_446, %select_n3A_440 : vector<16xi1>, vector<16xi32>
          %select_n3A_462 = arith.select %and3A_454, %gather3A_450, %select_n3A_461 : vector<16xi1>, vector<16xi32>
          %lt3A_463 = arith.cmpf olt, %masked_sort3A_342, %while3A_331 : vector<16xf32>
          %eq3A_464 = arith.cmpf oeq, %masked_sort3A_342, %while3A_331 : vector<16xf32>
          %lt3A_465 = arith.cmpi slt, %select_n3A_462, %while3A_332 : vector<16xi32>
          %and3A_466 = arith.andi %eq3A_464, %lt3A_465 : vector<16xi1>
          %or3A = arith.ori %lt3A_463, %and3A_466 : vector<16xi1>
          %select_n3A_467 = arith.select %or3A, %masked_sort3A_342, %while3A_331 : vector<16xi1>, vector<16xf32>
          %select_n3A_468 = arith.select %or3A, %select_n3A_462, %while3A_332 : vector<16xi1>, vector<16xi32>
          %masked_sort3A_469 = arith.constant dense<true> : vector<16xi1>
          %masked_sort3A_470, %masked_sort3A_471, %masked_sort3A_472 = tpu.sort %select_n3A_467, %select_n3A_468 masked %masked_sort3A_469 : (vector<16xf32>, vector<16xi32>, vector<16xi1>) -> (vector<16xi1>, vector<16xf32>, vector<16xi32>)
          %iota3A_473 = tpu.iota {dimensions = array<i32: 0>} : vector<16xi32>
          %sub3A_474 = arith.constant 1 : i32
          %sub3A_475 = vector.broadcast %sub3A_474 : i32 to vector<16xi32>
          %sub3A_476 = arith.subi %iota3A_473, %sub3A_475 : vector<16xi32>
          %max3A_477 = arith.constant 0 : i32
          %max3A_478 = vector.broadcast %max3A_477 : i32 to vector<16xi32>
          %max3A_479 = arith.maxsi %sub3A_476, %max3A_478 : vector<16xi32>
          %broadcast_in_dim3A_480 = vector.shape_cast %max3A_479 : vector<16xi32> to vector<16x1xi32>
          %add3A_481 = arith.constant 1 : i32
          %add3A_482 = vector.broadcast %add3A_481 : i32 to vector<16xi32>
          %add3A_483 = arith.addi %iota3A_473, %add3A_482 : vector<16xi32>
          %min3A_484 = arith.constant 15 : i32
          %min3A_485 = vector.broadcast %min3A_484 : i32 to vector<16xi32>
          %min3A_486 = arith.minsi %add3A_483, %min3A_485 : vector<16xi32>
          %broadcast_in_dim3A_487 = vector.shape_cast %min3A_486 : vector<16xi32> to vector<16x1xi32>
          %jit3A_488 = arith.constant 2 : i32
          %eq3A_489 = arith.constant 0 : i32
          %eq3A_490 = arith.cmpi eq, %jit3A_488, %eq3A_489 : i32
          %jit3A_491 = arith.constant 1 : i32
          %select_n3A_492 = arith.select %eq3A_490, %jit3A_491, %jit3A_488 : i32
          %rem3A_493 = vector.broadcast %select_n3A_492 : i32 to vector<16xi32>
          %rem3A_494 = arith.remsi %iota3A_473, %rem3A_493 : vector<16xi32>
          %ne3A_495 = arith.constant 0 : i32
          %ne3A_496 = vector.broadcast %ne3A_495 : i32 to vector<16xi32>
          %ne3A_497 = arith.cmpi ne, %rem3A_494, %ne3A_496 : vector<16xi32>
          %lt3A_498 = arith.constant 0 : i32
          %lt3A_499 = vector.broadcast %lt3A_498 : i32 to vector<16xi32>
          %lt3A_500 = arith.cmpi slt, %rem3A_494, %lt3A_499 : vector<16xi32>
          %lt3A_501 = arith.constant 0 : i32
          %lt3A_502 = arith.cmpi slt, %select_n3A_492, %lt3A_501 : i32
          %ne3A_503 = vector.broadcast %lt3A_502 : i1 to vector<16xi1>
          %ne3A_504 = vector.broadcast %ne3A_503 : vector<16xi1> to vector<16xi1>
          %ne3A_505 = arith.xori %lt3A_500, %ne3A_504 : vector<16xi1>
          %and3A_506 = arith.andi %ne3A_505, %ne3A_497 : vector<16xi1>
          %add3A_507 = vector.broadcast %select_n3A_492 : i32 to vector<16xi32>
          %add3A_508 = arith.addi %rem3A_494, %add3A_507 : vector<16xi32>
          %select_n3A_509 = arith.select %and3A_506, %add3A_508, %rem3A_494 : vector<16xi1>, vector<16xi32>
          %eq3A_510 = arith.constant 0 : i32
          %eq3A_511 = vector.broadcast %eq3A_510 : i32 to vector<16xi32>
          %eq3A_512 = arith.cmpi eq, %select_n3A_509, %eq3A_511 : vector<16xi32>
          %gather3A_513 = vector.shape_cast %broadcast_in_dim3A_480 : vector<16x1xi32> to vector<16xi32>
          %gather3A_514 = tpu.dynamic_gather %masked_sort3A_471[%gather3A_513] in [0] : vector<16xf32>, vector<16xi32> -> vector<16xf32>
          %gather3A_515 = vector.shape_cast %broadcast_in_dim3A_480 : vector<16x1xi32> to vector<16xi32>
          %gather3A_516 = tpu.dynamic_gather %masked_sort3A_472[%gather3A_515] in [0] : vector<16xi32>, vector<16xi32> -> vector<16xi32>
          %gather3A_517 = vector.shape_cast %broadcast_in_dim3A_487 : vector<16x1xi32> to vector<16xi32>
          %gather3A_518 = tpu.dynamic_gather %masked_sort3A_471[%gather3A_517] in [0] : vector<16xf32>, vector<16xi32> -> vector<16xf32>
          %gather3A_519 = vector.shape_cast %broadcast_in_dim3A_487 : vector<16x1xi32> to vector<16xi32>
          %gather3A_520 = tpu.dynamic_gather %masked_sort3A_472[%gather3A_519] in [0] : vector<16xi32>, vector<16xi32> -> vector<16xi32>
          %eq3A_521 = arith.cmpf oeq, %masked_sort3A_471, %gather3A_518 : vector<16xf32>
          %and3A_522 = arith.andi %eq3A_512, %eq3A_521 : vector<16xi1>
          %lt3A_523 = arith.cmpi slt, %gather3A_520, %masked_sort3A_472 : vector<16xi32>
          %and3A_524 = arith.andi %and3A_522, %lt3A_523 : vector<16xi1>
          %not3A_525 = arith.constant dense<true> : vector<16xi1>
          %not3A_526 = arith.xori %eq3A_512, %not3A_525 : vector<16xi1>
          %eq3A_527 = arith.cmpf oeq, %masked_sort3A_471, %gather3A_514 : vector<16xf32>
          %and3A_528 = arith.andi %not3A_526, %eq3A_527 : vector<16xi1>
          %gt3A_529 = arith.cmpi sgt, %gather3A_516, %masked_sort3A_472 : vector<16xi32>
          %and3A_530 = arith.andi %and3A_528, %gt3A_529 : vector<16xi1>
          %select_n3A_531 = arith.select %and3A_530, %gather3A_516, %masked_sort3A_472 : vector<16xi1>, vector<16xi32>
          %select_n3A_532 = arith.select %and3A_524, %gather3A_520, %select_n3A_531 : vector<16xi1>, vector<16xi32>
          %not3A_533 = arith.constant dense<true> : vector<16xi1>
          %not3A_534 = arith.xori %eq3A_512, %not3A_533 : vector<16xi1>
          %gather3A_535 = vector.shape_cast %broadcast_in_dim3A_480 : vector<16x1xi32> to vector<16xi32>
          %gather3A_536 = tpu.dynamic_gather %masked_sort3A_471[%gather3A_535] in [0] : vector<16xf32>, vector<16xi32> -> vector<16xf32>
          %gather3A_537 = vector.shape_cast %broadcast_in_dim3A_480 : vector<16x1xi32> to vector<16xi32>
          %gather3A_538 = tpu.dynamic_gather %select_n3A_532[%gather3A_537] in [0] : vector<16xi32>, vector<16xi32> -> vector<16xi32>
          %gather3A_539 = vector.shape_cast %broadcast_in_dim3A_487 : vector<16x1xi32> to vector<16xi32>
          %gather3A_540 = tpu.dynamic_gather %masked_sort3A_471[%gather3A_539] in [0] : vector<16xf32>, vector<16xi32> -> vector<16xf32>
          %gather3A_541 = vector.shape_cast %broadcast_in_dim3A_487 : vector<16x1xi32> to vector<16xi32>
          %gather3A_542 = tpu.dynamic_gather %select_n3A_532[%gather3A_541] in [0] : vector<16xi32>, vector<16xi32> -> vector<16xi32>
          %eq3A_543 = arith.cmpf oeq, %masked_sort3A_471, %gather3A_540 : vector<16xf32>
          %and3A_544 = arith.andi %not3A_534, %eq3A_543 : vector<16xi1>
          %lt3A_545 = arith.cmpi slt, %gather3A_542, %select_n3A_532 : vector<16xi32>
          %and3A_546 = arith.andi %and3A_544, %lt3A_545 : vector<16xi1>
          %not3A_547 = arith.constant dense<true> : vector<16xi1>
          %not3A_548 = arith.xori %not3A_534, %not3A_547 : vector<16xi1>
          %eq3A_549 = arith.cmpf oeq, %masked_sort3A_471, %gather3A_536 : vector<16xf32>
          %and3A_550 = arith.andi %not3A_548, %eq3A_549 : vector<16xi1>
          %gt3A_551 = arith.cmpi sgt, %gather3A_538, %select_n3A_532 : vector<16xi32>
          %and3A_552 = arith.andi %and3A_550, %gt3A_551 : vector<16xi1>
          %select_n3A_553 = arith.select %and3A_552, %gather3A_538, %select_n3A_532 : vector<16xi1>, vector<16xi32>
          %select_n3A_554 = arith.select %and3A_546, %gather3A_542, %select_n3A_553 : vector<16xi1>, vector<16xi32>
          %gather3A_555 = vector.shape_cast %broadcast_in_dim3A_480 : vector<16x1xi32> to vector<16xi32>
          %gather3A_556 = tpu.dynamic_gather %masked_sort3A_471[%gather3A_555] in [0] : vector<16xf32>, vector<16xi32> -> vector<16xf32>
          %gather3A_557 = vector.shape_cast %broadcast_in_dim3A_480 : vector<16x1xi32> to vector<16xi32>
          %gather3A_558 = tpu.dynamic_gather %select_n3A_554[%gather3A_557] in [0] : vector<16xi32>, vector<16xi32> -> vector<16xi32>
          %gather3A_559 = vector.shape_cast %broadcast_in_dim3A_487 : vector<16x1xi32> to vector<16xi32>
          %gather3A_560 = tpu.dynamic_gather %masked_sort3A_471[%gather3A_559] in [0] : vector<16xf32>, vector<16xi32> -> vector<16xf32>
          %gather3A_561 = vector.shape_cast %broadcast_in_dim3A_487 : vector<16x1xi32> to vector<16xi32>
          %gather3A_562 = tpu.dynamic_gather %select_n3A_554[%gather3A_561] in [0] : vector<16xi32>, vector<16xi32> -> vector<16xi32>
          %eq3A_563 = arith.cmpf oeq, %masked_sort3A_471, %gather3A_560 : vector<16xf32>
          %and3A_564 = arith.andi %eq3A_512, %eq3A_563 : vector<16xi1>
          %lt3A_565 = arith.cmpi slt, %gather3A_562, %select_n3A_554 : vector<16xi32>
          %and3A_566 = arith.andi %and3A_564, %lt3A_565 : vector<16xi1>
          %not3A_567 = arith.constant dense<true> : vector<16xi1>
          %not3A_568 = arith.xori %eq3A_512, %not3A_567 : vector<16xi1>
          %eq3A_569 = arith.cmpf oeq, %masked_sort3A_471, %gather3A_556 : vector<16xf32>
          %and3A_570 = arith.andi %not3A_568, %eq3A_569 : vector<16xi1>
          %gt3A_571 = arith.cmpi sgt, %gather3A_558, %select_n3A_554 : vector<16xi32>
          %and3A_572 = arith.andi %and3A_570, %gt3A_571 : vector<16xi1>
          %select_n3A_573 = arith.select %and3A_572, %gather3A_558, %select_n3A_554 : vector<16xi1>, vector<16xi32>
          %select_n3A_574 = arith.select %and3A_566, %gather3A_562, %select_n3A_573 : vector<16xi1>, vector<16xi32>
          %not3A_575 = arith.constant dense<true> : vector<16xi1>
          %not3A_576 = arith.xori %eq3A_512, %not3A_575 : vector<16xi1>
          %gather3A_577 = vector.shape_cast %broadcast_in_dim3A_480 : vector<16x1xi32> to vector<16xi32>
          %gather3A_578 = tpu.dynamic_gather %masked_sort3A_471[%gather3A_577] in [0] : vector<16xf32>, vector<16xi32> -> vector<16xf32>
          %gather3A_579 = vector.shape_cast %broadcast_in_dim3A_480 : vector<16x1xi32> to vector<16xi32>
          %gather3A_580 = tpu.dynamic_gather %select_n3A_574[%gather3A_579] in [0] : vector<16xi32>, vector<16xi32> -> vector<16xi32>
          %gather3A_581 = vector.shape_cast %broadcast_in_dim3A_487 : vector<16x1xi32> to vector<16xi32>
          %gather3A_582 = tpu.dynamic_gather %masked_sort3A_471[%gather3A_581] in [0] : vector<16xf32>, vector<16xi32> -> vector<16xf32>
          %gather3A_583 = vector.shape_cast %broadcast_in_dim3A_487 : vector<16x1xi32> to vector<16xi32>
          %gather3A_584 = tpu.dynamic_gather %select_n3A_574[%gather3A_583] in [0] : vector<16xi32>, vector<16xi32> -> vector<16xi32>
          %eq3A_585 = arith.cmpf oeq, %masked_sort3A_471, %gather3A_582 : vector<16xf32>
          %and3A_586 = arith.andi %not3A_576, %eq3A_585 : vector<16xi1>
          %lt3A_587 = arith.cmpi slt, %gather3A_584, %select_n3A_574 : vector<16xi32>
          %and3A_588 = arith.andi %and3A_586, %lt3A_587 : vector<16xi1>
          %not3A_589 = arith.constant dense<true> : vector<16xi1>
          %not3A_590 = arith.xori %not3A_576, %not3A_589 : vector<16xi1>
          %eq3A_591 = arith.cmpf oeq, %masked_sort3A_471, %gather3A_578 : vector<16xf32>
          %and3A_592 = arith.andi %not3A_590, %eq3A_591 : vector<16xi1>
          %gt3A_593 = arith.cmpi sgt, %gather3A_580, %select_n3A_574 : vector<16xi32>
          %and3A_594 = arith.andi %and3A_592, %gt3A_593 : vector<16xi1>
          %select_n3A_595 = arith.select %and3A_594, %gather3A_580, %select_n3A_574 : vector<16xi1>, vector<16xi32>
          %select_n3A_596 = arith.select %and3A_588, %gather3A_584, %select_n3A_595 : vector<16xi1>, vector<16xi32>
          scf.yield %masked_sort3A_471, %select_n3A_596 : vector<16xf32>, vector<16xi32>
        }
        %while3A_328 = arith.constant 1 : i32
        %while3A_329:2 = scf.for %while3A_330 = %while3A_325 to %while3A_321 step %while3A_328 iter_args(%while3A_331 = %while3A_327#0, %while3A_332 = %while3A_327#1) -> (vector<16xf32>, vector<16xi32>)  : i32 {
          %mul3A_333 = arith.constant 16 : i32
          %mul3A_334 = arith.muli %while3A_330, %mul3A_333 : i32
          %get3A_335 = arith.index_cast %mul3A_334 : i32 to index
          %get3A_336 = tpu.vector_load %arg10[%get3A_335] {strides = array<i32>} : memref<1056xf32, #tpu.memory_space<vmem>>, vector<16xf32>,
          %mul3A_337 = arith.constant 16 : i32
          %mul3A_338 = arith.muli %while3A_330, %mul3A_337 : i32
          %get3A_339 = arith.index_cast %mul3A_338 : i32 to index
          %get3A_340 = tpu.vector_load %arg11[%get3A_339] {strides = array<i32>} : memref<1056xi32, #tpu.memory_space<vmem>>, vector<16xi32>,
          %masked_sort3A = arith.constant dense<true> : vector<16xi1>
          %masked_sort3A_341, %masked_sort3A_342, %masked_sort3A_343 = tpu.sort %get3A_336, %get3A_340 masked %masked_sort3A {descending = true} : (vector<16xf32>, vector<16xi32>, vector<16xi1>) -> (vector<16xi1>, vector<16xf32>, vector<16xi32>)
          %iota3A_344 = tpu.iota {dimensions = array<i32: 0>} : vector<16xi32>
          %sub3A_345 = arith.constant 1 : i32
          %sub3A_346 = vector.broadcast %sub3A_345 : i32 to vector<16xi32>
          %sub3A_347 = arith.subi %iota3A_344, %sub3A_346 : vector<16xi32>
          %max3A = arith.constant 0 : i32
          %max3A_348 = vector.broadcast %max3A : i32 to vector<16xi32>
          %max3A_349 = arith.maxsi %sub3A_347, %max3A_348 : vector<16xi32>
          %broadcast_in_dim3A_350 = vector.shape_cast %max3A_349 : vector<16xi32> to vector<16x1xi32>
          %add3A_351 = arith.constant 1 : i32
          %add3A_352 = vector.broadcast %add3A_351 : i32 to vector<16xi32>
          %add3A_353 = arith.addi %iota3A_344, %add3A_352 : vector<16xi32>
          %min3A_354 = arith.constant 15 : i32
          %min3A_355 = vector.broadcast %min3A_354 : i32 to vector<16xi32>
          %min3A_356 = arith.minsi %add3A_353, %min3A_355 : vector<16xi32>
          %broadcast_in_dim3A_357 = vector.shape_cast %min3A_356 : vector<16xi32> to vector<16x1xi32>
          %jit3A_358 = arith.constant 2 : i32
          %eq3A = arith.constant 0 : i32
          %eq3A_359 = arith.cmpi eq, %jit3A_358, %eq3A : i32
          %jit3A_360 = arith.constant 1 : i32
          %select_n3A_361 = arith.select %eq3A_359, %jit3A_360, %jit3A_358 : i32
          %rem3A_362 = vector.broadcast %select_n3A_361 : i32 to vector<16xi32>
          %rem3A_363 = arith.remsi %iota3A_344, %rem3A_362 : vector<16xi32>
          %ne3A_364 = arith.constant 0 : i32
          %ne3A_365 = vector.broadcast %ne3A_364 : i32 to vector<16xi32>
          %ne3A_366 = arith.cmpi ne, %rem3A_363, %ne3A_365 : vector<16xi32>
          %lt3A_367 = arith.constant 0 : i32
          %lt3A_368 = vector.broadcast %lt3A_367 : i32 to vector<16xi32>
          %lt3A_369 = arith.cmpi slt, %rem3A_363, %lt3A_368 : vector<16xi32>
          %lt3A_370 = arith.constant 0 : i32
          %lt3A_371 = arith.cmpi slt, %select_n3A_361, %lt3A_370 : i32
          %ne3A_372 = vector.broadcast %lt3A_371 : i1 to vector<16xi1>
          %ne3A_373 = vector.broadcast %ne3A_372 : vector<16xi1> to vector<16xi1>
          %ne3A_374 = arith.xori %lt3A_369, %ne3A_373 : vector<16xi1>
          %and3A_375 = arith.andi %ne3A_374, %ne3A_366 : vector<16xi1>
          %add3A_376 = vector.broadcast %select_n3A_361 : i32 to vector<16xi32>
          %add3A_377 = arith.addi %rem3A_363, %add3A_376 : vector<16xi32>
          %select_n3A_378 = arith.select %and3A_375, %add3A_377, %rem3A_363 : vector<16xi1>, vector<16xi32>
          %eq3A_379 = arith.constant 0 : i32
          %eq3A_380 = vector.broadcast %eq3A_379 : i32 to vector<16xi32>
          %eq3A_381 = arith.cmpi eq, %select_n3A_378, %eq3A_380 : vector<16xi32>
          %gather3A = vector.shape_cast %broadcast_in_dim3A_350 : vector<16x1xi32> to vector<16xi32>
          %gather3A_382 = tpu.dynamic_gather %masked_sort3A_342[%gather3A] in [0] : vector<16xf32>, vector<16xi32> -> vector<16xf32>
          %gather3A_383 = vector.shape_cast %broadcast_in_dim3A_350 : vector<16x1xi32> to vector<16xi32>
          %gather3A_384 = tpu.dynamic_gather %masked_sort3A_343[%gather3A_383] in [0] : vector<16xi32>, vector<16xi32> -> vector<16xi32>
          %gather3A_385 = vector.shape_cast %broadcast_in_dim3A_357 : vector<16x1xi32> to vector<16xi32>
          %gather3A_386 = tpu.dynamic_gather %masked_sort3A_342[%gather3A_385] in [0] : vector<16xf32>, vector<16xi32> -> vector<16xf32>
          %gather3A_387 = vector.shape_cast %broadcast_in_dim3A_357 : vector<16x1xi32> to vector<16xi32>
          %gather3A_388 = tpu.dynamic_gather %masked_sort3A_343[%gather3A_387] in [0] : vector<16xi32>, vector<16xi32> -> vector<16xi32>
          %eq3A_389 = arith.cmpf oeq, %masked_sort3A_342, %gather3A_386 : vector<16xf32>
          %and3A_390 = arith.andi %eq3A_381, %eq3A_389 : vector<16xi1>
          %gt3A = arith.cmpi sgt, %gather3A_388, %masked_sort3A_343 : vector<16xi32>
          %and3A_391 = arith.andi %and3A_390, %gt3A : vector<16xi1>
          %not3A = arith.constant dense<true> : vector<16xi1>
          %not3A_392 = arith.xori %eq3A_381, %not3A : vector<16xi1>
          %eq3A_393 = arith.cmpf oeq, %masked_sort3A_342, %gather3A_382 : vector<16xf32>
          %and3A_394 = arith.andi %not3A_392, %eq3A_393 : vector<16xi1>
          %lt3A_395 = arith.cmpi slt, %gather3A_384, %masked_sort3A_343 : vector<16xi32>
          %and3A_396 = arith.andi %and3A_394, %lt3A_395 : vector<16xi1>
          %select_n3A_397 = arith.select %and3A_396, %gather3A_384, %masked_sort3A_343 : vector<16xi1>, vector<16xi32>
          %select_n3A_398 = arith.select %and3A_391, %gather3A_388, %select_n3A_397 : vector<16xi1>, vector<16xi32>
          %not3A_399 = arith.constant dense<true> : vector<16xi1>
          %not3A_400 = arith.xori %eq3A_381, %not3A_399 : vector<16xi1>
          %gather3A_401 = vector.shape_cast %broadcast_in_dim3A_350 : vector<16x1xi32> to vector<16xi32>
          %gather3A_402 = tpu.dynamic_gather %masked_sort3A_342[%gather3A_401] in [0] : vector<16xf32>, vector<16xi32> -> vector<16xf32>
          %gather3A_403 = vector.shape_cast %broadcast_in_dim3A_350 : vector<16x1xi32> to vector<16xi32>
          %gather3A_404 = tpu.dynamic_gather %select_n3A_398[%gather3A_403] in [0] : vector<16xi32>, vector<16xi32> -> vector<16xi32>
          %gather3A_405 = vector.shape_cast %broadcast_in_dim3A_357 : vector<16x1xi32> to vector<16xi32>
          %gather3A_406 = tpu.dynamic_gather %masked_sort3A_342[%gather3A_405] in [0] : vector<16xf32>, vector<16xi32> -> vector<16xf32>
          %gather3A_407 = vector.shape_cast %broadcast_in_dim3A_357 : vector<16x1xi32> to vector<16xi32>
          %gather3A_408 = tpu.dynamic_gather %select_n3A_398[%gather3A_407] in [0] : vector<16xi32>, vector<16xi32> -> vector<16xi32>
          %eq3A_409 = arith.cmpf oeq, %masked_sort3A_342, %gather3A_406 : vector<16xf32>
          %and3A_410 = arith.andi %not3A_400, %eq3A_409 : vector<16xi1>
          %gt3A_411 = arith.cmpi sgt, %gather3A_408, %select_n3A_398 : vector<16xi32>
          %and3A_412 = arith.andi %and3A_410, %gt3A_411 : vector<16xi1>
          %not3A_413 = arith.constant dense<true> : vector<16xi1>
          %not3A_414 = arith.xori %not3A_400, %not3A_413 : vector<16xi1>
          %eq3A_415 = arith.cmpf oeq, %masked_sort3A_342, %gather3A_402 : vector<16xf32>
          %and3A_416 = arith.andi %not3A_414, %eq3A_415 : vector<16xi1>
          %lt3A_417 = arith.cmpi slt, %gather3A_404, %select_n3A_398 : vector<16xi32>
          %and3A_418 = arith.andi %and3A_416, %lt3A_417 : vector<16xi1>
          %select_n3A_419 = arith.select %and3A_418, %gather3A_404, %select_n3A_398 : vector<16xi1>, vector<16xi32>
          %select_n3A_420 = arith.select %and3A_412, %gather3A_408, %select_n3A_419 : vector<16xi1>, vector<16xi32>
          %gather3A_421 = vector.shape_cast %broadcast_in_dim3A_350 : vector<16x1xi32> to vector<16xi32>
          %gather3A_422 = tpu.dynamic_gather %masked_sort3A_342[%gather3A_421] in [0] : vector<16xf32>, vector<16xi32> -> vector<16xf32>
          %gather3A_423 = vector.shape_cast %broadcast_in_dim3A_350 : vector<16x1xi32> to vector<16xi32>
          %gather3A_424 = tpu.dynamic_gather %select_n3A_420[%gather3A_423] in [0] : vector<16xi32>, vector<16xi32> -> vector<16xi32>
          %gather3A_425 = vector.shape_cast %broadcast_in_dim3A_357 : vector<16x1xi32> to vector<16xi32>
          %gather3A_426 = tpu.dynamic_gather %masked_sort3A_342[%gather3A_425] in [0] : vector<16xf32>, vector<16xi32> -> vector<16xf32>
          %gather3A_427 = vector.shape_cast %broadcast_in_dim3A_357 : vector<16x1xi32> to vector<16xi32>
          %gather3A_428 = tpu.dynamic_gather %select_n3A_420[%gather3A_427] in [0] : vector<16xi32>, vector<16xi32> -> vector<16xi32>
          %eq3A_429 = arith.cmpf oeq, %masked_sort3A_342, %gather3A_426 : vector<16xf32>
          %and3A_430 = arith.andi %eq3A_381, %eq3A_429 : vector<16xi1>
          %gt3A_431 = arith.cmpi sgt, %gather3A_428, %select_n3A_420 : vector<16xi32>
          %and3A_432 = arith.andi %and3A_430, %gt3A_431 : vector<16xi1>
          %not3A_433 = arith.constant dense<true> : vector<16xi1>
          %not3A_434 = arith.xori %eq3A_381, %not3A_433 : vector<16xi1>
          %eq3A_435 = arith.cmpf oeq, %masked_sort3A_342, %gather3A_422 : vector<16xf32>
          %and3A_436 = arith.andi %not3A_434, %eq3A_435 : vector<16xi1>
          %lt3A_437 = arith.cmpi slt, %gather3A_424, %select_n3A_420 : vector<16xi32>
          %and3A_438 = arith.andi %and3A_436, %lt3A_437 : vector<16xi1>
          %select_n3A_439 = arith.select %and3A_438, %gather3A_424, %select_n3A_420 : vector<16xi1>, vector<16xi32>
          %select_n3A_440 = arith.select %and3A_432, %gather3A_428, %select_n3A_439 : vector<16xi1>, vector<16xi32>
          %not3A_441 = arith.constant dense<true> : vector<16xi1>
          %not3A_442 = arith.xori %eq3A_381, %not3A_441 : vector<16xi1>
          %gather3A_443 = vector.shape_cast %broadcast_in_dim3A_350 : vector<16x1xi32> to vector<16xi32>
          %gather3A_444 = tpu.dynamic_gather %masked_sort3A_342[%gather3A_443] in [0] : vector<16xf32>, vector<16xi32> -> vector<16xf32>
          %gather3A_445 = vector.shape_cast %broadcast_in_dim3A_350 : vector<16x1xi32> to vector<16xi32>
          %gather3A_446 = tpu.dynamic_gather %select_n3A_440[%gather3A_445] in [0] : vector<16xi32>, vector<16xi32> -> vector<16xi32>
          %gather3A_447 = vector.shape_cast %broadcast_in_dim3A_357 : vector<16x1xi32> to vector<16xi32>
          %gather3A_448 = tpu.dynamic_gather %masked_sort3A_342[%gather3A_447] in [0] : vector<16xf32>, vector<16xi32> -> vector<16xf32>
          %gather3A_449 = vector.shape_cast %broadcast_in_dim3A_357 : vector<16x1xi32> to vector<16xi32>
          %gather3A_450 = tpu.dynamic_gather %select_n3A_440[%gather3A_449] in [0] : vector<16xi32>, vector<16xi32> -> vector<16xi32>
          %eq3A_451 = arith.cmpf oeq, %masked_sort3A_342, %gather3A_448 : vector<16xf32>
          %and3A_452 = arith.andi %not3A_442, %eq3A_451 : vector<16xi1>
          %gt3A_453 = arith.cmpi sgt, %gather3A_450, %select_n3A_440 : vector<16xi32>
          %and3A_454 = arith.andi %and3A_452, %gt3A_453 : vector<16xi1>
          %not3A_455 = arith.constant dense<true> : vector<16xi1>
          %not3A_456 = arith.xori %not3A_442, %not3A_455 : vector<16xi1>
          %eq3A_457 = arith.cmpf oeq, %masked_sort3A_342, %gather3A_444 : vector<16xf32>
          %and3A_458 = arith.andi %not3A_456, %eq3A_457 : vector<16xi1>
          %lt3A_459 = arith.cmpi slt, %gather3A_446, %select_n3A_440 : vector<16xi32>
          %and3A_460 = arith.andi %and3A_458, %lt3A_459 : vector<16xi1>
          %select_n3A_461 = arith.select %and3A_460, %gather3A_446, %select_n3A_440 : vector<16xi1>, vector<16xi32>
          %select_n3A_462 = arith.select %and3A_454, %gather3A_450, %select_n3A_461 : vector<16xi1>, vector<16xi32>
          %lt3A_463 = arith.cmpf olt, %masked_sort3A_342, %while3A_331 : vector<16xf32>
          %eq3A_464 = arith.cmpf oeq, %masked_sort3A_342, %while3A_331 : vector<16xf32>
          %lt3A_465 = arith.cmpi slt, %select_n3A_462, %while3A_332 : vector<16xi32>
          %and3A_466 = arith.andi %eq3A_464, %lt3A_465 : vector<16xi1>
          %or3A = arith.ori %lt3A_463, %and3A_466 : vector<16xi1>
          %select_n3A_467 = arith.select %or3A, %masked_sort3A_342, %while3A_331 : vector<16xi1>, vector<16xf32>
          %select_n3A_468 = arith.select %or3A, %select_n3A_462, %while3A_332 : vector<16xi1>, vector<16xi32>
          %masked_sort3A_469 = arith.constant dense<true> : vector<16xi1>
          %masked_sort3A_470, %masked_sort3A_471, %masked_sort3A_472 = tpu.sort %select_n3A_467, %select_n3A_468 masked %masked_sort3A_469 : (vector<16xf32>, vector<16xi32>, vector<16xi1>) -> (vector<16xi1>, vector<16xf32>, vector<16xi32>)
          %iota3A_473 = tpu.iota {dimensions = array<i32: 0>} : vector<16xi32>
          %sub3A_474 = arith.constant 1 : i32
          %sub3A_475 = vector.broadcast %sub3A_474 : i32 to vector<16xi32>
          %sub3A_476 = arith.subi %iota3A_473, %sub3A_475 : vector<16xi32>
          %max3A_477 = arith.constant 0 : i32
          %max3A_478 = vector.broadcast %max3A_477 : i32 to vector<16xi32>
          %max3A_479 = arith.maxsi %sub3A_476, %max3A_478 : vector<16xi32>
          %broadcast_in_dim3A_480 = vector.shape_cast %max3A_479 : vector<16xi32> to vector<16x1xi32>
          %add3A_481 = arith.constant 1 : i32
          %add3A_482 = vector.broadcast %add3A_481 : i32 to vector<16xi32>
          %add3A_483 = arith.addi %iota3A_473, %add3A_482 : vector<16xi32>
          %min3A_484 = arith.constant 15 : i32
          %min3A_485 = vector.broadcast %min3A_484 : i32 to vector<16xi32>
          %min3A_486 = arith.minsi %add3A_483, %min3A_485 : vector<16xi32>
          %broadcast_in_dim3A_487 = vector.shape_cast %min3A_486 : vector<16xi32> to vector<16x1xi32>
          %jit3A_488 = arith.constant 2 : i32
          %eq3A_489 = arith.constant 0 : i32
          %eq3A_490 = arith.cmpi eq, %jit3A_488, %eq3A_489 : i32
          %jit3A_491 = arith.constant 1 : i32
          %select_n3A_492 = arith.select %eq3A_490, %jit3A_491, %jit3A_488 : i32
          %rem3A_493 = vector.broadcast %select_n3A_492 : i32 to vector<16xi32>
          %rem3A_494 = arith.remsi %iota3A_473, %rem3A_493 : vector<16xi32>
          %ne3A_495 = arith.constant 0 : i32
          %ne3A_496 = vector.broadcast %ne3A_495 : i32 to vector<16xi32>
          %ne3A_497 = arith.cmpi ne, %rem3A_494, %ne3A_496 : vector<16xi32>
          %lt3A_498 = arith.constant 0 : i32
          %lt3A_499 = vector.broadcast %lt3A_498 : i32 to vector<16xi32>
          %lt3A_500 = arith.cmpi slt, %rem3A_494, %lt3A_499 : vector<16xi32>
          %lt3A_501 = arith.constant 0 : i32
          %lt3A_502 = arith.cmpi slt, %select_n3A_492, %lt3A_501 : i32
          %ne3A_503 = vector.broadcast %lt3A_502 : i1 to vector<16xi1>
          %ne3A_504 = vector.broadcast %ne3A_503 : vector<16xi1> to vector<16xi1>
          %ne3A_505 = arith.xori %lt3A_500, %ne3A_504 : vector<16xi1>
          %and3A_506 = arith.andi %ne3A_505, %ne3A_497 : vector<16xi1>
          %add3A_507 = vector.broadcast %select_n3A_492 : i32 to vector<16xi32>
          %add3A_508 = arith.addi %rem3A_494, %add3A_507 : vector<16xi32>
          %select_n3A_509 = arith.select %and3A_506, %add3A_508, %rem3A_494 : vector<16xi1>, vector<16xi32>
          %eq3A_510 = arith.constant 0 : i32
          %eq3A_511 = vector.broadcast %eq3A_510 : i32 to vector<16xi32>
          %eq3A_512 = arith.cmpi eq, %select_n3A_509, %eq3A_511 : vector<16xi32>
          %gather3A_513 = vector.shape_cast %broadcast_in_dim3A_480 : vector<16x1xi32> to vector<16xi32>
          %gather3A_514 = tpu.dynamic_gather %masked_sort3A_471[%gather3A_513] in [0] : vector<16xf32>, vector<16xi32> -> vector<16xf32>
          %gather3A_515 = vector.shape_cast %broadcast_in_dim3A_480 : vector<16x1xi32> to vector<16xi32>
          %gather3A_516 = tpu.dynamic_gather %masked_sort3A_472[%gather3A_515] in [0] : vector<16xi32>, vector<16xi32> -> vector<16xi32>
          %gather3A_517 = vector.shape_cast %broadcast_in_dim3A_487 : vector<16x1xi32> to vector<16xi32>
          %gather3A_518 = tpu.dynamic_gather %masked_sort3A_471[%gather3A_517] in [0] : vector<16xf32>, vector<16xi32> -> vector<16xf32>
          %gather3A_519 = vector.shape_cast %broadcast_in_dim3A_487 : vector<16x1xi32> to vector<16xi32>
          %gather3A_520 = tpu.dynamic_gather %masked_sort3A_472[%gather3A_519] in [0] : vector<16xi32>, vector<16xi32> -> vector<16xi32>
          %eq3A_521 = arith.cmpf oeq, %masked_sort3A_471, %gather3A_518 : vector<16xf32>
          %and3A_522 = arith.andi %eq3A_512, %eq3A_521 : vector<16xi1>
          %lt3A_523 = arith.cmpi slt, %gather3A_520, %masked_sort3A_472 : vector<16xi32>
          %and3A_524 = arith.andi %and3A_522, %lt3A_523 : vector<16xi1>
          %not3A_525 = arith.constant dense<true> : vector<16xi1>
          %not3A_526 = arith.xori %eq3A_512, %not3A_525 : vector<16xi1>
          %eq3A_527 = arith.cmpf oeq, %masked_sort3A_471, %gather3A_514 : vector<16xf32>
          %and3A_528 = arith.andi %not3A_526, %eq3A_527 : vector<16xi1>
          %gt3A_529 = arith.cmpi sgt, %gather3A_516, %masked_sort3A_472 : vector<16xi32>
          %and3A_530 = arith.andi %and3A_528, %gt3A_529 : vector<16xi1>
          %select_n3A_531 = arith.select %and3A_530, %gather3A_516, %masked_sort3A_472 : vector<16xi1>, vector<16xi32>
          %select_n3A_532 = arith.select %and3A_524, %gather3A_520, %select_n3A_531 : vector<16xi1>, vector<16xi32>
          %not3A_533 = arith.constant dense<true> : vector<16xi1>
          %not3A_534 = arith.xori %eq3A_512, %not3A_533 : vector<16xi1>
          %gather3A_535 = vector.shape_cast %broadcast_in_dim3A_480 : vector<16x1xi32> to vector<16xi32>
          %gather3A_536 = tpu.dynamic_gather %masked_sort3A_471[%gather3A_535] in [0] : vector<16xf32>, vector<16xi32> -> vector<16xf32>
          %gather3A_537 = vector.shape_cast %broadcast_in_dim3A_480 : vector<16x1xi32> to vector<16xi32>
          %gather3A_538 = tpu.dynamic_gather %select_n3A_532[%gather3A_537] in [0] : vector<16xi32>, vector<16xi32> -> vector<16xi32>
          %gather3A_539 = vector.shape_cast %broadcast_in_dim3A_487 : vector<16x1xi32> to vector<16xi32>
          %gather3A_540 = tpu.dynamic_gather %masked_sort3A_471[%gather3A_539] in [0] : vector<16xf32>, vector<16xi32> -> vector<16xf32>
          %gather3A_541 = vector.shape_cast %broadcast_in_dim3A_487 : vector<16x1xi32> to vector<16xi32>
          %gather3A_542 = tpu.dynamic_gather %select_n3A_532[%gather3A_541] in [0] : vector<16xi32>, vector<16xi32> -> vector<16xi32>
          %eq3A_543 = arith.cmpf oeq, %masked_sort3A_471, %gather3A_540 : vector<16xf32>
          %and3A_544 = arith.andi %not3A_534, %eq3A_543 : vector<16xi1>
          %lt3A_545 = arith.cmpi slt, %gather3A_542, %select_n3A_532 : vector<16xi32>
          %and3A_546 = arith.andi %and3A_544, %lt3A_545 : vector<16xi1>
          %not3A_547 = arith.constant dense<true> : vector<16xi1>
          %not3A_548 = arith.xori %not3A_534, %not3A_547 : vector<16xi1>
          %eq3A_549 = arith.cmpf oeq, %masked_sort3A_471, %gather3A_536 : vector<16xf32>
          %and3A_550 = arith.andi %not3A_548, %eq3A_549 : vector<16xi1>
          %gt3A_551 = arith.cmpi sgt, %gather3A_538, %select_n3A_532 : vector<16xi32>
          %and3A_552 = arith.andi %and3A_550, %gt3A_551 : vector<16xi1>
          %select_n3A_553 = arith.select %and3A_552, %gather3A_538, %select_n3A_532 : vector<16xi1>, vector<16xi32>
          %select_n3A_554 = arith.select %and3A_546, %gather3A_542, %select_n3A_553 : vector<16xi1>, vector<16xi32>
          %gather3A_555 = vector.shape_cast %broadcast_in_dim3A_480 : vector<16x1xi32> to vector<16xi32>
          %gather3A_556 = tpu.dynamic_gather %masked_sort3A_471[%gather3A_555] in [0] : vector<16xf32>, vector<16xi32> -> vector<16xf32>
          %gather3A_557 = vector.shape_cast %broadcast_in_dim3A_480 : vector<16x1xi32> to vector<16xi32>
          %gather3A_558 = tpu.dynamic_gather %select_n3A_554[%gather3A_557] in [0] : vector<16xi32>, vector<16xi32> -> vector<16xi32>
          %gather3A_559 = vector.shape_cast %broadcast_in_dim3A_487 : vector<16x1xi32> to vector<16xi32>
          %gather3A_560 = tpu.dynamic_gather %masked_sort3A_471[%gather3A_559] in [0] : vector<16xf32>, vector<16xi32> -> vector<16xf32>
          %gather3A_561 = vector.shape_cast %broadcast_in_dim3A_487 : vector<16x1xi32> to vector<16xi32>
          %gather3A_562 = tpu.dynamic_gather %select_n3A_554[%gather3A_561] in [0] : vector<16xi32>, vector<16xi32> -> vector<16xi32>
          %eq3A_563 = arith.cmpf oeq, %masked_sort3A_471, %gather3A_560 : vector<16xf32>
          %and3A_564 = arith.andi %eq3A_512, %eq3A_563 : vector<16xi1>
          %lt3A_565 = arith.cmpi slt, %gather3A_562, %select_n3A_554 : vector<16xi32>
          %and3A_566 = arith.andi %and3A_564, %lt3A_565 : vector<16xi1>
          %not3A_567 = arith.constant dense<true> : vector<16xi1>
          %not3A_568 = arith.xori %eq3A_512, %not3A_567 : vector<16xi1>
          %eq3A_569 = arith.cmpf oeq, %masked_sort3A_471, %gather3A_556 : vector<16xf32>
          %and3A_570 = arith.andi %not3A_568, %eq3A_569 : vector<16xi1>
          %gt3A_571 = arith.cmpi sgt, %gather3A_558, %select_n3A_554 : vector<16xi32>
          %and3A_572 = arith.andi %and3A_570, %gt3A_571 : vector<16xi1>
          %select_n3A_573 = arith.select %and3A_572, %gather3A_558, %select_n3A_554 : vector<16xi1>, vector<16xi32>
          %select_n3A_574 = arith.select %and3A_566, %gather3A_562, %select_n3A_573 : vector<16xi1>, vector<16xi32>
          %not3A_575 = arith.constant dense<true> : vector<16xi1>
          %not3A_576 = arith.xori %eq3A_512, %not3A_575 : vector<16xi1>
          %gather3A_577 = vector.shape_cast %broadcast_in_dim3A_480 : vector<16x1xi32> to vector<16xi32>
          %gather3A_578 = tpu.dynamic_gather %masked_sort3A_471[%gather3A_577] in [0] : vector<16xf32>, vector<16xi32> -> vector<16xf32>
          %gather3A_579 = vector.shape_cast %broadcast_in_dim3A_480 : vector<16x1xi32> to vector<16xi32>
          %gather3A_580 = tpu.dynamic_gather %select_n3A_574[%gather3A_579] in [0] : vector<16xi32>, vector<16xi32> -> vector<16xi32>
          %gather3A_581 = vector.shape_cast %broadcast_in_dim3A_487 : vector<16x1xi32> to vector<16xi32>
          %gather3A_582 = tpu.dynamic_gather %masked_sort3A_471[%gather3A_581] in [0] : vector<16xf32>, vector<16xi32> -> vector<16xf32>
          %gather3A_583 = vector.shape_cast %broadcast_in_dim3A_487 : vector<16x1xi32> to vector<16xi32>
          %gather3A_584 = tpu.dynamic_gather %select_n3A_574[%gather3A_583] in [0] : vector<16xi32>, vector<16xi32> -> vector<16xi32>
          %eq3A_585 = arith.cmpf oeq, %masked_sort3A_471, %gather3A_582 : vector<16xf32>
          %and3A_586 = arith.andi %not3A_576, %eq3A_585 : vector<16xi1>
          %lt3A_587 = arith.cmpi slt, %gather3A_584, %select_n3A_574 : vector<16xi32>
          %and3A_588 = arith.andi %and3A_586, %lt3A_587 : vector<16xi1>
          %not3A_589 = arith.constant dense<true> : vector<16xi1>
          %not3A_590 = arith.xori %not3A_576, %not3A_589 : vector<16xi1>
          %eq3A_591 = arith.cmpf oeq, %masked_sort3A_471, %gather3A_578 : vector<16xf32>
          %and3A_592 = arith.andi %not3A_590, %eq3A_591 : vector<16xi1>
          %gt3A_593 = arith.cmpi sgt, %gather3A_580, %select_n3A_574 : vector<16xi32>
          %and3A_594 = arith.andi %and3A_592, %gt3A_593 : vector<16xi1>
          %select_n3A_595 = arith.select %and3A_594, %gather3A_580, %select_n3A_574 : vector<16xi1>, vector<16xi32>
          %select_n3A_596 = arith.select %and3A_588, %gather3A_584, %select_n3A_595 : vector<16xi1>, vector<16xi32>
          scf.yield %masked_sort3A_471, %select_n3A_596 : vector<16xf32>, vector<16xi32>
        }
        scf.yield %while3A_329#0, %while3A_329#1 : vector<16xf32>, vector<16xi32>
      } else {
        %while3A_298 = arith.constant 0 : i32
        %while3A_299 = arith.subi %scan3A_141, %while3A_298 : i32
        %while3A_300 = arith.addi %while3A_298, %while3A_299 : i32
        %while3A_301 = arith.constant 1 : i32
        %while3A_302 = arith.divsi %while3A_299, %while3A_301 : i32
        %while3A_303 = arith.muli %while3A_302, %while3A_301 : i32
        %while3A_304 = arith.addi %while3A_298, %while3A_303 : i32
        %while3A_305 = arith.constant 1 : i32
        %while3A_306:2 = scf.for %while3A_309 = %while3A_298 to %while3A_304 step %while3A_305 iter_args(%while3A_310 = %broadcast_in_dim3A_144, %while3A_311 = %broadcast_in_dim3A_146) -> (vector<16xf32>, vector<16xi32>)  : i32 {
          %get3A_312 = arith.index_cast %while3A_309 : i32 to index
          %get3A_313 = tpu.vector_load %arg9[%get3A_312] {strides = array<i32>} : memref<656xi32, #tpu.memory_space<vmem>>, vector<16xi32>,
          %slice3A = vector.extract_strided_slice %get3A_313 {offsets = [0], sizes = [1], strides = [1]} : vector<16xi32> to vector<1xi32>
          %squeeze3A = vector.extract %slice3A[0] : i32 from vector<1xi32>
          %mul3A_314 = arith.constant 32 : i32
          %mul3A_315 = arith.muli %squeeze3A, %mul3A_314 : i32
          %add3A_316 = arith.constant 0 : i32
          %add3A_317 = arith.addi %mul3A_315, %add3A_316 : i32
          %get3A_318 = arith.index_cast %add3A_317 : i32 to index
          %get3A_319 = tpu.vector_load %arg5[%get3A_318] {strides = array<i32>} : memref<20480xf32, #tpu.memory_space<vmem>>, vector<16xf32>,
          %mul3A_320 = arith.constant 32 : i32
          %mul3A_321 = arith.muli %squeeze3A, %mul3A_320 : i32
          %add3A_322 = arith.constant 0 : i32
          %add3A_323 = arith.addi %mul3A_321, %add3A_322 : i32
          %add3A_324 = vector.broadcast %add3A_323 : i32 to vector<16xi32>
          %add3A_325 = arith.addi %add3A_324, %iota3A : vector<16xi32>
          %masked_sort3A = arith.constant dense<true> : vector<16xi1>
          %masked_sort3A_326, %masked_sort3A_327, %masked_sort3A_328 = tpu.sort %get3A_319, %add3A_325 masked %masked_sort3A {descending = true} : (vector<16xf32>, vector<16xi32>, vector<16xi1>) -> (vector<16xi1>, vector<16xf32>, vector<16xi32>)
          %iota3A_329 = tpu.iota {dimensions = array<i32: 0>} : vector<16xi32>
          %sub3A = arith.constant 1 : i32
          %sub3A_330 = vector.broadcast %sub3A : i32 to vector<16xi32>
          %sub3A_331 = arith.subi %iota3A_329, %sub3A_330 : vector<16xi32>
          %max3A = arith.constant 0 : i32
          %max3A_332 = vector.broadcast %max3A : i32 to vector<16xi32>
          %max3A_333 = arith.maxsi %sub3A_331, %max3A_332 : vector<16xi32>
          %broadcast_in_dim3A_334 = vector.shape_cast %max3A_333 : vector<16xi32> to vector<16x1xi32>
          %add3A_335 = arith.constant 1 : i32
          %add3A_336 = vector.broadcast %add3A_335 : i32 to vector<16xi32>
          %add3A_337 = arith.addi %iota3A_329, %add3A_336 : vector<16xi32>
          %min3A_338 = arith.constant 15 : i32
          %min3A_339 = vector.broadcast %min3A_338 : i32 to vector<16xi32>
          %min3A_340 = arith.minsi %add3A_337, %min3A_339 : vector<16xi32>
          %broadcast_in_dim3A_341 = vector.shape_cast %min3A_340 : vector<16xi32> to vector<16x1xi32>
          %jit3A = arith.constant 2 : i32
          %eq3A = arith.constant 0 : i32
          %eq3A_342 = arith.cmpi eq, %jit3A, %eq3A : i32
          %jit3A_343 = arith.constant 1 : i32
          %select_n3A = arith.select %eq3A_342, %jit3A_343, %jit3A : i32
          %rem3A = vector.broadcast %select_n3A : i32 to vector<16xi32>
          %rem3A_344 = arith.remsi %iota3A_329, %rem3A : vector<16xi32>
          %ne3A = arith.constant 0 : i32
          %ne3A_345 = vector.broadcast %ne3A : i32 to vector<16xi32>
          %ne3A_346 = arith.cmpi ne, %rem3A_344, %ne3A_345 : vector<16xi32>
          %lt3A_347 = arith.constant 0 : i32
          %lt3A_348 = vector.broadcast %lt3A_347 : i32 to vector<16xi32>
          %lt3A_349 = arith.cmpi slt, %rem3A_344, %lt3A_348 : vector<16xi32>
          %lt3A_350 = arith.constant 0 : i32
          %lt3A_351 = arith.cmpi slt, %select_n3A, %lt3A_350 : i32
          %ne3A_352 = vector.broadcast %lt3A_351 : i1 to vector<16xi1>
          %ne3A_353 = vector.broadcast %ne3A_352 : vector<16xi1> to vector<16xi1>
          %ne3A_354 = arith.xori %lt3A_349, %ne3A_353 : vector<16xi1>
          %and3A = arith.andi %ne3A_354, %ne3A_346 : vector<16xi1>
          %add3A_355 = vector.broadcast %select_n3A : i32 to vector<16xi32>
          %add3A_356 = arith.addi %rem3A_344, %add3A_355 : vector<16xi32>
          %select_n3A_357 = arith.select %and3A, %add3A_356, %rem3A_344 : vector<16xi1>, vector<16xi32>
          %eq3A_358 = arith.constant 0 : i32
          %eq3A_359 = vector.broadcast %eq3A_358 : i32 to vector<16xi32>
          %eq3A_360 = arith.cmpi eq, %select_n3A_357, %eq3A_359 : vector<16xi32>
          %gather3A = vector.shape_cast %broadcast_in_dim3A_334 : vector<16x1xi32> to vector<16xi32>
          %gather3A_361 = tpu.dynamic_gather %masked_sort3A_327[%gather3A] in [0] : vector<16xf32>, vector<16xi32> -> vector<16xf32>
          %gather3A_362 = vector.shape_cast %broadcast_in_dim3A_334 : vector<16x1xi32> to vector<16xi32>
          %gather3A_363 = tpu.dynamic_gather %masked_sort3A_328[%gather3A_362] in [0] : vector<16xi32>, vector<16xi32> -> vector<16xi32>
          %gather3A_364 = vector.shape_cast %broadcast_in_dim3A_341 : vector<16x1xi32> to vector<16xi32>
          %gather3A_365 = tpu.dynamic_gather %masked_sort3A_327[%gather3A_364] in [0] : vector<16xf32>, vector<16xi32> -> vector<16xf32>
          %gather3A_366 = vector.shape_cast %broadcast_in_dim3A_341 : vector<16x1xi32> to vector<16xi32>
          %gather3A_367 = tpu.dynamic_gather %masked_sort3A_328[%gather3A_366] in [0] : vector<16xi32>, vector<16xi32> -> vector<16xi32>
          %eq3A_368 = arith.cmpf oeq, %masked_sort3A_327, %gather3A_365 : vector<16xf32>
          %and3A_369 = arith.andi %eq3A_360, %eq3A_368 : vector<16xi1>
          %gt3A = arith.cmpi sgt, %gather3A_367, %masked_sort3A_328 : vector<16xi32>
          %and3A_370 = arith.andi %and3A_369, %gt3A : vector<16xi1>
          %not3A = arith.constant dense<true> : vector<16xi1>
          %not3A_371 = arith.xori %eq3A_360, %not3A : vector<16xi1>
          %eq3A_372 = arith.cmpf oeq, %masked_sort3A_327, %gather3A_361 : vector<16xf32>
          %and3A_373 = arith.andi %not3A_371, %eq3A_372 : vector<16xi1>
          %lt3A_374 = arith.cmpi slt, %gather3A_363, %masked_sort3A_328 : vector<16xi32>
          %and3A_375 = arith.andi %and3A_373, %lt3A_374 : vector<16xi1>
          %select_n3A_376 = arith.select %and3A_375, %gather3A_363, %masked_sort3A_328 : vector<16xi1>, vector<16xi32>
          %select_n3A_377 = arith.select %and3A_370, %gather3A_367, %select_n3A_376 : vector<16xi1>, vector<16xi32>
          %not3A_378 = arith.constant dense<true> : vector<16xi1>
          %not3A_379 = arith.xori %eq3A_360, %not3A_378 : vector<16xi1>
          %gather3A_380 = vector.shape_cast %broadcast_in_dim3A_334 : vector<16x1xi32> to vector<16xi32>
          %gather3A_381 = tpu.dynamic_gather %masked_sort3A_327[%gather3A_380] in [0] : vector<16xf32>, vector<16xi32> -> vector<16xf32>
          %gather3A_382 = vector.shape_cast %broadcast_in_dim3A_334 : vector<16x1xi32> to vector<16xi32>
          %gather3A_383 = tpu.dynamic_gather %select_n3A_377[%gather3A_382] in [0] : vector<16xi32>, vector<16xi32> -> vector<16xi32>
          %gather3A_384 = vector.shape_cast %broadcast_in_dim3A_341 : vector<16x1xi32> to vector<16xi32>
          %gather3A_385 = tpu.dynamic_gather %masked_sort3A_327[%gather3A_384] in [0] : vector<16xf32>, vector<16xi32> -> vector<16xf32>
          %gather3A_386 = vector.shape_cast %broadcast_in_dim3A_341 : vector<16x1xi32> to vector<16xi32>
          %gather3A_387 = tpu.dynamic_gather %select_n3A_377[%gather3A_386] in [0] : vector<16xi32>, vector<16xi32> -> vector<16xi32>
          %eq3A_388 = arith.cmpf oeq, %masked_sort3A_327, %gather3A_385 : vector<16xf32>
          %and3A_389 = arith.andi %not3A_379, %eq3A_388 : vector<16xi1>
          %gt3A_390 = arith.cmpi sgt, %gather3A_387, %select_n3A_377 : vector<16xi32>
          %and3A_391 = arith.andi %and3A_389, %gt3A_390 : vector<16xi1>
          %not3A_392 = arith.constant dense<true> : vector<16xi1>
          %not3A_393 = arith.xori %not3A_379, %not3A_392 : vector<16xi1>
          %eq3A_394 = arith.cmpf oeq, %masked_sort3A_327, %gather3A_381 : vector<16xf32>
          %and3A_395 = arith.andi %not3A_393, %eq3A_394 : vector<16xi1>
          %lt3A_396 = arith.cmpi slt, %gather3A_383, %select_n3A_377 : vector<16xi32>
          %and3A_397 = arith.andi %and3A_395, %lt3A_396 : vector<16xi1>
          %select_n3A_398 = arith.select %and3A_397, %gather3A_383, %select_n3A_377 : vector<16xi1>, vector<16xi32>
          %select_n3A_399 = arith.select %and3A_391, %gather3A_387, %select_n3A_398 : vector<16xi1>, vector<16xi32>
          %gather3A_400 = vector.shape_cast %broadcast_in_dim3A_334 : vector<16x1xi32> to vector<16xi32>
          %gather3A_401 = tpu.dynamic_gather %masked_sort3A_327[%gather3A_400] in [0] : vector<16xf32>, vector<16xi32> -> vector<16xf32>
          %gather3A_402 = vector.shape_cast %broadcast_in_dim3A_334 : vector<16x1xi32> to vector<16xi32>
          %gather3A_403 = tpu.dynamic_gather %select_n3A_399[%gather3A_402] in [0] : vector<16xi32>, vector<16xi32> -> vector<16xi32>
          %gather3A_404 = vector.shape_cast %broadcast_in_dim3A_341 : vector<16x1xi32> to vector<16xi32>
          %gather3A_405 = tpu.dynamic_gather %masked_sort3A_327[%gather3A_404] in [0] : vector<16xf32>, vector<16xi32> -> vector<16xf32>
          %gather3A_406 = vector.shape_cast %broadcast_in_dim3A_341 : vector<16x1xi32> to vector<16xi32>
          %gather3A_407 = tpu.dynamic_gather %select_n3A_399[%gather3A_406] in [0] : vector<16xi32>, vector<16xi32> -> vector<16xi32>
          %eq3A_408 = arith.cmpf oeq, %masked_sort3A_327, %gather3A_405 : vector<16xf32>
          %and3A_409 = arith.andi %eq3A_360, %eq3A_408 : vector<16xi1>
          %gt3A_410 = arith.cmpi sgt, %gather3A_407, %select_n3A_399 : vector<16xi32>
          %and3A_411 = arith.andi %and3A_409, %gt3A_410 : vector<16xi1>
          %not3A_412 = arith.constant dense<true> : vector<16xi1>
          %not3A_413 = arith.xori %eq3A_360, %not3A_412 : vector<16xi1>
          %eq3A_414 = arith.cmpf oeq, %masked_sort3A_327, %gather3A_401 : vector<16xf32>
          %and3A_415 = arith.andi %not3A_413, %eq3A_414 : vector<16xi1>
          %lt3A_416 = arith.cmpi slt, %gather3A_403, %select_n3A_399 : vector<16xi32>
          %and3A_417 = arith.andi %and3A_415, %lt3A_416 : vector<16xi1>
          %select_n3A_418 = arith.select %and3A_417, %gather3A_403, %select_n3A_399 : vector<16xi1>, vector<16xi32>
          %select_n3A_419 = arith.select %and3A_411, %gather3A_407, %select_n3A_418 : vector<16xi1>, vector<16xi32>
          %not3A_420 = arith.constant dense<true> : vector<16xi1>
          %not3A_421 = arith.xori %eq3A_360, %not3A_420 : vector<16xi1>
          %gather3A_422 = vector.shape_cast %broadcast_in_dim3A_334 : vector<16x1xi32> to vector<16xi32>
          %gather3A_423 = tpu.dynamic_gather %masked_sort3A_327[%gather3A_422] in [0] : vector<16xf32>, vector<16xi32> -> vector<16xf32>
          %gather3A_424 = vector.shape_cast %broadcast_in_dim3A_334 : vector<16x1xi32> to vector<16xi32>
          %gather3A_425 = tpu.dynamic_gather %select_n3A_419[%gather3A_424] in [0] : vector<16xi32>, vector<16xi32> -> vector<16xi32>
          %gather3A_426 = vector.shape_cast %broadcast_in_dim3A_341 : vector<16x1xi32> to vector<16xi32>
          %gather3A_427 = tpu.dynamic_gather %masked_sort3A_327[%gather3A_426] in [0] : vector<16xf32>, vector<16xi32> -> vector<16xf32>
          %gather3A_428 = vector.shape_cast %broadcast_in_dim3A_341 : vector<16x1xi32> to vector<16xi32>
          %gather3A_429 = tpu.dynamic_gather %select_n3A_419[%gather3A_428] in [0] : vector<16xi32>, vector<16xi32> -> vector<16xi32>
          %eq3A_430 = arith.cmpf oeq, %masked_sort3A_327, %gather3A_427 : vector<16xf32>
          %and3A_431 = arith.andi %not3A_421, %eq3A_430 : vector<16xi1>
          %gt3A_432 = arith.cmpi sgt, %gather3A_429, %select_n3A_419 : vector<16xi32>
          %and3A_433 = arith.andi %and3A_431, %gt3A_432 : vector<16xi1>
          %not3A_434 = arith.constant dense<true> : vector<16xi1>
          %not3A_435 = arith.xori %not3A_421, %not3A_434 : vector<16xi1>
          %eq3A_436 = arith.cmpf oeq, %masked_sort3A_327, %gather3A_423 : vector<16xf32>
          %and3A_437 = arith.andi %not3A_435, %eq3A_436 : vector<16xi1>
          %lt3A_438 = arith.cmpi slt, %gather3A_425, %select_n3A_419 : vector<16xi32>
          %and3A_439 = arith.andi %and3A_437, %lt3A_438 : vector<16xi1>
          %select_n3A_440 = arith.select %and3A_439, %gather3A_425, %select_n3A_419 : vector<16xi1>, vector<16xi32>
          %select_n3A_441 = arith.select %and3A_433, %gather3A_429, %select_n3A_440 : vector<16xi1>, vector<16xi32>
          %lt3A_442 = arith.cmpf olt, %masked_sort3A_327, %while3A_310 : vector<16xf32>
          %eq3A_443 = arith.cmpf oeq, %masked_sort3A_327, %while3A_310 : vector<16xf32>
          %lt3A_444 = arith.cmpi slt, %select_n3A_441, %while3A_311 : vector<16xi32>
          %and3A_445 = arith.andi %eq3A_443, %lt3A_444 : vector<16xi1>
          %or3A = arith.ori %lt3A_442, %and3A_445 : vector<16xi1>
          %select_n3A_446 = arith.select %or3A, %masked_sort3A_327, %while3A_310 : vector<16xi1>, vector<16xf32>
          %select_n3A_447 = arith.select %or3A, %select_n3A_441, %while3A_311 : vector<16xi1>, vector<16xi32>
          %masked_sort3A_448 = arith.constant dense<true> : vector<16xi1>
          %masked_sort3A_449, %masked_sort3A_450, %masked_sort3A_451 = tpu.sort %select_n3A_446, %select_n3A_447 masked %masked_sort3A_448 : (vector<16xf32>, vector<16xi32>, vector<16xi1>) -> (vector<16xi1>, vector<16xf32>, vector<16xi32>)
          %iota3A_452 = tpu.iota {dimensions = array<i32: 0>} : vector<16xi32>
          %sub3A_453 = arith.constant 1 : i32
          %sub3A_454 = vector.broadcast %sub3A_453 : i32 to vector<16xi32>
          %sub3A_455 = arith.subi %iota3A_452, %sub3A_454 : vector<16xi32>
          %max3A_456 = arith.constant 0 : i32
          %max3A_457 = vector.broadcast %max3A_456 : i32 to vector<16xi32>
          %max3A_458 = arith.maxsi %sub3A_455, %max3A_457 : vector<16xi32>
          %broadcast_in_dim3A_459 = vector.shape_cast %max3A_458 : vector<16xi32> to vector<16x1xi32>
          %add3A_460 = arith.constant 1 : i32
          %add3A_461 = vector.broadcast %add3A_460 : i32 to vector<16xi32>
          %add3A_462 = arith.addi %iota3A_452, %add3A_461 : vector<16xi32>
          %min3A_463 = arith.constant 15 : i32
          %min3A_464 = vector.broadcast %min3A_463 : i32 to vector<16xi32>
          %min3A_465 = arith.minsi %add3A_462, %min3A_464 : vector<16xi32>
          %broadcast_in_dim3A_466 = vector.shape_cast %min3A_465 : vector<16xi32> to vector<16x1xi32>
          %jit3A_467 = arith.constant 2 : i32
          %eq3A_468 = arith.constant 0 : i32
          %eq3A_469 = arith.cmpi eq, %jit3A_467, %eq3A_468 : i32
          %jit3A_470 = arith.constant 1 : i32
          %select_n3A_471 = arith.select %eq3A_469, %jit3A_470, %jit3A_467 : i32
          %rem3A_472 = vector.broadcast %select_n3A_471 : i32 to vector<16xi32>
          %rem3A_473 = arith.remsi %iota3A_452, %rem3A_472 : vector<16xi32>
          %ne3A_474 = arith.constant 0 : i32
          %ne3A_475 = vector.broadcast %ne3A_474 : i32 to vector<16xi32>
          %ne3A_476 = arith.cmpi ne, %rem3A_473, %ne3A_475 : vector<16xi32>
          %lt3A_477 = arith.constant 0 : i32
          %lt3A_478 = vector.broadcast %lt3A_477 : i32 to vector<16xi32>
          %lt3A_479 = arith.cmpi slt, %rem3A_473, %lt3A_478 : vector<16xi32>
          %lt3A_480 = arith.constant 0 : i32
          %lt3A_481 = arith.cmpi slt, %select_n3A_471, %lt3A_480 : i32
          %ne3A_482 = vector.broadcast %lt3A_481 : i1 to vector<16xi1>
          %ne3A_483 = vector.broadcast %ne3A_482 : vector<16xi1> to vector<16xi1>
          %ne3A_484 = arith.xori %lt3A_479, %ne3A_483 : vector<16xi1>
          %and3A_485 = arith.andi %ne3A_484, %ne3A_476 : vector<16xi1>
          %add3A_486 = vector.broadcast %select_n3A_471 : i32 to vector<16xi32>
          %add3A_487 = arith.addi %rem3A_473, %add3A_486 : vector<16xi32>
          %select_n3A_488 = arith.select %and3A_485, %add3A_487, %rem3A_473 : vector<16xi1>, vector<16xi32>
          %eq3A_489 = arith.constant 0 : i32
          %eq3A_490 = vector.broadcast %eq3A_489 : i32 to vector<16xi32>
          %eq3A_491 = arith.cmpi eq, %select_n3A_488, %eq3A_490 : vector<16xi32>
          %gather3A_492 = vector.shape_cast %broadcast_in_dim3A_459 : vector<16x1xi32> to vector<16xi32>
          %gather3A_493 = tpu.dynamic_gather %masked_sort3A_450[%gather3A_492] in [0] : vector<16xf32>, vector<16xi32> -> vector<16xf32>
          %gather3A_494 = vector.shape_cast %broadcast_in_dim3A_459 : vector<16x1xi32> to vector<16xi32>
          %gather3A_495 = tpu.dynamic_gather %masked_sort3A_451[%gather3A_494] in [0] : vector<16xi32>, vector<16xi32> -> vector<16xi32>
          %gather3A_496 = vector.shape_cast %broadcast_in_dim3A_466 : vector<16x1xi32> to vector<16xi32>
          %gather3A_497 = tpu.dynamic_gather %masked_sort3A_450[%gather3A_496] in [0] : vector<16xf32>, vector<16xi32> -> vector<16xf32>
          %gather3A_498 = vector.shape_cast %broadcast_in_dim3A_466 : vector<16x1xi32> to vector<16xi32>
          %gather3A_499 = tpu.dynamic_gather %masked_sort3A_451[%gather3A_498] in [0] : vector<16xi32>, vector<16xi32> -> vector<16xi32>
          %eq3A_500 = arith.cmpf oeq, %masked_sort3A_450, %gather3A_497 : vector<16xf32>
          %and3A_501 = arith.andi %eq3A_491, %eq3A_500 : vector<16xi1>
          %lt3A_502 = arith.cmpi slt, %gather3A_499, %masked_sort3A_451 : vector<16xi32>
          %and3A_503 = arith.andi %and3A_501, %lt3A_502 : vector<16xi1>
          %not3A_504 = arith.constant dense<true> : vector<16xi1>
          %not3A_505 = arith.xori %eq3A_491, %not3A_504 : vector<16xi1>
          %eq3A_506 = arith.cmpf oeq, %masked_sort3A_450, %gather3A_493 : vector<16xf32>
          %and3A_507 = arith.andi %not3A_505, %eq3A_506 : vector<16xi1>
          %gt3A_508 = arith.cmpi sgt, %gather3A_495, %masked_sort3A_451 : vector<16xi32>
          %and3A_509 = arith.andi %and3A_507, %gt3A_508 : vector<16xi1>
          %select_n3A_510 = arith.select %and3A_509, %gather3A_495, %masked_sort3A_451 : vector<16xi1>, vector<16xi32>
          %select_n3A_511 = arith.select %and3A_503, %gather3A_499, %select_n3A_510 : vector<16xi1>, vector<16xi32>
          %not3A_512 = arith.constant dense<true> : vector<16xi1>
          %not3A_513 = arith.xori %eq3A_491, %not3A_512 : vector<16xi1>
          %gather3A_514 = vector.shape_cast %broadcast_in_dim3A_459 : vector<16x1xi32> to vector<16xi32>
          %gather3A_515 = tpu.dynamic_gather %masked_sort3A_450[%gather3A_514] in [0] : vector<16xf32>, vector<16xi32> -> vector<16xf32>
          %gather3A_516 = vector.shape_cast %broadcast_in_dim3A_459 : vector<16x1xi32> to vector<16xi32>
          %gather3A_517 = tpu.dynamic_gather %select_n3A_511[%gather3A_516] in [0] : vector<16xi32>, vector<16xi32> -> vector<16xi32>
          %gather3A_518 = vector.shape_cast %broadcast_in_dim3A_466 : vector<16x1xi32> to vector<16xi32>
          %gather3A_519 = tpu.dynamic_gather %masked_sort3A_450[%gather3A_518] in [0] : vector<16xf32>, vector<16xi32> -> vector<16xf32>
          %gather3A_520 = vector.shape_cast %broadcast_in_dim3A_466 : vector<16x1xi32> to vector<16xi32>
          %gather3A_521 = tpu.dynamic_gather %select_n3A_511[%gather3A_520] in [0] : vector<16xi32>, vector<16xi32> -> vector<16xi32>
          %eq3A_522 = arith.cmpf oeq, %masked_sort3A_450, %gather3A_519 : vector<16xf32>
          %and3A_523 = arith.andi %not3A_513, %eq3A_522 : vector<16xi1>
          %lt3A_524 = arith.cmpi slt, %gather3A_521, %select_n3A_511 : vector<16xi32>
          %and3A_525 = arith.andi %and3A_523, %lt3A_524 : vector<16xi1>
          %not3A_526 = arith.constant dense<true> : vector<16xi1>
          %not3A_527 = arith.xori %not3A_513, %not3A_526 : vector<16xi1>
          %eq3A_528 = arith.cmpf oeq, %masked_sort3A_450, %gather3A_515 : vector<16xf32>
          %and3A_529 = arith.andi %not3A_527, %eq3A_528 : vector<16xi1>
          %gt3A_530 = arith.cmpi sgt, %gather3A_517, %select_n3A_511 : vector<16xi32>
          %and3A_531 = arith.andi %and3A_529, %gt3A_530 : vector<16xi1>
          %select_n3A_532 = arith.select %and3A_531, %gather3A_517, %select_n3A_511 : vector<16xi1>, vector<16xi32>
          %select_n3A_533 = arith.select %and3A_525, %gather3A_521, %select_n3A_532 : vector<16xi1>, vector<16xi32>
          %gather3A_534 = vector.shape_cast %broadcast_in_dim3A_459 : vector<16x1xi32> to vector<16xi32>
          %gather3A_535 = tpu.dynamic_gather %masked_sort3A_450[%gather3A_534] in [0] : vector<16xf32>, vector<16xi32> -> vector<16xf32>
          %gather3A_536 = vector.shape_cast %broadcast_in_dim3A_459 : vector<16x1xi32> to vector<16xi32>
          %gather3A_537 = tpu.dynamic_gather %select_n3A_533[%gather3A_536] in [0] : vector<16xi32>, vector<16xi32> -> vector<16xi32>
          %gather3A_538 = vector.shape_cast %broadcast_in_dim3A_466 : vector<16x1xi32> to vector<16xi32>
          %gather3A_539 = tpu.dynamic_gather %masked_sort3A_450[%gather3A_538] in [0] : vector<16xf32>, vector<16xi32> -> vector<16xf32>
          %gather3A_540 = vector.shape_cast %broadcast_in_dim3A_466 : vector<16x1xi32> to vector<16xi32>
          %gather3A_541 = tpu.dynamic_gather %select_n3A_533[%gather3A_540] in [0] : vector<16xi32>, vector<16xi32> -> vector<16xi32>
          %eq3A_542 = arith.cmpf oeq, %masked_sort3A_450, %gather3A_539 : vector<16xf32>
          %and3A_543 = arith.andi %eq3A_491, %eq3A_542 : vector<16xi1>
          %lt3A_544 = arith.cmpi slt, %gather3A_541, %select_n3A_533 : vector<16xi32>
          %and3A_545 = arith.andi %and3A_543, %lt3A_544 : vector<16xi1>
          %not3A_546 = arith.constant dense<true> : vector<16xi1>
          %not3A_547 = arith.xori %eq3A_491, %not3A_546 : vector<16xi1>
          %eq3A_548 = arith.cmpf oeq, %masked_sort3A_450, %gather3A_535 : vector<16xf32>
          %and3A_549 = arith.andi %not3A_547, %eq3A_548 : vector<16xi1>
          %gt3A_550 = arith.cmpi sgt, %gather3A_537, %select_n3A_533 : vector<16xi32>
          %and3A_551 = arith.andi %and3A_549, %gt3A_550 : vector<16xi1>
          %select_n3A_552 = arith.select %and3A_551, %gather3A_537, %select_n3A_533 : vector<16xi1>, vector<16xi32>
          %select_n3A_553 = arith.select %and3A_545, %gather3A_541, %select_n3A_552 : vector<16xi1>, vector<16xi32>
          %not3A_554 = arith.constant dense<true> : vector<16xi1>
          %not3A_555 = arith.xori %eq3A_491, %not3A_554 : vector<16xi1>
          %gather3A_556 = vector.shape_cast %broadcast_in_dim3A_459 : vector<16x1xi32> to vector<16xi32>
          %gather3A_557 = tpu.dynamic_gather %masked_sort3A_450[%gather3A_556] in [0] : vector<16xf32>, vector<16xi32> -> vector<16xf32>
          %gather3A_558 = vector.shape_cast %broadcast_in_dim3A_459 : vector<16x1xi32> to vector<16xi32>
          %gather3A_559 = tpu.dynamic_gather %select_n3A_553[%gather3A_558] in [0] : vector<16xi32>, vector<16xi32> -> vector<16xi32>
          %gather3A_560 = vector.shape_cast %broadcast_in_dim3A_466 : vector<16x1xi32> to vector<16xi32>
          %gather3A_561 = tpu.dynamic_gather %masked_sort3A_450[%gather3A_560] in [0] : vector<16xf32>, vector<16xi32> -> vector<16xf32>
          %gather3A_562 = vector.shape_cast %broadcast_in_dim3A_466 : vector<16x1xi32> to vector<16xi32>
          %gather3A_563 = tpu.dynamic_gather %select_n3A_553[%gather3A_562] in [0] : vector<16xi32>, vector<16xi32> -> vector<16xi32>
          %eq3A_564 = arith.cmpf oeq, %masked_sort3A_450, %gather3A_561 : vector<16xf32>
          %and3A_565 = arith.andi %not3A_555, %eq3A_564 : vector<16xi1>
          %lt3A_566 = arith.cmpi slt, %gather3A_563, %select_n3A_553 : vector<16xi32>
          %and3A_567 = arith.andi %and3A_565, %lt3A_566 : vector<16xi1>
          %not3A_568 = arith.constant dense<true> : vector<16xi1>
          %not3A_569 = arith.xori %not3A_555, %not3A_568 : vector<16xi1>
          %eq3A_570 = arith.cmpf oeq, %masked_sort3A_450, %gather3A_557 : vector<16xf32>
          %and3A_571 = arith.andi %not3A_569, %eq3A_570 : vector<16xi1>
          %gt3A_572 = arith.cmpi sgt, %gather3A_559, %select_n3A_553 : vector<16xi32>
          %and3A_573 = arith.andi %and3A_571, %gt3A_572 : vector<16xi1>
          %select_n3A_574 = arith.select %and3A_573, %gather3A_559, %select_n3A_553 : vector<16xi1>, vector<16xi32>
          %select_n3A_575 = arith.select %and3A_567, %gather3A_563, %select_n3A_574 : vector<16xi1>, vector<16xi32>
          %mul3A_576 = arith.constant 32 : i32
          %mul3A_577 = arith.muli %squeeze3A, %mul3A_576 : i32
          %add3A_578 = arith.constant 16 : i32
          %add3A_579 = arith.addi %mul3A_577, %add3A_578 : i32
          %get3A_580 = arith.index_cast %add3A_579 : i32 to index
          %get3A_581 = tpu.vector_load %arg5[%get3A_580] {strides = array<i32>} : memref<20480xf32, #tpu.memory_space<vmem>>, vector<16xf32>,
          %mul3A_582 = arith.constant 32 : i32
          %mul3A_583 = arith.muli %squeeze3A, %mul3A_582 : i32
          %add3A_584 = arith.constant 16 : i32
          %add3A_585 = arith.addi %mul3A_583, %add3A_584 : i32
          %add3A_586 = vector.broadcast %add3A_585 : i32 to vector<16xi32>
          %add3A_587 = arith.addi %add3A_586, %iota3A : vector<16xi32>
          %masked_sort3A_588 = arith.constant dense<true> : vector<16xi1>
          %masked_sort3A_589, %masked_sort3A_590, %masked_sort3A_591 = tpu.sort %get3A_581, %add3A_587 masked %masked_sort3A_588 {descending = true} : (vector<16xf32>, vector<16xi32>, vector<16xi1>) -> (vector<16xi1>, vector<16xf32>, vector<16xi32>)
          %iota3A_592 = tpu.iota {dimensions = array<i32: 0>} : vector<16xi32>
          %sub3A_593 = arith.constant 1 : i32
          %sub3A_594 = vector.broadcast %sub3A_593 : i32 to vector<16xi32>
          %sub3A_595 = arith.subi %iota3A_592, %sub3A_594 : vector<16xi32>
          %max3A_596 = arith.constant 0 : i32
          %max3A_597 = vector.broadcast %max3A_596 : i32 to vector<16xi32>
          %max3A_598 = arith.maxsi %sub3A_595, %max3A_597 : vector<16xi32>
          %broadcast_in_dim3A_599 = vector.shape_cast %max3A_598 : vector<16xi32> to vector<16x1xi32>
          %add3A_600 = arith.constant 1 : i32
          %add3A_601 = vector.broadcast %add3A_600 : i32 to vector<16xi32>
          %add3A_602 = arith.addi %iota3A_592, %add3A_601 : vector<16xi32>
          %min3A_603 = arith.constant 15 : i32
          %min3A_604 = vector.broadcast %min3A_603 : i32 to vector<16xi32>
          %min3A_605 = arith.minsi %add3A_602, %min3A_604 : vector<16xi32>
          %broadcast_in_dim3A_606 = vector.shape_cast %min3A_605 : vector<16xi32> to vector<16x1xi32>
          %jit3A_607 = arith.constant 2 : i32
          %eq3A_608 = arith.constant 0 : i32
          %eq3A_609 = arith.cmpi eq, %jit3A_607, %eq3A_608 : i32
          %jit3A_610 = arith.constant 1 : i32
          %select_n3A_611 = arith.select %eq3A_609, %jit3A_610, %jit3A_607 : i32
          %rem3A_612 = vector.broadcast %select_n3A_611 : i32 to vector<16xi32>
          %rem3A_613 = arith.remsi %iota3A_592, %rem3A_612 : vector<16xi32>
          %ne3A_614 = arith.constant 0 : i32
          %ne3A_615 = vector.broadcast %ne3A_614 : i32 to vector<16xi32>
          %ne3A_616 = arith.cmpi ne, %rem3A_613, %ne3A_615 : vector<16xi32>
          %lt3A_617 = arith.constant 0 : i32
          %lt3A_618 = vector.broadcast %lt3A_617 : i32 to vector<16xi32>
          %lt3A_619 = arith.cmpi slt, %rem3A_613, %lt3A_618 : vector<16xi32>
          %lt3A_620 = arith.constant 0 : i32
          %lt3A_621 = arith.cmpi slt, %select_n3A_611, %lt3A_620 : i32
          %ne3A_622 = vector.broadcast %lt3A_621 : i1 to vector<16xi1>
          %ne3A_623 = vector.broadcast %ne3A_622 : vector<16xi1> to vector<16xi1>
          %ne3A_624 = arith.xori %lt3A_619, %ne3A_623 : vector<16xi1>
          %and3A_625 = arith.andi %ne3A_624, %ne3A_616 : vector<16xi1>
          %add3A_626 = vector.broadcast %select_n3A_611 : i32 to vector<16xi32>
          %add3A_627 = arith.addi %rem3A_613, %add3A_626 : vector<16xi32>
          %select_n3A_628 = arith.select %and3A_625, %add3A_627, %rem3A_613 : vector<16xi1>, vector<16xi32>
          %eq3A_629 = arith.constant 0 : i32
          %eq3A_630 = vector.broadcast %eq3A_629 : i32 to vector<16xi32>
          %eq3A_631 = arith.cmpi eq, %select_n3A_628, %eq3A_630 : vector<16xi32>
          %gather3A_632 = vector.shape_cast %broadcast_in_dim3A_599 : vector<16x1xi32> to vector<16xi32>
          %gather3A_633 = tpu.dynamic_gather %masked_sort3A_590[%gather3A_632] in [0] : vector<16xf32>, vector<16xi32> -> vector<16xf32>
          %gather3A_634 = vector.shape_cast %broadcast_in_dim3A_599 : vector<16x1xi32> to vector<16xi32>
          %gather3A_635 = tpu.dynamic_gather %masked_sort3A_591[%gather3A_634] in [0] : vector<16xi32>, vector<16xi32> -> vector<16xi32>
          %gather3A_636 = vector.shape_cast %broadcast_in_dim3A_606 : vector<16x1xi32> to vector<16xi32>
          %gather3A_637 = tpu.dynamic_gather %masked_sort3A_590[%gather3A_636] in [0] : vector<16xf32>, vector<16xi32> -> vector<16xf32>
          %gather3A_638 = vector.shape_cast %broadcast_in_dim3A_606 : vector<16x1xi32> to vector<16xi32>
          %gather3A_639 = tpu.dynamic_gather %masked_sort3A_591[%gather3A_638] in [0] : vector<16xi32>, vector<16xi32> -> vector<16xi32>
          %eq3A_640 = arith.cmpf oeq, %masked_sort3A_590, %gather3A_637 : vector<16xf32>
          %and3A_641 = arith.andi %eq3A_631, %eq3A_640 : vector<16xi1>
          %gt3A_642 = arith.cmpi sgt, %gather3A_639, %masked_sort3A_591 : vector<16xi32>
          %and3A_643 = arith.andi %and3A_641, %gt3A_642 : vector<16xi1>
          %not3A_644 = arith.constant dense<true> : vector<16xi1>
          %not3A_645 = arith.xori %eq3A_631, %not3A_644 : vector<16xi1>
          %eq3A_646 = arith.cmpf oeq, %masked_sort3A_590, %gather3A_633 : vector<16xf32>
          %and3A_647 = arith.andi %not3A_645, %eq3A_646 : vector<16xi1>
          %lt3A_648 = arith.cmpi slt, %gather3A_635, %masked_sort3A_591 : vector<16xi32>
          %and3A_649 = arith.andi %and3A_647, %lt3A_648 : vector<16xi1>
          %select_n3A_650 = arith.select %and3A_649, %gather3A_635, %masked_sort3A_591 : vector<16xi1>, vector<16xi32>
          %select_n3A_651 = arith.select %and3A_643, %gather3A_639, %select_n3A_650 : vector<16xi1>, vector<16xi32>
          %not3A_652 = arith.constant dense<true> : vector<16xi1>
          %not3A_653 = arith.xori %eq3A_631, %not3A_652 : vector<16xi1>
          %gather3A_654 = vector.shape_cast %broadcast_in_dim3A_599 : vector<16x1xi32> to vector<16xi32>
          %gather3A_655 = tpu.dynamic_gather %masked_sort3A_590[%gather3A_654] in [0] : vector<16xf32>, vector<16xi32> -> vector<16xf32>
          %gather3A_656 = vector.shape_cast %broadcast_in_dim3A_599 : vector<16x1xi32> to vector<16xi32>
          %gather3A_657 = tpu.dynamic_gather %select_n3A_651[%gather3A_656] in [0] : vector<16xi32>, vector<16xi32> -> vector<16xi32>
          %gather3A_658 = vector.shape_cast %broadcast_in_dim3A_606 : vector<16x1xi32> to vector<16xi32>
          %gather3A_659 = tpu.dynamic_gather %masked_sort3A_590[%gather3A_658] in [0] : vector<16xf32>, vector<16xi32> -> vector<16xf32>
          %gather3A_660 = vector.shape_cast %broadcast_in_dim3A_606 : vector<16x1xi32> to vector<16xi32>
          %gather3A_661 = tpu.dynamic_gather %select_n3A_651[%gather3A_660] in [0] : vector<16xi32>, vector<16xi32> -> vector<16xi32>
          %eq3A_662 = arith.cmpf oeq, %masked_sort3A_590, %gather3A_659 : vector<16xf32>
          %and3A_663 = arith.andi %not3A_653, %eq3A_662 : vector<16xi1>
          %gt3A_664 = arith.cmpi sgt, %gather3A_661, %select_n3A_651 : vector<16xi32>
          %and3A_665 = arith.andi %and3A_663, %gt3A_664 : vector<16xi1>
          %not3A_666 = arith.constant dense<true> : vector<16xi1>
          %not3A_667 = arith.xori %not3A_653, %not3A_666 : vector<16xi1>
          %eq3A_668 = arith.cmpf oeq, %masked_sort3A_590, %gather3A_655 : vector<16xf32>
          %and3A_669 = arith.andi %not3A_667, %eq3A_668 : vector<16xi1>
          %lt3A_670 = arith.cmpi slt, %gather3A_657, %select_n3A_651 : vector<16xi32>
          %and3A_671 = arith.andi %and3A_669, %lt3A_670 : vector<16xi1>
          %select_n3A_672 = arith.select %and3A_671, %gather3A_657, %select_n3A_651 : vector<16xi1>, vector<16xi32>
          %select_n3A_673 = arith.select %and3A_665, %gather3A_661, %select_n3A_672 : vector<16xi1>, vector<16xi32>
          %gather3A_674 = vector.shape_cast %broadcast_in_dim3A_599 : vector<16x1xi32> to vector<16xi32>
          %gather3A_675 = tpu.dynamic_gather %masked_sort3A_590[%gather3A_674] in [0] : vector<16xf32>, vector<16xi32> -> vector<16xf32>
          %gather3A_676 = vector.shape_cast %broadcast_in_dim3A_599 : vector<16x1xi32> to vector<16xi32>
          %gather3A_677 = tpu.dynamic_gather %select_n3A_673[%gather3A_676] in [0] : vector<16xi32>, vector<16xi32> -> vector<16xi32>
          %gather3A_678 = vector.shape_cast %broadcast_in_dim3A_606 : vector<16x1xi32> to vector<16xi32>
          %gather3A_679 = tpu.dynamic_gather %masked_sort3A_590[%gather3A_678] in [0] : vector<16xf32>, vector<16xi32> -> vector<16xf32>
          %gather3A_680 = vector.shape_cast %broadcast_in_dim3A_606 : vector<16x1xi32> to vector<16xi32>
          %gather3A_681 = tpu.dynamic_gather %select_n3A_673[%gather3A_680] in [0] : vector<16xi32>, vector<16xi32> -> vector<16xi32>
          %eq3A_682 = arith.cmpf oeq, %masked_sort3A_590, %gather3A_679 : vector<16xf32>
          %and3A_683 = arith.andi %eq3A_631, %eq3A_682 : vector<16xi1>
          %gt3A_684 = arith.cmpi sgt, %gather3A_681, %select_n3A_673 : vector<16xi32>
          %and3A_685 = arith.andi %and3A_683, %gt3A_684 : vector<16xi1>
          %not3A_686 = arith.constant dense<true> : vector<16xi1>
          %not3A_687 = arith.xori %eq3A_631, %not3A_686 : vector<16xi1>
          %eq3A_688 = arith.cmpf oeq, %masked_sort3A_590, %gather3A_675 : vector<16xf32>
          %and3A_689 = arith.andi %not3A_687, %eq3A_688 : vector<16xi1>
          %lt3A_690 = arith.cmpi slt, %gather3A_677, %select_n3A_673 : vector<16xi32>
          %and3A_691 = arith.andi %and3A_689, %lt3A_690 : vector<16xi1>
          %select_n3A_692 = arith.select %and3A_691, %gather3A_677, %select_n3A_673 : vector<16xi1>, vector<16xi32>
          %select_n3A_693 = arith.select %and3A_685, %gather3A_681, %select_n3A_692 : vector<16xi1>, vector<16xi32>
          %not3A_694 = arith.constant dense<true> : vector<16xi1>
          %not3A_695 = arith.xori %eq3A_631, %not3A_694 : vector<16xi1>
          %gather3A_696 = vector.shape_cast %broadcast_in_dim3A_599 : vector<16x1xi32> to vector<16xi32>
          %gather3A_697 = tpu.dynamic_gather %masked_sort3A_590[%gather3A_696] in [0] : vector<16xf32>, vector<16xi32> -> vector<16xf32>
          %gather3A_698 = vector.shape_cast %broadcast_in_dim3A_599 : vector<16x1xi32> to vector<16xi32>
          %gather3A_699 = tpu.dynamic_gather %select_n3A_693[%gather3A_698] in [0] : vector<16xi32>, vector<16xi32> -> vector<16xi32>
          %gather3A_700 = vector.shape_cast %broadcast_in_dim3A_606 : vector<16x1xi32> to vector<16xi32>
          %gather3A_701 = tpu.dynamic_gather %masked_sort3A_590[%gather3A_700] in [0] : vector<16xf32>, vector<16xi32> -> vector<16xf32>
          %gather3A_702 = vector.shape_cast %broadcast_in_dim3A_606 : vector<16x1xi32> to vector<16xi32>
          %gather3A_703 = tpu.dynamic_gather %select_n3A_693[%gather3A_702] in [0] : vector<16xi32>, vector<16xi32> -> vector<16xi32>
          %eq3A_704 = arith.cmpf oeq, %masked_sort3A_590, %gather3A_701 : vector<16xf32>
          %and3A_705 = arith.andi %not3A_695, %eq3A_704 : vector<16xi1>
          %gt3A_706 = arith.cmpi sgt, %gather3A_703, %select_n3A_693 : vector<16xi32>
          %and3A_707 = arith.andi %and3A_705, %gt3A_706 : vector<16xi1>
          %not3A_708 = arith.constant dense<true> : vector<16xi1>
          %not3A_709 = arith.xori %not3A_695, %not3A_708 : vector<16xi1>
          %eq3A_710 = arith.cmpf oeq, %masked_sort3A_590, %gather3A_697 : vector<16xf32>
          %and3A_711 = arith.andi %not3A_709, %eq3A_710 : vector<16xi1>
          %lt3A_712 = arith.cmpi slt, %gather3A_699, %select_n3A_693 : vector<16xi32>
          %and3A_713 = arith.andi %and3A_711, %lt3A_712 : vector<16xi1>
          %select_n3A_714 = arith.select %and3A_713, %gather3A_699, %select_n3A_693 : vector<16xi1>, vector<16xi32>
          %select_n3A_715 = arith.select %and3A_707, %gather3A_703, %select_n3A_714 : vector<16xi1>, vector<16xi32>
          %lt3A_716 = arith.cmpf olt, %masked_sort3A_590, %masked_sort3A_450 : vector<16xf32>
          %eq3A_717 = arith.cmpf oeq, %masked_sort3A_590, %masked_sort3A_450 : vector<16xf32>
          %lt3A_718 = arith.cmpi slt, %select_n3A_715, %select_n3A_575 : vector<16xi32>
          %and3A_719 = arith.andi %eq3A_717, %lt3A_718 : vector<16xi1>
          %or3A_720 = arith.ori %lt3A_716, %and3A_719 : vector<16xi1>
          %select_n3A_721 = arith.select %or3A_720, %masked_sort3A_590, %masked_sort3A_450 : vector<16xi1>, vector<16xf32>
          %select_n3A_722 = arith.select %or3A_720, %select_n3A_715, %select_n3A_575 : vector<16xi1>, vector<16xi32>
          %masked_sort3A_723 = arith.constant dense<true> : vector<16xi1>
          %masked_sort3A_724, %masked_sort3A_725, %masked_sort3A_726 = tpu.sort %select_n3A_721, %select_n3A_722 masked %masked_sort3A_723 : (vector<16xf32>, vector<16xi32>, vector<16xi1>) -> (vector<16xi1>, vector<16xf32>, vector<16xi32>)
          %iota3A_727 = tpu.iota {dimensions = array<i32: 0>} : vector<16xi32>
          %sub3A_728 = arith.constant 1 : i32
          %sub3A_729 = vector.broadcast %sub3A_728 : i32 to vector<16xi32>
          %sub3A_730 = arith.subi %iota3A_727, %sub3A_729 : vector<16xi32>
          %max3A_731 = arith.constant 0 : i32
          %max3A_732 = vector.broadcast %max3A_731 : i32 to vector<16xi32>
          %max3A_733 = arith.maxsi %sub3A_730, %max3A_732 : vector<16xi32>
          %broadcast_in_dim3A_734 = vector.shape_cast %max3A_733 : vector<16xi32> to vector<16x1xi32>
          %add3A_735 = arith.constant 1 : i32
          %add3A_736 = vector.broadcast %add3A_735 : i32 to vector<16xi32>
          %add3A_737 = arith.addi %iota3A_727, %add3A_736 : vector<16xi32>
          %min3A_738 = arith.constant 15 : i32
          %min3A_739 = vector.broadcast %min3A_738 : i32 to vector<16xi32>
          %min3A_740 = arith.minsi %add3A_737, %min3A_739 : vector<16xi32>
          %broadcast_in_dim3A_741 = vector.shape_cast %min3A_740 : vector<16xi32> to vector<16x1xi32>
          %jit3A_742 = arith.constant 2 : i32
          %eq3A_743 = arith.constant 0 : i32
          %eq3A_744 = arith.cmpi eq, %jit3A_742, %eq3A_743 : i32
          %jit3A_745 = arith.constant 1 : i32
          %select_n3A_746 = arith.select %eq3A_744, %jit3A_745, %jit3A_742 : i32
          %rem3A_747 = vector.broadcast %select_n3A_746 : i32 to vector<16xi32>
          %rem3A_748 = arith.remsi %iota3A_727, %rem3A_747 : vector<16xi32>
          %ne3A_749 = arith.constant 0 : i32
          %ne3A_750 = vector.broadcast %ne3A_749 : i32 to vector<16xi32>
          %ne3A_751 = arith.cmpi ne, %rem3A_748, %ne3A_750 : vector<16xi32>
          %lt3A_752 = arith.constant 0 : i32
          %lt3A_753 = vector.broadcast %lt3A_752 : i32 to vector<16xi32>
          %lt3A_754 = arith.cmpi slt, %rem3A_748, %lt3A_753 : vector<16xi32>
          %lt3A_755 = arith.constant 0 : i32
          %lt3A_756 = arith.cmpi slt, %select_n3A_746, %lt3A_755 : i32
          %ne3A_757 = vector.broadcast %lt3A_756 : i1 to vector<16xi1>
          %ne3A_758 = vector.broadcast %ne3A_757 : vector<16xi1> to vector<16xi1>
          %ne3A_759 = arith.xori %lt3A_754, %ne3A_758 : vector<16xi1>
          %and3A_760 = arith.andi %ne3A_759, %ne3A_751 : vector<16xi1>
          %add3A_761 = vector.broadcast %select_n3A_746 : i32 to vector<16xi32>
          %add3A_762 = arith.addi %rem3A_748, %add3A_761 : vector<16xi32>
          %select_n3A_763 = arith.select %and3A_760, %add3A_762, %rem3A_748 : vector<16xi1>, vector<16xi32>
          %eq3A_764 = arith.constant 0 : i32
          %eq3A_765 = vector.broadcast %eq3A_764 : i32 to vector<16xi32>
          %eq3A_766 = arith.cmpi eq, %select_n3A_763, %eq3A_765 : vector<16xi32>
          %gather3A_767 = vector.shape_cast %broadcast_in_dim3A_734 : vector<16x1xi32> to vector<16xi32>
          %gather3A_768 = tpu.dynamic_gather %masked_sort3A_725[%gather3A_767] in [0] : vector<16xf32>, vector<16xi32> -> vector<16xf32>
          %gather3A_769 = vector.shape_cast %broadcast_in_dim3A_734 : vector<16x1xi32> to vector<16xi32>
          %gather3A_770 = tpu.dynamic_gather %masked_sort3A_726[%gather3A_769] in [0] : vector<16xi32>, vector<16xi32> -> vector<16xi32>
          %gather3A_771 = vector.shape_cast %broadcast_in_dim3A_741 : vector<16x1xi32> to vector<16xi32>
          %gather3A_772 = tpu.dynamic_gather %masked_sort3A_725[%gather3A_771] in [0] : vector<16xf32>, vector<16xi32> -> vector<16xf32>
          %gather3A_773 = vector.shape_cast %broadcast_in_dim3A_741 : vector<16x1xi32> to vector<16xi32>
          %gather3A_774 = tpu.dynamic_gather %masked_sort3A_726[%gather3A_773] in [0] : vector<16xi32>, vector<16xi32> -> vector<16xi32>
          %eq3A_775 = arith.cmpf oeq, %masked_sort3A_725, %gather3A_772 : vector<16xf32>
          %and3A_776 = arith.andi %eq3A_766, %eq3A_775 : vector<16xi1>
          %lt3A_777 = arith.cmpi slt, %gather3A_774, %masked_sort3A_726 : vector<16xi32>
          %and3A_778 = arith.andi %and3A_776, %lt3A_777 : vector<16xi1>
          %not3A_779 = arith.constant dense<true> : vector<16xi1>
          %not3A_780 = arith.xori %eq3A_766, %not3A_779 : vector<16xi1>
          %eq3A_781 = arith.cmpf oeq, %masked_sort3A_725, %gather3A_768 : vector<16xf32>
          %and3A_782 = arith.andi %not3A_780, %eq3A_781 : vector<16xi1>
          %gt3A_783 = arith.cmpi sgt, %gather3A_770, %masked_sort3A_726 : vector<16xi32>
          %and3A_784 = arith.andi %and3A_782, %gt3A_783 : vector<16xi1>
          %select_n3A_785 = arith.select %and3A_784, %gather3A_770, %masked_sort3A_726 : vector<16xi1>, vector<16xi32>
          %select_n3A_786 = arith.select %and3A_778, %gather3A_774, %select_n3A_785 : vector<16xi1>, vector<16xi32>
          %not3A_787 = arith.constant dense<true> : vector<16xi1>
          %not3A_788 = arith.xori %eq3A_766, %not3A_787 : vector<16xi1>
          %gather3A_789 = vector.shape_cast %broadcast_in_dim3A_734 : vector<16x1xi32> to vector<16xi32>
          %gather3A_790 = tpu.dynamic_gather %masked_sort3A_725[%gather3A_789] in [0] : vector<16xf32>, vector<16xi32> -> vector<16xf32>
          %gather3A_791 = vector.shape_cast %broadcast_in_dim3A_734 : vector<16x1xi32> to vector<16xi32>
          %gather3A_792 = tpu.dynamic_gather %select_n3A_786[%gather3A_791] in [0] : vector<16xi32>, vector<16xi32> -> vector<16xi32>
          %gather3A_793 = vector.shape_cast %broadcast_in_dim3A_741 : vector<16x1xi32> to vector<16xi32>
          %gather3A_794 = tpu.dynamic_gather %masked_sort3A_725[%gather3A_793] in [0] : vector<16xf32>, vector<16xi32> -> vector<16xf32>
          %gather3A_795 = vector.shape_cast %broadcast_in_dim3A_741 : vector<16x1xi32> to vector<16xi32>
          %gather3A_796 = tpu.dynamic_gather %select_n3A_786[%gather3A_795] in [0] : vector<16xi32>, vector<16xi32> -> vector<16xi32>
          %eq3A_797 = arith.cmpf oeq, %masked_sort3A_725, %gather3A_794 : vector<16xf32>
          %and3A_798 = arith.andi %not3A_788, %eq3A_797 : vector<16xi1>
          %lt3A_799 = arith.cmpi slt, %gather3A_796, %select_n3A_786 : vector<16xi32>
          %and3A_800 = arith.andi %and3A_798, %lt3A_799 : vector<16xi1>
          %not3A_801 = arith.constant dense<true> : vector<16xi1>
          %not3A_802 = arith.xori %not3A_788, %not3A_801 : vector<16xi1>
          %eq3A_803 = arith.cmpf oeq, %masked_sort3A_725, %gather3A_790 : vector<16xf32>
          %and3A_804 = arith.andi %not3A_802, %eq3A_803 : vector<16xi1>
          %gt3A_805 = arith.cmpi sgt, %gather3A_792, %select_n3A_786 : vector<16xi32>
          %and3A_806 = arith.andi %and3A_804, %gt3A_805 : vector<16xi1>
          %select_n3A_807 = arith.select %and3A_806, %gather3A_792, %select_n3A_786 : vector<16xi1>, vector<16xi32>
          %select_n3A_808 = arith.select %and3A_800, %gather3A_796, %select_n3A_807 : vector<16xi1>, vector<16xi32>
          %gather3A_809 = vector.shape_cast %broadcast_in_dim3A_734 : vector<16x1xi32> to vector<16xi32>
          %gather3A_810 = tpu.dynamic_gather %masked_sort3A_725[%gather3A_809] in [0] : vector<16xf32>, vector<16xi32> -> vector<16xf32>
          %gather3A_811 = vector.shape_cast %broadcast_in_dim3A_734 : vector<16x1xi32> to vector<16xi32>
          %gather3A_812 = tpu.dynamic_gather %select_n3A_808[%gather3A_811] in [0] : vector<16xi32>, vector<16xi32> -> vector<16xi32>
          %gather3A_813 = vector.shape_cast %broadcast_in_dim3A_741 : vector<16x1xi32> to vector<16xi32>
          %gather3A_814 = tpu.dynamic_gather %masked_sort3A_725[%gather3A_813] in [0] : vector<16xf32>, vector<16xi32> -> vector<16xf32>
          %gather3A_815 = vector.shape_cast %broadcast_in_dim3A_741 : vector<16x1xi32> to vector<16xi32>
          %gather3A_816 = tpu.dynamic_gather %select_n3A_808[%gather3A_815] in [0] : vector<16xi32>, vector<16xi32> -> vector<16xi32>
          %eq3A_817 = arith.cmpf oeq, %masked_sort3A_725, %gather3A_814 : vector<16xf32>
          %and3A_818 = arith.andi %eq3A_766, %eq3A_817 : vector<16xi1>
          %lt3A_819 = arith.cmpi slt, %gather3A_816, %select_n3A_808 : vector<16xi32>
          %and3A_820 = arith.andi %and3A_818, %lt3A_819 : vector<16xi1>
          %not3A_821 = arith.constant dense<true> : vector<16xi1>
          %not3A_822 = arith.xori %eq3A_766, %not3A_821 : vector<16xi1>
          %eq3A_823 = arith.cmpf oeq, %masked_sort3A_725, %gather3A_810 : vector<16xf32>
          %and3A_824 = arith.andi %not3A_822, %eq3A_823 : vector<16xi1>
          %gt3A_825 = arith.cmpi sgt, %gather3A_812, %select_n3A_808 : vector<16xi32>
          %and3A_826 = arith.andi %and3A_824, %gt3A_825 : vector<16xi1>
          %select_n3A_827 = arith.select %and3A_826, %gather3A_812, %select_n3A_808 : vector<16xi1>, vector<16xi32>
          %select_n3A_828 = arith.select %and3A_820, %gather3A_816, %select_n3A_827 : vector<16xi1>, vector<16xi32>
          %not3A_829 = arith.constant dense<true> : vector<16xi1>
          %not3A_830 = arith.xori %eq3A_766, %not3A_829 : vector<16xi1>
          %gather3A_831 = vector.shape_cast %broadcast_in_dim3A_734 : vector<16x1xi32> to vector<16xi32>
          %gather3A_832 = tpu.dynamic_gather %masked_sort3A_725[%gather3A_831] in [0] : vector<16xf32>, vector<16xi32> -> vector<16xf32>
          %gather3A_833 = vector.shape_cast %broadcast_in_dim3A_734 : vector<16x1xi32> to vector<16xi32>
          %gather3A_834 = tpu.dynamic_gather %select_n3A_828[%gather3A_833] in [0] : vector<16xi32>, vector<16xi32> -> vector<16xi32>
          %gather3A_835 = vector.shape_cast %broadcast_in_dim3A_741 : vector<16x1xi32> to vector<16xi32>
          %gather3A_836 = tpu.dynamic_gather %masked_sort3A_725[%gather3A_835] in [0] : vector<16xf32>, vector<16xi32> -> vector<16xf32>
          %gather3A_837 = vector.shape_cast %broadcast_in_dim3A_741 : vector<16x1xi32> to vector<16xi32>
          %gather3A_838 = tpu.dynamic_gather %select_n3A_828[%gather3A_837] in [0] : vector<16xi32>, vector<16xi32> -> vector<16xi32>
          %eq3A_839 = arith.cmpf oeq, %masked_sort3A_725, %gather3A_836 : vector<16xf32>
          %and3A_840 = arith.andi %not3A_830, %eq3A_839 : vector<16xi1>
          %lt3A_841 = arith.cmpi slt, %gather3A_838, %select_n3A_828 : vector<16xi32>
          %and3A_842 = arith.andi %and3A_840, %lt3A_841 : vector<16xi1>
          %not3A_843 = arith.constant dense<true> : vector<16xi1>
          %not3A_844 = arith.xori %not3A_830, %not3A_843 : vector<16xi1>
          %eq3A_845 = arith.cmpf oeq, %masked_sort3A_725, %gather3A_832 : vector<16xf32>
          %and3A_846 = arith.andi %not3A_844, %eq3A_845 : vector<16xi1>
          %gt3A_847 = arith.cmpi sgt, %gather3A_834, %select_n3A_828 : vector<16xi32>
          %and3A_848 = arith.andi %and3A_846, %gt3A_847 : vector<16xi1>
          %select_n3A_849 = arith.select %and3A_848, %gather3A_834, %select_n3A_828 : vector<16xi1>, vector<16xi32>
          %select_n3A_850 = arith.select %and3A_842, %gather3A_838, %select_n3A_849 : vector<16xi1>, vector<16xi32>
          scf.yield %masked_sort3A_725, %select_n3A_850 : vector<16xf32>, vector<16xi32>
        }
        %while3A_307 = arith.constant 1 : i32
        %while3A_308:2 = scf.for %while3A_309 = %while3A_304 to %while3A_300 step %while3A_307 iter_args(%while3A_310 = %while3A_306#0, %while3A_311 = %while3A_306#1) -> (vector<16xf32>, vector<16xi32>)  : i32 {
          %get3A_312 = arith.index_cast %while3A_309 : i32 to index
          %get3A_313 = tpu.vector_load %arg9[%get3A_312] {strides = array<i32>} : memref<656xi32, #tpu.memory_space<vmem>>, vector<16xi32>,
          %slice3A = vector.extract_strided_slice %get3A_313 {offsets = [0], sizes = [1], strides = [1]} : vector<16xi32> to vector<1xi32>
          %squeeze3A = vector.extract %slice3A[0] : i32 from vector<1xi32>
          %mul3A_314 = arith.constant 32 : i32
          %mul3A_315 = arith.muli %squeeze3A, %mul3A_314 : i32
          %add3A_316 = arith.constant 0 : i32
          %add3A_317 = arith.addi %mul3A_315, %add3A_316 : i32
          %get3A_318 = arith.index_cast %add3A_317 : i32 to index
          %get3A_319 = tpu.vector_load %arg5[%get3A_318] {strides = array<i32>} : memref<20480xf32, #tpu.memory_space<vmem>>, vector<16xf32>,
          %mul3A_320 = arith.constant 32 : i32
          %mul3A_321 = arith.muli %squeeze3A, %mul3A_320 : i32
          %add3A_322 = arith.constant 0 : i32
          %add3A_323 = arith.addi %mul3A_321, %add3A_322 : i32
          %add3A_324 = vector.broadcast %add3A_323 : i32 to vector<16xi32>
          %add3A_325 = arith.addi %add3A_324, %iota3A : vector<16xi32>
          %masked_sort3A = arith.constant dense<true> : vector<16xi1>
          %masked_sort3A_326, %masked_sort3A_327, %masked_sort3A_328 = tpu.sort %get3A_319, %add3A_325 masked %masked_sort3A {descending = true} : (vector<16xf32>, vector<16xi32>, vector<16xi1>) -> (vector<16xi1>, vector<16xf32>, vector<16xi32>)
          %iota3A_329 = tpu.iota {dimensions = array<i32: 0>} : vector<16xi32>
          %sub3A = arith.constant 1 : i32
          %sub3A_330 = vector.broadcast %sub3A : i32 to vector<16xi32>
          %sub3A_331 = arith.subi %iota3A_329, %sub3A_330 : vector<16xi32>
          %max3A = arith.constant 0 : i32
          %max3A_332 = vector.broadcast %max3A : i32 to vector<16xi32>
          %max3A_333 = arith.maxsi %sub3A_331, %max3A_332 : vector<16xi32>
          %broadcast_in_dim3A_334 = vector.shape_cast %max3A_333 : vector<16xi32> to vector<16x1xi32>
          %add3A_335 = arith.constant 1 : i32
          %add3A_336 = vector.broadcast %add3A_335 : i32 to vector<16xi32>
          %add3A_337 = arith.addi %iota3A_329, %add3A_336 : vector<16xi32>
          %min3A_338 = arith.constant 15 : i32
          %min3A_339 = vector.broadcast %min3A_338 : i32 to vector<16xi32>
          %min3A_340 = arith.minsi %add3A_337, %min3A_339 : vector<16xi32>
          %broadcast_in_dim3A_341 = vector.shape_cast %min3A_340 : vector<16xi32> to vector<16x1xi32>
          %jit3A = arith.constant 2 : i32
          %eq3A = arith.constant 0 : i32
          %eq3A_342 = arith.cmpi eq, %jit3A, %eq3A : i32
          %jit3A_343 = arith.constant 1 : i32
          %select_n3A = arith.select %eq3A_342, %jit3A_343, %jit3A : i32
          %rem3A = vector.broadcast %select_n3A : i32 to vector<16xi32>
          %rem3A_344 = arith.remsi %iota3A_329, %rem3A : vector<16xi32>
          %ne3A = arith.constant 0 : i32
          %ne3A_345 = vector.broadcast %ne3A : i32 to vector<16xi32>
          %ne3A_346 = arith.cmpi ne, %rem3A_344, %ne3A_345 : vector<16xi32>
          %lt3A_347 = arith.constant 0 : i32
          %lt3A_348 = vector.broadcast %lt3A_347 : i32 to vector<16xi32>
          %lt3A_349 = arith.cmpi slt, %rem3A_344, %lt3A_348 : vector<16xi32>
          %lt3A_350 = arith.constant 0 : i32
          %lt3A_351 = arith.cmpi slt, %select_n3A, %lt3A_350 : i32
          %ne3A_352 = vector.broadcast %lt3A_351 : i1 to vector<16xi1>
          %ne3A_353 = vector.broadcast %ne3A_352 : vector<16xi1> to vector<16xi1>
          %ne3A_354 = arith.xori %lt3A_349, %ne3A_353 : vector<16xi1>
          %and3A = arith.andi %ne3A_354, %ne3A_346 : vector<16xi1>
          %add3A_355 = vector.broadcast %select_n3A : i32 to vector<16xi32>
          %add3A_356 = arith.addi %rem3A_344, %add3A_355 : vector<16xi32>
          %select_n3A_357 = arith.select %and3A, %add3A_356, %rem3A_344 : vector<16xi1>, vector<16xi32>
          %eq3A_358 = arith.constant 0 : i32
          %eq3A_359 = vector.broadcast %eq3A_358 : i32 to vector<16xi32>
          %eq3A_360 = arith.cmpi eq, %select_n3A_357, %eq3A_359 : vector<16xi32>
          %gather3A = vector.shape_cast %broadcast_in_dim3A_334 : vector<16x1xi32> to vector<16xi32>
          %gather3A_361 = tpu.dynamic_gather %masked_sort3A_327[%gather3A] in [0] : vector<16xf32>, vector<16xi32> -> vector<16xf32>
          %gather3A_362 = vector.shape_cast %broadcast_in_dim3A_334 : vector<16x1xi32> to vector<16xi32>
          %gather3A_363 = tpu.dynamic_gather %masked_sort3A_328[%gather3A_362] in [0] : vector<16xi32>, vector<16xi32> -> vector<16xi32>
          %gather3A_364 = vector.shape_cast %broadcast_in_dim3A_341 : vector<16x1xi32> to vector<16xi32>
          %gather3A_365 = tpu.dynamic_gather %masked_sort3A_327[%gather3A_364] in [0] : vector<16xf32>, vector<16xi32> -> vector<16xf32>
          %gather3A_366 = vector.shape_cast %broadcast_in_dim3A_341 : vector<16x1xi32> to vector<16xi32>
          %gather3A_367 = tpu.dynamic_gather %masked_sort3A_328[%gather3A_366] in [0] : vector<16xi32>, vector<16xi32> -> vector<16xi32>
          %eq3A_368 = arith.cmpf oeq, %masked_sort3A_327, %gather3A_365 : vector<16xf32>
          %and3A_369 = arith.andi %eq3A_360, %eq3A_368 : vector<16xi1>
          %gt3A = arith.cmpi sgt, %gather3A_367, %masked_sort3A_328 : vector<16xi32>
          %and3A_370 = arith.andi %and3A_369, %gt3A : vector<16xi1>
          %not3A = arith.constant dense<true> : vector<16xi1>
          %not3A_371 = arith.xori %eq3A_360, %not3A : vector<16xi1>
          %eq3A_372 = arith.cmpf oeq, %masked_sort3A_327, %gather3A_361 : vector<16xf32>
          %and3A_373 = arith.andi %not3A_371, %eq3A_372 : vector<16xi1>
          %lt3A_374 = arith.cmpi slt, %gather3A_363, %masked_sort3A_328 : vector<16xi32>
          %and3A_375 = arith.andi %and3A_373, %lt3A_374 : vector<16xi1>
          %select_n3A_376 = arith.select %and3A_375, %gather3A_363, %masked_sort3A_328 : vector<16xi1>, vector<16xi32>
          %select_n3A_377 = arith.select %and3A_370, %gather3A_367, %select_n3A_376 : vector<16xi1>, vector<16xi32>
          %not3A_378 = arith.constant dense<true> : vector<16xi1>
          %not3A_379 = arith.xori %eq3A_360, %not3A_378 : vector<16xi1>
          %gather3A_380 = vector.shape_cast %broadcast_in_dim3A_334 : vector<16x1xi32> to vector<16xi32>
          %gather3A_381 = tpu.dynamic_gather %masked_sort3A_327[%gather3A_380] in [0] : vector<16xf32>, vector<16xi32> -> vector<16xf32>
          %gather3A_382 = vector.shape_cast %broadcast_in_dim3A_334 : vector<16x1xi32> to vector<16xi32>
          %gather3A_383 = tpu.dynamic_gather %select_n3A_377[%gather3A_382] in [0] : vector<16xi32>, vector<16xi32> -> vector<16xi32>
          %gather3A_384 = vector.shape_cast %broadcast_in_dim3A_341 : vector<16x1xi32> to vector<16xi32>
          %gather3A_385 = tpu.dynamic_gather %masked_sort3A_327[%gather3A_384] in [0] : vector<16xf32>, vector<16xi32> -> vector<16xf32>
          %gather3A_386 = vector.shape_cast %broadcast_in_dim3A_341 : vector<16x1xi32> to vector<16xi32>
          %gather3A_387 = tpu.dynamic_gather %select_n3A_377[%gather3A_386] in [0] : vector<16xi32>, vector<16xi32> -> vector<16xi32>
          %eq3A_388 = arith.cmpf oeq, %masked_sort3A_327, %gather3A_385 : vector<16xf32>
          %and3A_389 = arith.andi %not3A_379, %eq3A_388 : vector<16xi1>
          %gt3A_390 = arith.cmpi sgt, %gather3A_387, %select_n3A_377 : vector<16xi32>
          %and3A_391 = arith.andi %and3A_389, %gt3A_390 : vector<16xi1>
          %not3A_392 = arith.constant dense<true> : vector<16xi1>
          %not3A_393 = arith.xori %not3A_379, %not3A_392 : vector<16xi1>
          %eq3A_394 = arith.cmpf oeq, %masked_sort3A_327, %gather3A_381 : vector<16xf32>
          %and3A_395 = arith.andi %not3A_393, %eq3A_394 : vector<16xi1>
          %lt3A_396 = arith.cmpi slt, %gather3A_383, %select_n3A_377 : vector<16xi32>
          %and3A_397 = arith.andi %and3A_395, %lt3A_396 : vector<16xi1>
          %select_n3A_398 = arith.select %and3A_397, %gather3A_383, %select_n3A_377 : vector<16xi1>, vector<16xi32>
          %select_n3A_399 = arith.select %and3A_391, %gather3A_387, %select_n3A_398 : vector<16xi1>, vector<16xi32>
          %gather3A_400 = vector.shape_cast %broadcast_in_dim3A_334 : vector<16x1xi32> to vector<16xi32>
          %gather3A_401 = tpu.dynamic_gather %masked_sort3A_327[%gather3A_400] in [0] : vector<16xf32>, vector<16xi32> -> vector<16xf32>
          %gather3A_402 = vector.shape_cast %broadcast_in_dim3A_334 : vector<16x1xi32> to vector<16xi32>
          %gather3A_403 = tpu.dynamic_gather %select_n3A_399[%gather3A_402] in [0] : vector<16xi32>, vector<16xi32> -> vector<16xi32>
          %gather3A_404 = vector.shape_cast %broadcast_in_dim3A_341 : vector<16x1xi32> to vector<16xi32>
          %gather3A_405 = tpu.dynamic_gather %masked_sort3A_327[%gather3A_404] in [0] : vector<16xf32>, vector<16xi32> -> vector<16xf32>
          %gather3A_406 = vector.shape_cast %broadcast_in_dim3A_341 : vector<16x1xi32> to vector<16xi32>
          %gather3A_407 = tpu.dynamic_gather %select_n3A_399[%gather3A_406] in [0] : vector<16xi32>, vector<16xi32> -> vector<16xi32>
          %eq3A_408 = arith.cmpf oeq, %masked_sort3A_327, %gather3A_405 : vector<16xf32>
          %and3A_409 = arith.andi %eq3A_360, %eq3A_408 : vector<16xi1>
          %gt3A_410 = arith.cmpi sgt, %gather3A_407, %select_n3A_399 : vector<16xi32>
          %and3A_411 = arith.andi %and3A_409, %gt3A_410 : vector<16xi1>
          %not3A_412 = arith.constant dense<true> : vector<16xi1>
          %not3A_413 = arith.xori %eq3A_360, %not3A_412 : vector<16xi1>
          %eq3A_414 = arith.cmpf oeq, %masked_sort3A_327, %gather3A_401 : vector<16xf32>
          %and3A_415 = arith.andi %not3A_413, %eq3A_414 : vector<16xi1>
          %lt3A_416 = arith.cmpi slt, %gather3A_403, %select_n3A_399 : vector<16xi32>
          %and3A_417 = arith.andi %and3A_415, %lt3A_416 : vector<16xi1>
          %select_n3A_418 = arith.select %and3A_417, %gather3A_403, %select_n3A_399 : vector<16xi1>, vector<16xi32>
          %select_n3A_419 = arith.select %and3A_411, %gather3A_407, %select_n3A_418 : vector<16xi1>, vector<16xi32>
          %not3A_420 = arith.constant dense<true> : vector<16xi1>
          %not3A_421 = arith.xori %eq3A_360, %not3A_420 : vector<16xi1>
          %gather3A_422 = vector.shape_cast %broadcast_in_dim3A_334 : vector<16x1xi32> to vector<16xi32>
          %gather3A_423 = tpu.dynamic_gather %masked_sort3A_327[%gather3A_422] in [0] : vector<16xf32>, vector<16xi32> -> vector<16xf32>
          %gather3A_424 = vector.shape_cast %broadcast_in_dim3A_334 : vector<16x1xi32> to vector<16xi32>
          %gather3A_425 = tpu.dynamic_gather %select_n3A_419[%gather3A_424] in [0] : vector<16xi32>, vector<16xi32> -> vector<16xi32>
          %gather3A_426 = vector.shape_cast %broadcast_in_dim3A_341 : vector<16x1xi32> to vector<16xi32>
          %gather3A_427 = tpu.dynamic_gather %masked_sort3A_327[%gather3A_426] in [0] : vector<16xf32>, vector<16xi32> -> vector<16xf32>
          %gather3A_428 = vector.shape_cast %broadcast_in_dim3A_341 : vector<16x1xi32> to vector<16xi32>
          %gather3A_429 = tpu.dynamic_gather %select_n3A_419[%gather3A_428] in [0] : vector<16xi32>, vector<16xi32> -> vector<16xi32>
          %eq3A_430 = arith.cmpf oeq, %masked_sort3A_327, %gather3A_427 : vector<16xf32>
          %and3A_431 = arith.andi %not3A_421, %eq3A_430 : vector<16xi1>
          %gt3A_432 = arith.cmpi sgt, %gather3A_429, %select_n3A_419 : vector<16xi32>
          %and3A_433 = arith.andi %and3A_431, %gt3A_432 : vector<16xi1>
          %not3A_434 = arith.constant dense<true> : vector<16xi1>
          %not3A_435 = arith.xori %not3A_421, %not3A_434 : vector<16xi1>
          %eq3A_436 = arith.cmpf oeq, %masked_sort3A_327, %gather3A_423 : vector<16xf32>
          %and3A_437 = arith.andi %not3A_435, %eq3A_436 : vector<16xi1>
          %lt3A_438 = arith.cmpi slt, %gather3A_425, %select_n3A_419 : vector<16xi32>
          %and3A_439 = arith.andi %and3A_437, %lt3A_438 : vector<16xi1>
          %select_n3A_440 = arith.select %and3A_439, %gather3A_425, %select_n3A_419 : vector<16xi1>, vector<16xi32>
          %select_n3A_441 = arith.select %and3A_433, %gather3A_429, %select_n3A_440 : vector<16xi1>, vector<16xi32>
          %lt3A_442 = arith.cmpf olt, %masked_sort3A_327, %while3A_310 : vector<16xf32>
          %eq3A_443 = arith.cmpf oeq, %masked_sort3A_327, %while3A_310 : vector<16xf32>
          %lt3A_444 = arith.cmpi slt, %select_n3A_441, %while3A_311 : vector<16xi32>
          %and3A_445 = arith.andi %eq3A_443, %lt3A_444 : vector<16xi1>
          %or3A = arith.ori %lt3A_442, %and3A_445 : vector<16xi1>
          %select_n3A_446 = arith.select %or3A, %masked_sort3A_327, %while3A_310 : vector<16xi1>, vector<16xf32>
          %select_n3A_447 = arith.select %or3A, %select_n3A_441, %while3A_311 : vector<16xi1>, vector<16xi32>
          %masked_sort3A_448 = arith.constant dense<true> : vector<16xi1>
          %masked_sort3A_449, %masked_sort3A_450, %masked_sort3A_451 = tpu.sort %select_n3A_446, %select_n3A_447 masked %masked_sort3A_448 : (vector<16xf32>, vector<16xi32>, vector<16xi1>) -> (vector<16xi1>, vector<16xf32>, vector<16xi32>)
          %iota3A_452 = tpu.iota {dimensions = array<i32: 0>} : vector<16xi32>
          %sub3A_453 = arith.constant 1 : i32
          %sub3A_454 = vector.broadcast %sub3A_453 : i32 to vector<16xi32>
          %sub3A_455 = arith.subi %iota3A_452, %sub3A_454 : vector<16xi32>
          %max3A_456 = arith.constant 0 : i32
          %max3A_457 = vector.broadcast %max3A_456 : i32 to vector<16xi32>
          %max3A_458 = arith.maxsi %sub3A_455, %max3A_457 : vector<16xi32>
          %broadcast_in_dim3A_459 = vector.shape_cast %max3A_458 : vector<16xi32> to vector<16x1xi32>
          %add3A_460 = arith.constant 1 : i32
          %add3A_461 = vector.broadcast %add3A_460 : i32 to vector<16xi32>
          %add3A_462 = arith.addi %iota3A_452, %add3A_461 : vector<16xi32>
          %min3A_463 = arith.constant 15 : i32
          %min3A_464 = vector.broadcast %min3A_463 : i32 to vector<16xi32>
          %min3A_465 = arith.minsi %add3A_462, %min3A_464 : vector<16xi32>
          %broadcast_in_dim3A_466 = vector.shape_cast %min3A_465 : vector<16xi32> to vector<16x1xi32>
          %jit3A_467 = arith.constant 2 : i32
          %eq3A_468 = arith.constant 0 : i32
          %eq3A_469 = arith.cmpi eq, %jit3A_467, %eq3A_468 : i32
          %jit3A_470 = arith.constant 1 : i32
          %select_n3A_471 = arith.select %eq3A_469, %jit3A_470, %jit3A_467 : i32
          %rem3A_472 = vector.broadcast %select_n3A_471 : i32 to vector<16xi32>
          %rem3A_473 = arith.remsi %iota3A_452, %rem3A_472 : vector<16xi32>
          %ne3A_474 = arith.constant 0 : i32
          %ne3A_475 = vector.broadcast %ne3A_474 : i32 to vector<16xi32>
          %ne3A_476 = arith.cmpi ne, %rem3A_473, %ne3A_475 : vector<16xi32>
          %lt3A_477 = arith.constant 0 : i32
          %lt3A_478 = vector.broadcast %lt3A_477 : i32 to vector<16xi32>
          %lt3A_479 = arith.cmpi slt, %rem3A_473, %lt3A_478 : vector<16xi32>
          %lt3A_480 = arith.constant 0 : i32
          %lt3A_481 = arith.cmpi slt, %select_n3A_471, %lt3A_480 : i32
          %ne3A_482 = vector.broadcast %lt3A_481 : i1 to vector<16xi1>
          %ne3A_483 = vector.broadcast %ne3A_482 : vector<16xi1> to vector<16xi1>
          %ne3A_484 = arith.xori %lt3A_479, %ne3A_483 : vector<16xi1>
          %and3A_485 = arith.andi %ne3A_484, %ne3A_476 : vector<16xi1>
          %add3A_486 = vector.broadcast %select_n3A_471 : i32 to vector<16xi32>
          %add3A_487 = arith.addi %rem3A_473, %add3A_486 : vector<16xi32>
          %select_n3A_488 = arith.select %and3A_485, %add3A_487, %rem3A_473 : vector<16xi1>, vector<16xi32>
          %eq3A_489 = arith.constant 0 : i32
          %eq3A_490 = vector.broadcast %eq3A_489 : i32 to vector<16xi32>
          %eq3A_491 = arith.cmpi eq, %select_n3A_488, %eq3A_490 : vector<16xi32>
          %gather3A_492 = vector.shape_cast %broadcast_in_dim3A_459 : vector<16x1xi32> to vector<16xi32>
          %gather3A_493 = tpu.dynamic_gather %masked_sort3A_450[%gather3A_492] in [0] : vector<16xf32>, vector<16xi32> -> vector<16xf32>
          %gather3A_494 = vector.shape_cast %broadcast_in_dim3A_459 : vector<16x1xi32> to vector<16xi32>
          %gather3A_495 = tpu.dynamic_gather %masked_sort3A_451[%gather3A_494] in [0] : vector<16xi32>, vector<16xi32> -> vector<16xi32>
          %gather3A_496 = vector.shape_cast %broadcast_in_dim3A_466 : vector<16x1xi32> to vector<16xi32>
          %gather3A_497 = tpu.dynamic_gather %masked_sort3A_450[%gather3A_496] in [0] : vector<16xf32>, vector<16xi32> -> vector<16xf32>
          %gather3A_498 = vector.shape_cast %broadcast_in_dim3A_466 : vector<16x1xi32> to vector<16xi32>
          %gather3A_499 = tpu.dynamic_gather %masked_sort3A_451[%gather3A_498] in [0] : vector<16xi32>, vector<16xi32> -> vector<16xi32>
          %eq3A_500 = arith.cmpf oeq, %masked_sort3A_450, %gather3A_497 : vector<16xf32>
          %and3A_501 = arith.andi %eq3A_491, %eq3A_500 : vector<16xi1>
          %lt3A_502 = arith.cmpi slt, %gather3A_499, %masked_sort3A_451 : vector<16xi32>
          %and3A_503 = arith.andi %and3A_501, %lt3A_502 : vector<16xi1>
          %not3A_504 = arith.constant dense<true> : vector<16xi1>
          %not3A_505 = arith.xori %eq3A_491, %not3A_504 : vector<16xi1>
          %eq3A_506 = arith.cmpf oeq, %masked_sort3A_450, %gather3A_493 : vector<16xf32>
          %and3A_507 = arith.andi %not3A_505, %eq3A_506 : vector<16xi1>
          %gt3A_508 = arith.cmpi sgt, %gather3A_495, %masked_sort3A_451 : vector<16xi32>
          %and3A_509 = arith.andi %and3A_507, %gt3A_508 : vector<16xi1>
          %select_n3A_510 = arith.select %and3A_509, %gather3A_495, %masked_sort3A_451 : vector<16xi1>, vector<16xi32>
          %select_n3A_511 = arith.select %and3A_503, %gather3A_499, %select_n3A_510 : vector<16xi1>, vector<16xi32>
          %not3A_512 = arith.constant dense<true> : vector<16xi1>
          %not3A_513 = arith.xori %eq3A_491, %not3A_512 : vector<16xi1>
          %gather3A_514 = vector.shape_cast %broadcast_in_dim3A_459 : vector<16x1xi32> to vector<16xi32>
          %gather3A_515 = tpu.dynamic_gather %masked_sort3A_450[%gather3A_514] in [0] : vector<16xf32>, vector<16xi32> -> vector<16xf32>
          %gather3A_516 = vector.shape_cast %broadcast_in_dim3A_459 : vector<16x1xi32> to vector<16xi32>
          %gather3A_517 = tpu.dynamic_gather %select_n3A_511[%gather3A_516] in [0] : vector<16xi32>, vector<16xi32> -> vector<16xi32>
          %gather3A_518 = vector.shape_cast %broadcast_in_dim3A_466 : vector<16x1xi32> to vector<16xi32>
          %gather3A_519 = tpu.dynamic_gather %masked_sort3A_450[%gather3A_518] in [0] : vector<16xf32>, vector<16xi32> -> vector<16xf32>
          %gather3A_520 = vector.shape_cast %broadcast_in_dim3A_466 : vector<16x1xi32> to vector<16xi32>
          %gather3A_521 = tpu.dynamic_gather %select_n3A_511[%gather3A_520] in [0] : vector<16xi32>, vector<16xi32> -> vector<16xi32>
          %eq3A_522 = arith.cmpf oeq, %masked_sort3A_450, %gather3A_519 : vector<16xf32>
          %and3A_523 = arith.andi %not3A_513, %eq3A_522 : vector<16xi1>
          %lt3A_524 = arith.cmpi slt, %gather3A_521, %select_n3A_511 : vector<16xi32>
          %and3A_525 = arith.andi %and3A_523, %lt3A_524 : vector<16xi1>
          %not3A_526 = arith.constant dense<true> : vector<16xi1>
          %not3A_527 = arith.xori %not3A_513, %not3A_526 : vector<16xi1>
          %eq3A_528 = arith.cmpf oeq, %masked_sort3A_450, %gather3A_515 : vector<16xf32>
          %and3A_529 = arith.andi %not3A_527, %eq3A_528 : vector<16xi1>
          %gt3A_530 = arith.cmpi sgt, %gather3A_517, %select_n3A_511 : vector<16xi32>
          %and3A_531 = arith.andi %and3A_529, %gt3A_530 : vector<16xi1>
          %select_n3A_532 = arith.select %and3A_531, %gather3A_517, %select_n3A_511 : vector<16xi1>, vector<16xi32>
          %select_n3A_533 = arith.select %and3A_525, %gather3A_521, %select_n3A_532 : vector<16xi1>, vector<16xi32>
          %gather3A_534 = vector.shape_cast %broadcast_in_dim3A_459 : vector<16x1xi32> to vector<16xi32>
          %gather3A_535 = tpu.dynamic_gather %masked_sort3A_450[%gather3A_534] in [0] : vector<16xf32>, vector<16xi32> -> vector<16xf32>
          %gather3A_536 = vector.shape_cast %broadcast_in_dim3A_459 : vector<16x1xi32> to vector<16xi32>
          %gather3A_537 = tpu.dynamic_gather %select_n3A_533[%gather3A_536] in [0] : vector<16xi32>, vector<16xi32> -> vector<16xi32>
          %gather3A_538 = vector.shape_cast %broadcast_in_dim3A_466 : vector<16x1xi32> to vector<16xi32>
          %gather3A_539 = tpu.dynamic_gather %masked_sort3A_450[%gather3A_538] in [0] : vector<16xf32>, vector<16xi32> -> vector<16xf32>
          %gather3A_540 = vector.shape_cast %broadcast_in_dim3A_466 : vector<16x1xi32> to vector<16xi32>
          %gather3A_541 = tpu.dynamic_gather %select_n3A_533[%gather3A_540] in [0] : vector<16xi32>, vector<16xi32> -> vector<16xi32>
          %eq3A_542 = arith.cmpf oeq, %masked_sort3A_450, %gather3A_539 : vector<16xf32>
          %and3A_543 = arith.andi %eq3A_491, %eq3A_542 : vector<16xi1>
          %lt3A_544 = arith.cmpi slt, %gather3A_541, %select_n3A_533 : vector<16xi32>
          %and3A_545 = arith.andi %and3A_543, %lt3A_544 : vector<16xi1>
          %not3A_546 = arith.constant dense<true> : vector<16xi1>
          %not3A_547 = arith.xori %eq3A_491, %not3A_546 : vector<16xi1>
          %eq3A_548 = arith.cmpf oeq, %masked_sort3A_450, %gather3A_535 : vector<16xf32>
          %and3A_549 = arith.andi %not3A_547, %eq3A_548 : vector<16xi1>
          %gt3A_550 = arith.cmpi sgt, %gather3A_537, %select_n3A_533 : vector<16xi32>
          %and3A_551 = arith.andi %and3A_549, %gt3A_550 : vector<16xi1>
          %select_n3A_552 = arith.select %and3A_551, %gather3A_537, %select_n3A_533 : vector<16xi1>, vector<16xi32>
          %select_n3A_553 = arith.select %and3A_545, %gather3A_541, %select_n3A_552 : vector<16xi1>, vector<16xi32>
          %not3A_554 = arith.constant dense<true> : vector<16xi1>
          %not3A_555 = arith.xori %eq3A_491, %not3A_554 : vector<16xi1>
          %gather3A_556 = vector.shape_cast %broadcast_in_dim3A_459 : vector<16x1xi32> to vector<16xi32>
          %gather3A_557 = tpu.dynamic_gather %masked_sort3A_450[%gather3A_556] in [0] : vector<16xf32>, vector<16xi32> -> vector<16xf32>
          %gather3A_558 = vector.shape_cast %broadcast_in_dim3A_459 : vector<16x1xi32> to vector<16xi32>
          %gather3A_559 = tpu.dynamic_gather %select_n3A_553[%gather3A_558] in [0] : vector<16xi32>, vector<16xi32> -> vector<16xi32>
          %gather3A_560 = vector.shape_cast %broadcast_in_dim3A_466 : vector<16x1xi32> to vector<16xi32>
          %gather3A_561 = tpu.dynamic_gather %masked_sort3A_450[%gather3A_560] in [0] : vector<16xf32>, vector<16xi32> -> vector<16xf32>
          %gather3A_562 = vector.shape_cast %broadcast_in_dim3A_466 : vector<16x1xi32> to vector<16xi32>
          %gather3A_563 = tpu.dynamic_gather %select_n3A_553[%gather3A_562] in [0] : vector<16xi32>, vector<16xi32> -> vector<16xi32>
          %eq3A_564 = arith.cmpf oeq, %masked_sort3A_450, %gather3A_561 : vector<16xf32>
          %and3A_565 = arith.andi %not3A_555, %eq3A_564 : vector<16xi1>
          %lt3A_566 = arith.cmpi slt, %gather3A_563, %select_n3A_553 : vector<16xi32>
          %and3A_567 = arith.andi %and3A_565, %lt3A_566 : vector<16xi1>
          %not3A_568 = arith.constant dense<true> : vector<16xi1>
          %not3A_569 = arith.xori %not3A_555, %not3A_568 : vector<16xi1>
          %eq3A_570 = arith.cmpf oeq, %masked_sort3A_450, %gather3A_557 : vector<16xf32>
          %and3A_571 = arith.andi %not3A_569, %eq3A_570 : vector<16xi1>
          %gt3A_572 = arith.cmpi sgt, %gather3A_559, %select_n3A_553 : vector<16xi32>
          %and3A_573 = arith.andi %and3A_571, %gt3A_572 : vector<16xi1>
          %select_n3A_574 = arith.select %and3A_573, %gather3A_559, %select_n3A_553 : vector<16xi1>, vector<16xi32>
          %select_n3A_575 = arith.select %and3A_567, %gather3A_563, %select_n3A_574 : vector<16xi1>, vector<16xi32>
          %mul3A_576 = arith.constant 32 : i32
          %mul3A_577 = arith.muli %squeeze3A, %mul3A_576 : i32
          %add3A_578 = arith.constant 16 : i32
          %add3A_579 = arith.addi %mul3A_577, %add3A_578 : i32
          %get3A_580 = arith.index_cast %add3A_579 : i32 to index
          %get3A_581 = tpu.vector_load %arg5[%get3A_580] {strides = array<i32>} : memref<20480xf32, #tpu.memory_space<vmem>>, vector<16xf32>,
          %mul3A_582 = arith.constant 32 : i32
          %mul3A_583 = arith.muli %squeeze3A, %mul3A_582 : i32
          %add3A_584 = arith.constant 16 : i32
          %add3A_585 = arith.addi %mul3A_583, %add3A_584 : i32
          %add3A_586 = vector.broadcast %add3A_585 : i32 to vector<16xi32>
          %add3A_587 = arith.addi %add3A_586, %iota3A : vector<16xi32>
          %masked_sort3A_588 = arith.constant dense<true> : vector<16xi1>
          %masked_sort3A_589, %masked_sort3A_590, %masked_sort3A_591 = tpu.sort %get3A_581, %add3A_587 masked %masked_sort3A_588 {descending = true} : (vector<16xf32>, vector<16xi32>, vector<16xi1>) -> (vector<16xi1>, vector<16xf32>, vector<16xi32>)
          %iota3A_592 = tpu.iota {dimensions = array<i32: 0>} : vector<16xi32>
          %sub3A_593 = arith.constant 1 : i32
          %sub3A_594 = vector.broadcast %sub3A_593 : i32 to vector<16xi32>
          %sub3A_595 = arith.subi %iota3A_592, %sub3A_594 : vector<16xi32>
          %max3A_596 = arith.constant 0 : i32
          %max3A_597 = vector.broadcast %max3A_596 : i32 to vector<16xi32>
          %max3A_598 = arith.maxsi %sub3A_595, %max3A_597 : vector<16xi32>
          %broadcast_in_dim3A_599 = vector.shape_cast %max3A_598 : vector<16xi32> to vector<16x1xi32>
          %add3A_600 = arith.constant 1 : i32
          %add3A_601 = vector.broadcast %add3A_600 : i32 to vector<16xi32>
          %add3A_602 = arith.addi %iota3A_592, %add3A_601 : vector<16xi32>
          %min3A_603 = arith.constant 15 : i32
          %min3A_604 = vector.broadcast %min3A_603 : i32 to vector<16xi32>
          %min3A_605 = arith.minsi %add3A_602, %min3A_604 : vector<16xi32>
          %broadcast_in_dim3A_606 = vector.shape_cast %min3A_605 : vector<16xi32> to vector<16x1xi32>
          %jit3A_607 = arith.constant 2 : i32
          %eq3A_608 = arith.constant 0 : i32
          %eq3A_609 = arith.cmpi eq, %jit3A_607, %eq3A_608 : i32
          %jit3A_610 = arith.constant 1 : i32
          %select_n3A_611 = arith.select %eq3A_609, %jit3A_610, %jit3A_607 : i32
          %rem3A_612 = vector.broadcast %select_n3A_611 : i32 to vector<16xi32>
          %rem3A_613 = arith.remsi %iota3A_592, %rem3A_612 : vector<16xi32>
          %ne3A_614 = arith.constant 0 : i32
          %ne3A_615 = vector.broadcast %ne3A_614 : i32 to vector<16xi32>
          %ne3A_616 = arith.cmpi ne, %rem3A_613, %ne3A_615 : vector<16xi32>
          %lt3A_617 = arith.constant 0 : i32
          %lt3A_618 = vector.broadcast %lt3A_617 : i32 to vector<16xi32>
          %lt3A_619 = arith.cmpi slt, %rem3A_613, %lt3A_618 : vector<16xi32>
          %lt3A_620 = arith.constant 0 : i32
          %lt3A_621 = arith.cmpi slt, %select_n3A_611, %lt3A_620 : i32
          %ne3A_622 = vector.broadcast %lt3A_621 : i1 to vector<16xi1>
          %ne3A_623 = vector.broadcast %ne3A_622 : vector<16xi1> to vector<16xi1>
          %ne3A_624 = arith.xori %lt3A_619, %ne3A_623 : vector<16xi1>
          %and3A_625 = arith.andi %ne3A_624, %ne3A_616 : vector<16xi1>
          %add3A_626 = vector.broadcast %select_n3A_611 : i32 to vector<16xi32>
          %add3A_627 = arith.addi %rem3A_613, %add3A_626 : vector<16xi32>
          %select_n3A_628 = arith.select %and3A_625, %add3A_627, %rem3A_613 : vector<16xi1>, vector<16xi32>
          %eq3A_629 = arith.constant 0 : i32
          %eq3A_630 = vector.broadcast %eq3A_629 : i32 to vector<16xi32>
          %eq3A_631 = arith.cmpi eq, %select_n3A_628, %eq3A_630 : vector<16xi32>
          %gather3A_632 = vector.shape_cast %broadcast_in_dim3A_599 : vector<16x1xi32> to vector<16xi32>
          %gather3A_633 = tpu.dynamic_gather %masked_sort3A_590[%gather3A_632] in [0] : vector<16xf32>, vector<16xi32> -> vector<16xf32>
          %gather3A_634 = vector.shape_cast %broadcast_in_dim3A_599 : vector<16x1xi32> to vector<16xi32>
          %gather3A_635 = tpu.dynamic_gather %masked_sort3A_591[%gather3A_634] in [0] : vector<16xi32>, vector<16xi32> -> vector<16xi32>
          %gather3A_636 = vector.shape_cast %broadcast_in_dim3A_606 : vector<16x1xi32> to vector<16xi32>
          %gather3A_637 = tpu.dynamic_gather %masked_sort3A_590[%gather3A_636] in [0] : vector<16xf32>, vector<16xi32> -> vector<16xf32>
          %gather3A_638 = vector.shape_cast %broadcast_in_dim3A_606 : vector<16x1xi32> to vector<16xi32>
          %gather3A_639 = tpu.dynamic_gather %masked_sort3A_591[%gather3A_638] in [0] : vector<16xi32>, vector<16xi32> -> vector<16xi32>
          %eq3A_640 = arith.cmpf oeq, %masked_sort3A_590, %gather3A_637 : vector<16xf32>
          %and3A_641 = arith.andi %eq3A_631, %eq3A_640 : vector<16xi1>
          %gt3A_642 = arith.cmpi sgt, %gather3A_639, %masked_sort3A_591 : vector<16xi32>
          %and3A_643 = arith.andi %and3A_641, %gt3A_642 : vector<16xi1>
          %not3A_644 = arith.constant dense<true> : vector<16xi1>
          %not3A_645 = arith.xori %eq3A_631, %not3A_644 : vector<16xi1>
          %eq3A_646 = arith.cmpf oeq, %masked_sort3A_590, %gather3A_633 : vector<16xf32>
          %and3A_647 = arith.andi %not3A_645, %eq3A_646 : vector<16xi1>
          %lt3A_648 = arith.cmpi slt, %gather3A_635, %masked_sort3A_591 : vector<16xi32>
          %and3A_649 = arith.andi %and3A_647, %lt3A_648 : vector<16xi1>
          %select_n3A_650 = arith.select %and3A_649, %gather3A_635, %masked_sort3A_591 : vector<16xi1>, vector<16xi32>
          %select_n3A_651 = arith.select %and3A_643, %gather3A_639, %select_n3A_650 : vector<16xi1>, vector<16xi32>
          %not3A_652 = arith.constant dense<true> : vector<16xi1>
          %not3A_653 = arith.xori %eq3A_631, %not3A_652 : vector<16xi1>
          %gather3A_654 = vector.shape_cast %broadcast_in_dim3A_599 : vector<16x1xi32> to vector<16xi32>
          %gather3A_655 = tpu.dynamic_gather %masked_sort3A_590[%gather3A_654] in [0] : vector<16xf32>, vector<16xi32> -> vector<16xf32>
          %gather3A_656 = vector.shape_cast %broadcast_in_dim3A_599 : vector<16x1xi32> to vector<16xi32>
          %gather3A_657 = tpu.dynamic_gather %select_n3A_651[%gather3A_656] in [0] : vector<16xi32>, vector<16xi32> -> vector<16xi32>
          %gather3A_658 = vector.shape_cast %broadcast_in_dim3A_606 : vector<16x1xi32> to vector<16xi32>
          %gather3A_659 = tpu.dynamic_gather %masked_sort3A_590[%gather3A_658] in [0] : vector<16xf32>, vector<16xi32> -> vector<16xf32>
          %gather3A_660 = vector.shape_cast %broadcast_in_dim3A_606 : vector<16x1xi32> to vector<16xi32>
          %gather3A_661 = tpu.dynamic_gather %select_n3A_651[%gather3A_660] in [0] : vector<16xi32>, vector<16xi32> -> vector<16xi32>
          %eq3A_662 = arith.cmpf oeq, %masked_sort3A_590, %gather3A_659 : vector<16xf32>
          %and3A_663 = arith.andi %not3A_653, %eq3A_662 : vector<16xi1>
          %gt3A_664 = arith.cmpi sgt, %gather3A_661, %select_n3A_651 : vector<16xi32>
          %and3A_665 = arith.andi %and3A_663, %gt3A_664 : vector<16xi1>
          %not3A_666 = arith.constant dense<true> : vector<16xi1>
          %not3A_667 = arith.xori %not3A_653, %not3A_666 : vector<16xi1>
          %eq3A_668 = arith.cmpf oeq, %masked_sort3A_590, %gather3A_655 : vector<16xf32>
          %and3A_669 = arith.andi %not3A_667, %eq3A_668 : vector<16xi1>
          %lt3A_670 = arith.cmpi slt, %gather3A_657, %select_n3A_651 : vector<16xi32>
          %and3A_671 = arith.andi %and3A_669, %lt3A_670 : vector<16xi1>
          %select_n3A_672 = arith.select %and3A_671, %gather3A_657, %select_n3A_651 : vector<16xi1>, vector<16xi32>
          %select_n3A_673 = arith.select %and3A_665, %gather3A_661, %select_n3A_672 : vector<16xi1>, vector<16xi32>
          %gather3A_674 = vector.shape_cast %broadcast_in_dim3A_599 : vector<16x1xi32> to vector<16xi32>
          %gather3A_675 = tpu.dynamic_gather %masked_sort3A_590[%gather3A_674] in [0] : vector<16xf32>, vector<16xi32> -> vector<16xf32>
          %gather3A_676 = vector.shape_cast %broadcast_in_dim3A_599 : vector<16x1xi32> to vector<16xi32>
          %gather3A_677 = tpu.dynamic_gather %select_n3A_673[%gather3A_676] in [0] : vector<16xi32>, vector<16xi32> -> vector<16xi32>
          %gather3A_678 = vector.shape_cast %broadcast_in_dim3A_606 : vector<16x1xi32> to vector<16xi32>
          %gather3A_679 = tpu.dynamic_gather %masked_sort3A_590[%gather3A_678] in [0] : vector<16xf32>, vector<16xi32> -> vector<16xf32>
          %gather3A_680 = vector.shape_cast %broadcast_in_dim3A_606 : vector<16x1xi32> to vector<16xi32>
          %gather3A_681 = tpu.dynamic_gather %select_n3A_673[%gather3A_680] in [0] : vector<16xi32>, vector<16xi32> -> vector<16xi32>
          %eq3A_682 = arith.cmpf oeq, %masked_sort3A_590, %gather3A_679 : vector<16xf32>
          %and3A_683 = arith.andi %eq3A_631, %eq3A_682 : vector<16xi1>
          %gt3A_684 = arith.cmpi sgt, %gather3A_681, %select_n3A_673 : vector<16xi32>
          %and3A_685 = arith.andi %and3A_683, %gt3A_684 : vector<16xi1>
          %not3A_686 = arith.constant dense<true> : vector<16xi1>
          %not3A_687 = arith.xori %eq3A_631, %not3A_686 : vector<16xi1>
          %eq3A_688 = arith.cmpf oeq, %masked_sort3A_590, %gather3A_675 : vector<16xf32>
          %and3A_689 = arith.andi %not3A_687, %eq3A_688 : vector<16xi1>
          %lt3A_690 = arith.cmpi slt, %gather3A_677, %select_n3A_673 : vector<16xi32>
          %and3A_691 = arith.andi %and3A_689, %lt3A_690 : vector<16xi1>
          %select_n3A_692 = arith.select %and3A_691, %gather3A_677, %select_n3A_673 : vector<16xi1>, vector<16xi32>
          %select_n3A_693 = arith.select %and3A_685, %gather3A_681, %select_n3A_692 : vector<16xi1>, vector<16xi32>
          %not3A_694 = arith.constant dense<true> : vector<16xi1>
          %not3A_695 = arith.xori %eq3A_631, %not3A_694 : vector<16xi1>
          %gather3A_696 = vector.shape_cast %broadcast_in_dim3A_599 : vector<16x1xi32> to vector<16xi32>
          %gather3A_697 = tpu.dynamic_gather %masked_sort3A_590[%gather3A_696] in [0] : vector<16xf32>, vector<16xi32> -> vector<16xf32>
          %gather3A_698 = vector.shape_cast %broadcast_in_dim3A_599 : vector<16x1xi32> to vector<16xi32>
          %gather3A_699 = tpu.dynamic_gather %select_n3A_693[%gather3A_698] in [0] : vector<16xi32>, vector<16xi32> -> vector<16xi32>
          %gather3A_700 = vector.shape_cast %broadcast_in_dim3A_606 : vector<16x1xi32> to vector<16xi32>
          %gather3A_701 = tpu.dynamic_gather %masked_sort3A_590[%gather3A_700] in [0] : vector<16xf32>, vector<16xi32> -> vector<16xf32>
          %gather3A_702 = vector.shape_cast %broadcast_in_dim3A_606 : vector<16x1xi32> to vector<16xi32>
          %gather3A_703 = tpu.dynamic_gather %select_n3A_693[%gather3A_702] in [0] : vector<16xi32>, vector<16xi32> -> vector<16xi32>
          %eq3A_704 = arith.cmpf oeq, %masked_sort3A_590, %gather3A_701 : vector<16xf32>
          %and3A_705 = arith.andi %not3A_695, %eq3A_704 : vector<16xi1>
          %gt3A_706 = arith.cmpi sgt, %gather3A_703, %select_n3A_693 : vector<16xi32>
          %and3A_707 = arith.andi %and3A_705, %gt3A_706 : vector<16xi1>
          %not3A_708 = arith.constant dense<true> : vector<16xi1>
          %not3A_709 = arith.xori %not3A_695, %not3A_708 : vector<16xi1>
          %eq3A_710 = arith.cmpf oeq, %masked_sort3A_590, %gather3A_697 : vector<16xf32>
          %and3A_711 = arith.andi %not3A_709, %eq3A_710 : vector<16xi1>
          %lt3A_712 = arith.cmpi slt, %gather3A_699, %select_n3A_693 : vector<16xi32>
          %and3A_713 = arith.andi %and3A_711, %lt3A_712 : vector<16xi1>
          %select_n3A_714 = arith.select %and3A_713, %gather3A_699, %select_n3A_693 : vector<16xi1>, vector<16xi32>
          %select_n3A_715 = arith.select %and3A_707, %gather3A_703, %select_n3A_714 : vector<16xi1>, vector<16xi32>
          %lt3A_716 = arith.cmpf olt, %masked_sort3A_590, %masked_sort3A_450 : vector<16xf32>
          %eq3A_717 = arith.cmpf oeq, %masked_sort3A_590, %masked_sort3A_450 : vector<16xf32>
          %lt3A_718 = arith.cmpi slt, %select_n3A_715, %select_n3A_575 : vector<16xi32>
          %and3A_719 = arith.andi %eq3A_717, %lt3A_718 : vector<16xi1>
          %or3A_720 = arith.ori %lt3A_716, %and3A_719 : vector<16xi1>
          %select_n3A_721 = arith.select %or3A_720, %masked_sort3A_590, %masked_sort3A_450 : vector<16xi1>, vector<16xf32>
          %select_n3A_722 = arith.select %or3A_720, %select_n3A_715, %select_n3A_575 : vector<16xi1>, vector<16xi32>
          %masked_sort3A_723 = arith.constant dense<true> : vector<16xi1>
          %masked_sort3A_724, %masked_sort3A_725, %masked_sort3A_726 = tpu.sort %select_n3A_721, %select_n3A_722 masked %masked_sort3A_723 : (vector<16xf32>, vector<16xi32>, vector<16xi1>) -> (vector<16xi1>, vector<16xf32>, vector<16xi32>)
          %iota3A_727 = tpu.iota {dimensions = array<i32: 0>} : vector<16xi32>
          %sub3A_728 = arith.constant 1 : i32
          %sub3A_729 = vector.broadcast %sub3A_728 : i32 to vector<16xi32>
          %sub3A_730 = arith.subi %iota3A_727, %sub3A_729 : vector<16xi32>
          %max3A_731 = arith.constant 0 : i32
          %max3A_732 = vector.broadcast %max3A_731 : i32 to vector<16xi32>
          %max3A_733 = arith.maxsi %sub3A_730, %max3A_732 : vector<16xi32>
          %broadcast_in_dim3A_734 = vector.shape_cast %max3A_733 : vector<16xi32> to vector<16x1xi32>
          %add3A_735 = arith.constant 1 : i32
          %add3A_736 = vector.broadcast %add3A_735 : i32 to vector<16xi32>
          %add3A_737 = arith.addi %iota3A_727, %add3A_736 : vector<16xi32>
          %min3A_738 = arith.constant 15 : i32
          %min3A_739 = vector.broadcast %min3A_738 : i32 to vector<16xi32>
          %min3A_740 = arith.minsi %add3A_737, %min3A_739 : vector<16xi32>
          %broadcast_in_dim3A_741 = vector.shape_cast %min3A_740 : vector<16xi32> to vector<16x1xi32>
          %jit3A_742 = arith.constant 2 : i32
          %eq3A_743 = arith.constant 0 : i32
          %eq3A_744 = arith.cmpi eq, %jit3A_742, %eq3A_743 : i32
          %jit3A_745 = arith.constant 1 : i32
          %select_n3A_746 = arith.select %eq3A_744, %jit3A_745, %jit3A_742 : i32
          %rem3A_747 = vector.broadcast %select_n3A_746 : i32 to vector<16xi32>
          %rem3A_748 = arith.remsi %iota3A_727, %rem3A_747 : vector<16xi32>
          %ne3A_749 = arith.constant 0 : i32
          %ne3A_750 = vector.broadcast %ne3A_749 : i32 to vector<16xi32>
          %ne3A_751 = arith.cmpi ne, %rem3A_748, %ne3A_750 : vector<16xi32>
          %lt3A_752 = arith.constant 0 : i32
          %lt3A_753 = vector.broadcast %lt3A_752 : i32 to vector<16xi32>
          %lt3A_754 = arith.cmpi slt, %rem3A_748, %lt3A_753 : vector<16xi32>
          %lt3A_755 = arith.constant 0 : i32
          %lt3A_756 = arith.cmpi slt, %select_n3A_746, %lt3A_755 : i32
          %ne3A_757 = vector.broadcast %lt3A_756 : i1 to vector<16xi1>
          %ne3A_758 = vector.broadcast %ne3A_757 : vector<16xi1> to vector<16xi1>
          %ne3A_759 = arith.xori %lt3A_754, %ne3A_758 : vector<16xi1>
          %and3A_760 = arith.andi %ne3A_759, %ne3A_751 : vector<16xi1>
          %add3A_761 = vector.broadcast %select_n3A_746 : i32 to vector<16xi32>
          %add3A_762 = arith.addi %rem3A_748, %add3A_761 : vector<16xi32>
          %select_n3A_763 = arith.select %and3A_760, %add3A_762, %rem3A_748 : vector<16xi1>, vector<16xi32>
          %eq3A_764 = arith.constant 0 : i32
          %eq3A_765 = vector.broadcast %eq3A_764 : i32 to vector<16xi32>
          %eq3A_766 = arith.cmpi eq, %select_n3A_763, %eq3A_765 : vector<16xi32>
          %gather3A_767 = vector.shape_cast %broadcast_in_dim3A_734 : vector<16x1xi32> to vector<16xi32>
          %gather3A_768 = tpu.dynamic_gather %masked_sort3A_725[%gather3A_767] in [0] : vector<16xf32>, vector<16xi32> -> vector<16xf32>
          %gather3A_769 = vector.shape_cast %broadcast_in_dim3A_734 : vector<16x1xi32> to vector<16xi32>
          %gather3A_770 = tpu.dynamic_gather %masked_sort3A_726[%gather3A_769] in [0] : vector<16xi32>, vector<16xi32> -> vector<16xi32>
          %gather3A_771 = vector.shape_cast %broadcast_in_dim3A_741 : vector<16x1xi32> to vector<16xi32>
          %gather3A_772 = tpu.dynamic_gather %masked_sort3A_725[%gather3A_771] in [0] : vector<16xf32>, vector<16xi32> -> vector<16xf32>
          %gather3A_773 = vector.shape_cast %broadcast_in_dim3A_741 : vector<16x1xi32> to vector<16xi32>
          %gather3A_774 = tpu.dynamic_gather %masked_sort3A_726[%gather3A_773] in [0] : vector<16xi32>, vector<16xi32> -> vector<16xi32>
          %eq3A_775 = arith.cmpf oeq, %masked_sort3A_725, %gather3A_772 : vector<16xf32>
          %and3A_776 = arith.andi %eq3A_766, %eq3A_775 : vector<16xi1>
          %lt3A_777 = arith.cmpi slt, %gather3A_774, %masked_sort3A_726 : vector<16xi32>
          %and3A_778 = arith.andi %and3A_776, %lt3A_777 : vector<16xi1>
          %not3A_779 = arith.constant dense<true> : vector<16xi1>
          %not3A_780 = arith.xori %eq3A_766, %not3A_779 : vector<16xi1>
          %eq3A_781 = arith.cmpf oeq, %masked_sort3A_725, %gather3A_768 : vector<16xf32>
          %and3A_782 = arith.andi %not3A_780, %eq3A_781 : vector<16xi1>
          %gt3A_783 = arith.cmpi sgt, %gather3A_770, %masked_sort3A_726 : vector<16xi32>
          %and3A_784 = arith.andi %and3A_782, %gt3A_783 : vector<16xi1>
          %select_n3A_785 = arith.select %and3A_784, %gather3A_770, %masked_sort3A_726 : vector<16xi1>, vector<16xi32>
          %select_n3A_786 = arith.select %and3A_778, %gather3A_774, %select_n3A_785 : vector<16xi1>, vector<16xi32>
          %not3A_787 = arith.constant dense<true> : vector<16xi1>
          %not3A_788 = arith.xori %eq3A_766, %not3A_787 : vector<16xi1>
          %gather3A_789 = vector.shape_cast %broadcast_in_dim3A_734 : vector<16x1xi32> to vector<16xi32>
          %gather3A_790 = tpu.dynamic_gather %masked_sort3A_725[%gather3A_789] in [0] : vector<16xf32>, vector<16xi32> -> vector<16xf32>
          %gather3A_791 = vector.shape_cast %broadcast_in_dim3A_734 : vector<16x1xi32> to vector<16xi32>
          %gather3A_792 = tpu.dynamic_gather %select_n3A_786[%gather3A_791] in [0] : vector<16xi32>, vector<16xi32> -> vector<16xi32>
          %gather3A_793 = vector.shape_cast %broadcast_in_dim3A_741 : vector<16x1xi32> to vector<16xi32>
          %gather3A_794 = tpu.dynamic_gather %masked_sort3A_725[%gather3A_793] in [0] : vector<16xf32>, vector<16xi32> -> vector<16xf32>
          %gather3A_795 = vector.shape_cast %broadcast_in_dim3A_741 : vector<16x1xi32> to vector<16xi32>
          %gather3A_796 = tpu.dynamic_gather %select_n3A_786[%gather3A_795] in [0] : vector<16xi32>, vector<16xi32> -> vector<16xi32>
          %eq3A_797 = arith.cmpf oeq, %masked_sort3A_725, %gather3A_794 : vector<16xf32>
          %and3A_798 = arith.andi %not3A_788, %eq3A_797 : vector<16xi1>
          %lt3A_799 = arith.cmpi slt, %gather3A_796, %select_n3A_786 : vector<16xi32>
          %and3A_800 = arith.andi %and3A_798, %lt3A_799 : vector<16xi1>
          %not3A_801 = arith.constant dense<true> : vector<16xi1>
          %not3A_802 = arith.xori %not3A_788, %not3A_801 : vector<16xi1>
          %eq3A_803 = arith.cmpf oeq, %masked_sort3A_725, %gather3A_790 : vector<16xf32>
          %and3A_804 = arith.andi %not3A_802, %eq3A_803 : vector<16xi1>
          %gt3A_805 = arith.cmpi sgt, %gather3A_792, %select_n3A_786 : vector<16xi32>
          %and3A_806 = arith.andi %and3A_804, %gt3A_805 : vector<16xi1>
          %select_n3A_807 = arith.select %and3A_806, %gather3A_792, %select_n3A_786 : vector<16xi1>, vector<16xi32>
          %select_n3A_808 = arith.select %and3A_800, %gather3A_796, %select_n3A_807 : vector<16xi1>, vector<16xi32>
          %gather3A_809 = vector.shape_cast %broadcast_in_dim3A_734 : vector<16x1xi32> to vector<16xi32>
          %gather3A_810 = tpu.dynamic_gather %masked_sort3A_725[%gather3A_809] in [0] : vector<16xf32>, vector<16xi32> -> vector<16xf32>
          %gather3A_811 = vector.shape_cast %broadcast_in_dim3A_734 : vector<16x1xi32> to vector<16xi32>
          %gather3A_812 = tpu.dynamic_gather %select_n3A_808[%gather3A_811] in [0] : vector<16xi32>, vector<16xi32> -> vector<16xi32>
          %gather3A_813 = vector.shape_cast %broadcast_in_dim3A_741 : vector<16x1xi32> to vector<16xi32>
          %gather3A_814 = tpu.dynamic_gather %masked_sort3A_725[%gather3A_813] in [0] : vector<16xf32>, vector<16xi32> -> vector<16xf32>
          %gather3A_815 = vector.shape_cast %broadcast_in_dim3A_741 : vector<16x1xi32> to vector<16xi32>
          %gather3A_816 = tpu.dynamic_gather %select_n3A_808[%gather3A_815] in [0] : vector<16xi32>, vector<16xi32> -> vector<16xi32>
          %eq3A_817 = arith.cmpf oeq, %masked_sort3A_725, %gather3A_814 : vector<16xf32>
          %and3A_818 = arith.andi %eq3A_766, %eq3A_817 : vector<16xi1>
          %lt3A_819 = arith.cmpi slt, %gather3A_816, %select_n3A_808 : vector<16xi32>
          %and3A_820 = arith.andi %and3A_818, %lt3A_819 : vector<16xi1>
          %not3A_821 = arith.constant dense<true> : vector<16xi1>
          %not3A_822 = arith.xori %eq3A_766, %not3A_821 : vector<16xi1>
          %eq3A_823 = arith.cmpf oeq, %masked_sort3A_725, %gather3A_810 : vector<16xf32>
          %and3A_824 = arith.andi %not3A_822, %eq3A_823 : vector<16xi1>
          %gt3A_825 = arith.cmpi sgt, %gather3A_812, %select_n3A_808 : vector<16xi32>
          %and3A_826 = arith.andi %and3A_824, %gt3A_825 : vector<16xi1>
          %select_n3A_827 = arith.select %and3A_826, %gather3A_812, %select_n3A_808 : vector<16xi1>, vector<16xi32>
          %select_n3A_828 = arith.select %and3A_820, %gather3A_816, %select_n3A_827 : vector<16xi1>, vector<16xi32>
          %not3A_829 = arith.constant dense<true> : vector<16xi1>
          %not3A_830 = arith.xori %eq3A_766, %not3A_829 : vector<16xi1>
          %gather3A_831 = vector.shape_cast %broadcast_in_dim3A_734 : vector<16x1xi32> to vector<16xi32>
          %gather3A_832 = tpu.dynamic_gather %masked_sort3A_725[%gather3A_831] in [0] : vector<16xf32>, vector<16xi32> -> vector<16xf32>
          %gather3A_833 = vector.shape_cast %broadcast_in_dim3A_734 : vector<16x1xi32> to vector<16xi32>
          %gather3A_834 = tpu.dynamic_gather %select_n3A_828[%gather3A_833] in [0] : vector<16xi32>, vector<16xi32> -> vector<16xi32>
          %gather3A_835 = vector.shape_cast %broadcast_in_dim3A_741 : vector<16x1xi32> to vector<16xi32>
          %gather3A_836 = tpu.dynamic_gather %masked_sort3A_725[%gather3A_835] in [0] : vector<16xf32>, vector<16xi32> -> vector<16xf32>
          %gather3A_837 = vector.shape_cast %broadcast_in_dim3A_741 : vector<16x1xi32> to vector<16xi32>
          %gather3A_838 = tpu.dynamic_gather %select_n3A_828[%gather3A_837] in [0] : vector<16xi32>, vector<16xi32> -> vector<16xi32>
          %eq3A_839 = arith.cmpf oeq, %masked_sort3A_725, %gather3A_836 : vector<16xf32>
          %and3A_840 = arith.andi %not3A_830, %eq3A_839 : vector<16xi1>
          %lt3A_841 = arith.cmpi slt, %gather3A_838, %select_n3A_828 : vector<16xi32>
          %and3A_842 = arith.andi %and3A_840, %lt3A_841 : vector<16xi1>
          %not3A_843 = arith.constant dense<true> : vector<16xi1>
          %not3A_844 = arith.xori %not3A_830, %not3A_843 : vector<16xi1>
          %eq3A_845 = arith.cmpf oeq, %masked_sort3A_725, %gather3A_832 : vector<16xf32>
          %and3A_846 = arith.andi %not3A_844, %eq3A_845 : vector<16xi1>
          %gt3A_847 = arith.cmpi sgt, %gather3A_834, %select_n3A_828 : vector<16xi32>
          %and3A_848 = arith.andi %and3A_846, %gt3A_847 : vector<16xi1>
          %select_n3A_849 = arith.select %and3A_848, %gather3A_834, %select_n3A_828 : vector<16xi1>, vector<16xi32>
          %select_n3A_850 = arith.select %and3A_842, %gather3A_838, %select_n3A_849 : vector<16xi1>, vector<16xi32>
          scf.yield %masked_sort3A_725, %select_n3A_850 : vector<16xf32>, vector<16xi32>
        }
        scf.yield %while3A_308#0, %while3A_308#1 : vector<16xf32>, vector<16xi32>
      }
      %lt3A = arith.constant 625 : i32
      %lt3A_161 = arith.cmpi slt, %add3A_46, %lt3A : i32
      %convert_element_type3A_162 = arith.extui %lt3A_161 : i1 to i32
      %cond3A_163 = arith.constant 0 : i32
      %cond3A_164 = arith.cmpi ne, %convert_element_type3A_162, %cond3A_163 : i32
      scf.if %cond3A_164 {
        %convert_element_type3A_298 = arith.sitofp %cond3A_160#1 : vector<16xi32> to vector<16xf32>
        %mul3A_299 = arith.constant 16 : i32
        %mul3A_300 = arith.muli %add3A_46, %mul3A_299 : i32
        %swap3A = arith.index_cast %mul3A_300 : i32 to index
        %swap3A_301 = tpu.vector_load %arg12[%swap3A] {strides = array<i32>} : memref<10000xf32, #tpu.memory_space<vmem>>, vector<16xf32>,
        tpu.vector_store %arg12[%swap3A], %convert_element_type3A_298 {strides = array<i32>} : memref<10000xf32, #tpu.memory_space<vmem>>, vector<16xf32>,
      } else {
      }
      %mul3A_165 = arith.constant 2 : i32
      %mul3A_166 = arith.muli %scan3A_41, %mul3A_165 : i32
      %add3A_167 = arith.constant 1 : i32
      %add3A_168 = arith.addi %mul3A_166, %add3A_167 : i32
      %add3A_169 = arith.addi %mul3A_2, %add3A_168 : i32
      %add3A_170 = arith.constant 1 : i32
      %add3A_171 = arith.addi %add3A_169, %add3A_170 : i32
      %dma_start3A_172 = arith.constant 0 : i32
      %dma_start3A_173 = tpu.memref_slice %arg2[%add3A_171, %dma_start3A_172] : memref<20480x20480xf32, #tpu.memory_space<hbm>> -> memref<1x20480xf32, #tpu.memory_space<hbm>>
      %dma_start3A_174 = tpu.memref_squeeze %dma_start3A_173 : memref<1x20480xf32, #tpu.memory_space<hbm>> -> memref<20480xf32, #tpu.memory_space<hbm>>
      %dma_start3A_175 = arith.constant 0 : i32
      %dma_start3A_176 = tpu.memref_slice %arg2[%add3A_171, %dma_start3A_175] : memref<20480x20480xf32, #tpu.memory_space<hbm>> -> memref<1x20480xf32, #tpu.memory_space<hbm>>
      %dma_start3A_177 = tpu.memref_squeeze %dma_start3A_176 : memref<1x20480xf32, #tpu.memory_space<hbm>> -> memref<20480xf32, #tpu.memory_space<hbm>>
      tpu.enqueue_dma source(%dma_start3A_177 : memref<20480xf32, #tpu.memory_space<hbm>>) target(%arg5 : memref<20480xf32, #tpu.memory_space<vmem>>) target_semaphore(%arg13 : memref<!tpu.dma_semaphore, #tpu.memory_space<semaphore_mem>>)
      %add3A_178 = arith.constant 1 : i32
      %add3A_179 = arith.addi %add3A_169, %add3A_178 : i32
      %dma_start3A_180 = arith.constant 0 : i32
      %dma_start3A_181 = tpu.memref_slice %arg3[%add3A_179, %dma_start3A_180] : memref<20480x640xf32, #tpu.memory_space<hbm>> -> memref<1x640xf32, #tpu.memory_space<hbm>>
      %dma_start3A_182 = tpu.memref_squeeze %dma_start3A_181 : memref<1x640xf32, #tpu.memory_space<hbm>> -> memref<640xf32, #tpu.memory_space<hbm>>
      %dma_start3A_183 = arith.constant 0 : i32
      %dma_start3A_184 = tpu.memref_slice %arg3[%add3A_179, %dma_start3A_183] : memref<20480x640xf32, #tpu.memory_space<hbm>> -> memref<1x640xf32, #tpu.memory_space<hbm>>
      %dma_start3A_185 = tpu.memref_squeeze %dma_start3A_184 : memref<1x640xf32, #tpu.memory_space<hbm>> -> memref<640xf32, #tpu.memory_space<hbm>>
      tpu.enqueue_dma source(%dma_start3A_185 : memref<640xf32, #tpu.memory_space<hbm>>) target(%arg7 : memref<640xf32, #tpu.memory_space<vmem>>) target_semaphore(%arg15 : memref<!tpu.dma_semaphore, #tpu.memory_space<semaphore_mem>>)
      %dma_wait3A_186 = arith.constant 0 : i32
      %dma_wait3A_187 = tpu.memref_slice %arg2[%add3A_169, %dma_wait3A_186] : memref<20480x20480xf32, #tpu.memory_space<hbm>> -> memref<1x20480xf32, #tpu.memory_space<hbm>>
      %dma_wait3A_188 = tpu.memref_squeeze %dma_wait3A_187 : memref<1x20480xf32, #tpu.memory_space<hbm>> -> memref<20480xf32, #tpu.memory_space<hbm>>
      %dma_wait3A_189 = arith.constant 0 : i32
      %dma_wait3A_190 = tpu.memref_slice %arg2[%add3A_169, %dma_wait3A_189] : memref<20480x20480xf32, #tpu.memory_space<hbm>> -> memref<1x20480xf32, #tpu.memory_space<hbm>>
      %dma_wait3A_191 = tpu.memref_squeeze %dma_wait3A_190 : memref<1x20480xf32, #tpu.memory_space<hbm>> -> memref<20480xf32, #tpu.memory_space<hbm>>
      tpu.wait_dma2 semaphore(%arg14 : memref<!tpu.dma_semaphore, #tpu.memory_space<semaphore_mem>>) src(%dma_wait3A_191 : memref<20480xf32, #tpu.memory_space<hbm>>) dst(%arg6 : memref<20480xf32, #tpu.memory_space<vmem>>)
      %dma_wait3A_192 = arith.constant 0 : i32
      %dma_wait3A_193 = tpu.memref_slice %arg3[%add3A_169, %dma_wait3A_192] : memref<20480x640xf32, #tpu.memory_space<hbm>> -> memref<1x640xf32, #tpu.memory_space<hbm>>
      %dma_wait3A_194 = tpu.memref_squeeze %dma_wait3A_193 : memref<1x640xf32, #tpu.memory_space<hbm>> -> memref<640xf32, #tpu.memory_space<hbm>>
      %dma_wait3A_195 = arith.constant 0 : i32
      %dma_wait3A_196 = tpu.memref_slice %arg3[%add3A_169, %dma_wait3A_195] : memref<20480x640xf32, #tpu.memory_space<hbm>> -> memref<1x640xf32, #tpu.memory_space<hbm>>
      %dma_wait3A_197 = tpu.memref_squeeze %dma_wait3A_196 : memref<1x640xf32, #tpu.memory_space<hbm>> -> memref<640xf32, #tpu.memory_space<hbm>>
      tpu.wait_dma2 semaphore(%arg16 : memref<!tpu.dma_semaphore, #tpu.memory_space<semaphore_mem>>) src(%dma_wait3A_197 : memref<640xf32, #tpu.memory_space<hbm>>) dst(%arg8 : memref<640xf32, #tpu.memory_space<vmem>>)
      %iota3A_198 = tpu.iota {dimensions = array<i32: 0>} : vector<16xi32>
      %get3A_199 = arith.constant 0 : index
      %get3A_200 = tpu.vector_load %arg8[%get3A_199] {strides = array<i32>} : memref<640xf32, #tpu.memory_space<vmem>>, vector<16xf32>,
      %scan3A_201 = arith.constant 1 : i32
      %scan3A_202 = arith.constant 32 : i32
      %scan3A_203 = arith.addi %scan3A_201, %scan3A_202 : i32
      %scan3A_204 = arith.constant 8 : i32
      %scan3A_205 = scf.for %scan3A_298 = %scan3A_201 to %scan3A_203 step %scan3A_204 iter_args(%scan3A_299 = %get3A_200) -> (vector<16xf32>)  : i32 {
        %mul3A_300 = arith.constant 16 : i32
        %mul3A_301 = arith.muli %scan3A_298, %mul3A_300 : i32
        %get3A_302 = arith.index_cast %mul3A_301 : i32 to index
        %get3A_303 = tpu.vector_load %arg8[%get3A_302] {strides = array<i32>} : memref<640xf32, #tpu.memory_space<vmem>>, vector<16xf32>,
        %min3A_304 = arith.minimumf %scan3A_299, %get3A_303 : vector<16xf32>
        %scan3A_305 = arith.constant 1 : i32
        %scan3A_306 = arith.addi %scan3A_298, %scan3A_305 : i32
        %mul3A_307 = arith.constant 16 : i32
        %mul3A_308 = arith.muli %scan3A_306, %mul3A_307 : i32
        %get3A_309 = arith.index_cast %mul3A_308 : i32 to index
        %get3A_310 = tpu.vector_load %arg8[%get3A_309] {strides = array<i32>} : memref<640xf32, #tpu.memory_space<vmem>>, vector<16xf32>,
        %min3A_311 = arith.minimumf %min3A_304, %get3A_310 : vector<16xf32>
        %scan3A_312 = arith.constant 2 : i32
        %scan3A_313 = arith.addi %scan3A_298, %scan3A_312 : i32
        %mul3A_314 = arith.constant 16 : i32
        %mul3A_315 = arith.muli %scan3A_313, %mul3A_314 : i32
        %get3A_316 = arith.index_cast %mul3A_315 : i32 to index
        %get3A_317 = tpu.vector_load %arg8[%get3A_316] {strides = array<i32>} : memref<640xf32, #tpu.memory_space<vmem>>, vector<16xf32>,
        %min3A_318 = arith.minimumf %min3A_311, %get3A_317 : vector<16xf32>
        %scan3A_319 = arith.constant 3 : i32
        %scan3A_320 = arith.addi %scan3A_298, %scan3A_319 : i32
        %mul3A_321 = arith.constant 16 : i32
        %mul3A_322 = arith.muli %scan3A_320, %mul3A_321 : i32
        %get3A_323 = arith.index_cast %mul3A_322 : i32 to index
        %get3A_324 = tpu.vector_load %arg8[%get3A_323] {strides = array<i32>} : memref<640xf32, #tpu.memory_space<vmem>>, vector<16xf32>,
        %min3A_325 = arith.minimumf %min3A_318, %get3A_324 : vector<16xf32>
        %scan3A_326 = arith.constant 4 : i32
        %scan3A_327 = arith.addi %scan3A_298, %scan3A_326 : i32
        %mul3A_328 = arith.constant 16 : i32
        %mul3A_329 = arith.muli %scan3A_327, %mul3A_328 : i32
        %get3A_330 = arith.index_cast %mul3A_329 : i32 to index
        %get3A_331 = tpu.vector_load %arg8[%get3A_330] {strides = array<i32>} : memref<640xf32, #tpu.memory_space<vmem>>, vector<16xf32>,
        %min3A_332 = arith.minimumf %min3A_325, %get3A_331 : vector<16xf32>
        %scan3A_333 = arith.constant 5 : i32
        %scan3A_334 = arith.addi %scan3A_298, %scan3A_333 : i32
        %mul3A_335 = arith.constant 16 : i32
        %mul3A_336 = arith.muli %scan3A_334, %mul3A_335 : i32
        %get3A_337 = arith.index_cast %mul3A_336 : i32 to index
        %get3A_338 = tpu.vector_load %arg8[%get3A_337] {strides = array<i32>} : memref<640xf32, #tpu.memory_space<vmem>>, vector<16xf32>,
        %min3A_339 = arith.minimumf %min3A_332, %get3A_338 : vector<16xf32>
        %scan3A_340 = arith.constant 6 : i32
        %scan3A_341 = arith.addi %scan3A_298, %scan3A_340 : i32
        %mul3A_342 = arith.constant 16 : i32
        %mul3A_343 = arith.muli %scan3A_341, %mul3A_342 : i32
        %get3A_344 = arith.index_cast %mul3A_343 : i32 to index
        %get3A_345 = tpu.vector_load %arg8[%get3A_344] {strides = array<i32>} : memref<640xf32, #tpu.memory_space<vmem>>, vector<16xf32>,
        %min3A_346 = arith.minimumf %min3A_339, %get3A_345 : vector<16xf32>
        %scan3A_347 = arith.constant 7 : i32
        %scan3A_348 = arith.addi %scan3A_298, %scan3A_347 : i32
        %mul3A_349 = arith.constant 16 : i32
        %mul3A_350 = arith.muli %scan3A_348, %mul3A_349 : i32
        %get3A_351 = arith.index_cast %mul3A_350 : i32 to index
        %get3A_352 = tpu.vector_load %arg8[%get3A_351] {strides = array<i32>} : memref<640xf32, #tpu.memory_space<vmem>>, vector<16xf32>,
        %min3A_353 = arith.minimumf %min3A_346, %get3A_352 : vector<16xf32>
        scf.yield %min3A_353 : vector<16xf32>
      }
      %scan3A_206 = arith.constant 32 : i32
      %scan3A_207 = arith.addi %scan3A_201, %scan3A_206 : i32
      %mul3A_208 = arith.constant 16 : i32
      %mul3A_209 = arith.muli %scan3A_207, %mul3A_208 : i32
      %get3A_210 = arith.index_cast %mul3A_209 : i32 to index
      %get3A_211 = tpu.vector_load %arg8[%get3A_210] {strides = array<i32>} : memref<640xf32, #tpu.memory_space<vmem>>, vector<16xf32>,
      %min3A_212 = arith.minimumf %scan3A_205, %get3A_211 : vector<16xf32>
      %scan3A_213 = arith.constant 33 : i32
      %scan3A_214 = arith.addi %scan3A_201, %scan3A_213 : i32
      %mul3A_215 = arith.constant 16 : i32
      %mul3A_216 = arith.muli %scan3A_214, %mul3A_215 : i32
      %get3A_217 = arith.index_cast %mul3A_216 : i32 to index
      %get3A_218 = tpu.vector_load %arg8[%get3A_217] {strides = array<i32>} : memref<640xf32, #tpu.memory_space<vmem>>, vector<16xf32>,
      %min3A_219 = arith.minimumf %min3A_212, %get3A_218 : vector<16xf32>
      %scan3A_220 = arith.constant 34 : i32
      %scan3A_221 = arith.addi %scan3A_201, %scan3A_220 : i32
      %mul3A_222 = arith.constant 16 : i32
      %mul3A_223 = arith.muli %scan3A_221, %mul3A_222 : i32
      %get3A_224 = arith.index_cast %mul3A_223 : i32 to index
      %get3A_225 = tpu.vector_load %arg8[%get3A_224] {strides = array<i32>} : memref<640xf32, #tpu.memory_space<vmem>>, vector<16xf32>,
      %min3A_226 = arith.minimumf %min3A_219, %get3A_225 : vector<16xf32>
      %scan3A_227 = arith.constant 35 : i32
      %scan3A_228 = arith.addi %scan3A_201, %scan3A_227 : i32
      %mul3A_229 = arith.constant 16 : i32
      %mul3A_230 = arith.muli %scan3A_228, %mul3A_229 : i32
      %get3A_231 = arith.index_cast %mul3A_230 : i32 to index
      %get3A_232 = tpu.vector_load %arg8[%get3A_231] {strides = array<i32>} : memref<640xf32, #tpu.memory_space<vmem>>, vector<16xf32>,
      %min3A_233 = arith.minimumf %min3A_226, %get3A_232 : vector<16xf32>
      %scan3A_234 = arith.constant 36 : i32
      %scan3A_235 = arith.addi %scan3A_201, %scan3A_234 : i32
      %mul3A_236 = arith.constant 16 : i32
      %mul3A_237 = arith.muli %scan3A_235, %mul3A_236 : i32
      %get3A_238 = arith.index_cast %mul3A_237 : i32 to index
      %get3A_239 = tpu.vector_load %arg8[%get3A_238] {strides = array<i32>} : memref<640xf32, #tpu.memory_space<vmem>>, vector<16xf32>,
      %min3A_240 = arith.minimumf %min3A_233, %get3A_239 : vector<16xf32>
      %scan3A_241 = arith.constant 37 : i32
      %scan3A_242 = arith.addi %scan3A_201, %scan3A_241 : i32
      %mul3A_243 = arith.constant 16 : i32
      %mul3A_244 = arith.muli %scan3A_242, %mul3A_243 : i32
      %get3A_245 = arith.index_cast %mul3A_244 : i32 to index
      %get3A_246 = tpu.vector_load %arg8[%get3A_245] {strides = array<i32>} : memref<640xf32, #tpu.memory_space<vmem>>, vector<16xf32>,
      %min3A_247 = arith.minimumf %min3A_240, %get3A_246 : vector<16xf32>
      %scan3A_248 = arith.constant 38 : i32
      %scan3A_249 = arith.addi %scan3A_201, %scan3A_248 : i32
      %mul3A_250 = arith.constant 16 : i32
      %mul3A_251 = arith.muli %scan3A_249, %mul3A_250 : i32
      %get3A_252 = arith.index_cast %mul3A_251 : i32 to index
      %get3A_253 = tpu.vector_load %arg8[%get3A_252] {strides = array<i32>} : memref<640xf32, #tpu.memory_space<vmem>>, vector<16xf32>,
      %min3A_254 = arith.minimumf %min3A_247, %get3A_253 : vector<16xf32>
      %scan3A_255 = arith.constant 39 : i32
      %reduce_max3A_256 = arith.constant true
      %reduce_max3A_257 = vector.broadcast %reduce_max3A_256 : i1 to vector<16xi1>
      %reduce_max3A_258 = tpu.scan <max>, %min3A_254 masked %reduce_max3A_257 : vector<16xf32>, vector<16xi1> -> vector<16xf32>
      %reduce_max3A_259 = vector.extract %reduce_max3A_258[15] : f32 from vector<16xf32>
      %add3A_260 = arith.constant 9.99999974E-5 : f32
      %add3A_261 = arith.addf %reduce_max3A_259, %add3A_260 : f32
      %broadcast_in_dim3A_262 = vector.broadcast %add3A_261 : f32 to vector<16xf32>
      %scan3A_263 = arith.constant 0 : i32
      %scan3A_264 = arith.constant 0 : i32
      %scan3A_265 = arith.constant 40 : i32
      %scan3A_266 = arith.addi %scan3A_264, %scan3A_265 : i32
      %scan3A_267 = arith.constant 4 : i32
      %scan3A_268 = scf.for %scan3A_298 = %scan3A_264 to %scan3A_266 step %scan3A_267 iter_args(%scan3A_299 = %scan3A_263) -> (i32)  : i32 {
        %mul3A_300 = arith.constant 16 : i32
        %mul3A_301 = arith.muli %scan3A_298, %mul3A_300 : i32
        %get3A_302 = arith.index_cast %mul3A_301 : i32 to index
        %get3A_303 = tpu.vector_load %arg8[%get3A_302] {strides = array<i32>} : memref<640xf32, #tpu.memory_space<vmem>>, vector<16xf32>,
        %le3A_304 = arith.cmpf ole, %get3A_303, %broadcast_in_dim3A_262 : vector<16xf32>
        %mul3A_305 = arith.constant 16 : i32
        %mul3A_306 = arith.muli %scan3A_298, %mul3A_305 : i32
        %add3A_307 = vector.broadcast %mul3A_306 : i32 to vector<16xi32>
        %add3A_308 = arith.addi %add3A_307, %iota3A_198 : vector<16xi32>
        %swap3A = arith.index_cast %scan3A_299 : i32 to index
        %swap3A_309 = tpu.vector_load %arg9[%swap3A] masked %le3A_304 {strides = array<i32>} : memref<656xi32, #tpu.memory_space<vmem>>, vector<16xi32>, vector<16xi1>
        tpu.vector_store %arg9[%swap3A], %add3A_308 masked %le3A_304 {strides = array<i32>} : memref<656xi32, #tpu.memory_space<vmem>>, vector<16xi32>, vector<16xi1>
        %all_reduce_population_count3A = tpu.all_reduce %le3A_304 {dim = 0 : i64, kind = #tpu.reduction_kind<sum>} : vector<16xi1> -> vector<16xi32>
        %slice3A = vector.extract_strided_slice %all_reduce_population_count3A {offsets = [0], sizes = [1], strides = [1]} : vector<16xi32> to vector<1xi32>
        %squeeze3A = vector.extract %slice3A[0] : i32 from vector<1xi32>
        %add3A_310 = arith.addi %scan3A_299, %squeeze3A : i32
        %scan3A_311 = arith.constant 1 : i32
        %scan3A_312 = arith.addi %scan3A_298, %scan3A_311 : i32
        %mul3A_313 = arith.constant 16 : i32
        %mul3A_314 = arith.muli %scan3A_312, %mul3A_313 : i32
        %get3A_315 = arith.index_cast %mul3A_314 : i32 to index
        %get3A_316 = tpu.vector_load %arg8[%get3A_315] {strides = array<i32>} : memref<640xf32, #tpu.memory_space<vmem>>, vector<16xf32>,
        %le3A_317 = arith.cmpf ole, %get3A_316, %broadcast_in_dim3A_262 : vector<16xf32>
        %mul3A_318 = arith.constant 16 : i32
        %mul3A_319 = arith.muli %scan3A_312, %mul3A_318 : i32
        %add3A_320 = vector.broadcast %mul3A_319 : i32 to vector<16xi32>
        %add3A_321 = arith.addi %add3A_320, %iota3A_198 : vector<16xi32>
        %swap3A_322 = arith.index_cast %add3A_310 : i32 to index
        %swap3A_323 = tpu.vector_load %arg9[%swap3A_322] masked %le3A_317 {strides = array<i32>} : memref<656xi32, #tpu.memory_space<vmem>>, vector<16xi32>, vector<16xi1>
        tpu.vector_store %arg9[%swap3A_322], %add3A_321 masked %le3A_317 {strides = array<i32>} : memref<656xi32, #tpu.memory_space<vmem>>, vector<16xi32>, vector<16xi1>
        %all_reduce_population_count3A_324 = tpu.all_reduce %le3A_317 {dim = 0 : i64, kind = #tpu.reduction_kind<sum>} : vector<16xi1> -> vector<16xi32>
        %slice3A_325 = vector.extract_strided_slice %all_reduce_population_count3A_324 {offsets = [0], sizes = [1], strides = [1]} : vector<16xi32> to vector<1xi32>
        %squeeze3A_326 = vector.extract %slice3A_325[0] : i32 from vector<1xi32>
        %add3A_327 = arith.addi %add3A_310, %squeeze3A_326 : i32
        %scan3A_328 = arith.constant 2 : i32
        %scan3A_329 = arith.addi %scan3A_298, %scan3A_328 : i32
        %mul3A_330 = arith.constant 16 : i32
        %mul3A_331 = arith.muli %scan3A_329, %mul3A_330 : i32
        %get3A_332 = arith.index_cast %mul3A_331 : i32 to index
        %get3A_333 = tpu.vector_load %arg8[%get3A_332] {strides = array<i32>} : memref<640xf32, #tpu.memory_space<vmem>>, vector<16xf32>,
        %le3A_334 = arith.cmpf ole, %get3A_333, %broadcast_in_dim3A_262 : vector<16xf32>
        %mul3A_335 = arith.constant 16 : i32
        %mul3A_336 = arith.muli %scan3A_329, %mul3A_335 : i32
        %add3A_337 = vector.broadcast %mul3A_336 : i32 to vector<16xi32>
        %add3A_338 = arith.addi %add3A_337, %iota3A_198 : vector<16xi32>
        %swap3A_339 = arith.index_cast %add3A_327 : i32 to index
        %swap3A_340 = tpu.vector_load %arg9[%swap3A_339] masked %le3A_334 {strides = array<i32>} : memref<656xi32, #tpu.memory_space<vmem>>, vector<16xi32>, vector<16xi1>
        tpu.vector_store %arg9[%swap3A_339], %add3A_338 masked %le3A_334 {strides = array<i32>} : memref<656xi32, #tpu.memory_space<vmem>>, vector<16xi32>, vector<16xi1>
        %all_reduce_population_count3A_341 = tpu.all_reduce %le3A_334 {dim = 0 : i64, kind = #tpu.reduction_kind<sum>} : vector<16xi1> -> vector<16xi32>
        %slice3A_342 = vector.extract_strided_slice %all_reduce_population_count3A_341 {offsets = [0], sizes = [1], strides = [1]} : vector<16xi32> to vector<1xi32>
        %squeeze3A_343 = vector.extract %slice3A_342[0] : i32 from vector<1xi32>
        %add3A_344 = arith.addi %add3A_327, %squeeze3A_343 : i32
        %scan3A_345 = arith.constant 3 : i32
        %scan3A_346 = arith.addi %scan3A_298, %scan3A_345 : i32
        %mul3A_347 = arith.constant 16 : i32
        %mul3A_348 = arith.muli %scan3A_346, %mul3A_347 : i32
        %get3A_349 = arith.index_cast %mul3A_348 : i32 to index
        %get3A_350 = tpu.vector_load %arg8[%get3A_349] {strides = array<i32>} : memref<640xf32, #tpu.memory_space<vmem>>, vector<16xf32>,
        %le3A_351 = arith.cmpf ole, %get3A_350, %broadcast_in_dim3A_262 : vector<16xf32>
        %mul3A_352 = arith.constant 16 : i32
        %mul3A_353 = arith.muli %scan3A_346, %mul3A_352 : i32
        %add3A_354 = vector.broadcast %mul3A_353 : i32 to vector<16xi32>
        %add3A_355 = arith.addi %add3A_354, %iota3A_198 : vector<16xi32>
        %swap3A_356 = arith.index_cast %add3A_344 : i32 to index
        %swap3A_357 = tpu.vector_load %arg9[%swap3A_356] masked %le3A_351 {strides = array<i32>} : memref<656xi32, #tpu.memory_space<vmem>>, vector<16xi32>, vector<16xi1>
        tpu.vector_store %arg9[%swap3A_356], %add3A_355 masked %le3A_351 {strides = array<i32>} : memref<656xi32, #tpu.memory_space<vmem>>, vector<16xi32>, vector<16xi1>
        %all_reduce_population_count3A_358 = tpu.all_reduce %le3A_351 {dim = 0 : i64, kind = #tpu.reduction_kind<sum>} : vector<16xi1> -> vector<16xi32>
        %slice3A_359 = vector.extract_strided_slice %all_reduce_population_count3A_358 {offsets = [0], sizes = [1], strides = [1]} : vector<16xi32> to vector<1xi32>
        %squeeze3A_360 = vector.extract %slice3A_359[0] : i32 from vector<1xi32>
        %add3A_361 = arith.addi %add3A_344, %squeeze3A_360 : i32
        scf.yield %add3A_361 : i32
      }
      %scan3A_269 = arith.constant 40 : i32
      %broadcast_in_dim3A_270 = arith.constant 0x7F800000 : f32
      %broadcast_in_dim3A_271 = vector.broadcast %broadcast_in_dim3A_270 : f32 to vector<16xf32>
      %broadcast_in_dim3A_272 = arith.constant 0 : i32
      %broadcast_in_dim3A_273 = vector.broadcast %broadcast_in_dim3A_272 : i32 to vector<16xi32>
      %while3A_274 = arith.constant 0 : i32
      %while3A_275 = arith.constant 0 : i32
      %while3A_276 = arith.subi %scan3A_268, %while3A_274 : i32
      %while3A_277 = arith.addi %while3A_274, %while3A_276 : i32
      %while3A_278 = arith.constant 1 : i32
      %while3A_279 = arith.divsi %while3A_276, %while3A_278 : i32
      %while3A_280 = arith.muli %while3A_279, %while3A_278 : i32
      %while3A_281 = arith.addi %while3A_274, %while3A_280 : i32
      %while3A_282 = arith.constant 1 : i32
      %while3A_283 = scf.for %while3A_298 = %while3A_274 to %while3A_281 step %while3A_282 iter_args(%while3A_299 = %while3A_275) -> (i32)  : i32 {
        %get3A_300 = arith.index_cast %while3A_298 : i32 to index
        %get3A_301 = tpu.vector_load %arg9[%get3A_300] {strides = array<i32>} : memref<656xi32, #tpu.memory_space<vmem>>, vector<16xi32>,
        %slice3A = vector.extract_strided_slice %get3A_301 {offsets = [0], sizes = [1], strides = [1]} : vector<16xi32> to vector<1xi32>
        %squeeze3A = vector.extract %slice3A[0] : i32 from vector<1xi32>
        %mul3A_302 = arith.constant 32 : i32
        %mul3A_303 = arith.muli %squeeze3A, %mul3A_302 : i32
        %add3A_304 = arith.constant 0 : i32
        %add3A_305 = arith.addi %mul3A_303, %add3A_304 : i32
        %get3A_306 = arith.index_cast %add3A_305 : i32 to index
        %get3A_307 = tpu.vector_load %arg6[%get3A_306] {strides = array<i32>} : memref<20480xf32, #tpu.memory_space<vmem>>, vector<16xf32>,
        %le3A_308 = arith.cmpf ole, %get3A_307, %broadcast_in_dim3A_262 : vector<16xf32>
        %min3A_309 = arith.constant 1024 : i32
        %min3A_310 = arith.minsi %while3A_299, %min3A_309 : i32
        %swap3A = arith.index_cast %min3A_310 : i32 to index
        %swap3A_311 = tpu.vector_load %arg10[%swap3A] masked %le3A_308 {strides = array<i32>} : memref<1056xf32, #tpu.memory_space<vmem>>, vector<16xf32>, vector<16xi1>
        tpu.vector_store %arg10[%swap3A], %get3A_307 masked %le3A_308 {strides = array<i32>} : memref<1056xf32, #tpu.memory_space<vmem>>, vector<16xf32>, vector<16xi1>
        %mul3A_312 = arith.constant 32 : i32
        %mul3A_313 = arith.muli %squeeze3A, %mul3A_312 : i32
        %add3A_314 = arith.constant 0 : i32
        %add3A_315 = arith.addi %mul3A_313, %add3A_314 : i32
        %add3A_316 = vector.broadcast %add3A_315 : i32 to vector<16xi32>
        %add3A_317 = arith.addi %add3A_316, %iota3A_198 : vector<16xi32>
        %swap3A_318 = arith.index_cast %min3A_310 : i32 to index
        %swap3A_319 = tpu.vector_load %arg11[%swap3A_318] masked %le3A_308 {strides = array<i32>} : memref<1056xi32, #tpu.memory_space<vmem>>, vector<16xi32>, vector<16xi1>
        tpu.vector_store %arg11[%swap3A_318], %add3A_317 masked %le3A_308 {strides = array<i32>} : memref<1056xi32, #tpu.memory_space<vmem>>, vector<16xi32>, vector<16xi1>
        %all_reduce_population_count3A = tpu.all_reduce %le3A_308 {dim = 0 : i64, kind = #tpu.reduction_kind<sum>} : vector<16xi1> -> vector<16xi32>
        %slice3A_320 = vector.extract_strided_slice %all_reduce_population_count3A {offsets = [0], sizes = [1], strides = [1]} : vector<16xi32> to vector<1xi32>
        %squeeze3A_321 = vector.extract %slice3A_320[0] : i32 from vector<1xi32>
        %add3A_322 = arith.addi %while3A_299, %squeeze3A_321 : i32
        %mul3A_323 = arith.constant 32 : i32
        %mul3A_324 = arith.muli %squeeze3A, %mul3A_323 : i32
        %add3A_325 = arith.constant 16 : i32
        %add3A_326 = arith.addi %mul3A_324, %add3A_325 : i32
        %get3A_327 = arith.index_cast %add3A_326 : i32 to index
        %get3A_328 = tpu.vector_load %arg6[%get3A_327] {strides = array<i32>} : memref<20480xf32, #tpu.memory_space<vmem>>, vector<16xf32>,
        %le3A_329 = arith.cmpf ole, %get3A_328, %broadcast_in_dim3A_262 : vector<16xf32>
        %min3A_330 = arith.constant 1024 : i32
        %min3A_331 = arith.minsi %add3A_322, %min3A_330 : i32
        %swap3A_332 = arith.index_cast %min3A_331 : i32 to index
        %swap3A_333 = tpu.vector_load %arg10[%swap3A_332] masked %le3A_329 {strides = array<i32>} : memref<1056xf32, #tpu.memory_space<vmem>>, vector<16xf32>, vector<16xi1>
        tpu.vector_store %arg10[%swap3A_332], %get3A_328 masked %le3A_329 {strides = array<i32>} : memref<1056xf32, #tpu.memory_space<vmem>>, vector<16xf32>, vector<16xi1>
        %mul3A_334 = arith.constant 32 : i32
        %mul3A_335 = arith.muli %squeeze3A, %mul3A_334 : i32
        %add3A_336 = arith.constant 16 : i32
        %add3A_337 = arith.addi %mul3A_335, %add3A_336 : i32
        %add3A_338 = vector.broadcast %add3A_337 : i32 to vector<16xi32>
        %add3A_339 = arith.addi %add3A_338, %iota3A_198 : vector<16xi32>
        %swap3A_340 = arith.index_cast %min3A_331 : i32 to index
        %swap3A_341 = tpu.vector_load %arg11[%swap3A_340] masked %le3A_329 {strides = array<i32>} : memref<1056xi32, #tpu.memory_space<vmem>>, vector<16xi32>, vector<16xi1>
        tpu.vector_store %arg11[%swap3A_340], %add3A_339 masked %le3A_329 {strides = array<i32>} : memref<1056xi32, #tpu.memory_space<vmem>>, vector<16xi32>, vector<16xi1>
        %all_reduce_population_count3A_342 = tpu.all_reduce %le3A_329 {dim = 0 : i64, kind = #tpu.reduction_kind<sum>} : vector<16xi1> -> vector<16xi32>
        %slice3A_343 = vector.extract_strided_slice %all_reduce_population_count3A_342 {offsets = [0], sizes = [1], strides = [1]} : vector<16xi32> to vector<1xi32>
        %squeeze3A_344 = vector.extract %slice3A_343[0] : i32 from vector<1xi32>
        %add3A_345 = arith.addi %add3A_322, %squeeze3A_344 : i32
        scf.yield %add3A_345 : i32
      }
      %while3A_284 = arith.constant 1 : i32
      %while3A_285 = scf.for %while3A_298 = %while3A_281 to %while3A_277 step %while3A_284 iter_args(%while3A_299 = %while3A_283) -> (i32)  : i32 {
        %get3A_300 = arith.index_cast %while3A_298 : i32 to index
        %get3A_301 = tpu.vector_load %arg9[%get3A_300] {strides = array<i32>} : memref<656xi32, #tpu.memory_space<vmem>>, vector<16xi32>,
        %slice3A = vector.extract_strided_slice %get3A_301 {offsets = [0], sizes = [1], strides = [1]} : vector<16xi32> to vector<1xi32>
        %squeeze3A = vector.extract %slice3A[0] : i32 from vector<1xi32>
        %mul3A_302 = arith.constant 32 : i32
        %mul3A_303 = arith.muli %squeeze3A, %mul3A_302 : i32
        %add3A_304 = arith.constant 0 : i32
        %add3A_305 = arith.addi %mul3A_303, %add3A_304 : i32
        %get3A_306 = arith.index_cast %add3A_305 : i32 to index
        %get3A_307 = tpu.vector_load %arg6[%get3A_306] {strides = array<i32>} : memref<20480xf32, #tpu.memory_space<vmem>>, vector<16xf32>,
        %le3A_308 = arith.cmpf ole, %get3A_307, %broadcast_in_dim3A_262 : vector<16xf32>
        %min3A_309 = arith.constant 1024 : i32
        %min3A_310 = arith.minsi %while3A_299, %min3A_309 : i32
        %swap3A = arith.index_cast %min3A_310 : i32 to index
        %swap3A_311 = tpu.vector_load %arg10[%swap3A] masked %le3A_308 {strides = array<i32>} : memref<1056xf32, #tpu.memory_space<vmem>>, vector<16xf32>, vector<16xi1>
        tpu.vector_store %arg10[%swap3A], %get3A_307 masked %le3A_308 {strides = array<i32>} : memref<1056xf32, #tpu.memory_space<vmem>>, vector<16xf32>, vector<16xi1>
        %mul3A_312 = arith.constant 32 : i32
        %mul3A_313 = arith.muli %squeeze3A, %mul3A_312 : i32
        %add3A_314 = arith.constant 0 : i32
        %add3A_315 = arith.addi %mul3A_313, %add3A_314 : i32
        %add3A_316 = vector.broadcast %add3A_315 : i32 to vector<16xi32>
        %add3A_317 = arith.addi %add3A_316, %iota3A_198 : vector<16xi32>
        %swap3A_318 = arith.index_cast %min3A_310 : i32 to index
        %swap3A_319 = tpu.vector_load %arg11[%swap3A_318] masked %le3A_308 {strides = array<i32>} : memref<1056xi32, #tpu.memory_space<vmem>>, vector<16xi32>, vector<16xi1>
        tpu.vector_store %arg11[%swap3A_318], %add3A_317 masked %le3A_308 {strides = array<i32>} : memref<1056xi32, #tpu.memory_space<vmem>>, vector<16xi32>, vector<16xi1>
        %all_reduce_population_count3A = tpu.all_reduce %le3A_308 {dim = 0 : i64, kind = #tpu.reduction_kind<sum>} : vector<16xi1> -> vector<16xi32>
        %slice3A_320 = vector.extract_strided_slice %all_reduce_population_count3A {offsets = [0], sizes = [1], strides = [1]} : vector<16xi32> to vector<1xi32>
        %squeeze3A_321 = vector.extract %slice3A_320[0] : i32 from vector<1xi32>
        %add3A_322 = arith.addi %while3A_299, %squeeze3A_321 : i32
        %mul3A_323 = arith.constant 32 : i32
        %mul3A_324 = arith.muli %squeeze3A, %mul3A_323 : i32
        %add3A_325 = arith.constant 16 : i32
        %add3A_326 = arith.addi %mul3A_324, %add3A_325 : i32
        %get3A_327 = arith.index_cast %add3A_326 : i32 to index
        %get3A_328 = tpu.vector_load %arg6[%get3A_327] {strides = array<i32>} : memref<20480xf32, #tpu.memory_space<vmem>>, vector<16xf32>,
        %le3A_329 = arith.cmpf ole, %get3A_328, %broadcast_in_dim3A_262 : vector<16xf32>
        %min3A_330 = arith.constant 1024 : i32
        %min3A_331 = arith.minsi %add3A_322, %min3A_330 : i32
        %swap3A_332 = arith.index_cast %min3A_331 : i32 to index
        %swap3A_333 = tpu.vector_load %arg10[%swap3A_332] masked %le3A_329 {strides = array<i32>} : memref<1056xf32, #tpu.memory_space<vmem>>, vector<16xf32>, vector<16xi1>
        tpu.vector_store %arg10[%swap3A_332], %get3A_328 masked %le3A_329 {strides = array<i32>} : memref<1056xf32, #tpu.memory_space<vmem>>, vector<16xf32>, vector<16xi1>
        %mul3A_334 = arith.constant 32 : i32
        %mul3A_335 = arith.muli %squeeze3A, %mul3A_334 : i32
        %add3A_336 = arith.constant 16 : i32
        %add3A_337 = arith.addi %mul3A_335, %add3A_336 : i32
        %add3A_338 = vector.broadcast %add3A_337 : i32 to vector<16xi32>
        %add3A_339 = arith.addi %add3A_338, %iota3A_198 : vector<16xi32>
        %swap3A_340 = arith.index_cast %min3A_331 : i32 to index
        %swap3A_341 = tpu.vector_load %arg11[%swap3A_340] masked %le3A_329 {strides = array<i32>} : memref<1056xi32, #tpu.memory_space<vmem>>, vector<16xi32>, vector<16xi1>
        tpu.vector_store %arg11[%swap3A_340], %add3A_339 masked %le3A_329 {strides = array<i32>} : memref<1056xi32, #tpu.memory_space<vmem>>, vector<16xi32>, vector<16xi1>
        %all_reduce_population_count3A_342 = tpu.all_reduce %le3A_329 {dim = 0 : i64, kind = #tpu.reduction_kind<sum>} : vector<16xi1> -> vector<16xi32>
        %slice3A_343 = vector.extract_strided_slice %all_reduce_population_count3A_342 {offsets = [0], sizes = [1], strides = [1]} : vector<16xi32> to vector<1xi32>
        %squeeze3A_344 = vector.extract %slice3A_343[0] : i32 from vector<1xi32>
        %add3A_345 = arith.addi %add3A_322, %squeeze3A_344 : i32
        scf.yield %add3A_345 : i32
      }
      %le3A_286 = arith.constant 1024 : i32
      %le3A_287 = arith.cmpi sle, %while3A_285, %le3A_286 : i32
      %convert_element_type3A_288 = arith.extui %le3A_287 : i1 to i32
      %cond3A_289 = arith.constant 0 : i32
      %cond3A_290 = arith.cmpi ne, %convert_element_type3A_288, %cond3A_289 : i32
      %cond3A_291:2 = scf.if %cond3A_290 -> (vector<16xf32>, vector<16xi32>) {
        %swap3A = arith.index_cast %while3A_285 : i32 to index
        %swap3A_298 = tpu.vector_load %arg10[%swap3A] {strides = array<i32>} : memref<1056xf32, #tpu.memory_space<vmem>>, vector<16xf32>,
        tpu.vector_store %arg10[%swap3A], %broadcast_in_dim3A_271 {strides = array<i32>} : memref<1056xf32, #tpu.memory_space<vmem>>, vector<16xf32>,
        %swap3A_299 = arith.index_cast %while3A_285 : i32 to index
        %swap3A_300 = tpu.vector_load %arg11[%swap3A_299] {strides = array<i32>} : memref<1056xi32, #tpu.memory_space<vmem>>, vector<16xi32>,
        tpu.vector_store %arg11[%swap3A_299], %broadcast_in_dim3A_273 {strides = array<i32>} : memref<1056xi32, #tpu.memory_space<vmem>>, vector<16xi32>,
        %add3A_301 = arith.constant 15 : i32
        %add3A_302 = arith.addi %while3A_285, %add3A_301 : i32
        %jit3A = arith.constant 16 : i32
        %div3A = arith.divsi %add3A_302, %jit3A : i32
        %sign3A = arith.constant 0 : i32
        %sign3A_303 = arith.cmpi sgt, %add3A_302, %sign3A : i32
        %sign3A_304 = arith.extui %sign3A_303 : i1 to i32
        %sign3A_305 = arith.constant 0 : i32
        %sign3A_306 = arith.cmpi slt, %add3A_302, %sign3A_305 : i32
        %sign3A_307 = arith.extui %sign3A_306 : i1 to i32
        %sign3A_308 = arith.subi %sign3A_304, %sign3A_307 : i32
        %sign3A_309 = arith.constant 0 : i32
        %sign3A_310 = arith.cmpi sgt, %jit3A, %sign3A_309 : i32
        %sign3A_311 = arith.extui %sign3A_310 : i1 to i32
        %sign3A_312 = arith.constant 0 : i32
        %sign3A_313 = arith.cmpi slt, %jit3A, %sign3A_312 : i32
        %sign3A_314 = arith.extui %sign3A_313 : i1 to i32
        %sign3A_315 = arith.subi %sign3A_311, %sign3A_314 : i32
        %ne3A = arith.cmpi ne, %sign3A_308, %sign3A_315 : i32
        %rem3A = arith.remsi %add3A_302, %jit3A : i32
        %ne3A_316 = arith.constant 0 : i32
        %ne3A_317 = arith.cmpi ne, %rem3A, %ne3A_316 : i32
        %and3A = arith.andi %ne3A, %ne3A_317 : i1
        %sub3A = arith.constant 1 : i32
        %sub3A_318 = arith.subi %div3A, %sub3A : i32
        %select_n3A = arith.select %and3A, %sub3A_318, %div3A : i32
        %while3A_319 = arith.constant 0 : i32
        %while3A_320 = arith.subi %select_n3A, %while3A_319 : i32
        %while3A_321 = arith.addi %while3A_319, %while3A_320 : i32
        %while3A_322 = arith.constant 1 : i32
        %while3A_323 = arith.divsi %while3A_320, %while3A_322 : i32
        %while3A_324 = arith.muli %while3A_323, %while3A_322 : i32
        %while3A_325 = arith.addi %while3A_319, %while3A_324 : i32
        %while3A_326 = arith.constant 1 : i32
        %while3A_327:2 = scf.for %while3A_330 = %while3A_319 to %while3A_325 step %while3A_326 iter_args(%while3A_331 = %broadcast_in_dim3A_271, %while3A_332 = %broadcast_in_dim3A_273) -> (vector<16xf32>, vector<16xi32>)  : i32 {
          %mul3A_333 = arith.constant 16 : i32
          %mul3A_334 = arith.muli %while3A_330, %mul3A_333 : i32
          %get3A_335 = arith.index_cast %mul3A_334 : i32 to index
          %get3A_336 = tpu.vector_load %arg10[%get3A_335] {strides = array<i32>} : memref<1056xf32, #tpu.memory_space<vmem>>, vector<16xf32>,
          %mul3A_337 = arith.constant 16 : i32
          %mul3A_338 = arith.muli %while3A_330, %mul3A_337 : i32
          %get3A_339 = arith.index_cast %mul3A_338 : i32 to index
          %get3A_340 = tpu.vector_load %arg11[%get3A_339] {strides = array<i32>} : memref<1056xi32, #tpu.memory_space<vmem>>, vector<16xi32>,
          %masked_sort3A = arith.constant dense<true> : vector<16xi1>
          %masked_sort3A_341, %masked_sort3A_342, %masked_sort3A_343 = tpu.sort %get3A_336, %get3A_340 masked %masked_sort3A {descending = true} : (vector<16xf32>, vector<16xi32>, vector<16xi1>) -> (vector<16xi1>, vector<16xf32>, vector<16xi32>)
          %iota3A_344 = tpu.iota {dimensions = array<i32: 0>} : vector<16xi32>
          %sub3A_345 = arith.constant 1 : i32
          %sub3A_346 = vector.broadcast %sub3A_345 : i32 to vector<16xi32>
          %sub3A_347 = arith.subi %iota3A_344, %sub3A_346 : vector<16xi32>
          %max3A = arith.constant 0 : i32
          %max3A_348 = vector.broadcast %max3A : i32 to vector<16xi32>
          %max3A_349 = arith.maxsi %sub3A_347, %max3A_348 : vector<16xi32>
          %broadcast_in_dim3A_350 = vector.shape_cast %max3A_349 : vector<16xi32> to vector<16x1xi32>
          %add3A_351 = arith.constant 1 : i32
          %add3A_352 = vector.broadcast %add3A_351 : i32 to vector<16xi32>
          %add3A_353 = arith.addi %iota3A_344, %add3A_352 : vector<16xi32>
          %min3A_354 = arith.constant 15 : i32
          %min3A_355 = vector.broadcast %min3A_354 : i32 to vector<16xi32>
          %min3A_356 = arith.minsi %add3A_353, %min3A_355 : vector<16xi32>
          %broadcast_in_dim3A_357 = vector.shape_cast %min3A_356 : vector<16xi32> to vector<16x1xi32>
          %jit3A_358 = arith.constant 2 : i32
          %eq3A = arith.constant 0 : i32
          %eq3A_359 = arith.cmpi eq, %jit3A_358, %eq3A : i32
          %jit3A_360 = arith.constant 1 : i32
          %select_n3A_361 = arith.select %eq3A_359, %jit3A_360, %jit3A_358 : i32
          %rem3A_362 = vector.broadcast %select_n3A_361 : i32 to vector<16xi32>
          %rem3A_363 = arith.remsi %iota3A_344, %rem3A_362 : vector<16xi32>
          %ne3A_364 = arith.constant 0 : i32
          %ne3A_365 = vector.broadcast %ne3A_364 : i32 to vector<16xi32>
          %ne3A_366 = arith.cmpi ne, %rem3A_363, %ne3A_365 : vector<16xi32>
          %lt3A_367 = arith.constant 0 : i32
          %lt3A_368 = vector.broadcast %lt3A_367 : i32 to vector<16xi32>
          %lt3A_369 = arith.cmpi slt, %rem3A_363, %lt3A_368 : vector<16xi32>
          %lt3A_370 = arith.constant 0 : i32
          %lt3A_371 = arith.cmpi slt, %select_n3A_361, %lt3A_370 : i32
          %ne3A_372 = vector.broadcast %lt3A_371 : i1 to vector<16xi1>
          %ne3A_373 = vector.broadcast %ne3A_372 : vector<16xi1> to vector<16xi1>
          %ne3A_374 = arith.xori %lt3A_369, %ne3A_373 : vector<16xi1>
          %and3A_375 = arith.andi %ne3A_374, %ne3A_366 : vector<16xi1>
          %add3A_376 = vector.broadcast %select_n3A_361 : i32 to vector<16xi32>
          %add3A_377 = arith.addi %rem3A_363, %add3A_376 : vector<16xi32>
          %select_n3A_378 = arith.select %and3A_375, %add3A_377, %rem3A_363 : vector<16xi1>, vector<16xi32>
          %eq3A_379 = arith.constant 0 : i32
          %eq3A_380 = vector.broadcast %eq3A_379 : i32 to vector<16xi32>
          %eq3A_381 = arith.cmpi eq, %select_n3A_378, %eq3A_380 : vector<16xi32>
          %gather3A = vector.shape_cast %broadcast_in_dim3A_350 : vector<16x1xi32> to vector<16xi32>
          %gather3A_382 = tpu.dynamic_gather %masked_sort3A_342[%gather3A] in [0] : vector<16xf32>, vector<16xi32> -> vector<16xf32>
          %gather3A_383 = vector.shape_cast %broadcast_in_dim3A_350 : vector<16x1xi32> to vector<16xi32>
          %gather3A_384 = tpu.dynamic_gather %masked_sort3A_343[%gather3A_383] in [0] : vector<16xi32>, vector<16xi32> -> vector<16xi32>
          %gather3A_385 = vector.shape_cast %broadcast_in_dim3A_357 : vector<16x1xi32> to vector<16xi32>
          %gather3A_386 = tpu.dynamic_gather %masked_sort3A_342[%gather3A_385] in [0] : vector<16xf32>, vector<16xi32> -> vector<16xf32>
          %gather3A_387 = vector.shape_cast %broadcast_in_dim3A_357 : vector<16x1xi32> to vector<16xi32>
          %gather3A_388 = tpu.dynamic_gather %masked_sort3A_343[%gather3A_387] in [0] : vector<16xi32>, vector<16xi32> -> vector<16xi32>
          %eq3A_389 = arith.cmpf oeq, %masked_sort3A_342, %gather3A_386 : vector<16xf32>
          %and3A_390 = arith.andi %eq3A_381, %eq3A_389 : vector<16xi1>
          %gt3A = arith.cmpi sgt, %gather3A_388, %masked_sort3A_343 : vector<16xi32>
          %and3A_391 = arith.andi %and3A_390, %gt3A : vector<16xi1>
          %not3A = arith.constant dense<true> : vector<16xi1>
          %not3A_392 = arith.xori %eq3A_381, %not3A : vector<16xi1>
          %eq3A_393 = arith.cmpf oeq, %masked_sort3A_342, %gather3A_382 : vector<16xf32>
          %and3A_394 = arith.andi %not3A_392, %eq3A_393 : vector<16xi1>
          %lt3A_395 = arith.cmpi slt, %gather3A_384, %masked_sort3A_343 : vector<16xi32>
          %and3A_396 = arith.andi %and3A_394, %lt3A_395 : vector<16xi1>
          %select_n3A_397 = arith.select %and3A_396, %gather3A_384, %masked_sort3A_343 : vector<16xi1>, vector<16xi32>
          %select_n3A_398 = arith.select %and3A_391, %gather3A_388, %select_n3A_397 : vector<16xi1>, vector<16xi32>
          %not3A_399 = arith.constant dense<true> : vector<16xi1>
          %not3A_400 = arith.xori %eq3A_381, %not3A_399 : vector<16xi1>
          %gather3A_401 = vector.shape_cast %broadcast_in_dim3A_350 : vector<16x1xi32> to vector<16xi32>
          %gather3A_402 = tpu.dynamic_gather %masked_sort3A_342[%gather3A_401] in [0] : vector<16xf32>, vector<16xi32> -> vector<16xf32>
          %gather3A_403 = vector.shape_cast %broadcast_in_dim3A_350 : vector<16x1xi32> to vector<16xi32>
          %gather3A_404 = tpu.dynamic_gather %select_n3A_398[%gather3A_403] in [0] : vector<16xi32>, vector<16xi32> -> vector<16xi32>
          %gather3A_405 = vector.shape_cast %broadcast_in_dim3A_357 : vector<16x1xi32> to vector<16xi32>
          %gather3A_406 = tpu.dynamic_gather %masked_sort3A_342[%gather3A_405] in [0] : vector<16xf32>, vector<16xi32> -> vector<16xf32>
          %gather3A_407 = vector.shape_cast %broadcast_in_dim3A_357 : vector<16x1xi32> to vector<16xi32>
          %gather3A_408 = tpu.dynamic_gather %select_n3A_398[%gather3A_407] in [0] : vector<16xi32>, vector<16xi32> -> vector<16xi32>
          %eq3A_409 = arith.cmpf oeq, %masked_sort3A_342, %gather3A_406 : vector<16xf32>
          %and3A_410 = arith.andi %not3A_400, %eq3A_409 : vector<16xi1>
          %gt3A_411 = arith.cmpi sgt, %gather3A_408, %select_n3A_398 : vector<16xi32>
          %and3A_412 = arith.andi %and3A_410, %gt3A_411 : vector<16xi1>
          %not3A_413 = arith.constant dense<true> : vector<16xi1>
          %not3A_414 = arith.xori %not3A_400, %not3A_413 : vector<16xi1>
          %eq3A_415 = arith.cmpf oeq, %masked_sort3A_342, %gather3A_402 : vector<16xf32>
          %and3A_416 = arith.andi %not3A_414, %eq3A_415 : vector<16xi1>
          %lt3A_417 = arith.cmpi slt, %gather3A_404, %select_n3A_398 : vector<16xi32>
          %and3A_418 = arith.andi %and3A_416, %lt3A_417 : vector<16xi1>
          %select_n3A_419 = arith.select %and3A_418, %gather3A_404, %select_n3A_398 : vector<16xi1>, vector<16xi32>
          %select_n3A_420 = arith.select %and3A_412, %gather3A_408, %select_n3A_419 : vector<16xi1>, vector<16xi32>
          %gather3A_421 = vector.shape_cast %broadcast_in_dim3A_350 : vector<16x1xi32> to vector<16xi32>
          %gather3A_422 = tpu.dynamic_gather %masked_sort3A_342[%gather3A_421] in [0] : vector<16xf32>, vector<16xi32> -> vector<16xf32>
          %gather3A_423 = vector.shape_cast %broadcast_in_dim3A_350 : vector<16x1xi32> to vector<16xi32>
          %gather3A_424 = tpu.dynamic_gather %select_n3A_420[%gather3A_423] in [0] : vector<16xi32>, vector<16xi32> -> vector<16xi32>
          %gather3A_425 = vector.shape_cast %broadcast_in_dim3A_357 : vector<16x1xi32> to vector<16xi32>
          %gather3A_426 = tpu.dynamic_gather %masked_sort3A_342[%gather3A_425] in [0] : vector<16xf32>, vector<16xi32> -> vector<16xf32>
          %gather3A_427 = vector.shape_cast %broadcast_in_dim3A_357 : vector<16x1xi32> to vector<16xi32>
          %gather3A_428 = tpu.dynamic_gather %select_n3A_420[%gather3A_427] in [0] : vector<16xi32>, vector<16xi32> -> vector<16xi32>
          %eq3A_429 = arith.cmpf oeq, %masked_sort3A_342, %gather3A_426 : vector<16xf32>
          %and3A_430 = arith.andi %eq3A_381, %eq3A_429 : vector<16xi1>
          %gt3A_431 = arith.cmpi sgt, %gather3A_428, %select_n3A_420 : vector<16xi32>
          %and3A_432 = arith.andi %and3A_430, %gt3A_431 : vector<16xi1>
          %not3A_433 = arith.constant dense<true> : vector<16xi1>
          %not3A_434 = arith.xori %eq3A_381, %not3A_433 : vector<16xi1>
          %eq3A_435 = arith.cmpf oeq, %masked_sort3A_342, %gather3A_422 : vector<16xf32>
          %and3A_436 = arith.andi %not3A_434, %eq3A_435 : vector<16xi1>
          %lt3A_437 = arith.cmpi slt, %gather3A_424, %select_n3A_420 : vector<16xi32>
          %and3A_438 = arith.andi %and3A_436, %lt3A_437 : vector<16xi1>
          %select_n3A_439 = arith.select %and3A_438, %gather3A_424, %select_n3A_420 : vector<16xi1>, vector<16xi32>
          %select_n3A_440 = arith.select %and3A_432, %gather3A_428, %select_n3A_439 : vector<16xi1>, vector<16xi32>
          %not3A_441 = arith.constant dense<true> : vector<16xi1>
          %not3A_442 = arith.xori %eq3A_381, %not3A_441 : vector<16xi1>
          %gather3A_443 = vector.shape_cast %broadcast_in_dim3A_350 : vector<16x1xi32> to vector<16xi32>
          %gather3A_444 = tpu.dynamic_gather %masked_sort3A_342[%gather3A_443] in [0] : vector<16xf32>, vector<16xi32> -> vector<16xf32>
          %gather3A_445 = vector.shape_cast %broadcast_in_dim3A_350 : vector<16x1xi32> to vector<16xi32>
          %gather3A_446 = tpu.dynamic_gather %select_n3A_440[%gather3A_445] in [0] : vector<16xi32>, vector<16xi32> -> vector<16xi32>
          %gather3A_447 = vector.shape_cast %broadcast_in_dim3A_357 : vector<16x1xi32> to vector<16xi32>
          %gather3A_448 = tpu.dynamic_gather %masked_sort3A_342[%gather3A_447] in [0] : vector<16xf32>, vector<16xi32> -> vector<16xf32>
          %gather3A_449 = vector.shape_cast %broadcast_in_dim3A_357 : vector<16x1xi32> to vector<16xi32>
          %gather3A_450 = tpu.dynamic_gather %select_n3A_440[%gather3A_449] in [0] : vector<16xi32>, vector<16xi32> -> vector<16xi32>
          %eq3A_451 = arith.cmpf oeq, %masked_sort3A_342, %gather3A_448 : vector<16xf32>
          %and3A_452 = arith.andi %not3A_442, %eq3A_451 : vector<16xi1>
          %gt3A_453 = arith.cmpi sgt, %gather3A_450, %select_n3A_440 : vector<16xi32>
          %and3A_454 = arith.andi %and3A_452, %gt3A_453 : vector<16xi1>
          %not3A_455 = arith.constant dense<true> : vector<16xi1>
          %not3A_456 = arith.xori %not3A_442, %not3A_455 : vector<16xi1>
          %eq3A_457 = arith.cmpf oeq, %masked_sort3A_342, %gather3A_444 : vector<16xf32>
          %and3A_458 = arith.andi %not3A_456, %eq3A_457 : vector<16xi1>
          %lt3A_459 = arith.cmpi slt, %gather3A_446, %select_n3A_440 : vector<16xi32>
          %and3A_460 = arith.andi %and3A_458, %lt3A_459 : vector<16xi1>
          %select_n3A_461 = arith.select %and3A_460, %gather3A_446, %select_n3A_440 : vector<16xi1>, vector<16xi32>
          %select_n3A_462 = arith.select %and3A_454, %gather3A_450, %select_n3A_461 : vector<16xi1>, vector<16xi32>
          %lt3A_463 = arith.cmpf olt, %masked_sort3A_342, %while3A_331 : vector<16xf32>
          %eq3A_464 = arith.cmpf oeq, %masked_sort3A_342, %while3A_331 : vector<16xf32>
          %lt3A_465 = arith.cmpi slt, %select_n3A_462, %while3A_332 : vector<16xi32>
          %and3A_466 = arith.andi %eq3A_464, %lt3A_465 : vector<16xi1>
          %or3A = arith.ori %lt3A_463, %and3A_466 : vector<16xi1>
          %select_n3A_467 = arith.select %or3A, %masked_sort3A_342, %while3A_331 : vector<16xi1>, vector<16xf32>
          %select_n3A_468 = arith.select %or3A, %select_n3A_462, %while3A_332 : vector<16xi1>, vector<16xi32>
          %masked_sort3A_469 = arith.constant dense<true> : vector<16xi1>
          %masked_sort3A_470, %masked_sort3A_471, %masked_sort3A_472 = tpu.sort %select_n3A_467, %select_n3A_468 masked %masked_sort3A_469 : (vector<16xf32>, vector<16xi32>, vector<16xi1>) -> (vector<16xi1>, vector<16xf32>, vector<16xi32>)
          %iota3A_473 = tpu.iota {dimensions = array<i32: 0>} : vector<16xi32>
          %sub3A_474 = arith.constant 1 : i32
          %sub3A_475 = vector.broadcast %sub3A_474 : i32 to vector<16xi32>
          %sub3A_476 = arith.subi %iota3A_473, %sub3A_475 : vector<16xi32>
          %max3A_477 = arith.constant 0 : i32
          %max3A_478 = vector.broadcast %max3A_477 : i32 to vector<16xi32>
          %max3A_479 = arith.maxsi %sub3A_476, %max3A_478 : vector<16xi32>
          %broadcast_in_dim3A_480 = vector.shape_cast %max3A_479 : vector<16xi32> to vector<16x1xi32>
          %add3A_481 = arith.constant 1 : i32
          %add3A_482 = vector.broadcast %add3A_481 : i32 to vector<16xi32>
          %add3A_483 = arith.addi %iota3A_473, %add3A_482 : vector<16xi32>
          %min3A_484 = arith.constant 15 : i32
          %min3A_485 = vector.broadcast %min3A_484 : i32 to vector<16xi32>
          %min3A_486 = arith.minsi %add3A_483, %min3A_485 : vector<16xi32>
          %broadcast_in_dim3A_487 = vector.shape_cast %min3A_486 : vector<16xi32> to vector<16x1xi32>
          %jit3A_488 = arith.constant 2 : i32
          %eq3A_489 = arith.constant 0 : i32
          %eq3A_490 = arith.cmpi eq, %jit3A_488, %eq3A_489 : i32
          %jit3A_491 = arith.constant 1 : i32
          %select_n3A_492 = arith.select %eq3A_490, %jit3A_491, %jit3A_488 : i32
          %rem3A_493 = vector.broadcast %select_n3A_492 : i32 to vector<16xi32>
          %rem3A_494 = arith.remsi %iota3A_473, %rem3A_493 : vector<16xi32>
          %ne3A_495 = arith.constant 0 : i32
          %ne3A_496 = vector.broadcast %ne3A_495 : i32 to vector<16xi32>
          %ne3A_497 = arith.cmpi ne, %rem3A_494, %ne3A_496 : vector<16xi32>
          %lt3A_498 = arith.constant 0 : i32
          %lt3A_499 = vector.broadcast %lt3A_498 : i32 to vector<16xi32>
          %lt3A_500 = arith.cmpi slt, %rem3A_494, %lt3A_499 : vector<16xi32>
          %lt3A_501 = arith.constant 0 : i32
          %lt3A_502 = arith.cmpi slt, %select_n3A_492, %lt3A_501 : i32
          %ne3A_503 = vector.broadcast %lt3A_502 : i1 to vector<16xi1>
          %ne3A_504 = vector.broadcast %ne3A_503 : vector<16xi1> to vector<16xi1>
          %ne3A_505 = arith.xori %lt3A_500, %ne3A_504 : vector<16xi1>
          %and3A_506 = arith.andi %ne3A_505, %ne3A_497 : vector<16xi1>
          %add3A_507 = vector.broadcast %select_n3A_492 : i32 to vector<16xi32>
          %add3A_508 = arith.addi %rem3A_494, %add3A_507 : vector<16xi32>
          %select_n3A_509 = arith.select %and3A_506, %add3A_508, %rem3A_494 : vector<16xi1>, vector<16xi32>
          %eq3A_510 = arith.constant 0 : i32
          %eq3A_511 = vector.broadcast %eq3A_510 : i32 to vector<16xi32>
          %eq3A_512 = arith.cmpi eq, %select_n3A_509, %eq3A_511 : vector<16xi32>
          %gather3A_513 = vector.shape_cast %broadcast_in_dim3A_480 : vector<16x1xi32> to vector<16xi32>
          %gather3A_514 = tpu.dynamic_gather %masked_sort3A_471[%gather3A_513] in [0] : vector<16xf32>, vector<16xi32> -> vector<16xf32>
          %gather3A_515 = vector.shape_cast %broadcast_in_dim3A_480 : vector<16x1xi32> to vector<16xi32>
          %gather3A_516 = tpu.dynamic_gather %masked_sort3A_472[%gather3A_515] in [0] : vector<16xi32>, vector<16xi32> -> vector<16xi32>
          %gather3A_517 = vector.shape_cast %broadcast_in_dim3A_487 : vector<16x1xi32> to vector<16xi32>
          %gather3A_518 = tpu.dynamic_gather %masked_sort3A_471[%gather3A_517] in [0] : vector<16xf32>, vector<16xi32> -> vector<16xf32>
          %gather3A_519 = vector.shape_cast %broadcast_in_dim3A_487 : vector<16x1xi32> to vector<16xi32>
          %gather3A_520 = tpu.dynamic_gather %masked_sort3A_472[%gather3A_519] in [0] : vector<16xi32>, vector<16xi32> -> vector<16xi32>
          %eq3A_521 = arith.cmpf oeq, %masked_sort3A_471, %gather3A_518 : vector<16xf32>
          %and3A_522 = arith.andi %eq3A_512, %eq3A_521 : vector<16xi1>
          %lt3A_523 = arith.cmpi slt, %gather3A_520, %masked_sort3A_472 : vector<16xi32>
          %and3A_524 = arith.andi %and3A_522, %lt3A_523 : vector<16xi1>
          %not3A_525 = arith.constant dense<true> : vector<16xi1>
          %not3A_526 = arith.xori %eq3A_512, %not3A_525 : vector<16xi1>
          %eq3A_527 = arith.cmpf oeq, %masked_sort3A_471, %gather3A_514 : vector<16xf32>
          %and3A_528 = arith.andi %not3A_526, %eq3A_527 : vector<16xi1>
          %gt3A_529 = arith.cmpi sgt, %gather3A_516, %masked_sort3A_472 : vector<16xi32>
          %and3A_530 = arith.andi %and3A_528, %gt3A_529 : vector<16xi1>
          %select_n3A_531 = arith.select %and3A_530, %gather3A_516, %masked_sort3A_472 : vector<16xi1>, vector<16xi32>
          %select_n3A_532 = arith.select %and3A_524, %gather3A_520, %select_n3A_531 : vector<16xi1>, vector<16xi32>
          %not3A_533 = arith.constant dense<true> : vector<16xi1>
          %not3A_534 = arith.xori %eq3A_512, %not3A_533 : vector<16xi1>
          %gather3A_535 = vector.shape_cast %broadcast_in_dim3A_480 : vector<16x1xi32> to vector<16xi32>
          %gather3A_536 = tpu.dynamic_gather %masked_sort3A_471[%gather3A_535] in [0] : vector<16xf32>, vector<16xi32> -> vector<16xf32>
          %gather3A_537 = vector.shape_cast %broadcast_in_dim3A_480 : vector<16x1xi32> to vector<16xi32>
          %gather3A_538 = tpu.dynamic_gather %select_n3A_532[%gather3A_537] in [0] : vector<16xi32>, vector<16xi32> -> vector<16xi32>
          %gather3A_539 = vector.shape_cast %broadcast_in_dim3A_487 : vector<16x1xi32> to vector<16xi32>
          %gather3A_540 = tpu.dynamic_gather %masked_sort3A_471[%gather3A_539] in [0] : vector<16xf32>, vector<16xi32> -> vector<16xf32>
          %gather3A_541 = vector.shape_cast %broadcast_in_dim3A_487 : vector<16x1xi32> to vector<16xi32>
          %gather3A_542 = tpu.dynamic_gather %select_n3A_532[%gather3A_541] in [0] : vector<16xi32>, vector<16xi32> -> vector<16xi32>
          %eq3A_543 = arith.cmpf oeq, %masked_sort3A_471, %gather3A_540 : vector<16xf32>
          %and3A_544 = arith.andi %not3A_534, %eq3A_543 : vector<16xi1>
          %lt3A_545 = arith.cmpi slt, %gather3A_542, %select_n3A_532 : vector<16xi32>
          %and3A_546 = arith.andi %and3A_544, %lt3A_545 : vector<16xi1>
          %not3A_547 = arith.constant dense<true> : vector<16xi1>
          %not3A_548 = arith.xori %not3A_534, %not3A_547 : vector<16xi1>
          %eq3A_549 = arith.cmpf oeq, %masked_sort3A_471, %gather3A_536 : vector<16xf32>
          %and3A_550 = arith.andi %not3A_548, %eq3A_549 : vector<16xi1>
          %gt3A_551 = arith.cmpi sgt, %gather3A_538, %select_n3A_532 : vector<16xi32>
          %and3A_552 = arith.andi %and3A_550, %gt3A_551 : vector<16xi1>
          %select_n3A_553 = arith.select %and3A_552, %gather3A_538, %select_n3A_532 : vector<16xi1>, vector<16xi32>
          %select_n3A_554 = arith.select %and3A_546, %gather3A_542, %select_n3A_553 : vector<16xi1>, vector<16xi32>
          %gather3A_555 = vector.shape_cast %broadcast_in_dim3A_480 : vector<16x1xi32> to vector<16xi32>
          %gather3A_556 = tpu.dynamic_gather %masked_sort3A_471[%gather3A_555] in [0] : vector<16xf32>, vector<16xi32> -> vector<16xf32>
          %gather3A_557 = vector.shape_cast %broadcast_in_dim3A_480 : vector<16x1xi32> to vector<16xi32>
          %gather3A_558 = tpu.dynamic_gather %select_n3A_554[%gather3A_557] in [0] : vector<16xi32>, vector<16xi32> -> vector<16xi32>
          %gather3A_559 = vector.shape_cast %broadcast_in_dim3A_487 : vector<16x1xi32> to vector<16xi32>
          %gather3A_560 = tpu.dynamic_gather %masked_sort3A_471[%gather3A_559] in [0] : vector<16xf32>, vector<16xi32> -> vector<16xf32>
          %gather3A_561 = vector.shape_cast %broadcast_in_dim3A_487 : vector<16x1xi32> to vector<16xi32>
          %gather3A_562 = tpu.dynamic_gather %select_n3A_554[%gather3A_561] in [0] : vector<16xi32>, vector<16xi32> -> vector<16xi32>
          %eq3A_563 = arith.cmpf oeq, %masked_sort3A_471, %gather3A_560 : vector<16xf32>
          %and3A_564 = arith.andi %eq3A_512, %eq3A_563 : vector<16xi1>
          %lt3A_565 = arith.cmpi slt, %gather3A_562, %select_n3A_554 : vector<16xi32>
          %and3A_566 = arith.andi %and3A_564, %lt3A_565 : vector<16xi1>
          %not3A_567 = arith.constant dense<true> : vector<16xi1>
          %not3A_568 = arith.xori %eq3A_512, %not3A_567 : vector<16xi1>
          %eq3A_569 = arith.cmpf oeq, %masked_sort3A_471, %gather3A_556 : vector<16xf32>
          %and3A_570 = arith.andi %not3A_568, %eq3A_569 : vector<16xi1>
          %gt3A_571 = arith.cmpi sgt, %gather3A_558, %select_n3A_554 : vector<16xi32>
          %and3A_572 = arith.andi %and3A_570, %gt3A_571 : vector<16xi1>
          %select_n3A_573 = arith.select %and3A_572, %gather3A_558, %select_n3A_554 : vector<16xi1>, vector<16xi32>
          %select_n3A_574 = arith.select %and3A_566, %gather3A_562, %select_n3A_573 : vector<16xi1>, vector<16xi32>
          %not3A_575 = arith.constant dense<true> : vector<16xi1>
          %not3A_576 = arith.xori %eq3A_512, %not3A_575 : vector<16xi1>
          %gather3A_577 = vector.shape_cast %broadcast_in_dim3A_480 : vector<16x1xi32> to vector<16xi32>
          %gather3A_578 = tpu.dynamic_gather %masked_sort3A_471[%gather3A_577] in [0] : vector<16xf32>, vector<16xi32> -> vector<16xf32>
          %gather3A_579 = vector.shape_cast %broadcast_in_dim3A_480 : vector<16x1xi32> to vector<16xi32>
          %gather3A_580 = tpu.dynamic_gather %select_n3A_574[%gather3A_579] in [0] : vector<16xi32>, vector<16xi32> -> vector<16xi32>
          %gather3A_581 = vector.shape_cast %broadcast_in_dim3A_487 : vector<16x1xi32> to vector<16xi32>
          %gather3A_582 = tpu.dynamic_gather %masked_sort3A_471[%gather3A_581] in [0] : vector<16xf32>, vector<16xi32> -> vector<16xf32>
          %gather3A_583 = vector.shape_cast %broadcast_in_dim3A_487 : vector<16x1xi32> to vector<16xi32>
          %gather3A_584 = tpu.dynamic_gather %select_n3A_574[%gather3A_583] in [0] : vector<16xi32>, vector<16xi32> -> vector<16xi32>
          %eq3A_585 = arith.cmpf oeq, %masked_sort3A_471, %gather3A_582 : vector<16xf32>
          %and3A_586 = arith.andi %not3A_576, %eq3A_585 : vector<16xi1>
          %lt3A_587 = arith.cmpi slt, %gather3A_584, %select_n3A_574 : vector<16xi32>
          %and3A_588 = arith.andi %and3A_586, %lt3A_587 : vector<16xi1>
          %not3A_589 = arith.constant dense<true> : vector<16xi1>
          %not3A_590 = arith.xori %not3A_576, %not3A_589 : vector<16xi1>
          %eq3A_591 = arith.cmpf oeq, %masked_sort3A_471, %gather3A_578 : vector<16xf32>
          %and3A_592 = arith.andi %not3A_590, %eq3A_591 : vector<16xi1>
          %gt3A_593 = arith.cmpi sgt, %gather3A_580, %select_n3A_574 : vector<16xi32>
          %and3A_594 = arith.andi %and3A_592, %gt3A_593 : vector<16xi1>
          %select_n3A_595 = arith.select %and3A_594, %gather3A_580, %select_n3A_574 : vector<16xi1>, vector<16xi32>
          %select_n3A_596 = arith.select %and3A_588, %gather3A_584, %select_n3A_595 : vector<16xi1>, vector<16xi32>
          scf.yield %masked_sort3A_471, %select_n3A_596 : vector<16xf32>, vector<16xi32>
        }
        %while3A_328 = arith.constant 1 : i32
        %while3A_329:2 = scf.for %while3A_330 = %while3A_325 to %while3A_321 step %while3A_328 iter_args(%while3A_331 = %while3A_327#0, %while3A_332 = %while3A_327#1) -> (vector<16xf32>, vector<16xi32>)  : i32 {
          %mul3A_333 = arith.constant 16 : i32
          %mul3A_334 = arith.muli %while3A_330, %mul3A_333 : i32
          %get3A_335 = arith.index_cast %mul3A_334 : i32 to index
          %get3A_336 = tpu.vector_load %arg10[%get3A_335] {strides = array<i32>} : memref<1056xf32, #tpu.memory_space<vmem>>, vector<16xf32>,
          %mul3A_337 = arith.constant 16 : i32
          %mul3A_338 = arith.muli %while3A_330, %mul3A_337 : i32
          %get3A_339 = arith.index_cast %mul3A_338 : i32 to index
          %get3A_340 = tpu.vector_load %arg11[%get3A_339] {strides = array<i32>} : memref<1056xi32, #tpu.memory_space<vmem>>, vector<16xi32>,
          %masked_sort3A = arith.constant dense<true> : vector<16xi1>
          %masked_sort3A_341, %masked_sort3A_342, %masked_sort3A_343 = tpu.sort %get3A_336, %get3A_340 masked %masked_sort3A {descending = true} : (vector<16xf32>, vector<16xi32>, vector<16xi1>) -> (vector<16xi1>, vector<16xf32>, vector<16xi32>)
          %iota3A_344 = tpu.iota {dimensions = array<i32: 0>} : vector<16xi32>
          %sub3A_345 = arith.constant 1 : i32
          %sub3A_346 = vector.broadcast %sub3A_345 : i32 to vector<16xi32>
          %sub3A_347 = arith.subi %iota3A_344, %sub3A_346 : vector<16xi32>
          %max3A = arith.constant 0 : i32
          %max3A_348 = vector.broadcast %max3A : i32 to vector<16xi32>
          %max3A_349 = arith.maxsi %sub3A_347, %max3A_348 : vector<16xi32>
          %broadcast_in_dim3A_350 = vector.shape_cast %max3A_349 : vector<16xi32> to vector<16x1xi32>
          %add3A_351 = arith.constant 1 : i32
          %add3A_352 = vector.broadcast %add3A_351 : i32 to vector<16xi32>
          %add3A_353 = arith.addi %iota3A_344, %add3A_352 : vector<16xi32>
          %min3A_354 = arith.constant 15 : i32
          %min3A_355 = vector.broadcast %min3A_354 : i32 to vector<16xi32>
          %min3A_356 = arith.minsi %add3A_353, %min3A_355 : vector<16xi32>
          %broadcast_in_dim3A_357 = vector.shape_cast %min3A_356 : vector<16xi32> to vector<16x1xi32>
          %jit3A_358 = arith.constant 2 : i32
          %eq3A = arith.constant 0 : i32
          %eq3A_359 = arith.cmpi eq, %jit3A_358, %eq3A : i32
          %jit3A_360 = arith.constant 1 : i32
          %select_n3A_361 = arith.select %eq3A_359, %jit3A_360, %jit3A_358 : i32
          %rem3A_362 = vector.broadcast %select_n3A_361 : i32 to vector<16xi32>
          %rem3A_363 = arith.remsi %iota3A_344, %rem3A_362 : vector<16xi32>
          %ne3A_364 = arith.constant 0 : i32
          %ne3A_365 = vector.broadcast %ne3A_364 : i32 to vector<16xi32>
          %ne3A_366 = arith.cmpi ne, %rem3A_363, %ne3A_365 : vector<16xi32>
          %lt3A_367 = arith.constant 0 : i32
          %lt3A_368 = vector.broadcast %lt3A_367 : i32 to vector<16xi32>
          %lt3A_369 = arith.cmpi slt, %rem3A_363, %lt3A_368 : vector<16xi32>
          %lt3A_370 = arith.constant 0 : i32
          %lt3A_371 = arith.cmpi slt, %select_n3A_361, %lt3A_370 : i32
          %ne3A_372 = vector.broadcast %lt3A_371 : i1 to vector<16xi1>
          %ne3A_373 = vector.broadcast %ne3A_372 : vector<16xi1> to vector<16xi1>
          %ne3A_374 = arith.xori %lt3A_369, %ne3A_373 : vector<16xi1>
          %and3A_375 = arith.andi %ne3A_374, %ne3A_366 : vector<16xi1>
          %add3A_376 = vector.broadcast %select_n3A_361 : i32 to vector<16xi32>
          %add3A_377 = arith.addi %rem3A_363, %add3A_376 : vector<16xi32>
          %select_n3A_378 = arith.select %and3A_375, %add3A_377, %rem3A_363 : vector<16xi1>, vector<16xi32>
          %eq3A_379 = arith.constant 0 : i32
          %eq3A_380 = vector.broadcast %eq3A_379 : i32 to vector<16xi32>
          %eq3A_381 = arith.cmpi eq, %select_n3A_378, %eq3A_380 : vector<16xi32>
          %gather3A = vector.shape_cast %broadcast_in_dim3A_350 : vector<16x1xi32> to vector<16xi32>
          %gather3A_382 = tpu.dynamic_gather %masked_sort3A_342[%gather3A] in [0] : vector<16xf32>, vector<16xi32> -> vector<16xf32>
          %gather3A_383 = vector.shape_cast %broadcast_in_dim3A_350 : vector<16x1xi32> to vector<16xi32>
          %gather3A_384 = tpu.dynamic_gather %masked_sort3A_343[%gather3A_383] in [0] : vector<16xi32>, vector<16xi32> -> vector<16xi32>
          %gather3A_385 = vector.shape_cast %broadcast_in_dim3A_357 : vector<16x1xi32> to vector<16xi32>
          %gather3A_386 = tpu.dynamic_gather %masked_sort3A_342[%gather3A_385] in [0] : vector<16xf32>, vector<16xi32> -> vector<16xf32>
          %gather3A_387 = vector.shape_cast %broadcast_in_dim3A_357 : vector<16x1xi32> to vector<16xi32>
          %gather3A_388 = tpu.dynamic_gather %masked_sort3A_343[%gather3A_387] in [0] : vector<16xi32>, vector<16xi32> -> vector<16xi32>
          %eq3A_389 = arith.cmpf oeq, %masked_sort3A_342, %gather3A_386 : vector<16xf32>
          %and3A_390 = arith.andi %eq3A_381, %eq3A_389 : vector<16xi1>
          %gt3A = arith.cmpi sgt, %gather3A_388, %masked_sort3A_343 : vector<16xi32>
          %and3A_391 = arith.andi %and3A_390, %gt3A : vector<16xi1>
          %not3A = arith.constant dense<true> : vector<16xi1>
          %not3A_392 = arith.xori %eq3A_381, %not3A : vector<16xi1>
          %eq3A_393 = arith.cmpf oeq, %masked_sort3A_342, %gather3A_382 : vector<16xf32>
          %and3A_394 = arith.andi %not3A_392, %eq3A_393 : vector<16xi1>
          %lt3A_395 = arith.cmpi slt, %gather3A_384, %masked_sort3A_343 : vector<16xi32>
          %and3A_396 = arith.andi %and3A_394, %lt3A_395 : vector<16xi1>
          %select_n3A_397 = arith.select %and3A_396, %gather3A_384, %masked_sort3A_343 : vector<16xi1>, vector<16xi32>
          %select_n3A_398 = arith.select %and3A_391, %gather3A_388, %select_n3A_397 : vector<16xi1>, vector<16xi32>
          %not3A_399 = arith.constant dense<true> : vector<16xi1>
          %not3A_400 = arith.xori %eq3A_381, %not3A_399 : vector<16xi1>
          %gather3A_401 = vector.shape_cast %broadcast_in_dim3A_350 : vector<16x1xi32> to vector<16xi32>
          %gather3A_402 = tpu.dynamic_gather %masked_sort3A_342[%gather3A_401] in [0] : vector<16xf32>, vector<16xi32> -> vector<16xf32>
          %gather3A_403 = vector.shape_cast %broadcast_in_dim3A_350 : vector<16x1xi32> to vector<16xi32>
          %gather3A_404 = tpu.dynamic_gather %select_n3A_398[%gather3A_403] in [0] : vector<16xi32>, vector<16xi32> -> vector<16xi32>
          %gather3A_405 = vector.shape_cast %broadcast_in_dim3A_357 : vector<16x1xi32> to vector<16xi32>
          %gather3A_406 = tpu.dynamic_gather %masked_sort3A_342[%gather3A_405] in [0] : vector<16xf32>, vector<16xi32> -> vector<16xf32>
          %gather3A_407 = vector.shape_cast %broadcast_in_dim3A_357 : vector<16x1xi32> to vector<16xi32>
          %gather3A_408 = tpu.dynamic_gather %select_n3A_398[%gather3A_407] in [0] : vector<16xi32>, vector<16xi32> -> vector<16xi32>
          %eq3A_409 = arith.cmpf oeq, %masked_sort3A_342, %gather3A_406 : vector<16xf32>
          %and3A_410 = arith.andi %not3A_400, %eq3A_409 : vector<16xi1>
          %gt3A_411 = arith.cmpi sgt, %gather3A_408, %select_n3A_398 : vector<16xi32>
          %and3A_412 = arith.andi %and3A_410, %gt3A_411 : vector<16xi1>
          %not3A_413 = arith.constant dense<true> : vector<16xi1>
          %not3A_414 = arith.xori %not3A_400, %not3A_413 : vector<16xi1>
          %eq3A_415 = arith.cmpf oeq, %masked_sort3A_342, %gather3A_402 : vector<16xf32>
          %and3A_416 = arith.andi %not3A_414, %eq3A_415 : vector<16xi1>
          %lt3A_417 = arith.cmpi slt, %gather3A_404, %select_n3A_398 : vector<16xi32>
          %and3A_418 = arith.andi %and3A_416, %lt3A_417 : vector<16xi1>
          %select_n3A_419 = arith.select %and3A_418, %gather3A_404, %select_n3A_398 : vector<16xi1>, vector<16xi32>
          %select_n3A_420 = arith.select %and3A_412, %gather3A_408, %select_n3A_419 : vector<16xi1>, vector<16xi32>
          %gather3A_421 = vector.shape_cast %broadcast_in_dim3A_350 : vector<16x1xi32> to vector<16xi32>
          %gather3A_422 = tpu.dynamic_gather %masked_sort3A_342[%gather3A_421] in [0] : vector<16xf32>, vector<16xi32> -> vector<16xf32>
          %gather3A_423 = vector.shape_cast %broadcast_in_dim3A_350 : vector<16x1xi32> to vector<16xi32>
          %gather3A_424 = tpu.dynamic_gather %select_n3A_420[%gather3A_423] in [0] : vector<16xi32>, vector<16xi32> -> vector<16xi32>
          %gather3A_425 = vector.shape_cast %broadcast_in_dim3A_357 : vector<16x1xi32> to vector<16xi32>
          %gather3A_426 = tpu.dynamic_gather %masked_sort3A_342[%gather3A_425] in [0] : vector<16xf32>, vector<16xi32> -> vector<16xf32>
          %gather3A_427 = vector.shape_cast %broadcast_in_dim3A_357 : vector<16x1xi32> to vector<16xi32>
          %gather3A_428 = tpu.dynamic_gather %select_n3A_420[%gather3A_427] in [0] : vector<16xi32>, vector<16xi32> -> vector<16xi32>
          %eq3A_429 = arith.cmpf oeq, %masked_sort3A_342, %gather3A_426 : vector<16xf32>
          %and3A_430 = arith.andi %eq3A_381, %eq3A_429 : vector<16xi1>
          %gt3A_431 = arith.cmpi sgt, %gather3A_428, %select_n3A_420 : vector<16xi32>
          %and3A_432 = arith.andi %and3A_430, %gt3A_431 : vector<16xi1>
          %not3A_433 = arith.constant dense<true> : vector<16xi1>
          %not3A_434 = arith.xori %eq3A_381, %not3A_433 : vector<16xi1>
          %eq3A_435 = arith.cmpf oeq, %masked_sort3A_342, %gather3A_422 : vector<16xf32>
          %and3A_436 = arith.andi %not3A_434, %eq3A_435 : vector<16xi1>
          %lt3A_437 = arith.cmpi slt, %gather3A_424, %select_n3A_420 : vector<16xi32>
          %and3A_438 = arith.andi %and3A_436, %lt3A_437 : vector<16xi1>
          %select_n3A_439 = arith.select %and3A_438, %gather3A_424, %select_n3A_420 : vector<16xi1>, vector<16xi32>
          %select_n3A_440 = arith.select %and3A_432, %gather3A_428, %select_n3A_439 : vector<16xi1>, vector<16xi32>
          %not3A_441 = arith.constant dense<true> : vector<16xi1>
          %not3A_442 = arith.xori %eq3A_381, %not3A_441 : vector<16xi1>
          %gather3A_443 = vector.shape_cast %broadcast_in_dim3A_350 : vector<16x1xi32> to vector<16xi32>
          %gather3A_444 = tpu.dynamic_gather %masked_sort3A_342[%gather3A_443] in [0] : vector<16xf32>, vector<16xi32> -> vector<16xf32>
          %gather3A_445 = vector.shape_cast %broadcast_in_dim3A_350 : vector<16x1xi32> to vector<16xi32>
          %gather3A_446 = tpu.dynamic_gather %select_n3A_440[%gather3A_445] in [0] : vector<16xi32>, vector<16xi32> -> vector<16xi32>
          %gather3A_447 = vector.shape_cast %broadcast_in_dim3A_357 : vector<16x1xi32> to vector<16xi32>
          %gather3A_448 = tpu.dynamic_gather %masked_sort3A_342[%gather3A_447] in [0] : vector<16xf32>, vector<16xi32> -> vector<16xf32>
          %gather3A_449 = vector.shape_cast %broadcast_in_dim3A_357 : vector<16x1xi32> to vector<16xi32>
          %gather3A_450 = tpu.dynamic_gather %select_n3A_440[%gather3A_449] in [0] : vector<16xi32>, vector<16xi32> -> vector<16xi32>
          %eq3A_451 = arith.cmpf oeq, %masked_sort3A_342, %gather3A_448 : vector<16xf32>
          %and3A_452 = arith.andi %not3A_442, %eq3A_451 : vector<16xi1>
          %gt3A_453 = arith.cmpi sgt, %gather3A_450, %select_n3A_440 : vector<16xi32>
          %and3A_454 = arith.andi %and3A_452, %gt3A_453 : vector<16xi1>
          %not3A_455 = arith.constant dense<true> : vector<16xi1>
          %not3A_456 = arith.xori %not3A_442, %not3A_455 : vector<16xi1>
          %eq3A_457 = arith.cmpf oeq, %masked_sort3A_342, %gather3A_444 : vector<16xf32>
          %and3A_458 = arith.andi %not3A_456, %eq3A_457 : vector<16xi1>
          %lt3A_459 = arith.cmpi slt, %gather3A_446, %select_n3A_440 : vector<16xi32>
          %and3A_460 = arith.andi %and3A_458, %lt3A_459 : vector<16xi1>
          %select_n3A_461 = arith.select %and3A_460, %gather3A_446, %select_n3A_440 : vector<16xi1>, vector<16xi32>
          %select_n3A_462 = arith.select %and3A_454, %gather3A_450, %select_n3A_461 : vector<16xi1>, vector<16xi32>
          %lt3A_463 = arith.cmpf olt, %masked_sort3A_342, %while3A_331 : vector<16xf32>
          %eq3A_464 = arith.cmpf oeq, %masked_sort3A_342, %while3A_331 : vector<16xf32>
          %lt3A_465 = arith.cmpi slt, %select_n3A_462, %while3A_332 : vector<16xi32>
          %and3A_466 = arith.andi %eq3A_464, %lt3A_465 : vector<16xi1>
          %or3A = arith.ori %lt3A_463, %and3A_466 : vector<16xi1>
          %select_n3A_467 = arith.select %or3A, %masked_sort3A_342, %while3A_331 : vector<16xi1>, vector<16xf32>
          %select_n3A_468 = arith.select %or3A, %select_n3A_462, %while3A_332 : vector<16xi1>, vector<16xi32>
          %masked_sort3A_469 = arith.constant dense<true> : vector<16xi1>
          %masked_sort3A_470, %masked_sort3A_471, %masked_sort3A_472 = tpu.sort %select_n3A_467, %select_n3A_468 masked %masked_sort3A_469 : (vector<16xf32>, vector<16xi32>, vector<16xi1>) -> (vector<16xi1>, vector<16xf32>, vector<16xi32>)
          %iota3A_473 = tpu.iota {dimensions = array<i32: 0>} : vector<16xi32>
          %sub3A_474 = arith.constant 1 : i32
          %sub3A_475 = vector.broadcast %sub3A_474 : i32 to vector<16xi32>
          %sub3A_476 = arith.subi %iota3A_473, %sub3A_475 : vector<16xi32>
          %max3A_477 = arith.constant 0 : i32
          %max3A_478 = vector.broadcast %max3A_477 : i32 to vector<16xi32>
          %max3A_479 = arith.maxsi %sub3A_476, %max3A_478 : vector<16xi32>
          %broadcast_in_dim3A_480 = vector.shape_cast %max3A_479 : vector<16xi32> to vector<16x1xi32>
          %add3A_481 = arith.constant 1 : i32
          %add3A_482 = vector.broadcast %add3A_481 : i32 to vector<16xi32>
          %add3A_483 = arith.addi %iota3A_473, %add3A_482 : vector<16xi32>
          %min3A_484 = arith.constant 15 : i32
          %min3A_485 = vector.broadcast %min3A_484 : i32 to vector<16xi32>
          %min3A_486 = arith.minsi %add3A_483, %min3A_485 : vector<16xi32>
          %broadcast_in_dim3A_487 = vector.shape_cast %min3A_486 : vector<16xi32> to vector<16x1xi32>
          %jit3A_488 = arith.constant 2 : i32
          %eq3A_489 = arith.constant 0 : i32
          %eq3A_490 = arith.cmpi eq, %jit3A_488, %eq3A_489 : i32
          %jit3A_491 = arith.constant 1 : i32
          %select_n3A_492 = arith.select %eq3A_490, %jit3A_491, %jit3A_488 : i32
          %rem3A_493 = vector.broadcast %select_n3A_492 : i32 to vector<16xi32>
          %rem3A_494 = arith.remsi %iota3A_473, %rem3A_493 : vector<16xi32>
          %ne3A_495 = arith.constant 0 : i32
          %ne3A_496 = vector.broadcast %ne3A_495 : i32 to vector<16xi32>
          %ne3A_497 = arith.cmpi ne, %rem3A_494, %ne3A_496 : vector<16xi32>
          %lt3A_498 = arith.constant 0 : i32
          %lt3A_499 = vector.broadcast %lt3A_498 : i32 to vector<16xi32>
          %lt3A_500 = arith.cmpi slt, %rem3A_494, %lt3A_499 : vector<16xi32>
          %lt3A_501 = arith.constant 0 : i32
          %lt3A_502 = arith.cmpi slt, %select_n3A_492, %lt3A_501 : i32
          %ne3A_503 = vector.broadcast %lt3A_502 : i1 to vector<16xi1>
          %ne3A_504 = vector.broadcast %ne3A_503 : vector<16xi1> to vector<16xi1>
          %ne3A_505 = arith.xori %lt3A_500, %ne3A_504 : vector<16xi1>
          %and3A_506 = arith.andi %ne3A_505, %ne3A_497 : vector<16xi1>
          %add3A_507 = vector.broadcast %select_n3A_492 : i32 to vector<16xi32>
          %add3A_508 = arith.addi %rem3A_494, %add3A_507 : vector<16xi32>
          %select_n3A_509 = arith.select %and3A_506, %add3A_508, %rem3A_494 : vector<16xi1>, vector<16xi32>
          %eq3A_510 = arith.constant 0 : i32
          %eq3A_511 = vector.broadcast %eq3A_510 : i32 to vector<16xi32>
          %eq3A_512 = arith.cmpi eq, %select_n3A_509, %eq3A_511 : vector<16xi32>
          %gather3A_513 = vector.shape_cast %broadcast_in_dim3A_480 : vector<16x1xi32> to vector<16xi32>
          %gather3A_514 = tpu.dynamic_gather %masked_sort3A_471[%gather3A_513] in [0] : vector<16xf32>, vector<16xi32> -> vector<16xf32>
          %gather3A_515 = vector.shape_cast %broadcast_in_dim3A_480 : vector<16x1xi32> to vector<16xi32>
          %gather3A_516 = tpu.dynamic_gather %masked_sort3A_472[%gather3A_515] in [0] : vector<16xi32>, vector<16xi32> -> vector<16xi32>
          %gather3A_517 = vector.shape_cast %broadcast_in_dim3A_487 : vector<16x1xi32> to vector<16xi32>
          %gather3A_518 = tpu.dynamic_gather %masked_sort3A_471[%gather3A_517] in [0] : vector<16xf32>, vector<16xi32> -> vector<16xf32>
          %gather3A_519 = vector.shape_cast %broadcast_in_dim3A_487 : vector<16x1xi32> to vector<16xi32>
          %gather3A_520 = tpu.dynamic_gather %masked_sort3A_472[%gather3A_519] in [0] : vector<16xi32>, vector<16xi32> -> vector<16xi32>
          %eq3A_521 = arith.cmpf oeq, %masked_sort3A_471, %gather3A_518 : vector<16xf32>
          %and3A_522 = arith.andi %eq3A_512, %eq3A_521 : vector<16xi1>
          %lt3A_523 = arith.cmpi slt, %gather3A_520, %masked_sort3A_472 : vector<16xi32>
          %and3A_524 = arith.andi %and3A_522, %lt3A_523 : vector<16xi1>
          %not3A_525 = arith.constant dense<true> : vector<16xi1>
          %not3A_526 = arith.xori %eq3A_512, %not3A_525 : vector<16xi1>
          %eq3A_527 = arith.cmpf oeq, %masked_sort3A_471, %gather3A_514 : vector<16xf32>
          %and3A_528 = arith.andi %not3A_526, %eq3A_527 : vector<16xi1>
          %gt3A_529 = arith.cmpi sgt, %gather3A_516, %masked_sort3A_472 : vector<16xi32>
          %and3A_530 = arith.andi %and3A_528, %gt3A_529 : vector<16xi1>
          %select_n3A_531 = arith.select %and3A_530, %gather3A_516, %masked_sort3A_472 : vector<16xi1>, vector<16xi32>
          %select_n3A_532 = arith.select %and3A_524, %gather3A_520, %select_n3A_531 : vector<16xi1>, vector<16xi32>
          %not3A_533 = arith.constant dense<true> : vector<16xi1>
          %not3A_534 = arith.xori %eq3A_512, %not3A_533 : vector<16xi1>
          %gather3A_535 = vector.shape_cast %broadcast_in_dim3A_480 : vector<16x1xi32> to vector<16xi32>
          %gather3A_536 = tpu.dynamic_gather %masked_sort3A_471[%gather3A_535] in [0] : vector<16xf32>, vector<16xi32> -> vector<16xf32>
          %gather3A_537 = vector.shape_cast %broadcast_in_dim3A_480 : vector<16x1xi32> to vector<16xi32>
          %gather3A_538 = tpu.dynamic_gather %select_n3A_532[%gather3A_537] in [0] : vector<16xi32>, vector<16xi32> -> vector<16xi32>
          %gather3A_539 = vector.shape_cast %broadcast_in_dim3A_487 : vector<16x1xi32> to vector<16xi32>
          %gather3A_540 = tpu.dynamic_gather %masked_sort3A_471[%gather3A_539] in [0] : vector<16xf32>, vector<16xi32> -> vector<16xf32>
          %gather3A_541 = vector.shape_cast %broadcast_in_dim3A_487 : vector<16x1xi32> to vector<16xi32>
          %gather3A_542 = tpu.dynamic_gather %select_n3A_532[%gather3A_541] in [0] : vector<16xi32>, vector<16xi32> -> vector<16xi32>
          %eq3A_543 = arith.cmpf oeq, %masked_sort3A_471, %gather3A_540 : vector<16xf32>
          %and3A_544 = arith.andi %not3A_534, %eq3A_543 : vector<16xi1>
          %lt3A_545 = arith.cmpi slt, %gather3A_542, %select_n3A_532 : vector<16xi32>
          %and3A_546 = arith.andi %and3A_544, %lt3A_545 : vector<16xi1>
          %not3A_547 = arith.constant dense<true> : vector<16xi1>
          %not3A_548 = arith.xori %not3A_534, %not3A_547 : vector<16xi1>
          %eq3A_549 = arith.cmpf oeq, %masked_sort3A_471, %gather3A_536 : vector<16xf32>
          %and3A_550 = arith.andi %not3A_548, %eq3A_549 : vector<16xi1>
          %gt3A_551 = arith.cmpi sgt, %gather3A_538, %select_n3A_532 : vector<16xi32>
          %and3A_552 = arith.andi %and3A_550, %gt3A_551 : vector<16xi1>
          %select_n3A_553 = arith.select %and3A_552, %gather3A_538, %select_n3A_532 : vector<16xi1>, vector<16xi32>
          %select_n3A_554 = arith.select %and3A_546, %gather3A_542, %select_n3A_553 : vector<16xi1>, vector<16xi32>
          %gather3A_555 = vector.shape_cast %broadcast_in_dim3A_480 : vector<16x1xi32> to vector<16xi32>
          %gather3A_556 = tpu.dynamic_gather %masked_sort3A_471[%gather3A_555] in [0] : vector<16xf32>, vector<16xi32> -> vector<16xf32>
          %gather3A_557 = vector.shape_cast %broadcast_in_dim3A_480 : vector<16x1xi32> to vector<16xi32>
          %gather3A_558 = tpu.dynamic_gather %select_n3A_554[%gather3A_557] in [0] : vector<16xi32>, vector<16xi32> -> vector<16xi32>
          %gather3A_559 = vector.shape_cast %broadcast_in_dim3A_487 : vector<16x1xi32> to vector<16xi32>
          %gather3A_560 = tpu.dynamic_gather %masked_sort3A_471[%gather3A_559] in [0] : vector<16xf32>, vector<16xi32> -> vector<16xf32>
          %gather3A_561 = vector.shape_cast %broadcast_in_dim3A_487 : vector<16x1xi32> to vector<16xi32>
          %gather3A_562 = tpu.dynamic_gather %select_n3A_554[%gather3A_561] in [0] : vector<16xi32>, vector<16xi32> -> vector<16xi32>
          %eq3A_563 = arith.cmpf oeq, %masked_sort3A_471, %gather3A_560 : vector<16xf32>
          %and3A_564 = arith.andi %eq3A_512, %eq3A_563 : vector<16xi1>
          %lt3A_565 = arith.cmpi slt, %gather3A_562, %select_n3A_554 : vector<16xi32>
          %and3A_566 = arith.andi %and3A_564, %lt3A_565 : vector<16xi1>
          %not3A_567 = arith.constant dense<true> : vector<16xi1>
          %not3A_568 = arith.xori %eq3A_512, %not3A_567 : vector<16xi1>
          %eq3A_569 = arith.cmpf oeq, %masked_sort3A_471, %gather3A_556 : vector<16xf32>
          %and3A_570 = arith.andi %not3A_568, %eq3A_569 : vector<16xi1>
          %gt3A_571 = arith.cmpi sgt, %gather3A_558, %select_n3A_554 : vector<16xi32>
          %and3A_572 = arith.andi %and3A_570, %gt3A_571 : vector<16xi1>
          %select_n3A_573 = arith.select %and3A_572, %gather3A_558, %select_n3A_554 : vector<16xi1>, vector<16xi32>
          %select_n3A_574 = arith.select %and3A_566, %gather3A_562, %select_n3A_573 : vector<16xi1>, vector<16xi32>
          %not3A_575 = arith.constant dense<true> : vector<16xi1>
          %not3A_576 = arith.xori %eq3A_512, %not3A_575 : vector<16xi1>
          %gather3A_577 = vector.shape_cast %broadcast_in_dim3A_480 : vector<16x1xi32> to vector<16xi32>
          %gather3A_578 = tpu.dynamic_gather %masked_sort3A_471[%gather3A_577] in [0] : vector<16xf32>, vector<16xi32> -> vector<16xf32>
          %gather3A_579 = vector.shape_cast %broadcast_in_dim3A_480 : vector<16x1xi32> to vector<16xi32>
          %gather3A_580 = tpu.dynamic_gather %select_n3A_574[%gather3A_579] in [0] : vector<16xi32>, vector<16xi32> -> vector<16xi32>
          %gather3A_581 = vector.shape_cast %broadcast_in_dim3A_487 : vector<16x1xi32> to vector<16xi32>
          %gather3A_582 = tpu.dynamic_gather %masked_sort3A_471[%gather3A_581] in [0] : vector<16xf32>, vector<16xi32> -> vector<16xf32>
          %gather3A_583 = vector.shape_cast %broadcast_in_dim3A_487 : vector<16x1xi32> to vector<16xi32>
          %gather3A_584 = tpu.dynamic_gather %select_n3A_574[%gather3A_583] in [0] : vector<16xi32>, vector<16xi32> -> vector<16xi32>
          %eq3A_585 = arith.cmpf oeq, %masked_sort3A_471, %gather3A_582 : vector<16xf32>
          %and3A_586 = arith.andi %not3A_576, %eq3A_585 : vector<16xi1>
          %lt3A_587 = arith.cmpi slt, %gather3A_584, %select_n3A_574 : vector<16xi32>
          %and3A_588 = arith.andi %and3A_586, %lt3A_587 : vector<16xi1>
          %not3A_589 = arith.constant dense<true> : vector<16xi1>
          %not3A_590 = arith.xori %not3A_576, %not3A_589 : vector<16xi1>
          %eq3A_591 = arith.cmpf oeq, %masked_sort3A_471, %gather3A_578 : vector<16xf32>
          %and3A_592 = arith.andi %not3A_590, %eq3A_591 : vector<16xi1>
          %gt3A_593 = arith.cmpi sgt, %gather3A_580, %select_n3A_574 : vector<16xi32>
          %and3A_594 = arith.andi %and3A_592, %gt3A_593 : vector<16xi1>
          %select_n3A_595 = arith.select %and3A_594, %gather3A_580, %select_n3A_574 : vector<16xi1>, vector<16xi32>
          %select_n3A_596 = arith.select %and3A_588, %gather3A_584, %select_n3A_595 : vector<16xi1>, vector<16xi32>
          scf.yield %masked_sort3A_471, %select_n3A_596 : vector<16xf32>, vector<16xi32>
        }
        scf.yield %while3A_329#0, %while3A_329#1 : vector<16xf32>, vector<16xi32>
      } else {
        %while3A_298 = arith.constant 0 : i32
        %while3A_299 = arith.subi %scan3A_268, %while3A_298 : i32
        %while3A_300 = arith.addi %while3A_298, %while3A_299 : i32
        %while3A_301 = arith.constant 1 : i32
        %while3A_302 = arith.divsi %while3A_299, %while3A_301 : i32
        %while3A_303 = arith.muli %while3A_302, %while3A_301 : i32
        %while3A_304 = arith.addi %while3A_298, %while3A_303 : i32
        %while3A_305 = arith.constant 1 : i32
        %while3A_306:2 = scf.for %while3A_309 = %while3A_298 to %while3A_304 step %while3A_305 iter_args(%while3A_310 = %broadcast_in_dim3A_271, %while3A_311 = %broadcast_in_dim3A_273) -> (vector<16xf32>, vector<16xi32>)  : i32 {
          %get3A_312 = arith.index_cast %while3A_309 : i32 to index
          %get3A_313 = tpu.vector_load %arg9[%get3A_312] {strides = array<i32>} : memref<656xi32, #tpu.memory_space<vmem>>, vector<16xi32>,
          %slice3A = vector.extract_strided_slice %get3A_313 {offsets = [0], sizes = [1], strides = [1]} : vector<16xi32> to vector<1xi32>
          %squeeze3A = vector.extract %slice3A[0] : i32 from vector<1xi32>
          %mul3A_314 = arith.constant 32 : i32
          %mul3A_315 = arith.muli %squeeze3A, %mul3A_314 : i32
          %add3A_316 = arith.constant 0 : i32
          %add3A_317 = arith.addi %mul3A_315, %add3A_316 : i32
          %get3A_318 = arith.index_cast %add3A_317 : i32 to index
          %get3A_319 = tpu.vector_load %arg6[%get3A_318] {strides = array<i32>} : memref<20480xf32, #tpu.memory_space<vmem>>, vector<16xf32>,
          %mul3A_320 = arith.constant 32 : i32
          %mul3A_321 = arith.muli %squeeze3A, %mul3A_320 : i32
          %add3A_322 = arith.constant 0 : i32
          %add3A_323 = arith.addi %mul3A_321, %add3A_322 : i32
          %add3A_324 = vector.broadcast %add3A_323 : i32 to vector<16xi32>
          %add3A_325 = arith.addi %add3A_324, %iota3A_198 : vector<16xi32>
          %masked_sort3A = arith.constant dense<true> : vector<16xi1>
          %masked_sort3A_326, %masked_sort3A_327, %masked_sort3A_328 = tpu.sort %get3A_319, %add3A_325 masked %masked_sort3A {descending = true} : (vector<16xf32>, vector<16xi32>, vector<16xi1>) -> (vector<16xi1>, vector<16xf32>, vector<16xi32>)
          %iota3A_329 = tpu.iota {dimensions = array<i32: 0>} : vector<16xi32>
          %sub3A = arith.constant 1 : i32
          %sub3A_330 = vector.broadcast %sub3A : i32 to vector<16xi32>
          %sub3A_331 = arith.subi %iota3A_329, %sub3A_330 : vector<16xi32>
          %max3A = arith.constant 0 : i32
          %max3A_332 = vector.broadcast %max3A : i32 to vector<16xi32>
          %max3A_333 = arith.maxsi %sub3A_331, %max3A_332 : vector<16xi32>
          %broadcast_in_dim3A_334 = vector.shape_cast %max3A_333 : vector<16xi32> to vector<16x1xi32>
          %add3A_335 = arith.constant 1 : i32
          %add3A_336 = vector.broadcast %add3A_335 : i32 to vector<16xi32>
          %add3A_337 = arith.addi %iota3A_329, %add3A_336 : vector<16xi32>
          %min3A_338 = arith.constant 15 : i32
          %min3A_339 = vector.broadcast %min3A_338 : i32 to vector<16xi32>
          %min3A_340 = arith.minsi %add3A_337, %min3A_339 : vector<16xi32>
          %broadcast_in_dim3A_341 = vector.shape_cast %min3A_340 : vector<16xi32> to vector<16x1xi32>
          %jit3A = arith.constant 2 : i32
          %eq3A = arith.constant 0 : i32
          %eq3A_342 = arith.cmpi eq, %jit3A, %eq3A : i32
          %jit3A_343 = arith.constant 1 : i32
          %select_n3A = arith.select %eq3A_342, %jit3A_343, %jit3A : i32
          %rem3A = vector.broadcast %select_n3A : i32 to vector<16xi32>
          %rem3A_344 = arith.remsi %iota3A_329, %rem3A : vector<16xi32>
          %ne3A = arith.constant 0 : i32
          %ne3A_345 = vector.broadcast %ne3A : i32 to vector<16xi32>
          %ne3A_346 = arith.cmpi ne, %rem3A_344, %ne3A_345 : vector<16xi32>
          %lt3A_347 = arith.constant 0 : i32
          %lt3A_348 = vector.broadcast %lt3A_347 : i32 to vector<16xi32>
          %lt3A_349 = arith.cmpi slt, %rem3A_344, %lt3A_348 : vector<16xi32>
          %lt3A_350 = arith.constant 0 : i32
          %lt3A_351 = arith.cmpi slt, %select_n3A, %lt3A_350 : i32
          %ne3A_352 = vector.broadcast %lt3A_351 : i1 to vector<16xi1>
          %ne3A_353 = vector.broadcast %ne3A_352 : vector<16xi1> to vector<16xi1>
          %ne3A_354 = arith.xori %lt3A_349, %ne3A_353 : vector<16xi1>
          %and3A = arith.andi %ne3A_354, %ne3A_346 : vector<16xi1>
          %add3A_355 = vector.broadcast %select_n3A : i32 to vector<16xi32>
          %add3A_356 = arith.addi %rem3A_344, %add3A_355 : vector<16xi32>
          %select_n3A_357 = arith.select %and3A, %add3A_356, %rem3A_344 : vector<16xi1>, vector<16xi32>
          %eq3A_358 = arith.constant 0 : i32
          %eq3A_359 = vector.broadcast %eq3A_358 : i32 to vector<16xi32>
          %eq3A_360 = arith.cmpi eq, %select_n3A_357, %eq3A_359 : vector<16xi32>
          %gather3A = vector.shape_cast %broadcast_in_dim3A_334 : vector<16x1xi32> to vector<16xi32>
          %gather3A_361 = tpu.dynamic_gather %masked_sort3A_327[%gather3A] in [0] : vector<16xf32>, vector<16xi32> -> vector<16xf32>
          %gather3A_362 = vector.shape_cast %broadcast_in_dim3A_334 : vector<16x1xi32> to vector<16xi32>
          %gather3A_363 = tpu.dynamic_gather %masked_sort3A_328[%gather3A_362] in [0] : vector<16xi32>, vector<16xi32> -> vector<16xi32>
          %gather3A_364 = vector.shape_cast %broadcast_in_dim3A_341 : vector<16x1xi32> to vector<16xi32>
          %gather3A_365 = tpu.dynamic_gather %masked_sort3A_327[%gather3A_364] in [0] : vector<16xf32>, vector<16xi32> -> vector<16xf32>
          %gather3A_366 = vector.shape_cast %broadcast_in_dim3A_341 : vector<16x1xi32> to vector<16xi32>
          %gather3A_367 = tpu.dynamic_gather %masked_sort3A_328[%gather3A_366] in [0] : vector<16xi32>, vector<16xi32> -> vector<16xi32>
          %eq3A_368 = arith.cmpf oeq, %masked_sort3A_327, %gather3A_365 : vector<16xf32>
          %and3A_369 = arith.andi %eq3A_360, %eq3A_368 : vector<16xi1>
          %gt3A = arith.cmpi sgt, %gather3A_367, %masked_sort3A_328 : vector<16xi32>
          %and3A_370 = arith.andi %and3A_369, %gt3A : vector<16xi1>
          %not3A = arith.constant dense<true> : vector<16xi1>
          %not3A_371 = arith.xori %eq3A_360, %not3A : vector<16xi1>
          %eq3A_372 = arith.cmpf oeq, %masked_sort3A_327, %gather3A_361 : vector<16xf32>
          %and3A_373 = arith.andi %not3A_371, %eq3A_372 : vector<16xi1>
          %lt3A_374 = arith.cmpi slt, %gather3A_363, %masked_sort3A_328 : vector<16xi32>
          %and3A_375 = arith.andi %and3A_373, %lt3A_374 : vector<16xi1>
          %select_n3A_376 = arith.select %and3A_375, %gather3A_363, %masked_sort3A_328 : vector<16xi1>, vector<16xi32>
          %select_n3A_377 = arith.select %and3A_370, %gather3A_367, %select_n3A_376 : vector<16xi1>, vector<16xi32>
          %not3A_378 = arith.constant dense<true> : vector<16xi1>
          %not3A_379 = arith.xori %eq3A_360, %not3A_378 : vector<16xi1>
          %gather3A_380 = vector.shape_cast %broadcast_in_dim3A_334 : vector<16x1xi32> to vector<16xi32>
          %gather3A_381 = tpu.dynamic_gather %masked_sort3A_327[%gather3A_380] in [0] : vector<16xf32>, vector<16xi32> -> vector<16xf32>
          %gather3A_382 = vector.shape_cast %broadcast_in_dim3A_334 : vector<16x1xi32> to vector<16xi32>
          %gather3A_383 = tpu.dynamic_gather %select_n3A_377[%gather3A_382] in [0] : vector<16xi32>, vector<16xi32> -> vector<16xi32>
          %gather3A_384 = vector.shape_cast %broadcast_in_dim3A_341 : vector<16x1xi32> to vector<16xi32>
          %gather3A_385 = tpu.dynamic_gather %masked_sort3A_327[%gather3A_384] in [0] : vector<16xf32>, vector<16xi32> -> vector<16xf32>
          %gather3A_386 = vector.shape_cast %broadcast_in_dim3A_341 : vector<16x1xi32> to vector<16xi32>
          %gather3A_387 = tpu.dynamic_gather %select_n3A_377[%gather3A_386] in [0] : vector<16xi32>, vector<16xi32> -> vector<16xi32>
          %eq3A_388 = arith.cmpf oeq, %masked_sort3A_327, %gather3A_385 : vector<16xf32>
          %and3A_389 = arith.andi %not3A_379, %eq3A_388 : vector<16xi1>
          %gt3A_390 = arith.cmpi sgt, %gather3A_387, %select_n3A_377 : vector<16xi32>
          %and3A_391 = arith.andi %and3A_389, %gt3A_390 : vector<16xi1>
          %not3A_392 = arith.constant dense<true> : vector<16xi1>
          %not3A_393 = arith.xori %not3A_379, %not3A_392 : vector<16xi1>
          %eq3A_394 = arith.cmpf oeq, %masked_sort3A_327, %gather3A_381 : vector<16xf32>
          %and3A_395 = arith.andi %not3A_393, %eq3A_394 : vector<16xi1>
          %lt3A_396 = arith.cmpi slt, %gather3A_383, %select_n3A_377 : vector<16xi32>
          %and3A_397 = arith.andi %and3A_395, %lt3A_396 : vector<16xi1>
          %select_n3A_398 = arith.select %and3A_397, %gather3A_383, %select_n3A_377 : vector<16xi1>, vector<16xi32>
          %select_n3A_399 = arith.select %and3A_391, %gather3A_387, %select_n3A_398 : vector<16xi1>, vector<16xi32>
          %gather3A_400 = vector.shape_cast %broadcast_in_dim3A_334 : vector<16x1xi32> to vector<16xi32>
          %gather3A_401 = tpu.dynamic_gather %masked_sort3A_327[%gather3A_400] in [0] : vector<16xf32>, vector<16xi32> -> vector<16xf32>
          %gather3A_402 = vector.shape_cast %broadcast_in_dim3A_334 : vector<16x1xi32> to vector<16xi32>
          %gather3A_403 = tpu.dynamic_gather %select_n3A_399[%gather3A_402] in [0] : vector<16xi32>, vector<16xi32> -> vector<16xi32>
          %gather3A_404 = vector.shape_cast %broadcast_in_dim3A_341 : vector<16x1xi32> to vector<16xi32>
          %gather3A_405 = tpu.dynamic_gather %masked_sort3A_327[%gather3A_404] in [0] : vector<16xf32>, vector<16xi32> -> vector<16xf32>
          %gather3A_406 = vector.shape_cast %broadcast_in_dim3A_341 : vector<16x1xi32> to vector<16xi32>
          %gather3A_407 = tpu.dynamic_gather %select_n3A_399[%gather3A_406] in [0] : vector<16xi32>, vector<16xi32> -> vector<16xi32>
          %eq3A_408 = arith.cmpf oeq, %masked_sort3A_327, %gather3A_405 : vector<16xf32>
          %and3A_409 = arith.andi %eq3A_360, %eq3A_408 : vector<16xi1>
          %gt3A_410 = arith.cmpi sgt, %gather3A_407, %select_n3A_399 : vector<16xi32>
          %and3A_411 = arith.andi %and3A_409, %gt3A_410 : vector<16xi1>
          %not3A_412 = arith.constant dense<true> : vector<16xi1>
          %not3A_413 = arith.xori %eq3A_360, %not3A_412 : vector<16xi1>
          %eq3A_414 = arith.cmpf oeq, %masked_sort3A_327, %gather3A_401 : vector<16xf32>
          %and3A_415 = arith.andi %not3A_413, %eq3A_414 : vector<16xi1>
          %lt3A_416 = arith.cmpi slt, %gather3A_403, %select_n3A_399 : vector<16xi32>
          %and3A_417 = arith.andi %and3A_415, %lt3A_416 : vector<16xi1>
          %select_n3A_418 = arith.select %and3A_417, %gather3A_403, %select_n3A_399 : vector<16xi1>, vector<16xi32>
          %select_n3A_419 = arith.select %and3A_411, %gather3A_407, %select_n3A_418 : vector<16xi1>, vector<16xi32>
          %not3A_420 = arith.constant dense<true> : vector<16xi1>
          %not3A_421 = arith.xori %eq3A_360, %not3A_420 : vector<16xi1>
          %gather3A_422 = vector.shape_cast %broadcast_in_dim3A_334 : vector<16x1xi32> to vector<16xi32>
          %gather3A_423 = tpu.dynamic_gather %masked_sort3A_327[%gather3A_422] in [0] : vector<16xf32>, vector<16xi32> -> vector<16xf32>
          %gather3A_424 = vector.shape_cast %broadcast_in_dim3A_334 : vector<16x1xi32> to vector<16xi32>
          %gather3A_425 = tpu.dynamic_gather %select_n3A_419[%gather3A_424] in [0] : vector<16xi32>, vector<16xi32> -> vector<16xi32>
          %gather3A_426 = vector.shape_cast %broadcast_in_dim3A_341 : vector<16x1xi32> to vector<16xi32>
          %gather3A_427 = tpu.dynamic_gather %masked_sort3A_327[%gather3A_426] in [0] : vector<16xf32>, vector<16xi32> -> vector<16xf32>
          %gather3A_428 = vector.shape_cast %broadcast_in_dim3A_341 : vector<16x1xi32> to vector<16xi32>
          %gather3A_429 = tpu.dynamic_gather %select_n3A_419[%gather3A_428] in [0] : vector<16xi32>, vector<16xi32> -> vector<16xi32>
          %eq3A_430 = arith.cmpf oeq, %masked_sort3A_327, %gather3A_427 : vector<16xf32>
          %and3A_431 = arith.andi %not3A_421, %eq3A_430 : vector<16xi1>
          %gt3A_432 = arith.cmpi sgt, %gather3A_429, %select_n3A_419 : vector<16xi32>
          %and3A_433 = arith.andi %and3A_431, %gt3A_432 : vector<16xi1>
          %not3A_434 = arith.constant dense<true> : vector<16xi1>
          %not3A_435 = arith.xori %not3A_421, %not3A_434 : vector<16xi1>
          %eq3A_436 = arith.cmpf oeq, %masked_sort3A_327, %gather3A_423 : vector<16xf32>
          %and3A_437 = arith.andi %not3A_435, %eq3A_436 : vector<16xi1>
          %lt3A_438 = arith.cmpi slt, %gather3A_425, %select_n3A_419 : vector<16xi32>
          %and3A_439 = arith.andi %and3A_437, %lt3A_438 : vector<16xi1>
          %select_n3A_440 = arith.select %and3A_439, %gather3A_425, %select_n3A_419 : vector<16xi1>, vector<16xi32>
          %select_n3A_441 = arith.select %and3A_433, %gather3A_429, %select_n3A_440 : vector<16xi1>, vector<16xi32>
          %lt3A_442 = arith.cmpf olt, %masked_sort3A_327, %while3A_310 : vector<16xf32>
          %eq3A_443 = arith.cmpf oeq, %masked_sort3A_327, %while3A_310 : vector<16xf32>
          %lt3A_444 = arith.cmpi slt, %select_n3A_441, %while3A_311 : vector<16xi32>
          %and3A_445 = arith.andi %eq3A_443, %lt3A_444 : vector<16xi1>
          %or3A = arith.ori %lt3A_442, %and3A_445 : vector<16xi1>
          %select_n3A_446 = arith.select %or3A, %masked_sort3A_327, %while3A_310 : vector<16xi1>, vector<16xf32>
          %select_n3A_447 = arith.select %or3A, %select_n3A_441, %while3A_311 : vector<16xi1>, vector<16xi32>
          %masked_sort3A_448 = arith.constant dense<true> : vector<16xi1>
          %masked_sort3A_449, %masked_sort3A_450, %masked_sort3A_451 = tpu.sort %select_n3A_446, %select_n3A_447 masked %masked_sort3A_448 : (vector<16xf32>, vector<16xi32>, vector<16xi1>) -> (vector<16xi1>, vector<16xf32>, vector<16xi32>)
          %iota3A_452 = tpu.iota {dimensions = array<i32: 0>} : vector<16xi32>
          %sub3A_453 = arith.constant 1 : i32
          %sub3A_454 = vector.broadcast %sub3A_453 : i32 to vector<16xi32>
          %sub3A_455 = arith.subi %iota3A_452, %sub3A_454 : vector<16xi32>
          %max3A_456 = arith.constant 0 : i32
          %max3A_457 = vector.broadcast %max3A_456 : i32 to vector<16xi32>
          %max3A_458 = arith.maxsi %sub3A_455, %max3A_457 : vector<16xi32>
          %broadcast_in_dim3A_459 = vector.shape_cast %max3A_458 : vector<16xi32> to vector<16x1xi32>
          %add3A_460 = arith.constant 1 : i32
          %add3A_461 = vector.broadcast %add3A_460 : i32 to vector<16xi32>
          %add3A_462 = arith.addi %iota3A_452, %add3A_461 : vector<16xi32>
          %min3A_463 = arith.constant 15 : i32
          %min3A_464 = vector.broadcast %min3A_463 : i32 to vector<16xi32>
          %min3A_465 = arith.minsi %add3A_462, %min3A_464 : vector<16xi32>
          %broadcast_in_dim3A_466 = vector.shape_cast %min3A_465 : vector<16xi32> to vector<16x1xi32>
          %jit3A_467 = arith.constant 2 : i32
          %eq3A_468 = arith.constant 0 : i32
          %eq3A_469 = arith.cmpi eq, %jit3A_467, %eq3A_468 : i32
          %jit3A_470 = arith.constant 1 : i32
          %select_n3A_471 = arith.select %eq3A_469, %jit3A_470, %jit3A_467 : i32
          %rem3A_472 = vector.broadcast %select_n3A_471 : i32 to vector<16xi32>
          %rem3A_473 = arith.remsi %iota3A_452, %rem3A_472 : vector<16xi32>
          %ne3A_474 = arith.constant 0 : i32
          %ne3A_475 = vector.broadcast %ne3A_474 : i32 to vector<16xi32>
          %ne3A_476 = arith.cmpi ne, %rem3A_473, %ne3A_475 : vector<16xi32>
          %lt3A_477 = arith.constant 0 : i32
          %lt3A_478 = vector.broadcast %lt3A_477 : i32 to vector<16xi32>
          %lt3A_479 = arith.cmpi slt, %rem3A_473, %lt3A_478 : vector<16xi32>
          %lt3A_480 = arith.constant 0 : i32
          %lt3A_481 = arith.cmpi slt, %select_n3A_471, %lt3A_480 : i32
          %ne3A_482 = vector.broadcast %lt3A_481 : i1 to vector<16xi1>
          %ne3A_483 = vector.broadcast %ne3A_482 : vector<16xi1> to vector<16xi1>
          %ne3A_484 = arith.xori %lt3A_479, %ne3A_483 : vector<16xi1>
          %and3A_485 = arith.andi %ne3A_484, %ne3A_476 : vector<16xi1>
          %add3A_486 = vector.broadcast %select_n3A_471 : i32 to vector<16xi32>
          %add3A_487 = arith.addi %rem3A_473, %add3A_486 : vector<16xi32>
          %select_n3A_488 = arith.select %and3A_485, %add3A_487, %rem3A_473 : vector<16xi1>, vector<16xi32>
          %eq3A_489 = arith.constant 0 : i32
          %eq3A_490 = vector.broadcast %eq3A_489 : i32 to vector<16xi32>
          %eq3A_491 = arith.cmpi eq, %select_n3A_488, %eq3A_490 : vector<16xi32>
          %gather3A_492 = vector.shape_cast %broadcast_in_dim3A_459 : vector<16x1xi32> to vector<16xi32>
          %gather3A_493 = tpu.dynamic_gather %masked_sort3A_450[%gather3A_492] in [0] : vector<16xf32>, vector<16xi32> -> vector<16xf32>
          %gather3A_494 = vector.shape_cast %broadcast_in_dim3A_459 : vector<16x1xi32> to vector<16xi32>
          %gather3A_495 = tpu.dynamic_gather %masked_sort3A_451[%gather3A_494] in [0] : vector<16xi32>, vector<16xi32> -> vector<16xi32>
          %gather3A_496 = vector.shape_cast %broadcast_in_dim3A_466 : vector<16x1xi32> to vector<16xi32>
          %gather3A_497 = tpu.dynamic_gather %masked_sort3A_450[%gather3A_496] in [0] : vector<16xf32>, vector<16xi32> -> vector<16xf32>
          %gather3A_498 = vector.shape_cast %broadcast_in_dim3A_466 : vector<16x1xi32> to vector<16xi32>
          %gather3A_499 = tpu.dynamic_gather %masked_sort3A_451[%gather3A_498] in [0] : vector<16xi32>, vector<16xi32> -> vector<16xi32>
          %eq3A_500 = arith.cmpf oeq, %masked_sort3A_450, %gather3A_497 : vector<16xf32>
          %and3A_501 = arith.andi %eq3A_491, %eq3A_500 : vector<16xi1>
          %lt3A_502 = arith.cmpi slt, %gather3A_499, %masked_sort3A_451 : vector<16xi32>
          %and3A_503 = arith.andi %and3A_501, %lt3A_502 : vector<16xi1>
          %not3A_504 = arith.constant dense<true> : vector<16xi1>
          %not3A_505 = arith.xori %eq3A_491, %not3A_504 : vector<16xi1>
          %eq3A_506 = arith.cmpf oeq, %masked_sort3A_450, %gather3A_493 : vector<16xf32>
          %and3A_507 = arith.andi %not3A_505, %eq3A_506 : vector<16xi1>
          %gt3A_508 = arith.cmpi sgt, %gather3A_495, %masked_sort3A_451 : vector<16xi32>
          %and3A_509 = arith.andi %and3A_507, %gt3A_508 : vector<16xi1>
          %select_n3A_510 = arith.select %and3A_509, %gather3A_495, %masked_sort3A_451 : vector<16xi1>, vector<16xi32>
          %select_n3A_511 = arith.select %and3A_503, %gather3A_499, %select_n3A_510 : vector<16xi1>, vector<16xi32>
          %not3A_512 = arith.constant dense<true> : vector<16xi1>
          %not3A_513 = arith.xori %eq3A_491, %not3A_512 : vector<16xi1>
          %gather3A_514 = vector.shape_cast %broadcast_in_dim3A_459 : vector<16x1xi32> to vector<16xi32>
          %gather3A_515 = tpu.dynamic_gather %masked_sort3A_450[%gather3A_514] in [0] : vector<16xf32>, vector<16xi32> -> vector<16xf32>
          %gather3A_516 = vector.shape_cast %broadcast_in_dim3A_459 : vector<16x1xi32> to vector<16xi32>
          %gather3A_517 = tpu.dynamic_gather %select_n3A_511[%gather3A_516] in [0] : vector<16xi32>, vector<16xi32> -> vector<16xi32>
          %gather3A_518 = vector.shape_cast %broadcast_in_dim3A_466 : vector<16x1xi32> to vector<16xi32>
          %gather3A_519 = tpu.dynamic_gather %masked_sort3A_450[%gather3A_518] in [0] : vector<16xf32>, vector<16xi32> -> vector<16xf32>
          %gather3A_520 = vector.shape_cast %broadcast_in_dim3A_466 : vector<16x1xi32> to vector<16xi32>
          %gather3A_521 = tpu.dynamic_gather %select_n3A_511[%gather3A_520] in [0] : vector<16xi32>, vector<16xi32> -> vector<16xi32>
          %eq3A_522 = arith.cmpf oeq, %masked_sort3A_450, %gather3A_519 : vector<16xf32>
          %and3A_523 = arith.andi %not3A_513, %eq3A_522 : vector<16xi1>
          %lt3A_524 = arith.cmpi slt, %gather3A_521, %select_n3A_511 : vector<16xi32>
          %and3A_525 = arith.andi %and3A_523, %lt3A_524 : vector<16xi1>
          %not3A_526 = arith.constant dense<true> : vector<16xi1>
          %not3A_527 = arith.xori %not3A_513, %not3A_526 : vector<16xi1>
          %eq3A_528 = arith.cmpf oeq, %masked_sort3A_450, %gather3A_515 : vector<16xf32>
          %and3A_529 = arith.andi %not3A_527, %eq3A_528 : vector<16xi1>
          %gt3A_530 = arith.cmpi sgt, %gather3A_517, %select_n3A_511 : vector<16xi32>
          %and3A_531 = arith.andi %and3A_529, %gt3A_530 : vector<16xi1>
          %select_n3A_532 = arith.select %and3A_531, %gather3A_517, %select_n3A_511 : vector<16xi1>, vector<16xi32>
          %select_n3A_533 = arith.select %and3A_525, %gather3A_521, %select_n3A_532 : vector<16xi1>, vector<16xi32>
          %gather3A_534 = vector.shape_cast %broadcast_in_dim3A_459 : vector<16x1xi32> to vector<16xi32>
          %gather3A_535 = tpu.dynamic_gather %masked_sort3A_450[%gather3A_534] in [0] : vector<16xf32>, vector<16xi32> -> vector<16xf32>
          %gather3A_536 = vector.shape_cast %broadcast_in_dim3A_459 : vector<16x1xi32> to vector<16xi32>
          %gather3A_537 = tpu.dynamic_gather %select_n3A_533[%gather3A_536] in [0] : vector<16xi32>, vector<16xi32> -> vector<16xi32>
          %gather3A_538 = vector.shape_cast %broadcast_in_dim3A_466 : vector<16x1xi32> to vector<16xi32>
          %gather3A_539 = tpu.dynamic_gather %masked_sort3A_450[%gather3A_538] in [0] : vector<16xf32>, vector<16xi32> -> vector<16xf32>
          %gather3A_540 = vector.shape_cast %broadcast_in_dim3A_466 : vector<16x1xi32> to vector<16xi32>
          %gather3A_541 = tpu.dynamic_gather %select_n3A_533[%gather3A_540] in [0] : vector<16xi32>, vector<16xi32> -> vector<16xi32>
          %eq3A_542 = arith.cmpf oeq, %masked_sort3A_450, %gather3A_539 : vector<16xf32>
          %and3A_543 = arith.andi %eq3A_491, %eq3A_542 : vector<16xi1>
          %lt3A_544 = arith.cmpi slt, %gather3A_541, %select_n3A_533 : vector<16xi32>
          %and3A_545 = arith.andi %and3A_543, %lt3A_544 : vector<16xi1>
          %not3A_546 = arith.constant dense<true> : vector<16xi1>
          %not3A_547 = arith.xori %eq3A_491, %not3A_546 : vector<16xi1>
          %eq3A_548 = arith.cmpf oeq, %masked_sort3A_450, %gather3A_535 : vector<16xf32>
          %and3A_549 = arith.andi %not3A_547, %eq3A_548 : vector<16xi1>
          %gt3A_550 = arith.cmpi sgt, %gather3A_537, %select_n3A_533 : vector<16xi32>
          %and3A_551 = arith.andi %and3A_549, %gt3A_550 : vector<16xi1>
          %select_n3A_552 = arith.select %and3A_551, %gather3A_537, %select_n3A_533 : vector<16xi1>, vector<16xi32>
          %select_n3A_553 = arith.select %and3A_545, %gather3A_541, %select_n3A_552 : vector<16xi1>, vector<16xi32>
          %not3A_554 = arith.constant dense<true> : vector<16xi1>
          %not3A_555 = arith.xori %eq3A_491, %not3A_554 : vector<16xi1>
          %gather3A_556 = vector.shape_cast %broadcast_in_dim3A_459 : vector<16x1xi32> to vector<16xi32>
          %gather3A_557 = tpu.dynamic_gather %masked_sort3A_450[%gather3A_556] in [0] : vector<16xf32>, vector<16xi32> -> vector<16xf32>
          %gather3A_558 = vector.shape_cast %broadcast_in_dim3A_459 : vector<16x1xi32> to vector<16xi32>
          %gather3A_559 = tpu.dynamic_gather %select_n3A_553[%gather3A_558] in [0] : vector<16xi32>, vector<16xi32> -> vector<16xi32>
          %gather3A_560 = vector.shape_cast %broadcast_in_dim3A_466 : vector<16x1xi32> to vector<16xi32>
          %gather3A_561 = tpu.dynamic_gather %masked_sort3A_450[%gather3A_560] in [0] : vector<16xf32>, vector<16xi32> -> vector<16xf32>
          %gather3A_562 = vector.shape_cast %broadcast_in_dim3A_466 : vector<16x1xi32> to vector<16xi32>
          %gather3A_563 = tpu.dynamic_gather %select_n3A_553[%gather3A_562] in [0] : vector<16xi32>, vector<16xi32> -> vector<16xi32>
          %eq3A_564 = arith.cmpf oeq, %masked_sort3A_450, %gather3A_561 : vector<16xf32>
          %and3A_565 = arith.andi %not3A_555, %eq3A_564 : vector<16xi1>
          %lt3A_566 = arith.cmpi slt, %gather3A_563, %select_n3A_553 : vector<16xi32>
          %and3A_567 = arith.andi %and3A_565, %lt3A_566 : vector<16xi1>
          %not3A_568 = arith.constant dense<true> : vector<16xi1>
          %not3A_569 = arith.xori %not3A_555, %not3A_568 : vector<16xi1>
          %eq3A_570 = arith.cmpf oeq, %masked_sort3A_450, %gather3A_557 : vector<16xf32>
          %and3A_571 = arith.andi %not3A_569, %eq3A_570 : vector<16xi1>
          %gt3A_572 = arith.cmpi sgt, %gather3A_559, %select_n3A_553 : vector<16xi32>
          %and3A_573 = arith.andi %and3A_571, %gt3A_572 : vector<16xi1>
          %select_n3A_574 = arith.select %and3A_573, %gather3A_559, %select_n3A_553 : vector<16xi1>, vector<16xi32>
          %select_n3A_575 = arith.select %and3A_567, %gather3A_563, %select_n3A_574 : vector<16xi1>, vector<16xi32>
          %mul3A_576 = arith.constant 32 : i32
          %mul3A_577 = arith.muli %squeeze3A, %mul3A_576 : i32
          %add3A_578 = arith.constant 16 : i32
          %add3A_579 = arith.addi %mul3A_577, %add3A_578 : i32
          %get3A_580 = arith.index_cast %add3A_579 : i32 to index
          %get3A_581 = tpu.vector_load %arg6[%get3A_580] {strides = array<i32>} : memref<20480xf32, #tpu.memory_space<vmem>>, vector<16xf32>,
          %mul3A_582 = arith.constant 32 : i32
          %mul3A_583 = arith.muli %squeeze3A, %mul3A_582 : i32
          %add3A_584 = arith.constant 16 : i32
          %add3A_585 = arith.addi %mul3A_583, %add3A_584 : i32
          %add3A_586 = vector.broadcast %add3A_585 : i32 to vector<16xi32>
          %add3A_587 = arith.addi %add3A_586, %iota3A_198 : vector<16xi32>
          %masked_sort3A_588 = arith.constant dense<true> : vector<16xi1>
          %masked_sort3A_589, %masked_sort3A_590, %masked_sort3A_591 = tpu.sort %get3A_581, %add3A_587 masked %masked_sort3A_588 {descending = true} : (vector<16xf32>, vector<16xi32>, vector<16xi1>) -> (vector<16xi1>, vector<16xf32>, vector<16xi32>)
          %iota3A_592 = tpu.iota {dimensions = array<i32: 0>} : vector<16xi32>
          %sub3A_593 = arith.constant 1 : i32
          %sub3A_594 = vector.broadcast %sub3A_593 : i32 to vector<16xi32>
          %sub3A_595 = arith.subi %iota3A_592, %sub3A_594 : vector<16xi32>
          %max3A_596 = arith.constant 0 : i32
          %max3A_597 = vector.broadcast %max3A_596 : i32 to vector<16xi32>
          %max3A_598 = arith.maxsi %sub3A_595, %max3A_597 : vector<16xi32>
          %broadcast_in_dim3A_599 = vector.shape_cast %max3A_598 : vector<16xi32> to vector<16x1xi32>
          %add3A_600 = arith.constant 1 : i32
          %add3A_601 = vector.broadcast %add3A_600 : i32 to vector<16xi32>
          %add3A_602 = arith.addi %iota3A_592, %add3A_601 : vector<16xi32>
          %min3A_603 = arith.constant 15 : i32
          %min3A_604 = vector.broadcast %min3A_603 : i32 to vector<16xi32>
          %min3A_605 = arith.minsi %add3A_602, %min3A_604 : vector<16xi32>
          %broadcast_in_dim3A_606 = vector.shape_cast %min3A_605 : vector<16xi32> to vector<16x1xi32>
          %jit3A_607 = arith.constant 2 : i32
          %eq3A_608 = arith.constant 0 : i32
          %eq3A_609 = arith.cmpi eq, %jit3A_607, %eq3A_608 : i32
          %jit3A_610 = arith.constant 1 : i32
          %select_n3A_611 = arith.select %eq3A_609, %jit3A_610, %jit3A_607 : i32
          %rem3A_612 = vector.broadcast %select_n3A_611 : i32 to vector<16xi32>
          %rem3A_613 = arith.remsi %iota3A_592, %rem3A_612 : vector<16xi32>
          %ne3A_614 = arith.constant 0 : i32
          %ne3A_615 = vector.broadcast %ne3A_614 : i32 to vector<16xi32>
          %ne3A_616 = arith.cmpi ne, %rem3A_613, %ne3A_615 : vector<16xi32>
          %lt3A_617 = arith.constant 0 : i32
          %lt3A_618 = vector.broadcast %lt3A_617 : i32 to vector<16xi32>
          %lt3A_619 = arith.cmpi slt, %rem3A_613, %lt3A_618 : vector<16xi32>
          %lt3A_620 = arith.constant 0 : i32
          %lt3A_621 = arith.cmpi slt, %select_n3A_611, %lt3A_620 : i32
          %ne3A_622 = vector.broadcast %lt3A_621 : i1 to vector<16xi1>
          %ne3A_623 = vector.broadcast %ne3A_622 : vector<16xi1> to vector<16xi1>
          %ne3A_624 = arith.xori %lt3A_619, %ne3A_623 : vector<16xi1>
          %and3A_625 = arith.andi %ne3A_624, %ne3A_616 : vector<16xi1>
          %add3A_626 = vector.broadcast %select_n3A_611 : i32 to vector<16xi32>
          %add3A_627 = arith.addi %rem3A_613, %add3A_626 : vector<16xi32>
          %select_n3A_628 = arith.select %and3A_625, %add3A_627, %rem3A_613 : vector<16xi1>, vector<16xi32>
          %eq3A_629 = arith.constant 0 : i32
          %eq3A_630 = vector.broadcast %eq3A_629 : i32 to vector<16xi32>
          %eq3A_631 = arith.cmpi eq, %select_n3A_628, %eq3A_630 : vector<16xi32>
          %gather3A_632 = vector.shape_cast %broadcast_in_dim3A_599 : vector<16x1xi32> to vector<16xi32>
          %gather3A_633 = tpu.dynamic_gather %masked_sort3A_590[%gather3A_632] in [0] : vector<16xf32>, vector<16xi32> -> vector<16xf32>
          %gather3A_634 = vector.shape_cast %broadcast_in_dim3A_599 : vector<16x1xi32> to vector<16xi32>
          %gather3A_635 = tpu.dynamic_gather %masked_sort3A_591[%gather3A_634] in [0] : vector<16xi32>, vector<16xi32> -> vector<16xi32>
          %gather3A_636 = vector.shape_cast %broadcast_in_dim3A_606 : vector<16x1xi32> to vector<16xi32>
          %gather3A_637 = tpu.dynamic_gather %masked_sort3A_590[%gather3A_636] in [0] : vector<16xf32>, vector<16xi32> -> vector<16xf32>
          %gather3A_638 = vector.shape_cast %broadcast_in_dim3A_606 : vector<16x1xi32> to vector<16xi32>
          %gather3A_639 = tpu.dynamic_gather %masked_sort3A_591[%gather3A_638] in [0] : vector<16xi32>, vector<16xi32> -> vector<16xi32>
          %eq3A_640 = arith.cmpf oeq, %masked_sort3A_590, %gather3A_637 : vector<16xf32>
          %and3A_641 = arith.andi %eq3A_631, %eq3A_640 : vector<16xi1>
          %gt3A_642 = arith.cmpi sgt, %gather3A_639, %masked_sort3A_591 : vector<16xi32>
          %and3A_643 = arith.andi %and3A_641, %gt3A_642 : vector<16xi1>
          %not3A_644 = arith.constant dense<true> : vector<16xi1>
          %not3A_645 = arith.xori %eq3A_631, %not3A_644 : vector<16xi1>
          %eq3A_646 = arith.cmpf oeq, %masked_sort3A_590, %gather3A_633 : vector<16xf32>
          %and3A_647 = arith.andi %not3A_645, %eq3A_646 : vector<16xi1>
          %lt3A_648 = arith.cmpi slt, %gather3A_635, %masked_sort3A_591 : vector<16xi32>
          %and3A_649 = arith.andi %and3A_647, %lt3A_648 : vector<16xi1>
          %select_n3A_650 = arith.select %and3A_649, %gather3A_635, %masked_sort3A_591 : vector<16xi1>, vector<16xi32>
          %select_n3A_651 = arith.select %and3A_643, %gather3A_639, %select_n3A_650 : vector<16xi1>, vector<16xi32>
          %not3A_652 = arith.constant dense<true> : vector<16xi1>
          %not3A_653 = arith.xori %eq3A_631, %not3A_652 : vector<16xi1>
          %gather3A_654 = vector.shape_cast %broadcast_in_dim3A_599 : vector<16x1xi32> to vector<16xi32>
          %gather3A_655 = tpu.dynamic_gather %masked_sort3A_590[%gather3A_654] in [0] : vector<16xf32>, vector<16xi32> -> vector<16xf32>
          %gather3A_656 = vector.shape_cast %broadcast_in_dim3A_599 : vector<16x1xi32> to vector<16xi32>
          %gather3A_657 = tpu.dynamic_gather %select_n3A_651[%gather3A_656] in [0] : vector<16xi32>, vector<16xi32> -> vector<16xi32>
          %gather3A_658 = vector.shape_cast %broadcast_in_dim3A_606 : vector<16x1xi32> to vector<16xi32>
          %gather3A_659 = tpu.dynamic_gather %masked_sort3A_590[%gather3A_658] in [0] : vector<16xf32>, vector<16xi32> -> vector<16xf32>
          %gather3A_660 = vector.shape_cast %broadcast_in_dim3A_606 : vector<16x1xi32> to vector<16xi32>
          %gather3A_661 = tpu.dynamic_gather %select_n3A_651[%gather3A_660] in [0] : vector<16xi32>, vector<16xi32> -> vector<16xi32>
          %eq3A_662 = arith.cmpf oeq, %masked_sort3A_590, %gather3A_659 : vector<16xf32>
          %and3A_663 = arith.andi %not3A_653, %eq3A_662 : vector<16xi1>
          %gt3A_664 = arith.cmpi sgt, %gather3A_661, %select_n3A_651 : vector<16xi32>
          %and3A_665 = arith.andi %and3A_663, %gt3A_664 : vector<16xi1>
          %not3A_666 = arith.constant dense<true> : vector<16xi1>
          %not3A_667 = arith.xori %not3A_653, %not3A_666 : vector<16xi1>
          %eq3A_668 = arith.cmpf oeq, %masked_sort3A_590, %gather3A_655 : vector<16xf32>
          %and3A_669 = arith.andi %not3A_667, %eq3A_668 : vector<16xi1>
          %lt3A_670 = arith.cmpi slt, %gather3A_657, %select_n3A_651 : vector<16xi32>
          %and3A_671 = arith.andi %and3A_669, %lt3A_670 : vector<16xi1>
          %select_n3A_672 = arith.select %and3A_671, %gather3A_657, %select_n3A_651 : vector<16xi1>, vector<16xi32>
          %select_n3A_673 = arith.select %and3A_665, %gather3A_661, %select_n3A_672 : vector<16xi1>, vector<16xi32>
          %gather3A_674 = vector.shape_cast %broadcast_in_dim3A_599 : vector<16x1xi32> to vector<16xi32>
          %gather3A_675 = tpu.dynamic_gather %masked_sort3A_590[%gather3A_674] in [0] : vector<16xf32>, vector<16xi32> -> vector<16xf32>
          %gather3A_676 = vector.shape_cast %broadcast_in_dim3A_599 : vector<16x1xi32> to vector<16xi32>
          %gather3A_677 = tpu.dynamic_gather %select_n3A_673[%gather3A_676] in [0] : vector<16xi32>, vector<16xi32> -> vector<16xi32>
          %gather3A_678 = vector.shape_cast %broadcast_in_dim3A_606 : vector<16x1xi32> to vector<16xi32>
          %gather3A_679 = tpu.dynamic_gather %masked_sort3A_590[%gather3A_678] in [0] : vector<16xf32>, vector<16xi32> -> vector<16xf32>
          %gather3A_680 = vector.shape_cast %broadcast_in_dim3A_606 : vector<16x1xi32> to vector<16xi32>
          %gather3A_681 = tpu.dynamic_gather %select_n3A_673[%gather3A_680] in [0] : vector<16xi32>, vector<16xi32> -> vector<16xi32>
          %eq3A_682 = arith.cmpf oeq, %masked_sort3A_590, %gather3A_679 : vector<16xf32>
          %and3A_683 = arith.andi %eq3A_631, %eq3A_682 : vector<16xi1>
          %gt3A_684 = arith.cmpi sgt, %gather3A_681, %select_n3A_673 : vector<16xi32>
          %and3A_685 = arith.andi %and3A_683, %gt3A_684 : vector<16xi1>
          %not3A_686 = arith.constant dense<true> : vector<16xi1>
          %not3A_687 = arith.xori %eq3A_631, %not3A_686 : vector<16xi1>
          %eq3A_688 = arith.cmpf oeq, %masked_sort3A_590, %gather3A_675 : vector<16xf32>
          %and3A_689 = arith.andi %not3A_687, %eq3A_688 : vector<16xi1>
          %lt3A_690 = arith.cmpi slt, %gather3A_677, %select_n3A_673 : vector<16xi32>
          %and3A_691 = arith.andi %and3A_689, %lt3A_690 : vector<16xi1>
          %select_n3A_692 = arith.select %and3A_691, %gather3A_677, %select_n3A_673 : vector<16xi1>, vector<16xi32>
          %select_n3A_693 = arith.select %and3A_685, %gather3A_681, %select_n3A_692 : vector<16xi1>, vector<16xi32>
          %not3A_694 = arith.constant dense<true> : vector<16xi1>
          %not3A_695 = arith.xori %eq3A_631, %not3A_694 : vector<16xi1>
          %gather3A_696 = vector.shape_cast %broadcast_in_dim3A_599 : vector<16x1xi32> to vector<16xi32>
          %gather3A_697 = tpu.dynamic_gather %masked_sort3A_590[%gather3A_696] in [0] : vector<16xf32>, vector<16xi32> -> vector<16xf32>
          %gather3A_698 = vector.shape_cast %broadcast_in_dim3A_599 : vector<16x1xi32> to vector<16xi32>
          %gather3A_699 = tpu.dynamic_gather %select_n3A_693[%gather3A_698] in [0] : vector<16xi32>, vector<16xi32> -> vector<16xi32>
          %gather3A_700 = vector.shape_cast %broadcast_in_dim3A_606 : vector<16x1xi32> to vector<16xi32>
          %gather3A_701 = tpu.dynamic_gather %masked_sort3A_590[%gather3A_700] in [0] : vector<16xf32>, vector<16xi32> -> vector<16xf32>
          %gather3A_702 = vector.shape_cast %broadcast_in_dim3A_606 : vector<16x1xi32> to vector<16xi32>
          %gather3A_703 = tpu.dynamic_gather %select_n3A_693[%gather3A_702] in [0] : vector<16xi32>, vector<16xi32> -> vector<16xi32>
          %eq3A_704 = arith.cmpf oeq, %masked_sort3A_590, %gather3A_701 : vector<16xf32>
          %and3A_705 = arith.andi %not3A_695, %eq3A_704 : vector<16xi1>
          %gt3A_706 = arith.cmpi sgt, %gather3A_703, %select_n3A_693 : vector<16xi32>
          %and3A_707 = arith.andi %and3A_705, %gt3A_706 : vector<16xi1>
          %not3A_708 = arith.constant dense<true> : vector<16xi1>
          %not3A_709 = arith.xori %not3A_695, %not3A_708 : vector<16xi1>
          %eq3A_710 = arith.cmpf oeq, %masked_sort3A_590, %gather3A_697 : vector<16xf32>
          %and3A_711 = arith.andi %not3A_709, %eq3A_710 : vector<16xi1>
          %lt3A_712 = arith.cmpi slt, %gather3A_699, %select_n3A_693 : vector<16xi32>
          %and3A_713 = arith.andi %and3A_711, %lt3A_712 : vector<16xi1>
          %select_n3A_714 = arith.select %and3A_713, %gather3A_699, %select_n3A_693 : vector<16xi1>, vector<16xi32>
          %select_n3A_715 = arith.select %and3A_707, %gather3A_703, %select_n3A_714 : vector<16xi1>, vector<16xi32>
          %lt3A_716 = arith.cmpf olt, %masked_sort3A_590, %masked_sort3A_450 : vector<16xf32>
          %eq3A_717 = arith.cmpf oeq, %masked_sort3A_590, %masked_sort3A_450 : vector<16xf32>
          %lt3A_718 = arith.cmpi slt, %select_n3A_715, %select_n3A_575 : vector<16xi32>
          %and3A_719 = arith.andi %eq3A_717, %lt3A_718 : vector<16xi1>
          %or3A_720 = arith.ori %lt3A_716, %and3A_719 : vector<16xi1>
          %select_n3A_721 = arith.select %or3A_720, %masked_sort3A_590, %masked_sort3A_450 : vector<16xi1>, vector<16xf32>
          %select_n3A_722 = arith.select %or3A_720, %select_n3A_715, %select_n3A_575 : vector<16xi1>, vector<16xi32>
          %masked_sort3A_723 = arith.constant dense<true> : vector<16xi1>
          %masked_sort3A_724, %masked_sort3A_725, %masked_sort3A_726 = tpu.sort %select_n3A_721, %select_n3A_722 masked %masked_sort3A_723 : (vector<16xf32>, vector<16xi32>, vector<16xi1>) -> (vector<16xi1>, vector<16xf32>, vector<16xi32>)
          %iota3A_727 = tpu.iota {dimensions = array<i32: 0>} : vector<16xi32>
          %sub3A_728 = arith.constant 1 : i32
          %sub3A_729 = vector.broadcast %sub3A_728 : i32 to vector<16xi32>
          %sub3A_730 = arith.subi %iota3A_727, %sub3A_729 : vector<16xi32>
          %max3A_731 = arith.constant 0 : i32
          %max3A_732 = vector.broadcast %max3A_731 : i32 to vector<16xi32>
          %max3A_733 = arith.maxsi %sub3A_730, %max3A_732 : vector<16xi32>
          %broadcast_in_dim3A_734 = vector.shape_cast %max3A_733 : vector<16xi32> to vector<16x1xi32>
          %add3A_735 = arith.constant 1 : i32
          %add3A_736 = vector.broadcast %add3A_735 : i32 to vector<16xi32>
          %add3A_737 = arith.addi %iota3A_727, %add3A_736 : vector<16xi32>
          %min3A_738 = arith.constant 15 : i32
          %min3A_739 = vector.broadcast %min3A_738 : i32 to vector<16xi32>
          %min3A_740 = arith.minsi %add3A_737, %min3A_739 : vector<16xi32>
          %broadcast_in_dim3A_741 = vector.shape_cast %min3A_740 : vector<16xi32> to vector<16x1xi32>
          %jit3A_742 = arith.constant 2 : i32
          %eq3A_743 = arith.constant 0 : i32
          %eq3A_744 = arith.cmpi eq, %jit3A_742, %eq3A_743 : i32
          %jit3A_745 = arith.constant 1 : i32
          %select_n3A_746 = arith.select %eq3A_744, %jit3A_745, %jit3A_742 : i32
          %rem3A_747 = vector.broadcast %select_n3A_746 : i32 to vector<16xi32>
          %rem3A_748 = arith.remsi %iota3A_727, %rem3A_747 : vector<16xi32>
          %ne3A_749 = arith.constant 0 : i32
          %ne3A_750 = vector.broadcast %ne3A_749 : i32 to vector<16xi32>
          %ne3A_751 = arith.cmpi ne, %rem3A_748, %ne3A_750 : vector<16xi32>
          %lt3A_752 = arith.constant 0 : i32
          %lt3A_753 = vector.broadcast %lt3A_752 : i32 to vector<16xi32>
          %lt3A_754 = arith.cmpi slt, %rem3A_748, %lt3A_753 : vector<16xi32>
          %lt3A_755 = arith.constant 0 : i32
          %lt3A_756 = arith.cmpi slt, %select_n3A_746, %lt3A_755 : i32
          %ne3A_757 = vector.broadcast %lt3A_756 : i1 to vector<16xi1>
          %ne3A_758 = vector.broadcast %ne3A_757 : vector<16xi1> to vector<16xi1>
          %ne3A_759 = arith.xori %lt3A_754, %ne3A_758 : vector<16xi1>
          %and3A_760 = arith.andi %ne3A_759, %ne3A_751 : vector<16xi1>
          %add3A_761 = vector.broadcast %select_n3A_746 : i32 to vector<16xi32>
          %add3A_762 = arith.addi %rem3A_748, %add3A_761 : vector<16xi32>
          %select_n3A_763 = arith.select %and3A_760, %add3A_762, %rem3A_748 : vector<16xi1>, vector<16xi32>
          %eq3A_764 = arith.constant 0 : i32
          %eq3A_765 = vector.broadcast %eq3A_764 : i32 to vector<16xi32>
          %eq3A_766 = arith.cmpi eq, %select_n3A_763, %eq3A_765 : vector<16xi32>
          %gather3A_767 = vector.shape_cast %broadcast_in_dim3A_734 : vector<16x1xi32> to vector<16xi32>
          %gather3A_768 = tpu.dynamic_gather %masked_sort3A_725[%gather3A_767] in [0] : vector<16xf32>, vector<16xi32> -> vector<16xf32>
          %gather3A_769 = vector.shape_cast %broadcast_in_dim3A_734 : vector<16x1xi32> to vector<16xi32>
          %gather3A_770 = tpu.dynamic_gather %masked_sort3A_726[%gather3A_769] in [0] : vector<16xi32>, vector<16xi32> -> vector<16xi32>
          %gather3A_771 = vector.shape_cast %broadcast_in_dim3A_741 : vector<16x1xi32> to vector<16xi32>
          %gather3A_772 = tpu.dynamic_gather %masked_sort3A_725[%gather3A_771] in [0] : vector<16xf32>, vector<16xi32> -> vector<16xf32>
          %gather3A_773 = vector.shape_cast %broadcast_in_dim3A_741 : vector<16x1xi32> to vector<16xi32>
          %gather3A_774 = tpu.dynamic_gather %masked_sort3A_726[%gather3A_773] in [0] : vector<16xi32>, vector<16xi32> -> vector<16xi32>
          %eq3A_775 = arith.cmpf oeq, %masked_sort3A_725, %gather3A_772 : vector<16xf32>
          %and3A_776 = arith.andi %eq3A_766, %eq3A_775 : vector<16xi1>
          %lt3A_777 = arith.cmpi slt, %gather3A_774, %masked_sort3A_726 : vector<16xi32>
          %and3A_778 = arith.andi %and3A_776, %lt3A_777 : vector<16xi1>
          %not3A_779 = arith.constant dense<true> : vector<16xi1>
          %not3A_780 = arith.xori %eq3A_766, %not3A_779 : vector<16xi1>
          %eq3A_781 = arith.cmpf oeq, %masked_sort3A_725, %gather3A_768 : vector<16xf32>
          %and3A_782 = arith.andi %not3A_780, %eq3A_781 : vector<16xi1>
          %gt3A_783 = arith.cmpi sgt, %gather3A_770, %masked_sort3A_726 : vector<16xi32>
          %and3A_784 = arith.andi %and3A_782, %gt3A_783 : vector<16xi1>
          %select_n3A_785 = arith.select %and3A_784, %gather3A_770, %masked_sort3A_726 : vector<16xi1>, vector<16xi32>
          %select_n3A_786 = arith.select %and3A_778, %gather3A_774, %select_n3A_785 : vector<16xi1>, vector<16xi32>
          %not3A_787 = arith.constant dense<true> : vector<16xi1>
          %not3A_788 = arith.xori %eq3A_766, %not3A_787 : vector<16xi1>
          %gather3A_789 = vector.shape_cast %broadcast_in_dim3A_734 : vector<16x1xi32> to vector<16xi32>
          %gather3A_790 = tpu.dynamic_gather %masked_sort3A_725[%gather3A_789] in [0] : vector<16xf32>, vector<16xi32> -> vector<16xf32>
          %gather3A_791 = vector.shape_cast %broadcast_in_dim3A_734 : vector<16x1xi32> to vector<16xi32>
          %gather3A_792 = tpu.dynamic_gather %select_n3A_786[%gather3A_791] in [0] : vector<16xi32>, vector<16xi32> -> vector<16xi32>
          %gather3A_793 = vector.shape_cast %broadcast_in_dim3A_741 : vector<16x1xi32> to vector<16xi32>
          %gather3A_794 = tpu.dynamic_gather %masked_sort3A_725[%gather3A_793] in [0] : vector<16xf32>, vector<16xi32> -> vector<16xf32>
          %gather3A_795 = vector.shape_cast %broadcast_in_dim3A_741 : vector<16x1xi32> to vector<16xi32>
          %gather3A_796 = tpu.dynamic_gather %select_n3A_786[%gather3A_795] in [0] : vector<16xi32>, vector<16xi32> -> vector<16xi32>
          %eq3A_797 = arith.cmpf oeq, %masked_sort3A_725, %gather3A_794 : vector<16xf32>
          %and3A_798 = arith.andi %not3A_788, %eq3A_797 : vector<16xi1>
          %lt3A_799 = arith.cmpi slt, %gather3A_796, %select_n3A_786 : vector<16xi32>
          %and3A_800 = arith.andi %and3A_798, %lt3A_799 : vector<16xi1>
          %not3A_801 = arith.constant dense<true> : vector<16xi1>
          %not3A_802 = arith.xori %not3A_788, %not3A_801 : vector<16xi1>
          %eq3A_803 = arith.cmpf oeq, %masked_sort3A_725, %gather3A_790 : vector<16xf32>
          %and3A_804 = arith.andi %not3A_802, %eq3A_803 : vector<16xi1>
          %gt3A_805 = arith.cmpi sgt, %gather3A_792, %select_n3A_786 : vector<16xi32>
          %and3A_806 = arith.andi %and3A_804, %gt3A_805 : vector<16xi1>
          %select_n3A_807 = arith.select %and3A_806, %gather3A_792, %select_n3A_786 : vector<16xi1>, vector<16xi32>
          %select_n3A_808 = arith.select %and3A_800, %gather3A_796, %select_n3A_807 : vector<16xi1>, vector<16xi32>
          %gather3A_809 = vector.shape_cast %broadcast_in_dim3A_734 : vector<16x1xi32> to vector<16xi32>
          %gather3A_810 = tpu.dynamic_gather %masked_sort3A_725[%gather3A_809] in [0] : vector<16xf32>, vector<16xi32> -> vector<16xf32>
          %gather3A_811 = vector.shape_cast %broadcast_in_dim3A_734 : vector<16x1xi32> to vector<16xi32>
          %gather3A_812 = tpu.dynamic_gather %select_n3A_808[%gather3A_811] in [0] : vector<16xi32>, vector<16xi32> -> vector<16xi32>
          %gather3A_813 = vector.shape_cast %broadcast_in_dim3A_741 : vector<16x1xi32> to vector<16xi32>
          %gather3A_814 = tpu.dynamic_gather %masked_sort3A_725[%gather3A_813] in [0] : vector<16xf32>, vector<16xi32> -> vector<16xf32>
          %gather3A_815 = vector.shape_cast %broadcast_in_dim3A_741 : vector<16x1xi32> to vector<16xi32>
          %gather3A_816 = tpu.dynamic_gather %select_n3A_808[%gather3A_815] in [0] : vector<16xi32>, vector<16xi32> -> vector<16xi32>
          %eq3A_817 = arith.cmpf oeq, %masked_sort3A_725, %gather3A_814 : vector<16xf32>
          %and3A_818 = arith.andi %eq3A_766, %eq3A_817 : vector<16xi1>
          %lt3A_819 = arith.cmpi slt, %gather3A_816, %select_n3A_808 : vector<16xi32>
          %and3A_820 = arith.andi %and3A_818, %lt3A_819 : vector<16xi1>
          %not3A_821 = arith.constant dense<true> : vector<16xi1>
          %not3A_822 = arith.xori %eq3A_766, %not3A_821 : vector<16xi1>
          %eq3A_823 = arith.cmpf oeq, %masked_sort3A_725, %gather3A_810 : vector<16xf32>
          %and3A_824 = arith.andi %not3A_822, %eq3A_823 : vector<16xi1>
          %gt3A_825 = arith.cmpi sgt, %gather3A_812, %select_n3A_808 : vector<16xi32>
          %and3A_826 = arith.andi %and3A_824, %gt3A_825 : vector<16xi1>
          %select_n3A_827 = arith.select %and3A_826, %gather3A_812, %select_n3A_808 : vector<16xi1>, vector<16xi32>
          %select_n3A_828 = arith.select %and3A_820, %gather3A_816, %select_n3A_827 : vector<16xi1>, vector<16xi32>
          %not3A_829 = arith.constant dense<true> : vector<16xi1>
          %not3A_830 = arith.xori %eq3A_766, %not3A_829 : vector<16xi1>
          %gather3A_831 = vector.shape_cast %broadcast_in_dim3A_734 : vector<16x1xi32> to vector<16xi32>
          %gather3A_832 = tpu.dynamic_gather %masked_sort3A_725[%gather3A_831] in [0] : vector<16xf32>, vector<16xi32> -> vector<16xf32>
          %gather3A_833 = vector.shape_cast %broadcast_in_dim3A_734 : vector<16x1xi32> to vector<16xi32>
          %gather3A_834 = tpu.dynamic_gather %select_n3A_828[%gather3A_833] in [0] : vector<16xi32>, vector<16xi32> -> vector<16xi32>
          %gather3A_835 = vector.shape_cast %broadcast_in_dim3A_741 : vector<16x1xi32> to vector<16xi32>
          %gather3A_836 = tpu.dynamic_gather %masked_sort3A_725[%gather3A_835] in [0] : vector<16xf32>, vector<16xi32> -> vector<16xf32>
          %gather3A_837 = vector.shape_cast %broadcast_in_dim3A_741 : vector<16x1xi32> to vector<16xi32>
          %gather3A_838 = tpu.dynamic_gather %select_n3A_828[%gather3A_837] in [0] : vector<16xi32>, vector<16xi32> -> vector<16xi32>
          %eq3A_839 = arith.cmpf oeq, %masked_sort3A_725, %gather3A_836 : vector<16xf32>
          %and3A_840 = arith.andi %not3A_830, %eq3A_839 : vector<16xi1>
          %lt3A_841 = arith.cmpi slt, %gather3A_838, %select_n3A_828 : vector<16xi32>
          %and3A_842 = arith.andi %and3A_840, %lt3A_841 : vector<16xi1>
          %not3A_843 = arith.constant dense<true> : vector<16xi1>
          %not3A_844 = arith.xori %not3A_830, %not3A_843 : vector<16xi1>
          %eq3A_845 = arith.cmpf oeq, %masked_sort3A_725, %gather3A_832 : vector<16xf32>
          %and3A_846 = arith.andi %not3A_844, %eq3A_845 : vector<16xi1>
          %gt3A_847 = arith.cmpi sgt, %gather3A_834, %select_n3A_828 : vector<16xi32>
          %and3A_848 = arith.andi %and3A_846, %gt3A_847 : vector<16xi1>
          %select_n3A_849 = arith.select %and3A_848, %gather3A_834, %select_n3A_828 : vector<16xi1>, vector<16xi32>
          %select_n3A_850 = arith.select %and3A_842, %gather3A_838, %select_n3A_849 : vector<16xi1>, vector<16xi32>
          scf.yield %masked_sort3A_725, %select_n3A_850 : vector<16xf32>, vector<16xi32>
        }
        %while3A_307 = arith.constant 1 : i32
        %while3A_308:2 = scf.for %while3A_309 = %while3A_304 to %while3A_300 step %while3A_307 iter_args(%while3A_310 = %while3A_306#0, %while3A_311 = %while3A_306#1) -> (vector<16xf32>, vector<16xi32>)  : i32 {
          %get3A_312 = arith.index_cast %while3A_309 : i32 to index
          %get3A_313 = tpu.vector_load %arg9[%get3A_312] {strides = array<i32>} : memref<656xi32, #tpu.memory_space<vmem>>, vector<16xi32>,
          %slice3A = vector.extract_strided_slice %get3A_313 {offsets = [0], sizes = [1], strides = [1]} : vector<16xi32> to vector<1xi32>
          %squeeze3A = vector.extract %slice3A[0] : i32 from vector<1xi32>
          %mul3A_314 = arith.constant 32 : i32
          %mul3A_315 = arith.muli %squeeze3A, %mul3A_314 : i32
          %add3A_316 = arith.constant 0 : i32
          %add3A_317 = arith.addi %mul3A_315, %add3A_316 : i32
          %get3A_318 = arith.index_cast %add3A_317 : i32 to index
          %get3A_319 = tpu.vector_load %arg6[%get3A_318] {strides = array<i32>} : memref<20480xf32, #tpu.memory_space<vmem>>, vector<16xf32>,
          %mul3A_320 = arith.constant 32 : i32
          %mul3A_321 = arith.muli %squeeze3A, %mul3A_320 : i32
          %add3A_322 = arith.constant 0 : i32
          %add3A_323 = arith.addi %mul3A_321, %add3A_322 : i32
          %add3A_324 = vector.broadcast %add3A_323 : i32 to vector<16xi32>
          %add3A_325 = arith.addi %add3A_324, %iota3A_198 : vector<16xi32>
          %masked_sort3A = arith.constant dense<true> : vector<16xi1>
          %masked_sort3A_326, %masked_sort3A_327, %masked_sort3A_328 = tpu.sort %get3A_319, %add3A_325 masked %masked_sort3A {descending = true} : (vector<16xf32>, vector<16xi32>, vector<16xi1>) -> (vector<16xi1>, vector<16xf32>, vector<16xi32>)
          %iota3A_329 = tpu.iota {dimensions = array<i32: 0>} : vector<16xi32>
          %sub3A = arith.constant 1 : i32
          %sub3A_330 = vector.broadcast %sub3A : i32 to vector<16xi32>
          %sub3A_331 = arith.subi %iota3A_329, %sub3A_330 : vector<16xi32>
          %max3A = arith.constant 0 : i32
          %max3A_332 = vector.broadcast %max3A : i32 to vector<16xi32>
          %max3A_333 = arith.maxsi %sub3A_331, %max3A_332 : vector<16xi32>
          %broadcast_in_dim3A_334 = vector.shape_cast %max3A_333 : vector<16xi32> to vector<16x1xi32>
          %add3A_335 = arith.constant 1 : i32
          %add3A_336 = vector.broadcast %add3A_335 : i32 to vector<16xi32>
          %add3A_337 = arith.addi %iota3A_329, %add3A_336 : vector<16xi32>
          %min3A_338 = arith.constant 15 : i32
          %min3A_339 = vector.broadcast %min3A_338 : i32 to vector<16xi32>
          %min3A_340 = arith.minsi %add3A_337, %min3A_339 : vector<16xi32>
          %broadcast_in_dim3A_341 = vector.shape_cast %min3A_340 : vector<16xi32> to vector<16x1xi32>
          %jit3A = arith.constant 2 : i32
          %eq3A = arith.constant 0 : i32
          %eq3A_342 = arith.cmpi eq, %jit3A, %eq3A : i32
          %jit3A_343 = arith.constant 1 : i32
          %select_n3A = arith.select %eq3A_342, %jit3A_343, %jit3A : i32
          %rem3A = vector.broadcast %select_n3A : i32 to vector<16xi32>
          %rem3A_344 = arith.remsi %iota3A_329, %rem3A : vector<16xi32>
          %ne3A = arith.constant 0 : i32
          %ne3A_345 = vector.broadcast %ne3A : i32 to vector<16xi32>
          %ne3A_346 = arith.cmpi ne, %rem3A_344, %ne3A_345 : vector<16xi32>
          %lt3A_347 = arith.constant 0 : i32
          %lt3A_348 = vector.broadcast %lt3A_347 : i32 to vector<16xi32>
          %lt3A_349 = arith.cmpi slt, %rem3A_344, %lt3A_348 : vector<16xi32>
          %lt3A_350 = arith.constant 0 : i32
          %lt3A_351 = arith.cmpi slt, %select_n3A, %lt3A_350 : i32
          %ne3A_352 = vector.broadcast %lt3A_351 : i1 to vector<16xi1>
          %ne3A_353 = vector.broadcast %ne3A_352 : vector<16xi1> to vector<16xi1>
          %ne3A_354 = arith.xori %lt3A_349, %ne3A_353 : vector<16xi1>
          %and3A = arith.andi %ne3A_354, %ne3A_346 : vector<16xi1>
          %add3A_355 = vector.broadcast %select_n3A : i32 to vector<16xi32>
          %add3A_356 = arith.addi %rem3A_344, %add3A_355 : vector<16xi32>
          %select_n3A_357 = arith.select %and3A, %add3A_356, %rem3A_344 : vector<16xi1>, vector<16xi32>
          %eq3A_358 = arith.constant 0 : i32
          %eq3A_359 = vector.broadcast %eq3A_358 : i32 to vector<16xi32>
          %eq3A_360 = arith.cmpi eq, %select_n3A_357, %eq3A_359 : vector<16xi32>
          %gather3A = vector.shape_cast %broadcast_in_dim3A_334 : vector<16x1xi32> to vector<16xi32>
          %gather3A_361 = tpu.dynamic_gather %masked_sort3A_327[%gather3A] in [0] : vector<16xf32>, vector<16xi32> -> vector<16xf32>
          %gather3A_362 = vector.shape_cast %broadcast_in_dim3A_334 : vector<16x1xi32> to vector<16xi32>
          %gather3A_363 = tpu.dynamic_gather %masked_sort3A_328[%gather3A_362] in [0] : vector<16xi32>, vector<16xi32> -> vector<16xi32>
          %gather3A_364 = vector.shape_cast %broadcast_in_dim3A_341 : vector<16x1xi32> to vector<16xi32>
          %gather3A_365 = tpu.dynamic_gather %masked_sort3A_327[%gather3A_364] in [0] : vector<16xf32>, vector<16xi32> -> vector<16xf32>
          %gather3A_366 = vector.shape_cast %broadcast_in_dim3A_341 : vector<16x1xi32> to vector<16xi32>
          %gather3A_367 = tpu.dynamic_gather %masked_sort3A_328[%gather3A_366] in [0] : vector<16xi32>, vector<16xi32> -> vector<16xi32>
          %eq3A_368 = arith.cmpf oeq, %masked_sort3A_327, %gather3A_365 : vector<16xf32>
          %and3A_369 = arith.andi %eq3A_360, %eq3A_368 : vector<16xi1>
          %gt3A = arith.cmpi sgt, %gather3A_367, %masked_sort3A_328 : vector<16xi32>
          %and3A_370 = arith.andi %and3A_369, %gt3A : vector<16xi1>
          %not3A = arith.constant dense<true> : vector<16xi1>
          %not3A_371 = arith.xori %eq3A_360, %not3A : vector<16xi1>
          %eq3A_372 = arith.cmpf oeq, %masked_sort3A_327, %gather3A_361 : vector<16xf32>
          %and3A_373 = arith.andi %not3A_371, %eq3A_372 : vector<16xi1>
          %lt3A_374 = arith.cmpi slt, %gather3A_363, %masked_sort3A_328 : vector<16xi32>
          %and3A_375 = arith.andi %and3A_373, %lt3A_374 : vector<16xi1>
          %select_n3A_376 = arith.select %and3A_375, %gather3A_363, %masked_sort3A_328 : vector<16xi1>, vector<16xi32>
          %select_n3A_377 = arith.select %and3A_370, %gather3A_367, %select_n3A_376 : vector<16xi1>, vector<16xi32>
          %not3A_378 = arith.constant dense<true> : vector<16xi1>
          %not3A_379 = arith.xori %eq3A_360, %not3A_378 : vector<16xi1>
          %gather3A_380 = vector.shape_cast %broadcast_in_dim3A_334 : vector<16x1xi32> to vector<16xi32>
          %gather3A_381 = tpu.dynamic_gather %masked_sort3A_327[%gather3A_380] in [0] : vector<16xf32>, vector<16xi32> -> vector<16xf32>
          %gather3A_382 = vector.shape_cast %broadcast_in_dim3A_334 : vector<16x1xi32> to vector<16xi32>
          %gather3A_383 = tpu.dynamic_gather %select_n3A_377[%gather3A_382] in [0] : vector<16xi32>, vector<16xi32> -> vector<16xi32>
          %gather3A_384 = vector.shape_cast %broadcast_in_dim3A_341 : vector<16x1xi32> to vector<16xi32>
          %gather3A_385 = tpu.dynamic_gather %masked_sort3A_327[%gather3A_384] in [0] : vector<16xf32>, vector<16xi32> -> vector<16xf32>
          %gather3A_386 = vector.shape_cast %broadcast_in_dim3A_341 : vector<16x1xi32> to vector<16xi32>
          %gather3A_387 = tpu.dynamic_gather %select_n3A_377[%gather3A_386] in [0] : vector<16xi32>, vector<16xi32> -> vector<16xi32>
          %eq3A_388 = arith.cmpf oeq, %masked_sort3A_327, %gather3A_385 : vector<16xf32>
          %and3A_389 = arith.andi %not3A_379, %eq3A_388 : vector<16xi1>
          %gt3A_390 = arith.cmpi sgt, %gather3A_387, %select_n3A_377 : vector<16xi32>
          %and3A_391 = arith.andi %and3A_389, %gt3A_390 : vector<16xi1>
          %not3A_392 = arith.constant dense<true> : vector<16xi1>
          %not3A_393 = arith.xori %not3A_379, %not3A_392 : vector<16xi1>
          %eq3A_394 = arith.cmpf oeq, %masked_sort3A_327, %gather3A_381 : vector<16xf32>
          %and3A_395 = arith.andi %not3A_393, %eq3A_394 : vector<16xi1>
          %lt3A_396 = arith.cmpi slt, %gather3A_383, %select_n3A_377 : vector<16xi32>
          %and3A_397 = arith.andi %and3A_395, %lt3A_396 : vector<16xi1>
          %select_n3A_398 = arith.select %and3A_397, %gather3A_383, %select_n3A_377 : vector<16xi1>, vector<16xi32>
          %select_n3A_399 = arith.select %and3A_391, %gather3A_387, %select_n3A_398 : vector<16xi1>, vector<16xi32>
          %gather3A_400 = vector.shape_cast %broadcast_in_dim3A_334 : vector<16x1xi32> to vector<16xi32>
          %gather3A_401 = tpu.dynamic_gather %masked_sort3A_327[%gather3A_400] in [0] : vector<16xf32>, vector<16xi32> -> vector<16xf32>
          %gather3A_402 = vector.shape_cast %broadcast_in_dim3A_334 : vector<16x1xi32> to vector<16xi32>
          %gather3A_403 = tpu.dynamic_gather %select_n3A_399[%gather3A_402] in [0] : vector<16xi32>, vector<16xi32> -> vector<16xi32>
          %gather3A_404 = vector.shape_cast %broadcast_in_dim3A_341 : vector<16x1xi32> to vector<16xi32>
          %gather3A_405 = tpu.dynamic_gather %masked_sort3A_327[%gather3A_404] in [0] : vector<16xf32>, vector<16xi32> -> vector<16xf32>
          %gather3A_406 = vector.shape_cast %broadcast_in_dim3A_341 : vector<16x1xi32> to vector<16xi32>
          %gather3A_407 = tpu.dynamic_gather %select_n3A_399[%gather3A_406] in [0] : vector<16xi32>, vector<16xi32> -> vector<16xi32>
          %eq3A_408 = arith.cmpf oeq, %masked_sort3A_327, %gather3A_405 : vector<16xf32>
          %and3A_409 = arith.andi %eq3A_360, %eq3A_408 : vector<16xi1>
          %gt3A_410 = arith.cmpi sgt, %gather3A_407, %select_n3A_399 : vector<16xi32>
          %and3A_411 = arith.andi %and3A_409, %gt3A_410 : vector<16xi1>
          %not3A_412 = arith.constant dense<true> : vector<16xi1>
          %not3A_413 = arith.xori %eq3A_360, %not3A_412 : vector<16xi1>
          %eq3A_414 = arith.cmpf oeq, %masked_sort3A_327, %gather3A_401 : vector<16xf32>
          %and3A_415 = arith.andi %not3A_413, %eq3A_414 : vector<16xi1>
          %lt3A_416 = arith.cmpi slt, %gather3A_403, %select_n3A_399 : vector<16xi32>
          %and3A_417 = arith.andi %and3A_415, %lt3A_416 : vector<16xi1>
          %select_n3A_418 = arith.select %and3A_417, %gather3A_403, %select_n3A_399 : vector<16xi1>, vector<16xi32>
          %select_n3A_419 = arith.select %and3A_411, %gather3A_407, %select_n3A_418 : vector<16xi1>, vector<16xi32>
          %not3A_420 = arith.constant dense<true> : vector<16xi1>
          %not3A_421 = arith.xori %eq3A_360, %not3A_420 : vector<16xi1>
          %gather3A_422 = vector.shape_cast %broadcast_in_dim3A_334 : vector<16x1xi32> to vector<16xi32>
          %gather3A_423 = tpu.dynamic_gather %masked_sort3A_327[%gather3A_422] in [0] : vector<16xf32>, vector<16xi32> -> vector<16xf32>
          %gather3A_424 = vector.shape_cast %broadcast_in_dim3A_334 : vector<16x1xi32> to vector<16xi32>
          %gather3A_425 = tpu.dynamic_gather %select_n3A_419[%gather3A_424] in [0] : vector<16xi32>, vector<16xi32> -> vector<16xi32>
          %gather3A_426 = vector.shape_cast %broadcast_in_dim3A_341 : vector<16x1xi32> to vector<16xi32>
          %gather3A_427 = tpu.dynamic_gather %masked_sort3A_327[%gather3A_426] in [0] : vector<16xf32>, vector<16xi32> -> vector<16xf32>
          %gather3A_428 = vector.shape_cast %broadcast_in_dim3A_341 : vector<16x1xi32> to vector<16xi32>
          %gather3A_429 = tpu.dynamic_gather %select_n3A_419[%gather3A_428] in [0] : vector<16xi32>, vector<16xi32> -> vector<16xi32>
          %eq3A_430 = arith.cmpf oeq, %masked_sort3A_327, %gather3A_427 : vector<16xf32>
          %and3A_431 = arith.andi %not3A_421, %eq3A_430 : vector<16xi1>
          %gt3A_432 = arith.cmpi sgt, %gather3A_429, %select_n3A_419 : vector<16xi32>
          %and3A_433 = arith.andi %and3A_431, %gt3A_432 : vector<16xi1>
          %not3A_434 = arith.constant dense<true> : vector<16xi1>
          %not3A_435 = arith.xori %not3A_421, %not3A_434 : vector<16xi1>
          %eq3A_436 = arith.cmpf oeq, %masked_sort3A_327, %gather3A_423 : vector<16xf32>
          %and3A_437 = arith.andi %not3A_435, %eq3A_436 : vector<16xi1>
          %lt3A_438 = arith.cmpi slt, %gather3A_425, %select_n3A_419 : vector<16xi32>
          %and3A_439 = arith.andi %and3A_437, %lt3A_438 : vector<16xi1>
          %select_n3A_440 = arith.select %and3A_439, %gather3A_425, %select_n3A_419 : vector<16xi1>, vector<16xi32>
          %select_n3A_441 = arith.select %and3A_433, %gather3A_429, %select_n3A_440 : vector<16xi1>, vector<16xi32>
          %lt3A_442 = arith.cmpf olt, %masked_sort3A_327, %while3A_310 : vector<16xf32>
          %eq3A_443 = arith.cmpf oeq, %masked_sort3A_327, %while3A_310 : vector<16xf32>
          %lt3A_444 = arith.cmpi slt, %select_n3A_441, %while3A_311 : vector<16xi32>
          %and3A_445 = arith.andi %eq3A_443, %lt3A_444 : vector<16xi1>
          %or3A = arith.ori %lt3A_442, %and3A_445 : vector<16xi1>
          %select_n3A_446 = arith.select %or3A, %masked_sort3A_327, %while3A_310 : vector<16xi1>, vector<16xf32>
          %select_n3A_447 = arith.select %or3A, %select_n3A_441, %while3A_311 : vector<16xi1>, vector<16xi32>
          %masked_sort3A_448 = arith.constant dense<true> : vector<16xi1>
          %masked_sort3A_449, %masked_sort3A_450, %masked_sort3A_451 = tpu.sort %select_n3A_446, %select_n3A_447 masked %masked_sort3A_448 : (vector<16xf32>, vector<16xi32>, vector<16xi1>) -> (vector<16xi1>, vector<16xf32>, vector<16xi32>)
          %iota3A_452 = tpu.iota {dimensions = array<i32: 0>} : vector<16xi32>
          %sub3A_453 = arith.constant 1 : i32
          %sub3A_454 = vector.broadcast %sub3A_453 : i32 to vector<16xi32>
          %sub3A_455 = arith.subi %iota3A_452, %sub3A_454 : vector<16xi32>
          %max3A_456 = arith.constant 0 : i32
          %max3A_457 = vector.broadcast %max3A_456 : i32 to vector<16xi32>
          %max3A_458 = arith.maxsi %sub3A_455, %max3A_457 : vector<16xi32>
          %broadcast_in_dim3A_459 = vector.shape_cast %max3A_458 : vector<16xi32> to vector<16x1xi32>
          %add3A_460 = arith.constant 1 : i32
          %add3A_461 = vector.broadcast %add3A_460 : i32 to vector<16xi32>
          %add3A_462 = arith.addi %iota3A_452, %add3A_461 : vector<16xi32>
          %min3A_463 = arith.constant 15 : i32
          %min3A_464 = vector.broadcast %min3A_463 : i32 to vector<16xi32>
          %min3A_465 = arith.minsi %add3A_462, %min3A_464 : vector<16xi32>
          %broadcast_in_dim3A_466 = vector.shape_cast %min3A_465 : vector<16xi32> to vector<16x1xi32>
          %jit3A_467 = arith.constant 2 : i32
          %eq3A_468 = arith.constant 0 : i32
          %eq3A_469 = arith.cmpi eq, %jit3A_467, %eq3A_468 : i32
          %jit3A_470 = arith.constant 1 : i32
          %select_n3A_471 = arith.select %eq3A_469, %jit3A_470, %jit3A_467 : i32
          %rem3A_472 = vector.broadcast %select_n3A_471 : i32 to vector<16xi32>
          %rem3A_473 = arith.remsi %iota3A_452, %rem3A_472 : vector<16xi32>
          %ne3A_474 = arith.constant 0 : i32
          %ne3A_475 = vector.broadcast %ne3A_474 : i32 to vector<16xi32>
          %ne3A_476 = arith.cmpi ne, %rem3A_473, %ne3A_475 : vector<16xi32>
          %lt3A_477 = arith.constant 0 : i32
          %lt3A_478 = vector.broadcast %lt3A_477 : i32 to vector<16xi32>
          %lt3A_479 = arith.cmpi slt, %rem3A_473, %lt3A_478 : vector<16xi32>
          %lt3A_480 = arith.constant 0 : i32
          %lt3A_481 = arith.cmpi slt, %select_n3A_471, %lt3A_480 : i32
          %ne3A_482 = vector.broadcast %lt3A_481 : i1 to vector<16xi1>
          %ne3A_483 = vector.broadcast %ne3A_482 : vector<16xi1> to vector<16xi1>
          %ne3A_484 = arith.xori %lt3A_479, %ne3A_483 : vector<16xi1>
          %and3A_485 = arith.andi %ne3A_484, %ne3A_476 : vector<16xi1>
          %add3A_486 = vector.broadcast %select_n3A_471 : i32 to vector<16xi32>
          %add3A_487 = arith.addi %rem3A_473, %add3A_486 : vector<16xi32>
          %select_n3A_488 = arith.select %and3A_485, %add3A_487, %rem3A_473 : vector<16xi1>, vector<16xi32>
          %eq3A_489 = arith.constant 0 : i32
          %eq3A_490 = vector.broadcast %eq3A_489 : i32 to vector<16xi32>
          %eq3A_491 = arith.cmpi eq, %select_n3A_488, %eq3A_490 : vector<16xi32>
          %gather3A_492 = vector.shape_cast %broadcast_in_dim3A_459 : vector<16x1xi32> to vector<16xi32>
          %gather3A_493 = tpu.dynamic_gather %masked_sort3A_450[%gather3A_492] in [0] : vector<16xf32>, vector<16xi32> -> vector<16xf32>
          %gather3A_494 = vector.shape_cast %broadcast_in_dim3A_459 : vector<16x1xi32> to vector<16xi32>
          %gather3A_495 = tpu.dynamic_gather %masked_sort3A_451[%gather3A_494] in [0] : vector<16xi32>, vector<16xi32> -> vector<16xi32>
          %gather3A_496 = vector.shape_cast %broadcast_in_dim3A_466 : vector<16x1xi32> to vector<16xi32>
          %gather3A_497 = tpu.dynamic_gather %masked_sort3A_450[%gather3A_496] in [0] : vector<16xf32>, vector<16xi32> -> vector<16xf32>
          %gather3A_498 = vector.shape_cast %broadcast_in_dim3A_466 : vector<16x1xi32> to vector<16xi32>
          %gather3A_499 = tpu.dynamic_gather %masked_sort3A_451[%gather3A_498] in [0] : vector<16xi32>, vector<16xi32> -> vector<16xi32>
          %eq3A_500 = arith.cmpf oeq, %masked_sort3A_450, %gather3A_497 : vector<16xf32>
          %and3A_501 = arith.andi %eq3A_491, %eq3A_500 : vector<16xi1>
          %lt3A_502 = arith.cmpi slt, %gather3A_499, %masked_sort3A_451 : vector<16xi32>
          %and3A_503 = arith.andi %and3A_501, %lt3A_502 : vector<16xi1>
          %not3A_504 = arith.constant dense<true> : vector<16xi1>
          %not3A_505 = arith.xori %eq3A_491, %not3A_504 : vector<16xi1>
          %eq3A_506 = arith.cmpf oeq, %masked_sort3A_450, %gather3A_493 : vector<16xf32>
          %and3A_507 = arith.andi %not3A_505, %eq3A_506 : vector<16xi1>
          %gt3A_508 = arith.cmpi sgt, %gather3A_495, %masked_sort3A_451 : vector<16xi32>
          %and3A_509 = arith.andi %and3A_507, %gt3A_508 : vector<16xi1>
          %select_n3A_510 = arith.select %and3A_509, %gather3A_495, %masked_sort3A_451 : vector<16xi1>, vector<16xi32>
          %select_n3A_511 = arith.select %and3A_503, %gather3A_499, %select_n3A_510 : vector<16xi1>, vector<16xi32>
          %not3A_512 = arith.constant dense<true> : vector<16xi1>
          %not3A_513 = arith.xori %eq3A_491, %not3A_512 : vector<16xi1>
          %gather3A_514 = vector.shape_cast %broadcast_in_dim3A_459 : vector<16x1xi32> to vector<16xi32>
          %gather3A_515 = tpu.dynamic_gather %masked_sort3A_450[%gather3A_514] in [0] : vector<16xf32>, vector<16xi32> -> vector<16xf32>
          %gather3A_516 = vector.shape_cast %broadcast_in_dim3A_459 : vector<16x1xi32> to vector<16xi32>
          %gather3A_517 = tpu.dynamic_gather %select_n3A_511[%gather3A_516] in [0] : vector<16xi32>, vector<16xi32> -> vector<16xi32>
          %gather3A_518 = vector.shape_cast %broadcast_in_dim3A_466 : vector<16x1xi32> to vector<16xi32>
          %gather3A_519 = tpu.dynamic_gather %masked_sort3A_450[%gather3A_518] in [0] : vector<16xf32>, vector<16xi32> -> vector<16xf32>
          %gather3A_520 = vector.shape_cast %broadcast_in_dim3A_466 : vector<16x1xi32> to vector<16xi32>
          %gather3A_521 = tpu.dynamic_gather %select_n3A_511[%gather3A_520] in [0] : vector<16xi32>, vector<16xi32> -> vector<16xi32>
          %eq3A_522 = arith.cmpf oeq, %masked_sort3A_450, %gather3A_519 : vector<16xf32>
          %and3A_523 = arith.andi %not3A_513, %eq3A_522 : vector<16xi1>
          %lt3A_524 = arith.cmpi slt, %gather3A_521, %select_n3A_511 : vector<16xi32>
          %and3A_525 = arith.andi %and3A_523, %lt3A_524 : vector<16xi1>
          %not3A_526 = arith.constant dense<true> : vector<16xi1>
          %not3A_527 = arith.xori %not3A_513, %not3A_526 : vector<16xi1>
          %eq3A_528 = arith.cmpf oeq, %masked_sort3A_450, %gather3A_515 : vector<16xf32>
          %and3A_529 = arith.andi %not3A_527, %eq3A_528 : vector<16xi1>
          %gt3A_530 = arith.cmpi sgt, %gather3A_517, %select_n3A_511 : vector<16xi32>
          %and3A_531 = arith.andi %and3A_529, %gt3A_530 : vector<16xi1>
          %select_n3A_532 = arith.select %and3A_531, %gather3A_517, %select_n3A_511 : vector<16xi1>, vector<16xi32>
          %select_n3A_533 = arith.select %and3A_525, %gather3A_521, %select_n3A_532 : vector<16xi1>, vector<16xi32>
          %gather3A_534 = vector.shape_cast %broadcast_in_dim3A_459 : vector<16x1xi32> to vector<16xi32>
          %gather3A_535 = tpu.dynamic_gather %masked_sort3A_450[%gather3A_534] in [0] : vector<16xf32>, vector<16xi32> -> vector<16xf32>
          %gather3A_536 = vector.shape_cast %broadcast_in_dim3A_459 : vector<16x1xi32> to vector<16xi32>
          %gather3A_537 = tpu.dynamic_gather %select_n3A_533[%gather3A_536] in [0] : vector<16xi32>, vector<16xi32> -> vector<16xi32>
          %gather3A_538 = vector.shape_cast %broadcast_in_dim3A_466 : vector<16x1xi32> to vector<16xi32>
          %gather3A_539 = tpu.dynamic_gather %masked_sort3A_450[%gather3A_538] in [0] : vector<16xf32>, vector<16xi32> -> vector<16xf32>
          %gather3A_540 = vector.shape_cast %broadcast_in_dim3A_466 : vector<16x1xi32> to vector<16xi32>
          %gather3A_541 = tpu.dynamic_gather %select_n3A_533[%gather3A_540] in [0] : vector<16xi32>, vector<16xi32> -> vector<16xi32>
          %eq3A_542 = arith.cmpf oeq, %masked_sort3A_450, %gather3A_539 : vector<16xf32>
          %and3A_543 = arith.andi %eq3A_491, %eq3A_542 : vector<16xi1>
          %lt3A_544 = arith.cmpi slt, %gather3A_541, %select_n3A_533 : vector<16xi32>
          %and3A_545 = arith.andi %and3A_543, %lt3A_544 : vector<16xi1>
          %not3A_546 = arith.constant dense<true> : vector<16xi1>
          %not3A_547 = arith.xori %eq3A_491, %not3A_546 : vector<16xi1>
          %eq3A_548 = arith.cmpf oeq, %masked_sort3A_450, %gather3A_535 : vector<16xf32>
          %and3A_549 = arith.andi %not3A_547, %eq3A_548 : vector<16xi1>
          %gt3A_550 = arith.cmpi sgt, %gather3A_537, %select_n3A_533 : vector<16xi32>
          %and3A_551 = arith.andi %and3A_549, %gt3A_550 : vector<16xi1>
          %select_n3A_552 = arith.select %and3A_551, %gather3A_537, %select_n3A_533 : vector<16xi1>, vector<16xi32>
          %select_n3A_553 = arith.select %and3A_545, %gather3A_541, %select_n3A_552 : vector<16xi1>, vector<16xi32>
          %not3A_554 = arith.constant dense<true> : vector<16xi1>
          %not3A_555 = arith.xori %eq3A_491, %not3A_554 : vector<16xi1>
          %gather3A_556 = vector.shape_cast %broadcast_in_dim3A_459 : vector<16x1xi32> to vector<16xi32>
          %gather3A_557 = tpu.dynamic_gather %masked_sort3A_450[%gather3A_556] in [0] : vector<16xf32>, vector<16xi32> -> vector<16xf32>
          %gather3A_558 = vector.shape_cast %broadcast_in_dim3A_459 : vector<16x1xi32> to vector<16xi32>
          %gather3A_559 = tpu.dynamic_gather %select_n3A_553[%gather3A_558] in [0] : vector<16xi32>, vector<16xi32> -> vector<16xi32>
          %gather3A_560 = vector.shape_cast %broadcast_in_dim3A_466 : vector<16x1xi32> to vector<16xi32>
          %gather3A_561 = tpu.dynamic_gather %masked_sort3A_450[%gather3A_560] in [0] : vector<16xf32>, vector<16xi32> -> vector<16xf32>
          %gather3A_562 = vector.shape_cast %broadcast_in_dim3A_466 : vector<16x1xi32> to vector<16xi32>
          %gather3A_563 = tpu.dynamic_gather %select_n3A_553[%gather3A_562] in [0] : vector<16xi32>, vector<16xi32> -> vector<16xi32>
          %eq3A_564 = arith.cmpf oeq, %masked_sort3A_450, %gather3A_561 : vector<16xf32>
          %and3A_565 = arith.andi %not3A_555, %eq3A_564 : vector<16xi1>
          %lt3A_566 = arith.cmpi slt, %gather3A_563, %select_n3A_553 : vector<16xi32>
          %and3A_567 = arith.andi %and3A_565, %lt3A_566 : vector<16xi1>
          %not3A_568 = arith.constant dense<true> : vector<16xi1>
          %not3A_569 = arith.xori %not3A_555, %not3A_568 : vector<16xi1>
          %eq3A_570 = arith.cmpf oeq, %masked_sort3A_450, %gather3A_557 : vector<16xf32>
          %and3A_571 = arith.andi %not3A_569, %eq3A_570 : vector<16xi1>
          %gt3A_572 = arith.cmpi sgt, %gather3A_559, %select_n3A_553 : vector<16xi32>
          %and3A_573 = arith.andi %and3A_571, %gt3A_572 : vector<16xi1>
          %select_n3A_574 = arith.select %and3A_573, %gather3A_559, %select_n3A_553 : vector<16xi1>, vector<16xi32>
          %select_n3A_575 = arith.select %and3A_567, %gather3A_563, %select_n3A_574 : vector<16xi1>, vector<16xi32>
          %mul3A_576 = arith.constant 32 : i32
          %mul3A_577 = arith.muli %squeeze3A, %mul3A_576 : i32
          %add3A_578 = arith.constant 16 : i32
          %add3A_579 = arith.addi %mul3A_577, %add3A_578 : i32
          %get3A_580 = arith.index_cast %add3A_579 : i32 to index
          %get3A_581 = tpu.vector_load %arg6[%get3A_580] {strides = array<i32>} : memref<20480xf32, #tpu.memory_space<vmem>>, vector<16xf32>,
          %mul3A_582 = arith.constant 32 : i32
          %mul3A_583 = arith.muli %squeeze3A, %mul3A_582 : i32
          %add3A_584 = arith.constant 16 : i32
          %add3A_585 = arith.addi %mul3A_583, %add3A_584 : i32
          %add3A_586 = vector.broadcast %add3A_585 : i32 to vector<16xi32>
          %add3A_587 = arith.addi %add3A_586, %iota3A_198 : vector<16xi32>
          %masked_sort3A_588 = arith.constant dense<true> : vector<16xi1>
          %masked_sort3A_589, %masked_sort3A_590, %masked_sort3A_591 = tpu.sort %get3A_581, %add3A_587 masked %masked_sort3A_588 {descending = true} : (vector<16xf32>, vector<16xi32>, vector<16xi1>) -> (vector<16xi1>, vector<16xf32>, vector<16xi32>)
          %iota3A_592 = tpu.iota {dimensions = array<i32: 0>} : vector<16xi32>
          %sub3A_593 = arith.constant 1 : i32
          %sub3A_594 = vector.broadcast %sub3A_593 : i32 to vector<16xi32>
          %sub3A_595 = arith.subi %iota3A_592, %sub3A_594 : vector<16xi32>
          %max3A_596 = arith.constant 0 : i32
          %max3A_597 = vector.broadcast %max3A_596 : i32 to vector<16xi32>
          %max3A_598 = arith.maxsi %sub3A_595, %max3A_597 : vector<16xi32>
          %broadcast_in_dim3A_599 = vector.shape_cast %max3A_598 : vector<16xi32> to vector<16x1xi32>
          %add3A_600 = arith.constant 1 : i32
          %add3A_601 = vector.broadcast %add3A_600 : i32 to vector<16xi32>
          %add3A_602 = arith.addi %iota3A_592, %add3A_601 : vector<16xi32>
          %min3A_603 = arith.constant 15 : i32
          %min3A_604 = vector.broadcast %min3A_603 : i32 to vector<16xi32>
          %min3A_605 = arith.minsi %add3A_602, %min3A_604 : vector<16xi32>
          %broadcast_in_dim3A_606 = vector.shape_cast %min3A_605 : vector<16xi32> to vector<16x1xi32>
          %jit3A_607 = arith.constant 2 : i32
          %eq3A_608 = arith.constant 0 : i32
          %eq3A_609 = arith.cmpi eq, %jit3A_607, %eq3A_608 : i32
          %jit3A_610 = arith.constant 1 : i32
          %select_n3A_611 = arith.select %eq3A_609, %jit3A_610, %jit3A_607 : i32
          %rem3A_612 = vector.broadcast %select_n3A_611 : i32 to vector<16xi32>
          %rem3A_613 = arith.remsi %iota3A_592, %rem3A_612 : vector<16xi32>
          %ne3A_614 = arith.constant 0 : i32
          %ne3A_615 = vector.broadcast %ne3A_614 : i32 to vector<16xi32>
          %ne3A_616 = arith.cmpi ne, %rem3A_613, %ne3A_615 : vector<16xi32>
          %lt3A_617 = arith.constant 0 : i32
          %lt3A_618 = vector.broadcast %lt3A_617 : i32 to vector<16xi32>
          %lt3A_619 = arith.cmpi slt, %rem3A_613, %lt3A_618 : vector<16xi32>
          %lt3A_620 = arith.constant 0 : i32
          %lt3A_621 = arith.cmpi slt, %select_n3A_611, %lt3A_620 : i32
          %ne3A_622 = vector.broadcast %lt3A_621 : i1 to vector<16xi1>
          %ne3A_623 = vector.broadcast %ne3A_622 : vector<16xi1> to vector<16xi1>
          %ne3A_624 = arith.xori %lt3A_619, %ne3A_623 : vector<16xi1>
          %and3A_625 = arith.andi %ne3A_624, %ne3A_616 : vector<16xi1>
          %add3A_626 = vector.broadcast %select_n3A_611 : i32 to vector<16xi32>
          %add3A_627 = arith.addi %rem3A_613, %add3A_626 : vector<16xi32>
          %select_n3A_628 = arith.select %and3A_625, %add3A_627, %rem3A_613 : vector<16xi1>, vector<16xi32>
          %eq3A_629 = arith.constant 0 : i32
          %eq3A_630 = vector.broadcast %eq3A_629 : i32 to vector<16xi32>
          %eq3A_631 = arith.cmpi eq, %select_n3A_628, %eq3A_630 : vector<16xi32>
          %gather3A_632 = vector.shape_cast %broadcast_in_dim3A_599 : vector<16x1xi32> to vector<16xi32>
          %gather3A_633 = tpu.dynamic_gather %masked_sort3A_590[%gather3A_632] in [0] : vector<16xf32>, vector<16xi32> -> vector<16xf32>
          %gather3A_634 = vector.shape_cast %broadcast_in_dim3A_599 : vector<16x1xi32> to vector<16xi32>
          %gather3A_635 = tpu.dynamic_gather %masked_sort3A_591[%gather3A_634] in [0] : vector<16xi32>, vector<16xi32> -> vector<16xi32>
          %gather3A_636 = vector.shape_cast %broadcast_in_dim3A_606 : vector<16x1xi32> to vector<16xi32>
          %gather3A_637 = tpu.dynamic_gather %masked_sort3A_590[%gather3A_636] in [0] : vector<16xf32>, vector<16xi32> -> vector<16xf32>
          %gather3A_638 = vector.shape_cast %broadcast_in_dim3A_606 : vector<16x1xi32> to vector<16xi32>
          %gather3A_639 = tpu.dynamic_gather %masked_sort3A_591[%gather3A_638] in [0] : vector<16xi32>, vector<16xi32> -> vector<16xi32>
          %eq3A_640 = arith.cmpf oeq, %masked_sort3A_590, %gather3A_637 : vector<16xf32>
          %and3A_641 = arith.andi %eq3A_631, %eq3A_640 : vector<16xi1>
          %gt3A_642 = arith.cmpi sgt, %gather3A_639, %masked_sort3A_591 : vector<16xi32>
          %and3A_643 = arith.andi %and3A_641, %gt3A_642 : vector<16xi1>
          %not3A_644 = arith.constant dense<true> : vector<16xi1>
          %not3A_645 = arith.xori %eq3A_631, %not3A_644 : vector<16xi1>
          %eq3A_646 = arith.cmpf oeq, %masked_sort3A_590, %gather3A_633 : vector<16xf32>
          %and3A_647 = arith.andi %not3A_645, %eq3A_646 : vector<16xi1>
          %lt3A_648 = arith.cmpi slt, %gather3A_635, %masked_sort3A_591 : vector<16xi32>
          %and3A_649 = arith.andi %and3A_647, %lt3A_648 : vector<16xi1>
          %select_n3A_650 = arith.select %and3A_649, %gather3A_635, %masked_sort3A_591 : vector<16xi1>, vector<16xi32>
          %select_n3A_651 = arith.select %and3A_643, %gather3A_639, %select_n3A_650 : vector<16xi1>, vector<16xi32>
          %not3A_652 = arith.constant dense<true> : vector<16xi1>
          %not3A_653 = arith.xori %eq3A_631, %not3A_652 : vector<16xi1>
          %gather3A_654 = vector.shape_cast %broadcast_in_dim3A_599 : vector<16x1xi32> to vector<16xi32>
          %gather3A_655 = tpu.dynamic_gather %masked_sort3A_590[%gather3A_654] in [0] : vector<16xf32>, vector<16xi32> -> vector<16xf32>
          %gather3A_656 = vector.shape_cast %broadcast_in_dim3A_599 : vector<16x1xi32> to vector<16xi32>
          %gather3A_657 = tpu.dynamic_gather %select_n3A_651[%gather3A_656] in [0] : vector<16xi32>, vector<16xi32> -> vector<16xi32>
          %gather3A_658 = vector.shape_cast %broadcast_in_dim3A_606 : vector<16x1xi32> to vector<16xi32>
          %gather3A_659 = tpu.dynamic_gather %masked_sort3A_590[%gather3A_658] in [0] : vector<16xf32>, vector<16xi32> -> vector<16xf32>
          %gather3A_660 = vector.shape_cast %broadcast_in_dim3A_606 : vector<16x1xi32> to vector<16xi32>
          %gather3A_661 = tpu.dynamic_gather %select_n3A_651[%gather3A_660] in [0] : vector<16xi32>, vector<16xi32> -> vector<16xi32>
          %eq3A_662 = arith.cmpf oeq, %masked_sort3A_590, %gather3A_659 : vector<16xf32>
          %and3A_663 = arith.andi %not3A_653, %eq3A_662 : vector<16xi1>
          %gt3A_664 = arith.cmpi sgt, %gather3A_661, %select_n3A_651 : vector<16xi32>
          %and3A_665 = arith.andi %and3A_663, %gt3A_664 : vector<16xi1>
          %not3A_666 = arith.constant dense<true> : vector<16xi1>
          %not3A_667 = arith.xori %not3A_653, %not3A_666 : vector<16xi1>
          %eq3A_668 = arith.cmpf oeq, %masked_sort3A_590, %gather3A_655 : vector<16xf32>
          %and3A_669 = arith.andi %not3A_667, %eq3A_668 : vector<16xi1>
          %lt3A_670 = arith.cmpi slt, %gather3A_657, %select_n3A_651 : vector<16xi32>
          %and3A_671 = arith.andi %and3A_669, %lt3A_670 : vector<16xi1>
          %select_n3A_672 = arith.select %and3A_671, %gather3A_657, %select_n3A_651 : vector<16xi1>, vector<16xi32>
          %select_n3A_673 = arith.select %and3A_665, %gather3A_661, %select_n3A_672 : vector<16xi1>, vector<16xi32>
          %gather3A_674 = vector.shape_cast %broadcast_in_dim3A_599 : vector<16x1xi32> to vector<16xi32>
          %gather3A_675 = tpu.dynamic_gather %masked_sort3A_590[%gather3A_674] in [0] : vector<16xf32>, vector<16xi32> -> vector<16xf32>
          %gather3A_676 = vector.shape_cast %broadcast_in_dim3A_599 : vector<16x1xi32> to vector<16xi32>
          %gather3A_677 = tpu.dynamic_gather %select_n3A_673[%gather3A_676] in [0] : vector<16xi32>, vector<16xi32> -> vector<16xi32>
          %gather3A_678 = vector.shape_cast %broadcast_in_dim3A_606 : vector<16x1xi32> to vector<16xi32>
          %gather3A_679 = tpu.dynamic_gather %masked_sort3A_590[%gather3A_678] in [0] : vector<16xf32>, vector<16xi32> -> vector<16xf32>
          %gather3A_680 = vector.shape_cast %broadcast_in_dim3A_606 : vector<16x1xi32> to vector<16xi32>
          %gather3A_681 = tpu.dynamic_gather %select_n3A_673[%gather3A_680] in [0] : vector<16xi32>, vector<16xi32> -> vector<16xi32>
          %eq3A_682 = arith.cmpf oeq, %masked_sort3A_590, %gather3A_679 : vector<16xf32>
          %and3A_683 = arith.andi %eq3A_631, %eq3A_682 : vector<16xi1>
          %gt3A_684 = arith.cmpi sgt, %gather3A_681, %select_n3A_673 : vector<16xi32>
          %and3A_685 = arith.andi %and3A_683, %gt3A_684 : vector<16xi1>
          %not3A_686 = arith.constant dense<true> : vector<16xi1>
          %not3A_687 = arith.xori %eq3A_631, %not3A_686 : vector<16xi1>
          %eq3A_688 = arith.cmpf oeq, %masked_sort3A_590, %gather3A_675 : vector<16xf32>
          %and3A_689 = arith.andi %not3A_687, %eq3A_688 : vector<16xi1>
          %lt3A_690 = arith.cmpi slt, %gather3A_677, %select_n3A_673 : vector<16xi32>
          %and3A_691 = arith.andi %and3A_689, %lt3A_690 : vector<16xi1>
          %select_n3A_692 = arith.select %and3A_691, %gather3A_677, %select_n3A_673 : vector<16xi1>, vector<16xi32>
          %select_n3A_693 = arith.select %and3A_685, %gather3A_681, %select_n3A_692 : vector<16xi1>, vector<16xi32>
          %not3A_694 = arith.constant dense<true> : vector<16xi1>
          %not3A_695 = arith.xori %eq3A_631, %not3A_694 : vector<16xi1>
          %gather3A_696 = vector.shape_cast %broadcast_in_dim3A_599 : vector<16x1xi32> to vector<16xi32>
          %gather3A_697 = tpu.dynamic_gather %masked_sort3A_590[%gather3A_696] in [0] : vector<16xf32>, vector<16xi32> -> vector<16xf32>
          %gather3A_698 = vector.shape_cast %broadcast_in_dim3A_599 : vector<16x1xi32> to vector<16xi32>
          %gather3A_699 = tpu.dynamic_gather %select_n3A_693[%gather3A_698] in [0] : vector<16xi32>, vector<16xi32> -> vector<16xi32>
          %gather3A_700 = vector.shape_cast %broadcast_in_dim3A_606 : vector<16x1xi32> to vector<16xi32>
          %gather3A_701 = tpu.dynamic_gather %masked_sort3A_590[%gather3A_700] in [0] : vector<16xf32>, vector<16xi32> -> vector<16xf32>
          %gather3A_702 = vector.shape_cast %broadcast_in_dim3A_606 : vector<16x1xi32> to vector<16xi32>
          %gather3A_703 = tpu.dynamic_gather %select_n3A_693[%gather3A_702] in [0] : vector<16xi32>, vector<16xi32> -> vector<16xi32>
          %eq3A_704 = arith.cmpf oeq, %masked_sort3A_590, %gather3A_701 : vector<16xf32>
          %and3A_705 = arith.andi %not3A_695, %eq3A_704 : vector<16xi1>
          %gt3A_706 = arith.cmpi sgt, %gather3A_703, %select_n3A_693 : vector<16xi32>
          %and3A_707 = arith.andi %and3A_705, %gt3A_706 : vector<16xi1>
          %not3A_708 = arith.constant dense<true> : vector<16xi1>
          %not3A_709 = arith.xori %not3A_695, %not3A_708 : vector<16xi1>
          %eq3A_710 = arith.cmpf oeq, %masked_sort3A_590, %gather3A_697 : vector<16xf32>
          %and3A_711 = arith.andi %not3A_709, %eq3A_710 : vector<16xi1>
          %lt3A_712 = arith.cmpi slt, %gather3A_699, %select_n3A_693 : vector<16xi32>
          %and3A_713 = arith.andi %and3A_711, %lt3A_712 : vector<16xi1>
          %select_n3A_714 = arith.select %and3A_713, %gather3A_699, %select_n3A_693 : vector<16xi1>, vector<16xi32>
          %select_n3A_715 = arith.select %and3A_707, %gather3A_703, %select_n3A_714 : vector<16xi1>, vector<16xi32>
          %lt3A_716 = arith.cmpf olt, %masked_sort3A_590, %masked_sort3A_450 : vector<16xf32>
          %eq3A_717 = arith.cmpf oeq, %masked_sort3A_590, %masked_sort3A_450 : vector<16xf32>
          %lt3A_718 = arith.cmpi slt, %select_n3A_715, %select_n3A_575 : vector<16xi32>
          %and3A_719 = arith.andi %eq3A_717, %lt3A_718 : vector<16xi1>
          %or3A_720 = arith.ori %lt3A_716, %and3A_719 : vector<16xi1>
          %select_n3A_721 = arith.select %or3A_720, %masked_sort3A_590, %masked_sort3A_450 : vector<16xi1>, vector<16xf32>
          %select_n3A_722 = arith.select %or3A_720, %select_n3A_715, %select_n3A_575 : vector<16xi1>, vector<16xi32>
          %masked_sort3A_723 = arith.constant dense<true> : vector<16xi1>
          %masked_sort3A_724, %masked_sort3A_725, %masked_sort3A_726 = tpu.sort %select_n3A_721, %select_n3A_722 masked %masked_sort3A_723 : (vector<16xf32>, vector<16xi32>, vector<16xi1>) -> (vector<16xi1>, vector<16xf32>, vector<16xi32>)
          %iota3A_727 = tpu.iota {dimensions = array<i32: 0>} : vector<16xi32>
          %sub3A_728 = arith.constant 1 : i32
          %sub3A_729 = vector.broadcast %sub3A_728 : i32 to vector<16xi32>
          %sub3A_730 = arith.subi %iota3A_727, %sub3A_729 : vector<16xi32>
          %max3A_731 = arith.constant 0 : i32
          %max3A_732 = vector.broadcast %max3A_731 : i32 to vector<16xi32>
          %max3A_733 = arith.maxsi %sub3A_730, %max3A_732 : vector<16xi32>
          %broadcast_in_dim3A_734 = vector.shape_cast %max3A_733 : vector<16xi32> to vector<16x1xi32>
          %add3A_735 = arith.constant 1 : i32
          %add3A_736 = vector.broadcast %add3A_735 : i32 to vector<16xi32>
          %add3A_737 = arith.addi %iota3A_727, %add3A_736 : vector<16xi32>
          %min3A_738 = arith.constant 15 : i32
          %min3A_739 = vector.broadcast %min3A_738 : i32 to vector<16xi32>
          %min3A_740 = arith.minsi %add3A_737, %min3A_739 : vector<16xi32>
          %broadcast_in_dim3A_741 = vector.shape_cast %min3A_740 : vector<16xi32> to vector<16x1xi32>
          %jit3A_742 = arith.constant 2 : i32
          %eq3A_743 = arith.constant 0 : i32
          %eq3A_744 = arith.cmpi eq, %jit3A_742, %eq3A_743 : i32
          %jit3A_745 = arith.constant 1 : i32
          %select_n3A_746 = arith.select %eq3A_744, %jit3A_745, %jit3A_742 : i32
          %rem3A_747 = vector.broadcast %select_n3A_746 : i32 to vector<16xi32>
          %rem3A_748 = arith.remsi %iota3A_727, %rem3A_747 : vector<16xi32>
          %ne3A_749 = arith.constant 0 : i32
          %ne3A_750 = vector.broadcast %ne3A_749 : i32 to vector<16xi32>
          %ne3A_751 = arith.cmpi ne, %rem3A_748, %ne3A_750 : vector<16xi32>
          %lt3A_752 = arith.constant 0 : i32
          %lt3A_753 = vector.broadcast %lt3A_752 : i32 to vector<16xi32>
          %lt3A_754 = arith.cmpi slt, %rem3A_748, %lt3A_753 : vector<16xi32>
          %lt3A_755 = arith.constant 0 : i32
          %lt3A_756 = arith.cmpi slt, %select_n3A_746, %lt3A_755 : i32
          %ne3A_757 = vector.broadcast %lt3A_756 : i1 to vector<16xi1>
          %ne3A_758 = vector.broadcast %ne3A_757 : vector<16xi1> to vector<16xi1>
          %ne3A_759 = arith.xori %lt3A_754, %ne3A_758 : vector<16xi1>
          %and3A_760 = arith.andi %ne3A_759, %ne3A_751 : vector<16xi1>
          %add3A_761 = vector.broadcast %select_n3A_746 : i32 to vector<16xi32>
          %add3A_762 = arith.addi %rem3A_748, %add3A_761 : vector<16xi32>
          %select_n3A_763 = arith.select %and3A_760, %add3A_762, %rem3A_748 : vector<16xi1>, vector<16xi32>
          %eq3A_764 = arith.constant 0 : i32
          %eq3A_765 = vector.broadcast %eq3A_764 : i32 to vector<16xi32>
          %eq3A_766 = arith.cmpi eq, %select_n3A_763, %eq3A_765 : vector<16xi32>
          %gather3A_767 = vector.shape_cast %broadcast_in_dim3A_734 : vector<16x1xi32> to vector<16xi32>
          %gather3A_768 = tpu.dynamic_gather %masked_sort3A_725[%gather3A_767] in [0] : vector<16xf32>, vector<16xi32> -> vector<16xf32>
          %gather3A_769 = vector.shape_cast %broadcast_in_dim3A_734 : vector<16x1xi32> to vector<16xi32>
          %gather3A_770 = tpu.dynamic_gather %masked_sort3A_726[%gather3A_769] in [0] : vector<16xi32>, vector<16xi32> -> vector<16xi32>
          %gather3A_771 = vector.shape_cast %broadcast_in_dim3A_741 : vector<16x1xi32> to vector<16xi32>
          %gather3A_772 = tpu.dynamic_gather %masked_sort3A_725[%gather3A_771] in [0] : vector<16xf32>, vector<16xi32> -> vector<16xf32>
          %gather3A_773 = vector.shape_cast %broadcast_in_dim3A_741 : vector<16x1xi32> to vector<16xi32>
          %gather3A_774 = tpu.dynamic_gather %masked_sort3A_726[%gather3A_773] in [0] : vector<16xi32>, vector<16xi32> -> vector<16xi32>
          %eq3A_775 = arith.cmpf oeq, %masked_sort3A_725, %gather3A_772 : vector<16xf32>
          %and3A_776 = arith.andi %eq3A_766, %eq3A_775 : vector<16xi1>
          %lt3A_777 = arith.cmpi slt, %gather3A_774, %masked_sort3A_726 : vector<16xi32>
          %and3A_778 = arith.andi %and3A_776, %lt3A_777 : vector<16xi1>
          %not3A_779 = arith.constant dense<true> : vector<16xi1>
          %not3A_780 = arith.xori %eq3A_766, %not3A_779 : vector<16xi1>
          %eq3A_781 = arith.cmpf oeq, %masked_sort3A_725, %gather3A_768 : vector<16xf32>
          %and3A_782 = arith.andi %not3A_780, %eq3A_781 : vector<16xi1>
          %gt3A_783 = arith.cmpi sgt, %gather3A_770, %masked_sort3A_726 : vector<16xi32>
          %and3A_784 = arith.andi %and3A_782, %gt3A_783 : vector<16xi1>
          %select_n3A_785 = arith.select %and3A_784, %gather3A_770, %masked_sort3A_726 : vector<16xi1>, vector<16xi32>
          %select_n3A_786 = arith.select %and3A_778, %gather3A_774, %select_n3A_785 : vector<16xi1>, vector<16xi32>
          %not3A_787 = arith.constant dense<true> : vector<16xi1>
          %not3A_788 = arith.xori %eq3A_766, %not3A_787 : vector<16xi1>
          %gather3A_789 = vector.shape_cast %broadcast_in_dim3A_734 : vector<16x1xi32> to vector<16xi32>
          %gather3A_790 = tpu.dynamic_gather %masked_sort3A_725[%gather3A_789] in [0] : vector<16xf32>, vector<16xi32> -> vector<16xf32>
          %gather3A_791 = vector.shape_cast %broadcast_in_dim3A_734 : vector<16x1xi32> to vector<16xi32>
          %gather3A_792 = tpu.dynamic_gather %select_n3A_786[%gather3A_791] in [0] : vector<16xi32>, vector<16xi32> -> vector<16xi32>
          %gather3A_793 = vector.shape_cast %broadcast_in_dim3A_741 : vector<16x1xi32> to vector<16xi32>
          %gather3A_794 = tpu.dynamic_gather %masked_sort3A_725[%gather3A_793] in [0] : vector<16xf32>, vector<16xi32> -> vector<16xf32>
          %gather3A_795 = vector.shape_cast %broadcast_in_dim3A_741 : vector<16x1xi32> to vector<16xi32>
          %gather3A_796 = tpu.dynamic_gather %select_n3A_786[%gather3A_795] in [0] : vector<16xi32>, vector<16xi32> -> vector<16xi32>
          %eq3A_797 = arith.cmpf oeq, %masked_sort3A_725, %gather3A_794 : vector<16xf32>
          %and3A_798 = arith.andi %not3A_788, %eq3A_797 : vector<16xi1>
          %lt3A_799 = arith.cmpi slt, %gather3A_796, %select_n3A_786 : vector<16xi32>
          %and3A_800 = arith.andi %and3A_798, %lt3A_799 : vector<16xi1>
          %not3A_801 = arith.constant dense<true> : vector<16xi1>
          %not3A_802 = arith.xori %not3A_788, %not3A_801 : vector<16xi1>
          %eq3A_803 = arith.cmpf oeq, %masked_sort3A_725, %gather3A_790 : vector<16xf32>
          %and3A_804 = arith.andi %not3A_802, %eq3A_803 : vector<16xi1>
          %gt3A_805 = arith.cmpi sgt, %gather3A_792, %select_n3A_786 : vector<16xi32>
          %and3A_806 = arith.andi %and3A_804, %gt3A_805 : vector<16xi1>
          %select_n3A_807 = arith.select %and3A_806, %gather3A_792, %select_n3A_786 : vector<16xi1>, vector<16xi32>
          %select_n3A_808 = arith.select %and3A_800, %gather3A_796, %select_n3A_807 : vector<16xi1>, vector<16xi32>
          %gather3A_809 = vector.shape_cast %broadcast_in_dim3A_734 : vector<16x1xi32> to vector<16xi32>
          %gather3A_810 = tpu.dynamic_gather %masked_sort3A_725[%gather3A_809] in [0] : vector<16xf32>, vector<16xi32> -> vector<16xf32>
          %gather3A_811 = vector.shape_cast %broadcast_in_dim3A_734 : vector<16x1xi32> to vector<16xi32>
          %gather3A_812 = tpu.dynamic_gather %select_n3A_808[%gather3A_811] in [0] : vector<16xi32>, vector<16xi32> -> vector<16xi32>
          %gather3A_813 = vector.shape_cast %broadcast_in_dim3A_741 : vector<16x1xi32> to vector<16xi32>
          %gather3A_814 = tpu.dynamic_gather %masked_sort3A_725[%gather3A_813] in [0] : vector<16xf32>, vector<16xi32> -> vector<16xf32>
          %gather3A_815 = vector.shape_cast %broadcast_in_dim3A_741 : vector<16x1xi32> to vector<16xi32>
          %gather3A_816 = tpu.dynamic_gather %select_n3A_808[%gather3A_815] in [0] : vector<16xi32>, vector<16xi32> -> vector<16xi32>
          %eq3A_817 = arith.cmpf oeq, %masked_sort3A_725, %gather3A_814 : vector<16xf32>
          %and3A_818 = arith.andi %eq3A_766, %eq3A_817 : vector<16xi1>
          %lt3A_819 = arith.cmpi slt, %gather3A_816, %select_n3A_808 : vector<16xi32>
          %and3A_820 = arith.andi %and3A_818, %lt3A_819 : vector<16xi1>
          %not3A_821 = arith.constant dense<true> : vector<16xi1>
          %not3A_822 = arith.xori %eq3A_766, %not3A_821 : vector<16xi1>
          %eq3A_823 = arith.cmpf oeq, %masked_sort3A_725, %gather3A_810 : vector<16xf32>
          %and3A_824 = arith.andi %not3A_822, %eq3A_823 : vector<16xi1>
          %gt3A_825 = arith.cmpi sgt, %gather3A_812, %select_n3A_808 : vector<16xi32>
          %and3A_826 = arith.andi %and3A_824, %gt3A_825 : vector<16xi1>
          %select_n3A_827 = arith.select %and3A_826, %gather3A_812, %select_n3A_808 : vector<16xi1>, vector<16xi32>
          %select_n3A_828 = arith.select %and3A_820, %gather3A_816, %select_n3A_827 : vector<16xi1>, vector<16xi32>
          %not3A_829 = arith.constant dense<true> : vector<16xi1>
          %not3A_830 = arith.xori %eq3A_766, %not3A_829 : vector<16xi1>
          %gather3A_831 = vector.shape_cast %broadcast_in_dim3A_734 : vector<16x1xi32> to vector<16xi32>
          %gather3A_832 = tpu.dynamic_gather %masked_sort3A_725[%gather3A_831] in [0] : vector<16xf32>, vector<16xi32> -> vector<16xf32>
          %gather3A_833 = vector.shape_cast %broadcast_in_dim3A_734 : vector<16x1xi32> to vector<16xi32>
          %gather3A_834 = tpu.dynamic_gather %select_n3A_828[%gather3A_833] in [0] : vector<16xi32>, vector<16xi32> -> vector<16xi32>
          %gather3A_835 = vector.shape_cast %broadcast_in_dim3A_741 : vector<16x1xi32> to vector<16xi32>
          %gather3A_836 = tpu.dynamic_gather %masked_sort3A_725[%gather3A_835] in [0] : vector<16xf32>, vector<16xi32> -> vector<16xf32>
          %gather3A_837 = vector.shape_cast %broadcast_in_dim3A_741 : vector<16x1xi32> to vector<16xi32>
          %gather3A_838 = tpu.dynamic_gather %select_n3A_828[%gather3A_837] in [0] : vector<16xi32>, vector<16xi32> -> vector<16xi32>
          %eq3A_839 = arith.cmpf oeq, %masked_sort3A_725, %gather3A_836 : vector<16xf32>
          %and3A_840 = arith.andi %not3A_830, %eq3A_839 : vector<16xi1>
          %lt3A_841 = arith.cmpi slt, %gather3A_838, %select_n3A_828 : vector<16xi32>
          %and3A_842 = arith.andi %and3A_840, %lt3A_841 : vector<16xi1>
          %not3A_843 = arith.constant dense<true> : vector<16xi1>
          %not3A_844 = arith.xori %not3A_830, %not3A_843 : vector<16xi1>
          %eq3A_845 = arith.cmpf oeq, %masked_sort3A_725, %gather3A_832 : vector<16xf32>
          %and3A_846 = arith.andi %not3A_844, %eq3A_845 : vector<16xi1>
          %gt3A_847 = arith.cmpi sgt, %gather3A_834, %select_n3A_828 : vector<16xi32>
          %and3A_848 = arith.andi %and3A_846, %gt3A_847 : vector<16xi1>
          %select_n3A_849 = arith.select %and3A_848, %gather3A_834, %select_n3A_828 : vector<16xi1>, vector<16xi32>
          %select_n3A_850 = arith.select %and3A_842, %gather3A_838, %select_n3A_849 : vector<16xi1>, vector<16xi32>
          scf.yield %masked_sort3A_725, %select_n3A_850 : vector<16xf32>, vector<16xi32>
        }
        scf.yield %while3A_308#0, %while3A_308#1 : vector<16xf32>, vector<16xi32>
      }
      %lt3A_292 = arith.constant 625 : i32
      %lt3A_293 = arith.cmpi slt, %add3A_168, %lt3A_292 : i32
      %convert_element_type3A_294 = arith.extui %lt3A_293 : i1 to i32
      %cond3A_295 = arith.constant 0 : i32
      %cond3A_296 = arith.cmpi ne, %convert_element_type3A_294, %cond3A_295 : i32
      scf.if %cond3A_296 {
        %convert_element_type3A_298 = arith.sitofp %cond3A_291#1 : vector<16xi32> to vector<16xf32>
        %mul3A_299 = arith.constant 16 : i32
        %mul3A_300 = arith.muli %add3A_168, %mul3A_299 : i32
        %swap3A = arith.index_cast %mul3A_300 : i32 to index
        %swap3A_301 = tpu.vector_load %arg12[%swap3A] {strides = array<i32>} : memref<10000xf32, #tpu.memory_space<vmem>>, vector<16xf32>,
        tpu.vector_store %arg12[%swap3A], %convert_element_type3A_298 {strides = array<i32>} : memref<10000xf32, #tpu.memory_space<vmem>>, vector<16xf32>,
      } else {
      }
      %scan3A_297 = arith.constant 0 : i32
      scf.yield %scan3A_297 : i32
    }
    %scan3A_19 = arith.constant 313 : i32
    %add3A_20 = arith.constant 625 : i32
    %add3A_21 = arith.addi %mul3A_2, %add3A_20 : i32
    %add3A_22 = arith.constant 1 : i32
    %add3A_23 = arith.addi %add3A_21, %add3A_22 : i32
    %dma_wait3A = arith.constant 0 : i32
    %dma_wait3A_24 = tpu.memref_slice %arg2[%add3A_23, %dma_wait3A] : memref<20480x20480xf32, #tpu.memory_space<hbm>> -> memref<1x20480xf32, #tpu.memory_space<hbm>>
    %dma_wait3A_25 = tpu.memref_squeeze %dma_wait3A_24 : memref<1x20480xf32, #tpu.memory_space<hbm>> -> memref<20480xf32, #tpu.memory_space<hbm>>
    %dma_wait3A_26 = arith.constant 0 : i32
    %dma_wait3A_27 = tpu.memref_slice %arg2[%add3A_23, %dma_wait3A_26] : memref<20480x20480xf32, #tpu.memory_space<hbm>> -> memref<1x20480xf32, #tpu.memory_space<hbm>>
    %dma_wait3A_28 = tpu.memref_squeeze %dma_wait3A_27 : memref<1x20480xf32, #tpu.memory_space<hbm>> -> memref<20480xf32, #tpu.memory_space<hbm>>
    tpu.wait_dma2 semaphore(%arg13 : memref<!tpu.dma_semaphore, #tpu.memory_space<semaphore_mem>>) src(%dma_wait3A_28 : memref<20480xf32, #tpu.memory_space<hbm>>) dst(%arg5 : memref<20480xf32, #tpu.memory_space<vmem>>)
    %add3A_29 = arith.constant 625 : i32
    %add3A_30 = arith.addi %mul3A_2, %add3A_29 : i32
    %add3A_31 = arith.constant 1 : i32
    %add3A_32 = arith.addi %add3A_30, %add3A_31 : i32
    %dma_wait3A_33 = arith.constant 0 : i32
    %dma_wait3A_34 = tpu.memref_slice %arg3[%add3A_32, %dma_wait3A_33] : memref<20480x640xf32, #tpu.memory_space<hbm>> -> memref<1x640xf32, #tpu.memory_space<hbm>>
    %dma_wait3A_35 = tpu.memref_squeeze %dma_wait3A_34 : memref<1x640xf32, #tpu.memory_space<hbm>> -> memref<640xf32, #tpu.memory_space<hbm>>
    %dma_wait3A_36 = arith.constant 0 : i32
    %dma_wait3A_37 = tpu.memref_slice %arg3[%add3A_32, %dma_wait3A_36] : memref<20480x640xf32, #tpu.memory_space<hbm>> -> memref<1x640xf32, #tpu.memory_space<hbm>>
    %dma_wait3A_38 = tpu.memref_squeeze %dma_wait3A_37 : memref<1x640xf32, #tpu.memory_space<hbm>> -> memref<640xf32, #tpu.memory_space<hbm>>
    tpu.wait_dma2 semaphore(%arg15 : memref<!tpu.dma_semaphore, #tpu.memory_space<semaphore_mem>>) src(%dma_wait3A_38 : memref<640xf32, #tpu.memory_space<hbm>>) dst(%arg7 : memref<640xf32, #tpu.memory_space<vmem>>)
    %mul3A_39 = arith.constant 16 : i32
    %mul3A_40 = arith.muli %mul3A_2, %mul3A_39 : i32
    "tpu.region"() ({
      %run_scoped3A = tpu.sem_alloc : memref<!tpu.dma_semaphore, #tpu.memory_space<semaphore_mem>>
      %dma_start3A_41 = tpu.memref_slice %arg4[%mul3A_40] : memref<320000xf32, #tpu.memory_space<hbm>> -> memref<10000xf32, #tpu.memory_space<hbm>>
      %dma_start3A_42 = tpu.memref_slice %arg4[%mul3A_40] : memref<320000xf32, #tpu.memory_space<hbm>> -> memref<10000xf32, #tpu.memory_space<hbm>>
      tpu.enqueue_dma source(%arg12 : memref<10000xf32, #tpu.memory_space<vmem>>) target(%dma_start3A_42 : memref<10000xf32, #tpu.memory_space<hbm>>) target_semaphore(%run_scoped3A : memref<!tpu.dma_semaphore, #tpu.memory_space<semaphore_mem>>)
      %dma_wait3A_43 = tpu.memref_slice %arg4[%mul3A_40] : memref<320000xf32, #tpu.memory_space<hbm>> -> memref<10000xf32, #tpu.memory_space<hbm>>
      %dma_wait3A_44 = tpu.memref_slice %arg4[%mul3A_40] : memref<320000xf32, #tpu.memory_space<hbm>> -> memref<10000xf32, #tpu.memory_space<hbm>>
      tpu.wait_dma2 semaphore(%run_scoped3A : memref<!tpu.dma_semaphore, #tpu.memory_space<semaphore_mem>>) src(%arg12 : memref<10000xf32, #tpu.memory_space<vmem>>) dst(%dma_wait3A_44 : memref<10000xf32, #tpu.memory_space<hbm>>)
      tpu.yield
    }) : () -> ()
    return
  }
}

module attributes {stable_mosaic.version = 14 : i64} {
  func.func @_mblock_body(%arg0: i32, %arg1: i32, %arg2: memref<4096x3xf32, #tpu.memory_space<vmem>>, %arg3: memref<3x512xf32, #tpu.memory_space<vmem>>, %arg4: memref<512x128xf32, #tpu.memory_space<vmem>>) attributes {dimension_semantics = [#tpu.dimension_semantics<arbitrary>, #tpu.dimension_semantics<arbitrary>], iteration_bounds = array<i64: 40, 5>, scalar_prefetch = 0 : i64, scratch_operands = 0 : i64, tpu.core_type = #tpu.core_type<tc>, window_params = [{transform_indices = @transform_0, window_bounds = array<i64: 4096, 3>}, {transform_indices = @transform_1, window_bounds = array<i64: 3, 512>}, {transform_indices = @transform_2, window_bounds = array<i64: 512, 128>}]} {
    %get3A = arith.constant 0 : index
    %get3A_0 = arith.constant 0 : index
    %get3A_1 = vector.load %arg2[%get3A, %get3A_0] : memref<4096x3xf32, #tpu.memory_space<vmem>>, vector<4096x3xf32>
    %get3A_2 = arith.constant 0 : index
    %get3A_3 = arith.constant 0 : index
    %get3A_4 = vector.load %arg3[%get3A_2, %get3A_3] : memref<3x512xf32, #tpu.memory_space<vmem>>, vector<3x512xf32>
    %dot_general3A = arith.constant dense<0.000000e+00> : vector<4096x512xf32>
    %dot_general3A_5 = tpu.matmul %get3A_1, %get3A_4, %dot_general3A {dimension_numbers = #tpu.dot_dimension_numbers<[1], [0], [0], [1], [0, 0, 1, 1], [], []>, transpose_lhs_hint = false} : vector<4096x3xf32>, vector<3x512xf32>, vector<4096x512xf32> -> vector<4096x512xf32>
    %mul3A = arith.mulf %get3A_1, %get3A_1 : vector<4096x3xf32>
    %reduce_sum3A = arith.constant dense<0.000000e+00> : vector<4096xf32>
    %reduce_sum3A_6 = vector.multi_reduction <add>, %mul3A, %reduce_sum3A [1] : vector<4096x3xf32> to vector<4096xf32>
    %broadcast_in_dim3A = vector.shape_cast %reduce_sum3A_6 : vector<4096xf32> to vector<4096x1xf32>
    %mul3A_7 = arith.mulf %get3A_4, %get3A_4 : vector<3x512xf32>
    %reduce_sum3A_8 = arith.constant dense<0.000000e+00> : vector<512xf32>
    %reduce_sum3A_9 = vector.multi_reduction <add>, %mul3A_7, %reduce_sum3A_8 [0] : vector<3x512xf32> to vector<512xf32>
    %broadcast_in_dim3A_10 = vector.shape_cast %reduce_sum3A_9 : vector<512xf32> to vector<1x512xf32>
    %add3A = vector.broadcast %broadcast_in_dim3A : vector<4096x1xf32> to vector<4096x512xf32>
    %add3A_11 = vector.broadcast %broadcast_in_dim3A_10 : vector<1x512xf32> to vector<4096x512xf32>
    %add3A_12 = arith.addf %add3A, %add3A_11 : vector<4096x512xf32>
    %mul3A_13 = arith.constant 2.000000e+00 : f32
    %mul3A_14 = vector.broadcast %mul3A_13 : f32 to vector<4096x512xf32>
    %mul3A_15 = arith.mulf %mul3A_14, %dot_general3A_5 : vector<4096x512xf32>
    %sub3A = arith.subf %add3A_12, %mul3A_15 : vector<4096x512xf32>
    %mul3A_16 = arith.constant 4096 : i32
    %mul3A_17 = arith.muli %arg1, %mul3A_16 : i32
    %iota3A = tpu.iota {dimensions = array<i32: 0>} : vector<4096x512xi32>
    %add3A_18 = vector.broadcast %mul3A_17 : i32 to vector<4096x512xi32>
    %add3A_19 = arith.addi %add3A_18, %iota3A : vector<4096x512xi32>
    %ge3A = arith.constant 20000 : i32
    %ge3A_20 = vector.broadcast %ge3A : i32 to vector<4096x512xi32>
    %ge3A_21 = arith.cmpi sge, %add3A_19, %ge3A_20 : vector<4096x512xi32>
    %jit3A = arith.constant 0x7F800000 : f32
    %broadcast_in_dim3A_22 = vector.broadcast %jit3A : f32 to vector<4096x512xf32>
    %select_n3A = arith.select %ge3A_21, %broadcast_in_dim3A_22, %sub3A : vector<4096x512xi1>, vector<4096x512xf32>
    %reshape3A = vector.shape_cast %select_n3A : vector<4096x512xf32> to vector<128x32x512xf32>
    %reduce_min3A = arith.constant dense<0x7F800000> : vector<128x512xf32>
    %reduce_min3A_23 = vector.multi_reduction <minimumf>, %reshape3A, %reduce_min3A [1] : vector<128x32x512xf32> to vector<128x512xf32>
    %max3A = arith.constant 0.000000e+00 : f32
    %max3A_24 = vector.broadcast %max3A : f32 to vector<128x512xf32>
    %max3A_25 = arith.maximumf %reduce_min3A_23, %max3A_24 : vector<128x512xf32>
    %sqrt3A = math.sqrt %max3A_25 : vector<128x512xf32>
    %transpose3A = tpu.transpose %sqrt3A, [1, 0] : vector<128x512xf32> -> vector<512x128xf32>
    %swap3A = arith.constant 0 : index
    %swap3A_26 = arith.constant 0 : index
    %swap3A_27 = vector.load %arg4[%swap3A, %swap3A_26] : memref<512x128xf32, #tpu.memory_space<vmem>>, vector<512x128xf32>
    tpu.vector_store %arg4[%swap3A, %swap3A_26], %transpose3A {strides = array<i32>} : memref<512x128xf32, #tpu.memory_space<vmem>>, vector<512x128xf32>,
    return
  }
  func.func @transform_0(%arg0: i32, %arg1: i32) -> (i32, i32) {
    %c0_i32 = arith.constant 0 : i32
    %c0_i32_0 = arith.constant 0 : i32
    return %arg1, %c0_i32 : i32, i32
  }
  func.func @transform_1(%arg0: i32, %arg1: i32) -> (i32, i32) {
    %c0_i32 = arith.constant 0 : i32
    %c0_i32_0 = arith.constant 0 : i32
    return %c0_i32, %arg0 : i32, i32
  }
  func.func @transform_2(%arg0: i32, %arg1: i32) -> (i32, i32) {
    %c0_i32 = arith.constant 0 : i32
    return %arg0, %arg1 : i32, i32
  }
}

module attributes {stable_mosaic.version = 14 : i64} {
  func.func @_dist_body(%arg0: i32, %arg1: i32, %arg2: memref<512x3xf32, #tpu.memory_space<vmem>>, %arg3: memref<3x2048xf32, #tpu.memory_space<vmem>>, %arg4: memref<512x2048xf32, #tpu.memory_space<vmem>>) attributes {dimension_semantics = [#tpu.dimension_semantics<arbitrary>, #tpu.dimension_semantics<arbitrary>], iteration_bounds = array<i64: 40, 10>, scalar_prefetch = 0 : i64, scratch_operands = 0 : i64, tpu.core_type = #tpu.core_type<tc>, window_params = [{transform_indices = @transform_0, window_bounds = array<i64: 512, 3>}, {transform_indices = @transform_1, window_bounds = array<i64: 3, 2048>}, {transform_indices = @transform_2, window_bounds = array<i64: 512, 2048>}]} {
    %get3A = arith.constant 0 : index
    %get3A_0 = arith.constant 0 : index
    %get3A_1 = vector.load %arg2[%get3A, %get3A_0] : memref<512x3xf32, #tpu.memory_space<vmem>>, vector<512x3xf32>
    %get3A_2 = arith.constant 0 : index
    %get3A_3 = arith.constant 0 : index
    %get3A_4 = vector.load %arg3[%get3A_2, %get3A_3] : memref<3x2048xf32, #tpu.memory_space<vmem>>, vector<3x2048xf32>
    %dot_general3A = arith.constant dense<0.000000e+00> : vector<512x2048xf32>
    %dot_general3A_5 = tpu.matmul %get3A_1, %get3A_4, %dot_general3A {dimension_numbers = #tpu.dot_dimension_numbers<[1], [0], [0], [1], [0, 0, 1, 1], [], []>, transpose_lhs_hint = false} : vector<512x3xf32>, vector<3x2048xf32>, vector<512x2048xf32> -> vector<512x2048xf32>
    %mul3A = arith.mulf %get3A_1, %get3A_1 : vector<512x3xf32>
    %reduce_sum3A = arith.constant dense<0.000000e+00> : vector<512xf32>
    %reduce_sum3A_6 = vector.multi_reduction <add>, %mul3A, %reduce_sum3A [1] : vector<512x3xf32> to vector<512xf32>
    %broadcast_in_dim3A = vector.shape_cast %reduce_sum3A_6 : vector<512xf32> to vector<512x1xf32>
    %mul3A_7 = arith.mulf %get3A_4, %get3A_4 : vector<3x2048xf32>
    %reduce_sum3A_8 = arith.constant dense<0.000000e+00> : vector<2048xf32>
    %reduce_sum3A_9 = vector.multi_reduction <add>, %mul3A_7, %reduce_sum3A_8 [0] : vector<3x2048xf32> to vector<2048xf32>
    %broadcast_in_dim3A_10 = vector.shape_cast %reduce_sum3A_9 : vector<2048xf32> to vector<1x2048xf32>
    %add3A = vector.broadcast %broadcast_in_dim3A : vector<512x1xf32> to vector<512x2048xf32>
    %add3A_11 = vector.broadcast %broadcast_in_dim3A_10 : vector<1x2048xf32> to vector<512x2048xf32>
    %add3A_12 = arith.addf %add3A, %add3A_11 : vector<512x2048xf32>
    %mul3A_13 = arith.constant 2.000000e+00 : f32
    %mul3A_14 = vector.broadcast %mul3A_13 : f32 to vector<512x2048xf32>
    %mul3A_15 = arith.mulf %mul3A_14, %dot_general3A_5 : vector<512x2048xf32>
    %sub3A = arith.subf %add3A_12, %mul3A_15 : vector<512x2048xf32>
    %max3A = arith.constant 0.000000e+00 : f32
    %max3A_16 = vector.broadcast %max3A : f32 to vector<512x2048xf32>
    %max3A_17 = arith.maximumf %sub3A, %max3A_16 : vector<512x2048xf32>
    %sqrt3A = math.sqrt %max3A_17 : vector<512x2048xf32>
    %mul3A_18 = arith.constant 2048 : i32
    %mul3A_19 = arith.muli %arg1, %mul3A_18 : i32
    %iota3A = tpu.iota {dimensions = array<i32: 1>} : vector<512x2048xi32>
    %add3A_20 = vector.broadcast %mul3A_19 : i32 to vector<512x2048xi32>
    %add3A_21 = arith.addi %add3A_20, %iota3A : vector<512x2048xi32>
    %ge3A = arith.constant 20000 : i32
    %ge3A_22 = vector.broadcast %ge3A : i32 to vector<512x2048xi32>
    %ge3A_23 = arith.cmpi sge, %add3A_21, %ge3A_22 : vector<512x2048xi32>
    %jit3A = arith.constant 0x7F800000 : f32
    %broadcast_in_dim3A_24 = vector.broadcast %jit3A : f32 to vector<512x2048xf32>
    %select_n3A = arith.select %ge3A_23, %broadcast_in_dim3A_24, %sqrt3A : vector<512x2048xi1>, vector<512x2048xf32>
    %swap3A = arith.constant 0 : index
    %swap3A_25 = arith.constant 0 : index
    %swap3A_26 = vector.load %arg4[%swap3A, %swap3A_25] : memref<512x2048xf32, #tpu.memory_space<vmem>>, vector<512x2048xf32>
    tpu.vector_store %arg4[%swap3A, %swap3A_25], %select_n3A {strides = array<i32>} : memref<512x2048xf32, #tpu.memory_space<vmem>>, vector<512x2048xf32>,
    return
  }
  func.func @transform_0(%arg0: i32, %arg1: i32) -> (i32, i32) {
    %c0_i32 = arith.constant 0 : i32
    %c0_i32_0 = arith.constant 0 : i32
    return %arg0, %c0_i32 : i32, i32
  }
  func.func @transform_1(%arg0: i32, %arg1: i32) -> (i32, i32) {
    %c0_i32 = arith.constant 0 : i32
    %c0_i32_0 = arith.constant 0 : i32
    return %c0_i32, %arg1 : i32, i32
  }
  func.func @transform_2(%arg0: i32, %arg1: i32) -> (i32, i32) {
    %c0_i32 = arith.constant 0 : i32
    return %arg0, %arg1 : i32, i32
  }
}

</mosaic_0001>

<sc_bundles>
// kernel: kernel.5.cloned.1.call-start
scs
__scs_entry_jumppad:
0x0: {  	(pc) =	sbr.rel $0x88, $3  }
0x1: {  	(tag) =	ssettag $0x0;
	lr =	simm.s32 $0x1  }
0x2: {  	[smem:$0x3FA0] =	sst lr;
	_ =	strace $0xD0000000  }
0x3: {  	_ = 	snop  }
0x4: {  	_ = 	snop  }
0x5: {  	_ = 	snop  }
0x6: {  	_ = 	snop  }
0x7: {  	_ = 	snop  }
__scs_overlays_trampoline_lowered:
0x8: {  	[smem:$0x3FAF] =	sst s0  }
0x9: {  	[smem:$0x3FB0] =	sst s1  }
0xa: {  	[smem:$0x3FB1] =	sst s2  }
0xb: {  	[smem:$0x3FB2] =	sst s3  }
0xc: {  	[smem:$0x3FB3] =	sst s4  }
0xd: {  	[smem:$0x3FB4] =	sst s5  }
0xe: {  	[smem:$0x3FB5] =	sst s6  }
0xf: {  	[smem:$0x3FB6] =	sst s7  }
0x10: {  	[smem:$0x3FB7] =	sst s8  }
0x11: {  	[smem:$0x3FB8] =	sst s9;
	s0 =	simm.s32 @!p0 $0x0  }
0x12: {  	s1 =	sld [smem:$0x3F9E];
	s0 =	simm.s32 @p0 $0x1  }
0x13: {  	[smem:$0x3FB9] =	sst s0;
	s0 =	simm.s32 @!p1 $0x0  }
0x14: {  	s2 =	sld [smem:$0x3F9D];
	s0 =	simm.s32 @p1 $0x1  }
0x15: {  	[smem:$0x3FBA] =	sst s0;
	s0 =	simm.s32 @!p2 $0x0  }
0x16: {  	s3 =	sld [smem:$0x3FDB];
	s0 =	simm.s32 @p2 $0x1  }
0x17: {  	s4 =	simm.s32 $0x1BF5;
	[smem:$0x3FBC] =	sst s0  }
0x18: {  	s0 =	sld [smem:$0x3F9F];
	_ =	swait.ge [sflag:s4], $0x0  }
0x19: {  	s7 =	sld [smem:$0x3FA0]  }
0x1a: {  	s8 =	sadd.s32 $0xFFFFE003, lr  }
0x1b: {  	s9 =	sadd.s32 $0xFFFFFEF7, lr;
	s5 =	simm.s32 $0xFFFFFFFF;
	p2 =	slt.u32 s8, $0xFFFFF086  }
0x1c: {  	p1 =	slt.u32 s9, $0xF7A;
	s5 =	simm.s32 @!p2 $0x0  }
0x1d: {  	s5 =	simm.s32 @p1 $0x1;
	p0 =	seq.s32 s7, s2  }
0x1e: {  	s7 =	smul.u32 @!p0 $0xF7A, s2;
	p2 =	seq.s32 @!p0 s5, $0x0  }
0x1f: {  	s9 =	smul.u32 $0xF7A, s1;
	s8 =	simm.s32 @!p0 $0x1BF5;
	p2 =	por !p2, p0  }
0x20: {  	[sflag:s8] =	ssyncset.s32 @!p0 $0xFFFFF086;
	s6 =	sadd.s32 @!p0 s3, s7;
	s7 =	simm.s32 @!p0 $0x108  }
0x21: {  	s3 =	sadd.s32 s3, s9;
	s6 =	sadd.s32 @!p0 $0x88, s6;
	s7 =	simm.s32 @p2 $0x1082  }
0x22: {  	[simem:s7], [sflag:s8] =	dma.local @!p0 [hbm:s6], $0xF7A  }
0x23: {  	s9 =	sor.u32 $0xD0000000, s2;
	s6 =	simm.s32 $0x108;
	_ =	swait.ge @!p0 [sflag:s8], $0x0  }
0x24: {  	s3 =	sadd.s32 $0x88, s3;
	s6 =	simm.s32 @!p1 $0x1082;
	[sflag:s4] =	ssyncset.s32 $0xFFFFF086  }
0x25: {  	[simem:s6], [sflag:s4] =	dma.local [hbm:s3], $0xF7A  }
0x26: {  	[smem:$0x3FA0] =	sst s1;
	(tag) =	ssettag s2;
	_ =	strace s9  }
0x27: {  	s1 =	sld [smem:$0x3FB0]  }
0x28: {  	s2 =	sld [smem:$0x3FB1]  }
0x29: {  	s4 =	sld [smem:$0x3FB3]  }
0x2a: {  	p0 =	seq.s32 s5, $0x0;
	s5 =	sld [smem:$0x3FB4]  }
0x2b: {  	s6 =	sld [smem:$0x3FB5]  }
0x2c: {  	s7 =	sld [smem:$0x3FB6]  }
0x2d: {  	s3 =	simm.s32 $0x108;
	s8 =	sld [smem:$0x3FB7]  }
0x2e: {  	s3 =	simm.s32 @!p0 $0x1082;
	s9 =	sld [smem:$0x3FB8]  }
0x2f: {  	lr =	sadd.s32 s0, s3;
	s0 =	sld [smem:$0x3FAF]  }
0x30: {  	s3 =	sld [smem:$0x3FB2]  }
0x31: {  	[smem:$0x3FBB] =	sst s10  }
0x32: {  	s10 =	sld [smem:$0x3FB9];
	_ =	sdelay $0x3  }
0x33: {  	p0 =	seq.s32 s10, $0x1;
	s10 =	sld [smem:$0x3FBB];
	_ =	sdelay $0x3  }
0x34: {  	[smem:$0x3FBB] =	sst s10  }
0x35: {  	s10 =	sld [smem:$0x3FBA];
	_ =	sdelay $0x3  }
0x36: {  	p1 =	seq.s32 s10, $0x1;
	s10 =	sld [smem:$0x3FBB];
	_ =	sdelay $0x3  }
0x37: {  	[smem:$0x3FBB] =	sst s10  }
0x38: {  	s10 =	sld [smem:$0x3FBC]  }
0x39: {  	_ = 	snop;
	(pc) =	sbr.ind lr, $3  }
0x3a: {  	_ = 	snop  }
0x3b: {  	_ = 	snop  }
0x3c: {  	p2 =	seq.s32 s10, $0x1;
	s10 =	sld [smem:$0x3FBB]  }
0x3d: {  	_ =	shalt  }
0x3e: {  	_ =	shalt  }
0x3f: {  	_ =	shalt  }
0x40: {  	_ =	shalt  }
0x41: {  	_ =	shalt  }
0x42: {  	_ =	shalt  }
0x43: {  	_ =	shalt  }
0x44: {  	_ =	shalt  }
0x45: {  	_ =	shalt  }
0x46: {  	_ =	shalt  }
0x47: {  	_ =	shalt  }
0x48: {  	_ =	shalt  }
0x49: {  	_ =	shalt  }
0x4a: {  	_ =	shalt  }
0x4b: {  	_ =	shalt  }
0x4c: {  	_ =	shalt  }
0x4d: {  	_ =	shalt  }
0x4e: {  	_ =	shalt  }
0x4f: {  	_ =	shalt  }
0x50: {  	_ =	shalt  }
0x51: {  	_ =	shalt  }
0x52: {  	_ =	shalt  }
0x53: {  	_ =	shalt  }
0x54: {  	_ =	shalt  }
0x55: {  	_ =	shalt  }
0x56: {  	_ =	shalt  }
0x57: {  	_ =	shalt  }
0x58: {  	_ =	shalt  }
0x59: {  	_ =	shalt  }
0x5a: {  	_ =	shalt  }
0x5b: {  	_ =	shalt  }
0x5c: {  	_ =	shalt  }
0x5d: {  	_ =	shalt  }
0x5e: {  	_ =	shalt  }
0x5f: {  	_ =	shalt  }
0x60: {  	_ =	shalt  }
0x61: {  	_ =	shalt  }
0x62: {  	_ =	shalt  }
0x63: {  	_ =	shalt  }
0x64: {  	_ =	shalt  }
0x65: {  	_ =	shalt  }
0x66: {  	_ =	shalt  }
0x67: {  	_ =	shalt  }
0x68: {  	_ =	shalt  }
0x69: {  	_ =	shalt  }
0x6a: {  	_ =	shalt  }
0x6b: {  	_ =	shalt  }
0x6c: {  	_ =	shalt  }
0x6d: {  	_ =	shalt  }
0x6e: {  	_ =	shalt  }
0x6f: {  	_ =	shalt  }
0x70: {  	_ =	shalt  }
0x71: {  	_ =	shalt  }
0x72: {  	_ =	shalt  }
0x73: {  	_ =	shalt  }
0x74: {  	_ =	shalt  }
0x75: {  	_ =	shalt  }
0x76: {  	_ =	shalt  }
0x77: {  	_ =	shalt  }
0x78: {  	_ =	shalt  }
0x79: {  	_ =	shalt  }
0x7a: {  	_ =	shalt  }
0x7b: {  	_ =	shalt  }
0x7c: {  	_ =	shalt  }
0x7d: {  	_ =	shalt  }
0x7e: {  	_ =	shalt  }
0x7f: {  	_ =	shalt  }
0x80: {  	_ =	shalt  }
0x81: {  	_ =	shalt  }
0x82: {  	_ =	shalt  }
0x83: {  	_ =	shalt  }
0x84: {  	_ =	shalt  }
0x85: {  	_ =	shalt  }
0x86: {  	_ =	shalt  }
0x87: {  	_ =	shalt  }
.Lfunc_end0:
.L_simem_size_0:
called_computation_lowered:
.L_overlay_start_0:
0x88: {  	s2 =	sld [smem:$0x3FD9]  }
0x89: {  	s3 =	sld [smem:$0x3FFE];
	_ =	sdelay $0x1  }
0x8a: {  	s1 =	srdreg.scid  }
0x8b: {  	s0 =	sand.u32 $0x1, s1  }
0x8c: {  	s17 =	sshll.u32 s0, $0xA;
	s2 =	sadd.s32 s3, s2  }
0x8d: {  	s2 =	sadd.s32 s2, s17  }
0x8e: {  	[smem:$0x3FC7] =	sst s2  }
0x8f: {  	_ = 	snop  }
0x90: {  	s2 =	sld [smem:$0x3FD0];
	(tm) =	ssettm $0x1  }
0x91: {  	s18 =	sld [smem:$0x3FFB];
	_ =	sdelay $0x3  }
0x92: {  	_ =	strace s18  }
0x93: {  	s3 =	sld [smem:$0x3FFC];
	_ =	sdelay $0x3  }
0x94: {  	_ =	strace s3  }
0x95: {  	s3 =	sld [smem:$0x3FFD];
	_ =	sdelay $0x3  }
0x96: {  	_ =	strace s3  }
0x97: {  	_ =	strace $0x8FFFFFFF  }
0x98: {  	s19 =	sld [smem:$0x3FDB];
	_ =	sdelay $0x1  }
0x99: {  	s4 =	simm.s32 $_scs_section_size  }
0x9a: {  	s5 =	simm.s32 $_size__tile_overlayer_lowered;
	s6 =	simm.s32 $_tile_overlayer_lowered  }
0x9b: {  	s22 =	simm.s32 $0x1BFF;
	s21 =	sshll.u32 s6, $0x1;
	s3 =	sadd.s32 s4, s19  }
0x9c: {  	s7 =	simm.s32 $0x0;
	s20 =	sshll.u32 s5, $0x1;
	s5 =	sadd.s32 s21, s3  }
0x9d: {  	[timem:s7], [sflag:s22] =	dma.local [hbm:s5], s20  }
0x9e: {  	_ =	swait.ge [sflag:s22], s20  }
0x9f: {  	s4 =	ssub.s32 $0x0, s20;
	[sflag:s22] =	ssyncset.done $0x0  }
0xa0: {  	[sflag:s22] =	ssyncadd.s32 s4;
	_ =	sdelay $0x1  }
0xa1: {  	s23 =	simm.s32 $0x1B8B  }
0xa2: {  	_ =	swait.ge [sflag:s23], $0x1  }
0xa3: {  	[sflag:s23] =	ssyncset.done $0x0  }
0xa4: {  	s25 =	simm.s32 $0x1B8E;
	s24 =	sld [smem:$0x3FFE];
	[sflag:s23] =	ssyncadd.s32 $0xFFFFFFFF  }
0xa5: {  	s26 =	simm.s32 $execute0_lowered;
	[smem:$0x3FD2] =	sst s25  }
0xa6: {  	s5 =	sshll.u32 s26, $0x1;
	_ =	strace $0x80000046;
	[dreg:$0x1] =	wrdreg $0xFFFFFFFF  }
0xa7: {  	s28 =	simm.s32 $_size_execute0_lowered;
	s3 =	sadd.s32 s3, s5;
	[dreg:$0x0] =	wrdreg $0x0  }
0xa8: {  	s5 =	sshll.u32 s28, $0x1;
	[dreg:$0x2] =	wrdreg s3  }
0xa9: {  	[dreg:$0x3] =	wrdreg s5  }
0xaa: {  	[dreg:$0x4] =	wrdreg $0xC0  }
0xab: {  	_ =	task [dreg:s7], $0x5FFFF  }
0xac: {  	[dreg:$0x1] =	wrdreg $0xFFFFFFFF  }
0xad: {  	[dreg:$0x0] =	wrdreg $0x60  }
0xae: {  	[dreg:$0x2] =	wrdreg s24  }
0xaf: {  	[dreg:$0x3] =	wrdreg s2  }
0xb0: {  	[dreg:$0x4] =	wrdreg $0x9  }
0xb1: {  	_ =	task.clear_ibuf [dreg:s7], $0x5FFFF;
	_ =	strace $0x90000046  }
0xb2: {  	s29 =	simm.s32 $0x9;
	_ =	strace $0x80000048  }
0xb3: {  	_ =	swait.ge [sflag:s29], $0x1  }
0xb4: {  	[sflag:s29] =	ssyncadd.s32 $0xFFFFFFFF  }
0xb5: {  	_ =	strace $0x90000048  }
0xb6: {  	_ =	sfence  }
0xb7: {  	s30 =	sld [smem:$0x0];
	_ =	sdelay $0x2  }
0xb8: {  	s31 =	sshll.u32 s1, $0xD;
	s1 =	sshrl.u32 s1, $0x2  }
0xb9: {  	s3 =	sand.u32 $0x4000, s31;
	s1 =	sadd.s32 s1, s30  }
0xba: {  	s0 =	sor.u32 s3, s0;
	s1 =	sshll.u32 s1, $0x11  }
0xbb: {  	s0 =	sor.u32 s1, s0  }
0xbc: {  	s0 =	sadd.s32 $0x8F2B, s0  }
0xbd: {  	[sflag:s0] =	ssyncadd.remote.s32 $0x1  }
0xbe: {  	_ =	sfence.sel $0xFFFF  }
0xbf: {  	[dreg:$0x0] =	wrdreg $0xFFFFFFFF;
	(pc) =	sbr.abs _section_cstart, $3  }
0xc0: {  	[dreg:$0x1] =	wrdreg $0xFFFFFFFF  }
0xc1: {  	_ =	task.clear_ibuf [dreg:s7], $0x2FFFF;
	_ =	strace $0x9FFFFFFF  }
0xc2: {  	(tm) =	ssettm $0x7FFFFFFF  }
0xc3: {  	_ =	shalt  }
tec
execute0_lowered:
.L_overlay_start_1:
0x0: {  	(tag) =	ssettag $0x1  }
0x1: {  	s1 =	srdreg.scid;
	v0 =	vimm.s32 $0x65432100;
	v1 =	vimm.s32 $0xFFEDCBA9  }
0x2: {  	s0 =	stileid.u32;
	s4 =	rddreg [dreg:$0x0];
	vm0 =	vcmask $0xB08;
	vm1 =	vcmask $0x300;
	v2 =	vimm.s32 $0x87654321  }
0x3: {  	s8 =	rddreg [dreg:$0x1];
	s2 =	simm.s32 $0x0;
	v3 =	vimm.s32 $0xEDCBA987;
	s13 =	simm.s32 $0x5000;
	vm0 =	vmor vm1, vm0;
	vm1 =	vcmask $0x1310  }
0x4: {  	vm2 =	vcmask $0x704;
	s14 =	simm.s32 $0xA280;
	s15 =	simm.s32 $0x1;
	s16 =	simm.s32 $0x3;
	vm0 =	vmor vm0, vm1;
	vm1 =	vcmask $0x1B18  }
0x5: {  	s17 =	simm.s32 $0x2;
	s5 =	sand.u32 $0x1, s1;
	s30 =	sshll.u32 s0, $0x1;
	v1 =	vunpack.c.l.s4.s8 v1;
	vm0 =	vmor vm0, vm1;
	vm1 =	vcmask $0x2320  }
0x6: {  	s18 =	simm.s32 $0x4;
	s19 =	simm.s32 $0xB100;
	v2 =	vunpack.c.l.s4.s8 v2;
	s6 =	sor.u32 s5, s30;
	vm0 =	vmor vm0, vm1;
	vm1 =	vcmask $0x2B28  }
0x7: {  	s20 =	simm.s32 $0x5;
	s1 =	rddreg [dreg:$0x2];
	s7 =	smul.u32 $0x271, s6;
	v1 =	vunpack.c.0.s8.s32 v1;
	vm0 =	vmor vm0, vm1;
	vm1 =	vcmask $0x3330  }
0x8: {  	s21 =	simm.s32 $0x0;
	[smem:$0x7FF] =	sst s2;
	s3 =	sadd.s32 $0x190200, s4;
	v2 =	vunpack.c.0.s8.s32 v2;
	vm0 =	vmor vm0, vm1;
	vm1 =	vcmask $0x3B38  }
0x9: {  	s4 =	sadd.s32 $0x200, s4;
	v0 =	vunpack.c.l.s4.s8 v0;
	s31 =	smul.u32 $0x4E2, s6;
	s9 =	sshrl.u32 s7, $0x3;
	vm0 =	vmor vm0, vm1;
	vm1 =	vcmask $0xF0C  }
0xa: {  	_ =	strace $0x80000047;
	s5 =	ssub.s32 $0x2, s5;
	v2 =	vcombine.low v2, v1;
	s10 =	smul.u32 $0x28000, s9;
	vm1 =	vmor vm2, vm1;
	vm2 =	vcmask $0x1714  }
0xb: {  	s11 =	sshll.u32 s6, $0x7;
	s12 =	sshrl.u32 s5, $0x1;
	v1 =	vunpack.c.l.s4.s8 v3;
	s9 =	smul.u32 $0x1400, s9;
	vm1 =	vmor vm1, vm2;
	vm2 =	vcmask $0x1F1C  }
.Ltmp0:
0xc: {  	v0 =	vunpack.c.0.s8.s32 v0;
	s11 =	sand.u32 $0x380, s11;
	s12 =	ssub.s32 s5, s12;
	vm1 =	vmor vm1, vm2;
	vm2 =	vcmask $0x2724;
	(pc) =	sbr.rel .LBB2_1-.Ltmp0, $4  }
0xd: {  	s7 =	sadd.s32 $0x1, s7;
	v1 =	vunpack.c.0.s8.s32 v1;
	s10 =	sor.u32 s11, s10;
	s9 =	sor.u32 s11, s9;
	vm1 =	vmor vm1, vm2;
	vm2 =	vcmask $0x2F2C  }
0xe: {  	s8 =	sadd.s32 s8, s31;
	v2 =	vand.u32 $0xF, v2;
	s10 =	sshrl.u32 s10, $0x3;
	s9 =	sshrl.u32 s9, $0x3;
	vm1 =	vmor vm1, vm2;
	vm2 =	vcmask $0x3734  }
0xf: {  	s11 =	simm.s32 $0x400;
	v1 =	vand.u32 $0xF, v1;
	s5 =	sadd.s32 s3, s10;
	s6 =	sadd.s32 s4, s9;
	vm1 =	vmor vm1, vm2;
	vm2 =	vcmask $0x3F3C  }
0x10: {  	s9 =	smax.u32 s12, $0x1;
	s10 =	simm.s32 $0x80;
	s12 =	simm.s32 $0xA000;
	v0 =	vcombine.low v0, v1;
	v1 =	vlaneseq.u32;
	vm1 =	vmor vm1, vm2  }
.LBB2_39:
0x11: {  	_ =	swait.ge [sflag:s15], $0x5000  }
0x12: {  	[sflag:s15] =	ssyncset.done $0x0  }
0x13: {  	[sflag:s15] =	ssyncadd.s32 $0xFFFFB000  }
0x14: {  	s21 =	sadd.s32 $0x1, s21;
	_ =	swait.ge [sflag:s16], $0x280  }
0x15: {  	p0 =	sne.s32 s21, s9;
	[sflag:s16] =	ssyncset.done $0x0  }
.Ltmp1:
0x16: {  	[sflag:s16] =	ssyncadd.s32 $0xFFFFFD80;
	(pc) =	sbr.rel @!p0 .LBB2_40-.Ltmp1, $4  }
0x17: {  	[hbm4b:s8+s2] =	stream.linear.scatter [tilespmem:s19], [sflag:$0x5], $0x2710, $0x38;
	[tilespmem:$0xD880] =	vst v63  }
0x18: {  	_ =	swait.ge [sflag:s20], $0x2710  }
0x19: {  	[sflag:s20] =	ssyncset.done $0x0  }
0x1a: {  	[sflag:s20] =	ssyncadd.s32 $0xFFFFD8F0  }
.LBB2_1:
.Ltmp2:
0x1b: {  	(pc) =	sbr.rel .LBB2_2-.Ltmp2, $4  }
0x1c: {  	_ = 	snop  }
0x1d: {  	[tilespmem:s2], [sflag:$0x1] =	stream.strided.gather [hbm4b:s5+s10], $0x5000, s11, s10, $0x38;
	[tilespmem:$0xD880] =	vst v63  }
0x1e: {  	s22 =	simm.s32 $0x0  }
0x1f: {  	[tilespmem:s12], [sflag:$0x3] =	stream.strided.gather [hbm4b:s6+s10], $0x280, s11, s10, $0x38;
	[tilespmem:$0xD880] =	vst v63  }
.LBB2_30:
0x20: {  	v6 =	vimm.f32 $+Inf;
	v8 =	vimm.s32 $0x0  }
.LBB2_34:
0x21: {  	vm2 =	vmor @p0 vm2, vm3  }
0x22: {  	v5 =	vsel @p0 vm2, v5, v6;
	v6 =	vsel @p0 vm2, v7, v8  }
0x23: {  	(xrf1) =	vsort.ascd.msk.f32 @p0 $0xffff, v5, v6;
	_ =	sdelay $0x7  }
0x24: {  	v5, v6, _ =	vpop (xrf1)  }
0x25: {  	v54 =	vperm.xlane v5, v2;
	v10 =	vperm.xlane v6, v0  }
0x26: {  	v55 =	vperm.xlane v6, v2;
	v9 =	vperm.xlane v5, v0;
	_ =	sdelay $0x1  }
0x27: {  	vm4 =	veq.f32 v5, v54;
	vm2 =	vgt.s32 v55, v6  }
0x28: {  	vm5 =	veq.f32 v5, v9;
	vm6 =	vlt.s32 v10, v6;
	vm3 =	vmand vm4, vm0  }
0x29: {  	v56 =	vsel vm6, v10, v6;
	vm7 =	vmand vm3, vm2;
	vm2 =	vmand vm5, vm1;
	v9, v10, _ =	vpop @p0 (xrf1)  }
0x2a: {  	v6 =	vsel vm2, v56, v6;
	v7 =	vperm.xlane @p0 v9, v0;
	v11 =	vperm.xlane @p0 v10, v2  }
0x2b: {  	v6 =	vsel vm7, v55, v6;
	v8 =	vperm.xlane @p0 v10, v0;
	v12 =	vperm.xlane @p0 v9, v2  }
0x2c: {  	v13 =	vperm.xlane v6, v2;
	vm8 =	vlt.s32 @p0 v11, v10  }
0x2d: {  	vm9 =	veq.f32 @p0 v9, v12;
	vm10 =	veq.f32 @p0 v9, v7;
	vm11 =	vgt.s32 @p0 v8, v10  }
0x2e: {  	vm6 =	vmand @p0 vm9, vm0;
	vm7 =	vmand @p0 vm10, vm1;
	v7 =	vsel @p0 vm11, v8, v10  }
0x2f: {  	v57 =	vperm.xlane v6, v0;
	vm8 =	vmand @p0 vm8, vm6;
	v7 =	vsel @p0 vm7, v7, v10  }
0x30: {  	vm4 =	vmand vm4, vm1;
	vm5 =	vmand vm5, vm0;
	v7 =	vsel @p0 vm8, v11, v7  }
0x31: {  	vm12 =	vgt.s32 v13, v6;
	vm11 =	vlt.s32 v57, v6;
	v10 =	vperm.xlane @p0 v7, v0  }
0x32: {  	vm12 =	vmand vm4, vm12;
	v8 =	vsel vm11, v57, v6;
	v11 =	vperm.xlane @p0 v7, v2  }
0x33: {  	v6 =	vsel vm5, v8, v6;
	vm8 =	vmand @p0 vm9, vm1;
	vm11 =	vgt.s32 @p0 v10, v7  }
0x34: {  	vm9 =	vmand @p0 vm10, vm0;
	vm13 =	vlt.s32 @p0 v11, v7;
	v8 =	vsel @p0 vm11, v10, v7  }
0x35: {  	v6 =	vsel vm12, v13, v6;
	vm10 =	vmand @p0 vm8, vm13;
	v7 =	vsel @p0 vm9, v8, v7  }
0x36: {  	v58 =	vperm.xlane v6, v2;
	v7 =	vsel @p0 vm10, v11, v7  }
0x37: {  	v59 =	vperm.xlane v6, v0;
	v11 =	vperm.xlane @p0 v7, v0  }
0x38: {  	vm13 =	vgt.s32 v58, v6;
	v12 =	vperm.xlane @p0 v7, v2  }
0x39: {  	vm14 =	vlt.s32 v59, v6;
	vm3 =	vmand vm3, vm13;
	vm10 =	vgt.s32 @p0 v11, v7  }
0x3a: {  	v10 =	vsel vm14, v59, v6;
	vm11 =	vlt.s32 @p0 v12, v7;
	v11 =	vsel @p0 vm10, v11, v7  }
0x3b: {  	v6 =	vsel vm2, v10, v6;
	vm2 =	vmand @p0 vm6, vm11;
	v7 =	vsel @p0 vm7, v11, v7  }
0x3c: {  	v6 =	vsel vm3, v58, v6;
	v7 =	vsel @p0 vm2, v12, v7  }
0x3d: {  	v60 =	vperm.xlane v6, v0;
	v10 =	vperm.xlane @p0 v7, v0  }
0x3e: {  	v12 =	vperm.xlane @p0 v7, v2  }
0x3f: {  	v8 =	vperm.xlane v6, v2;
	vm15 =	vlt.s32 v60, v6;
	vm3 =	vgt.s32 @p0 v10, v7  }
0x40: {  	v11 =	vsel vm15, v60, v6;
	vm7 =	vlt.s32 @p0 v12, v7;
	v10 =	vsel @p0 vm3, v10, v7  }
0x41: {  	vm2 =	vgt.s32 v8, v6;
	vm3 =	vmand @p0 vm8, vm7;
	v7 =	vsel @p0 vm9, v10, v7  }
0x42: {  	v6 =	vsel vm5, v11, v6;
	vm2 =	vmand vm4, vm2;
	v7 =	vsel @p0 vm3, v12, v7  }
0x43: {  	v4 =	vpsel p0, v9, v4;
	v6 =	vsel vm2, v8, v6;
	v3 =	vpsel p0, v7, v3  }
0x44: {  	vm2 =	veq.f32 v5, v4;
	vm3 =	vlt.s32 v6, v3  }
0x45: {  	vm8 =	vlt.f32 v5, v4;
	vm2 =	vmand vm2, vm3  }
0x46: {  	vm2 =	vmor vm8, vm2  }
0x47: {  	v4 =	vsel vm2, v5, v4;
	v3 =	vsel vm2, v6, v3  }
0x48: {  	(xrf1) =	vsort.ascd.msk.f32 $0xffff, v4, v3;
	_ =	sdelay $0xd  }
0x49: {  	v3, v4, _ =	vpop (xrf1)  }
0x4a: {  	v5 =	vperm.xlane v3, v0;
	v61 =	vperm.xlane v4, v2  }
0x4b: {  	v62 =	vperm.xlane v4, v0;
	v63 =	vperm.xlane v3, v2  }
0x4c: {  	vm2 =	vlt.s32 v61, v4  }
0x4d: {  	vm3 =	veq.f32 v3, v63;
	vm9 =	veq.f32 v3, v5;
	vm10 =	vgt.s32 v62, v4  }
0x4e: {  	vm11 =	vmand vm3, vm0;
	vm12 =	vmand vm9, vm1;
	v3 =	vsel vm10, v62, v4  }
0x4f: {  	vm2 =	vmand vm2, vm11;
	v3 =	vsel vm12, v3, v4  }
0x50: {  	v3 =	vsel vm2, v61, v3  }
0x51: {  	v4 =	vperm.xlane v3, v0  }
0x52: {  	v5 =	vperm.xlane v3, v2  }
0x53: {  	vm2 =	vmand vm3, vm1;
	vm3 =	vgt.s32 v4, v3  }
0x54: {  	vm4 =	vmand vm9, vm0;
	vm13 =	vlt.s32 v5, v3;
	v4 =	vsel vm3, v4, v3  }
0x55: {  	vm3 =	vmand vm2, vm13;
	v3 =	vsel vm4, v4, v3  }
0x56: {  	v3 =	vsel vm3, v5, v3  }
0x57: {  	v4 =	vperm.xlane v3, v0  }
0x58: {  	v5 =	vperm.xlane v3, v2  }
0x59: {  	vm3 =	vgt.s32 v4, v3  }
0x5a: {  	vm14 =	vlt.s32 v5, v3;
	v4 =	vsel vm3, v4, v3  }
0x5b: {  	vm3 =	vmand vm11, vm14;
	v3 =	vsel vm12, v4, v3  }
0x5c: {  	v3 =	vsel vm3, v5, v3  }
0x5d: {  	v4 =	vperm.xlane v3, v0  }
0x5e: {  	v5 =	vperm.xlane v3, v2  }
0x5f: {  	vm3 =	vgt.s32 v4, v3  }
0x60: {  	vm15 =	vlt.s32 v5, v3;
	v4 =	vsel vm3, v4, v3  }
0x61: {  	vm2 =	vmand vm2, vm15;
	v3 =	vsel vm4, v4, v3  }
0x62: {  	v3 =	vsel vm2, v5, v3  }
.LBB2_38:
0x63: {  	s22 =	sadd.s32 $0x1, s22  }
0x64: {  	p1 =	sne.s32 s22, $0x139  }
.Ltmp3:
0x65: {  	_ = 	snop;
	(pc) =	sbr.rel @!p1 .LBB2_39-.Ltmp3, $4  }
0x66: {  	p0 =	sgt.u32 s23, $0x270  }
0x67: {  	v3 =	vcvt.s32.f32 @!p0 v3;
	s23 =	sshll.u32 @!p0 s23, $0x4  }
0x68: {  	s23 =	sand.u32 @!p0 $0x3FFFFFF0, s23  }
0x69: {  	[tilespmem:s23+$0xB100] =	vst @!p0 v3  }
.LBB2_2:
0x6a: {  	s23 =	sshll.u32 s22, $0x1  }
0x6b: {  	s24 =	sadd.s32 s23, s7  }
0x6c: {  	s25 =	sshrl.u32 s24, $0x3  }
0x6d: {  	s24 =	sshll.u32 s24, $0x7;
	s26 =	smul.u32 $0x28000, s25  }
0x6e: {  	s24 =	sand.u32 $0x380, s24;
	s25 =	smul.u32 $0x1400, s25  }
0x6f: {  	s26 =	sor.u32 s24, s26  }
0x70: {  	s24 =	sor.u32 s24, s25;
	s26 =	sshrl.u32 s26, $0x3  }
0x71: {  	s24 =	sshrl.u32 s24, $0x3;
	s26 =	sadd.s32 s3, s26  }
0x72: {  	[tilespmem:s13], [sflag:$0x2] =	stream.strided.gather [hbm4b:s26+s10], $0x5000, s11, s10, $0x38;
	[tilespmem:$0xD880] =	vst v63  }
0x73: {  	s24 =	sadd.s32 s4, s24  }
0x74: {  	[tilespmem:s14], [sflag:$0x4] =	stream.strided.gather [hbm4b:s24+s10], $0x280, s11, s10, $0x38;
	[tilespmem:$0xD880] =	vst v63  }
0x75: {  	_ =	swait.ge [sflag:s15], $0x5000  }
0x76: {  	[sflag:s15] =	ssyncset.done $0x0  }
0x77: {  	[sflag:s15] =	ssyncadd.s32 $0xFFFFB000  }
0x78: {  	_ =	swait.ge [sflag:s16], $0x280  }
0x79: {  	[sflag:s16] =	ssyncset.done $0x0  }
0x7a: {  	[sflag:s16] =	ssyncadd.s32 $0xFFFFFD80  }
0x7b: {  	v3 =	vld [tilespmem:$0xA000]  }
0x7c: {  	v4 =	vld [tilespmem:$0xA010]  }
0x7d: {  	v5 =	vld [tilespmem:$0xA020]  }
0x7e: {  	v6 =	vld [tilespmem:$0xA030]  }
0x7f: {  	v7 =	vld [tilespmem:$0xA040]  }
0x80: {  	v8 =	vld [tilespmem:$0xA050]  }
0x81: {  	v3 =	vmin.f32 v3, v4;
	v4 =	vld [tilespmem:$0xA060]  }
0x82: {  	v3 =	vmin.f32 v3, v5;
	v5 =	vld [tilespmem:$0xA070]  }
0x83: {  	v3 =	vmin.f32 v3, v6;
	v6 =	vld [tilespmem:$0xA080]  }
0x84: {  	v3 =	vmin.f32 v3, v7;
	v7 =	vld [tilespmem:$0xA090]  }
0x85: {  	v58 =	vld [tilespmem:$0xA0A0];
	v3 =	vmin.f32 v3, v8  }
0x86: {  	v3 =	vmin.f32 v3, v4;
	v4 =	vld [tilespmem:$0xA0B0]  }
0x87: {  	v3 =	vmin.f32 v3, v5;
	v5 =	vld [tilespmem:$0xA0C0]  }
0x88: {  	v3 =	vmin.f32 v3, v6;
	v6 =	vld [tilespmem:$0xA0D0]  }
0x89: {  	v3 =	vmin.f32 v3, v7;
	v7 =	vld [tilespmem:$0xA0E0]  }
0x8a: {  	v59 =	vld [tilespmem:$0xA0F0];
	v3 =	vmin.f32 v3, v58  }
0x8b: {  	v3 =	vmin.f32 v3, v4;
	v4 =	vld [tilespmem:$0xA100]  }
0x8c: {  	v3 =	vmin.f32 v3, v5;
	v5 =	vld [tilespmem:$0xA110]  }
0x8d: {  	v3 =	vmin.f32 v3, v6;
	v6 =	vld [tilespmem:$0xA120]  }
0x8e: {  	v3 =	vmin.f32 v3, v7;
	v7 =	vld [tilespmem:$0xA130]  }
0x8f: {  	v60 =	vld [tilespmem:$0xA140];
	v3 =	vmin.f32 v3, v59  }
0x90: {  	v3 =	vmin.f32 v3, v4;
	v4 =	vld [tilespmem:$0xA150]  }
0x91: {  	v3 =	vmin.f32 v3, v5;
	v5 =	vld [tilespmem:$0xA160]  }
0x92: {  	v3 =	vmin.f32 v3, v6;
	v6 =	vld [tilespmem:$0xA170]  }
0x93: {  	v3 =	vmin.f32 v3, v7;
	v7 =	vld [tilespmem:$0xA180]  }
0x94: {  	v61 =	vld [tilespmem:$0xA190];
	v3 =	vmin.f32 v3, v60  }
0x95: {  	v3 =	vmin.f32 v3, v4;
	v4 =	vld [tilespmem:$0xA1A0]  }
0x96: {  	v3 =	vmin.f32 v3, v5;
	v5 =	vld [tilespmem:$0xA1B0]  }
0x97: {  	v3 =	vmin.f32 v3, v6;
	v6 =	vld [tilespmem:$0xA1C0]  }
0x98: {  	v3 =	vmin.f32 v3, v7;
	v7 =	vld [tilespmem:$0xA1D0]  }
0x99: {  	v62 =	vld [tilespmem:$0xA1E0];
	v3 =	vmin.f32 v3, v61  }
0x9a: {  	v3 =	vmin.f32 v3, v4;
	v4 =	vld [tilespmem:$0xA1F0]  }
0x9b: {  	v3 =	vmin.f32 v3, v5;
	v5 =	vld [tilespmem:$0xA200]  }
0x9c: {  	v3 =	vmin.f32 v3, v6;
	v6 =	vld [tilespmem:$0xA210]  }
0x9d: {  	v3 =	vmin.f32 v3, v7;
	v7 =	vld [tilespmem:$0xA220]  }
0x9e: {  	v63 =	vld [tilespmem:$0xA230];
	v3 =	vmin.f32 v3, v62  }
0x9f: {  	v3 =	vmin.f32 v3, v4;
	v4 =	vld [tilespmem:$0xA240]  }
0xa0: {  	v3 =	vmin.f32 v3, v5;
	v5 =	vld [tilespmem:$0xA250]  }
0xa1: {  	v3 =	vmin.f32 v3, v6;
	v6 =	vld [tilespmem:$0xA260]  }
0xa2: {  	v3 =	vmin.f32 v3, v7;
	v7 =	vld [tilespmem:$0xA270]  }
0xa3: {  	v3 =	vmin.f32 v3, v63  }
0xa4: {  	v3 =	vmin.f32 v3, v4  }
0xa5: {  	v3 =	vmin.f32 v3, v5  }
0xa6: {  	v3 =	vmin.f32 v3, v6  }
0xa7: {  	v3 =	vmin.f32 v3, v7  }
0xa8: {  	(xrf0) =	vmax.scan.msk.f32 $0xffff, v3;
	_ =	sdelay $0x5  }
0xa9: {  	v3, _, _ =	vpop (xrf0)  }
0xaa: {  	(v2sf) =	vpush v3, $0xF;
	_ =	sdelay $0xe  }
0xab: {  	s25 =	spop (v2sf)  }
0xac: {  	s24 =	sadd.f32 $9.999999740e-05, s25;
	_ =	sdelay $0x1  }
0xad: {  	v3 =	vmov s24;
	s24 =	simm.s32 $0xA020  }
0xae: {  	v4 =	vld [tilespmem:s24+$0xFFFFFFE0];
	_ =	sdelay $0x3  }
0xaf: {  	s26 =	simm.s32 $0x0  }
0xb0: {  	v5 =	vor.u32 s26, v1;
	vm2 =	vle.f32 v4, v3  }
0xb1: {  	[tilespmem:s26+$0xA500] =	vst.msk vm2, v5;
	v4 =	vmpcnt.ones.xlane vm2  }
0xb2: {  	v5 =	vld [tilespmem:s24+$0xFFFFFFF0]  }
0xb3: {  	(v2sf) =	vpush v4, $0x0;
	_ =	sdelay $0x3  }
0xb4: {  	vm2 =	vle.f32 v5, v3  }
0xb5: {  	v4 =	vmpcnt.ones.xlane vm2;
	_ =	sdelay $0x1  }
0xb6: {  	(v2sf) =	vpush v4, $0x0;
	_ =	sdelay $0x7  }
0xb7: {  	s25 =	simm.s32 $0x10;
	s31 =	spop (v2sf)  }
0xb8: {  	v4 =	vor.u32 s25, v1;
	s26 =	sadd.s32 $0x0, s31  }
0xb9: {  	[tilespmem:s26+$0xA500] =	vst.msk vm2, v4  }
0xba: {  	v4 =	vld [tilespmem:s24+$0x0];
	_ =	sdelay $0x3  }
0xbb: {  	s31 =	simm.s32 $0x20;
	s28 =	spop (v2sf)  }
0xbc: {  	s26 =	sadd.s32 s26, s28;
	vm2 =	vle.f32 v4, v3;
	v4 =	vor.u32 s31, v1  }
0xbd: {  	[tilespmem:s26+$0xA500] =	vst.msk vm2, v4;
	v5 =	vmpcnt.ones.xlane vm2  }
0xbe: {  	v4 =	vld [tilespmem:s24+$0x10]  }
0xbf: {  	(v2sf) =	vpush v5, $0x0;
	_ =	sdelay $0x3  }
0xc0: {  	vm2 =	vle.f32 v4, v3  }
0xc1: {  	v4 =	vmpcnt.ones.xlane vm2;
	_ =	sdelay $0x1  }
0xc2: {  	(v2sf) =	vpush v4, $0x0;
	_ =	sdelay $0x7  }
0xc3: {  	s24 =	simm.s32 $0x30;
	s31 =	spop (v2sf)  }
0xc4: {  	v4 =	vor.u32 s24, v1;
	s29 =	sadd.s32 s26, s31  }
0xc5: {  	s25 =	simm.s32 $0xA060;
	[tilespmem:s29+$0xA500] =	vst.msk vm2, v4  }
0xc6: {  	v5 =	vld [tilespmem:s25+$0xFFFFFFE0];
	_ =	sdelay $0x2  }
0xc7: {  	s24 =	simm.s32 $0x40  }
0xc8: {  	s28 =	simm.s32 $0x80;
	s26 =	simm.s32 $0x4;
	v4 =	vor.u32 s24, v1;
	s30 =	spop (v2sf)  }
.LBB2_3:
0xc9: {  	v6 =	vor.u32 s28, v1;
	s26 =	sadd.s32 $0x4, s26;
	vm2 =	vle.f32 v5, v3;
	s29 =	sadd.s32 s29, s30  }
0xca: {  	p0 =	slt.u32 s26, $0x24;
	[tilespmem:s29+$0xA500] =	vst.msk vm2, v4;
	v5 =	vmpcnt.ones.xlane vm2;
	v4 =	vmov v6  }
0xcb: {  	v6 =	vld [tilespmem:s25+$0xFFFFFFF0]  }
0xcc: {  	(v2sf) =	vpush v5, $0x0;
	_ =	sdelay $0x3  }
0xcd: {  	vm2 =	vle.f32 v6, v3  }
0xce: {  	v5 =	vmpcnt.ones.xlane vm2;
	_ =	sdelay $0x1  }
0xcf: {  	(v2sf) =	vpush v5, $0x0;
	_ =	sdelay $0x7  }
0xd0: {  	s30 =	sadd.s32 $0x10, s24;
	s31 =	spop (v2sf)  }
0xd1: {  	v5 =	vor.u32 s30, v1;
	s29 =	sadd.s32 s29, s31  }
0xd2: {  	[tilespmem:s29+$0xA500] =	vst.msk vm2, v5  }
0xd3: {  	v5 =	vld [tilespmem:s25+$0x0];
	_ =	sdelay $0x3  }
0xd4: {  	s30 =	sadd.s32 $0x20, s24;
	s31 =	spop (v2sf)  }
0xd5: {  	s29 =	sadd.s32 s29, s31;
	vm2 =	vle.f32 v5, v3;
	v5 =	vor.u32 s30, v1  }
0xd6: {  	[tilespmem:s29+$0xA500] =	vst.msk vm2, v5;
	v5 =	vmpcnt.ones.xlane vm2  }
0xd7: {  	v6 =	vld [tilespmem:s25+$0x10]  }
0xd8: {  	(v2sf) =	vpush v5, $0x0;
	_ =	sdelay $0x3  }
0xd9: {  	vm2 =	vle.f32 v6, v3  }
0xda: {  	v5 =	vmpcnt.ones.xlane vm2;
	_ =	sdelay $0x1  }
0xdb: {  	(v2sf) =	vpush v5, $0x0;
	_ =	sdelay $0x7  }
0xdc: {  	s30 =	sadd.s32 $0x30, s24;
	s24 =	smov.u32 s28;
	s31 =	spop (v2sf)  }
0xdd: {  	v5 =	vor.u32 s30, v1;
	s29 =	sadd.s32 s29, s31  }
0xde: {  	s25 =	sadd.s32 $0x40, s25;
	[tilespmem:s29+$0xA500] =	vst.msk vm2, v5  }
.Ltmp4:
0xdf: {  	v5 =	vld [tilespmem:s25+$0xFFFFFFE0];
	(pc) =	sbr.rel @p0 .LBB2_3-.Ltmp4, $2  }
0xe0: {  	_ =	sdelay $0x2  }
0xe1: {  	s28 =	sadd.s32 $0x40, s28;
	s30 =	spop (v2sf)  }
0xe2: {  	vm2 =	vle.f32 v5, v3;
	s26 =	sadd.s32 s29, s30  }
0xe3: {  	[tilespmem:s26+$0xA500] =	vst.msk vm2, v4;
	v4 =	vmpcnt.ones.xlane vm2  }
0xe4: {  	v5 =	vld [tilespmem:s25+$0xFFFFFFF0]  }
0xe5: {  	(v2sf) =	vpush v4, $0x0;
	_ =	sdelay $0x3  }
0xe6: {  	vm2 =	vle.f32 v5, v3  }
0xe7: {  	v4 =	vmpcnt.ones.xlane vm2;
	_ =	sdelay $0x1  }
0xe8: {  	(v2sf) =	vpush v4, $0x0;
	_ =	sdelay $0x7  }
0xe9: {  	s28 =	sadd.s32 $0x10, s24;
	s29 =	spop (v2sf)  }
0xea: {  	v4 =	vor.u32 s28, v1;
	s26 =	sadd.s32 s26, s29  }
0xeb: {  	[tilespmem:s26+$0xA500] =	vst.msk vm2, v4  }
0xec: {  	v4 =	vld [tilespmem:s25+$0x0];
	_ =	sdelay $0x3  }
0xed: {  	s31 =	sadd.s32 $0x20, s24;
	s29 =	spop (v2sf)  }
0xee: {  	s26 =	sadd.s32 s26, s29;
	vm2 =	vle.f32 v4, v3;
	v4 =	vor.u32 s31, v1  }
0xef: {  	[tilespmem:s26+$0xA500] =	vst.msk vm2, v4  }
0xf0: {  	v4 =	vld [tilespmem:s25+$0x10];
	_ =	sdelay $0x4  }
0xf1: {  	v5 =	vmpcnt.ones.xlane vm2;
	vm2 =	vle.f32 v4, v3  }
0xf2: {  	v4 =	vmpcnt.ones.xlane vm2  }
0xf3: {  	(v2sf) =	vpush v5, $0x0  }
0xf4: {  	(v2sf) =	vpush v4, $0x0;
	_ =	sdelay $0xd  }
0xf5: {  	s30 =	spop (v2sf)  }
0xf6: {  	s25 =	sadd.s32 s26, s30;
	s31 =	spop (v2sf)  }
0xf7: {  	s28 =	sadd.s32 $0x30, s24;
	s24 =	sadd.s32 s25, s31  }
0xf8: {  	p0 =	sgt.s32 s24, $0x0  }
.Ltmp5:
0xf9: {  	_ = 	snop;
	(pc) =	sbr.rel @!p0 .LBB2_10-.Ltmp5, $3  }
0xfa: {  	_ =	sdelay $0x1  }
0xfb: {  	v4 =	vor.u32 s28, v1  }
0xfc: {  	s29 =	simm.s32 $0x0;
	[tilespmem:s25+$0xA500] =	vst.msk vm2, v4;
	s25 =	simm.s32 $0xA500  }
0xfd: {  	v4 =	vld [tilespmem:s25+$0x0];
	_ =	sdelay $0x4  }
0xfe: {  	(v2sf) =	vpush v4, $0x0;
	_ =	sdelay $0xe  }
0xff: {  	s26 =	spop (v2sf)  }
0x100: {  	s28 =	sshll.u32 s26, $0x5  }
0x101: {  	v4 =	vld [tilespmem:s28+$0x0];
	_ =	sdelay $0x4  }
0x102: {  	vm2 =	vle.f32 v4, v3  }
0x103: {  	v5 =	vmpcnt.ones.xlane vm2;
	_ =	sdelay $0x1  }
0x104: {  	(v2sf) =	vpush v5, $0x0;
	_ =	sdelay $0x9  }
0x105: {  	p0 =	slt.s32 s29, $0x400;
	s30 =	simm.s32 $0x0  }
0x106: {  	s30 =	simm.s32 @!p0 $0x400;
	s26 =	sadd.s32 $0x1, s29  }
0x107: {  	p0 =	slt.s32 s26, s24;
	[tilespmem:s30+$0xA800] =	vst.msk vm2, v4;
	v4 =	vor.u32 s28, v1  }
.Ltmp6:
0x108: {  	[tilespmem:s30+$0xAC80] =	vst.msk vm2, v4;
	(pc) =	sbr.rel @!p0 .LBB2_7-.Ltmp6, $4  }
0x109: {  	v4 =	vld [tilespmem:s28+$0x10]  }
0x10a: {  	s31 =	spop (v2sf)  }
0x10b: {  	s29 =	sadd.s32 s29, s31  }
0x10c: {  	p1 =	slt.s32 s29, $0x400  }
.LBB2_6:
0x10d: {  	s30 =	smov.u32 s29  }
0x10e: {  	s26 =	sadd.s32 $0x1, s26;
	s28 =	sor.u32 $0x10, s28;
	vm2 =	vle.f32 v4, v3;
	s30 =	simm.s32 @!p1 $0x400  }
0x10f: {  	p0 =	slt.s32 s26, s24;
	v5 =	vmpcnt.ones.xlane vm2;
	[tilespmem:s30+$0xA800] =	vst.msk vm2, v4;
	v4 =	vor.u32 s28, v1  }
0x110: {  	s25 =	sadd.s32 $0x1, s25;
	[tilespmem:s30+$0xAC80] =	vst.msk vm2, v4  }
0x111: {  	v4 =	vld [tilespmem:s25+$0x0];
	(v2sf) =	vpush v5, $0x0;
	_ =	sdelay $0x4  }
0x112: {  	(v2sf) =	vpush v4, $0x0;
	_ =	sdelay $0x9  }
0x113: {  	s28 =	spop (v2sf)  }
0x114: {  	s29 =	sadd.s32 s29, s28;
	_ =	sdelay $0x3  }
0x115: {  	s28 =	spop (v2sf)  }
0x116: {  	s28 =	sshll.u32 s28, $0x5  }
0x117: {  	v4 =	vld [tilespmem:s28+$0x0];
	_ =	sdelay $0x4  }
0x118: {  	vm2 =	vle.f32 v4, v3  }
0x119: {  	v5 =	vmpcnt.ones.xlane vm2;
	_ =	sdelay $0x1  }
0x11a: {  	(v2sf) =	vpush v5, $0x0;
	_ =	sdelay $0x8  }
0x11b: {  	p1 =	slt.s32 s29, $0x400;
	s30 =	smov.u32 s29  }
0x11c: {  	s30 =	simm.s32 @!p1 $0x400  }
0x11d: {  	[tilespmem:s30+$0xA800] =	vst.msk vm2, v4;
	v4 =	vor.u32 s28, v1  }
0x11e: {  	[tilespmem:s30+$0xAC80] =	vst.msk vm2, v4  }
.Ltmp7:
0x11f: {  	v4 =	vld [tilespmem:s28+$0x10];
	(pc) =	sbr.rel @p0 .LBB2_6-.Ltmp7, $4  }
0x120: {  	_ = 	snop  }
0x121: {  	s30 =	spop (v2sf)  }
0x122: {  	s29 =	sadd.s32 s29, s30  }
0x123: {  	p1 =	slt.s32 s29, $0x400  }
.LBB2_7:
0x124: {  	_ = 	snop  }
0x125: {  	vm2 =	vle.f32 v4, v3  }
0x126: {  	v3 =	vmpcnt.ones.xlane vm2;
	_ =	sdelay $0x1  }
0x127: {  	(v2sf) =	vpush v3, $0x0;
	_ =	sdelay $0xe  }
0x128: {  	s26 =	spop (v2sf)  }
0x129: {  	s25 =	smov.u32 s29;
	s29 =	sadd.s32 s29, s26  }
0x12a: {  	p0 =	sgt.s32 s29, $0x400  }
.Ltmp8:
0x12b: {  	_ = 	snop;
	(pc) =	sbr.rel @p0 .LBB2_8-.Ltmp8, $4  }
0x12c: {  	_ = 	snop  }
0x12d: {  	s28 =	sor.u32 $0x10, s28;
	s25 =	simm.s32 @!p1 $0x400  }
0x12e: {  	[tilespmem:s25+$0xA800] =	vst.msk vm2, v4;
	v3 =	vor.u32 s28, v1  }
0x12f: {  	[tilespmem:s25+$0xAC80] =	vst.msk vm2, v3  }
.LBB2_10:
0x130: {  	s24 =	sadd.s32 $0xF, s29  }
0x131: {  	s25 =	sand.u32 $0xF, s24  }
0x132: {  	p1 =	slt.s32 s29, $0xFFFFFFF2;
	s31 =	sshra.s32 s24, $0x1F;
	p0 =	sne.s32 s25, $0x0  }
0x133: {  	s25 =	sshrl.u32 s31, $0x1C;
	p0 =	por !p1, !p0  }
0x134: {  	s24 =	sadd.s32 s25, s24;
	s25 =	simm.s32 $0x1;
	p0 =	por !p0, !p0  }
0x135: {  	s24 =	sshra.s32 s24, $0x4;
	s25 =	simm.s32 @!p0 $0x0  }
0x136: {  	s24 =	ssub.s32 s24, s25  }
0x137: {  	p0 =	slt.s32 s24, $0x1  }
.Ltmp9:
0x138: {  	_ = 	snop;
	(pc) =	sbr.rel @p0 .LBB2_20-.Ltmp9, $4  }
0x139: {  	_ = 	snop  }
0x13a: {  	v4 =	vimm.f32 $+Inf  }
0x13b: {  	v3 =	vimm.s32 $0x0;
	[tilespmem:s29+$0xA800] =	vst v4  }
0x13c: {  	[tilespmem:s29+$0xAC80] =	vst v3  }
0x13d: {  	s25 =	simm.s32 $0xA800  }
0x13e: {  	s26 =	simm.s32 $0xAC80;
	v5 =	vld [tilespmem:s25+$0x0]  }
0x13f: {  	p1 =	seq.s32 s24, $0x1;
	v6 =	vld [tilespmem:s26+$0x0]  }
.Ltmp10:
0x140: {  	_ = 	snop;
	(pc) =	sbr.rel @p1 .LBB2_12-.Ltmp10, $2  }
0x141: {  	_ =	sdelay $0x2  }
0x142: {  	p0 =	por $0x0, $0x0;
	s26 =	sadd.s32 $0xFFFFFFFF, s24;
	(xrf1) =	vsort.dscd.msk.f32 $0xffff, v5, v6  }
0x143: {  	_ =	sdelay $0xc  }
0x144: {  	v5, v6, _ =	vpop (xrf1)  }
0x145: {  	v7 =	vperm.xlane v5, v2;
	v8 =	vperm.xlane v6, v2  }
0x146: {  	v9 =	vperm.xlane v5, v0;
	v10 =	vperm.xlane v6, v0  }
0x147: {  	vm2 =	veq.f32 v5, v7  }
0x148: {  	vm3 =	vgt.s32 v8, v6;
	vm4 =	veq.f32 v5, v9;
	vm5 =	vlt.s32 v10, v6  }
0x149: {  	vm6 =	vmand vm2, vm0;
	vm7 =	vmand vm4, vm1;
	v7 =	vsel vm5, v10, v6  }
0x14a: {  	vm3 =	vmand vm6, vm3;
	v6 =	vsel vm7, v7, v6  }
0x14b: {  	v6 =	vsel vm3, v8, v6  }
0x14c: {  	v7 =	vperm.xlane v6, v0  }
0x14d: {  	v8 =	vperm.xlane v6, v2  }
0x14e: {  	vm2 =	vmand vm2, vm1;
	vm3 =	vlt.s32 v7, v6  }
0x14f: {  	vm4 =	vmand vm4, vm0;
	vm5 =	vgt.s32 v8, v6;
	v7 =	vsel vm3, v7, v6  }
0x150: {  	vm3 =	vmand vm2, vm5;
	v6 =	vsel vm4, v7, v6  }
0x151: {  	v6 =	vsel vm3, v8, v6  }
0x152: {  	v7 =	vperm.xlane v6, v0  }
0x153: {  	v8 =	vperm.xlane v6, v2  }
0x154: {  	vm3 =	vlt.s32 v7, v6  }
0x155: {  	vm5 =	vgt.s32 v8, v6;
	v7 =	vsel vm3, v7, v6  }
0x156: {  	s25 =	simm.s32 $0xAC90;
	vm3 =	vmand vm6, vm5;
	v6 =	vsel vm7, v7, v6  }
0x157: {  	s24 =	simm.s32 $0xA810;
	v10 =	vld [tilespmem:s25+$0x0];
	v6 =	vsel vm3, v8, v6  }
0x158: {  	v8 =	vld [tilespmem:s24+$0x0];
	v7 =	vperm.xlane v6, v0  }
0x159: {  	v9 =	vperm.xlane v6, v2  }
0x15a: {  	p1 =	seq.s32 s26, $0x1;
	vm3 =	vlt.s32 v7, v6  }
.Ltmp11:
0x15b: {  	vm5 =	vgt.s32 v9, v6;
	v7 =	vsel vm3, v7, v6;
	(pc) =	sbr.rel @p1 .LBB2_14-.Ltmp11, $4  }
0x15c: {  	vm2 =	vmand vm2, vm5;
	v6 =	vsel vm4, v7, v6  }
0x15d: {  	(xrf1) =	vsort.dscd.msk.f32 $0xffff, v8, v10;
	v7 =	vsel vm2, v9, v6  }
0x15e: {  	vm3 =	veq.f32 v5, v4;
	v8 =	vimm.s32 $0x0;
	vm4 =	vlt.s32 v7, v3  }
0x15f: {  	s26 =	sadd.s32 $0xFFFFFFFF, s26;
	p0 =	por $0x1, $0x1;
	vm2 =	vlt.f32 v5, v4;
	v6 =	vimm.f32 $+Inf;
	vm3 =	vmand vm3, vm4  }
.LBB2_15:
0x160: {  	p1 =	seq.s32 s26, $0x1;
	vm2 =	vmor vm2, vm3  }
0x161: {  	v5 =	vsel vm2, v5, v6;
	v6 =	vsel vm2, v7, v8  }
0x162: {  	(xrf1) =	vsort.ascd.msk.f32 $0xffff, v5, v6;
	_ =	sdelay $0x8  }
0x163: {  	v5, v7, _ =	vpop (xrf1)  }
0x164: {  	v6 =	vperm.xlane v5, v2;
	v8 =	vperm.xlane v7, v2  }
0x165: {  	v9 =	vperm.xlane v5, v0;
	v11 =	vperm.xlane v7, v0  }
0x166: {  	vm3 =	veq.f32 v5, v6;
	vm4 =	vgt.s32 v8, v7  }
0x167: {  	vm6 =	veq.f32 v5, v9;
	vm5 =	vlt.s32 v11, v7;
	vm2 =	vmand vm3, vm0  }
0x168: {  	v9 =	vsel vm5, v11, v7;
	vm7 =	vmand vm2, vm4;
	vm4 =	vmand vm6, vm1;
	v6, v10, _ =	vpop (xrf1)  }
0x169: {  	v7 =	vsel vm4, v9, v7;
	v9 =	vperm.xlane v6, v0;
	v11 =	vperm.xlane v10, v2  }
0x16a: {  	v12 =	vperm.xlane v6, v2;
	v7 =	vsel vm7, v8, v7;
	v8 =	vperm.xlane v10, v0  }
0x16b: {  	v13 =	vperm.xlane v7, v2;
	vm5 =	vlt.s32 v11, v10  }
0x16c: {  	vm9 =	veq.f32 v6, v12;
	vm10 =	veq.f32 v6, v9;
	vm11 =	vgt.s32 v8, v10  }
0x16d: {  	vm7 =	vmand vm9, vm0;
	vm8 =	vmand vm10, vm1;
	v8 =	vsel vm11, v8, v10  }
0x16e: {  	v9 =	vperm.xlane v7, v0;
	vm11 =	vmand vm5, vm7;
	v8 =	vsel vm8, v8, v10  }
0x16f: {  	vm5 =	vmand vm3, vm1;
	vm3 =	vmand vm6, vm0;
	v8 =	vsel vm11, v11, v8  }
0x170: {  	vm6 =	vgt.s32 v13, v7;
	vm11 =	vlt.s32 v9, v7;
	v10 =	vperm.xlane v8, v0  }
0x171: {  	vm12 =	vmand vm5, vm6;
	v9 =	vsel vm11, v9, v7;
	v11 =	vperm.xlane v8, v2  }
0x172: {  	vm6 =	vmand vm9, vm1;
	v7 =	vsel vm3, v9, v7;
	vm11 =	vgt.s32 v10, v8  }
0x173: {  	vm9 =	vmand vm10, vm0;
	vm13 =	vlt.s32 v11, v8;
	v9 =	vsel vm11, v10, v8  }
0x174: {  	v7 =	vsel vm12, v13, v7;
	vm10 =	vmand vm6, vm13;
	v8 =	vsel vm9, v9, v8  }
0x175: {  	v10 =	vperm.xlane v7, v2;
	v9 =	vperm.xlane v7, v0;
	v8 =	vsel vm10, v11, v8  }
0x176: {  	v11 =	vperm.xlane v8, v0  }
0x177: {  	vm10 =	vgt.s32 v10, v7;
	vm11 =	vlt.s32 v9, v7;
	v12 =	vperm.xlane v8, v2  }
0x178: {  	vm2 =	vmand vm2, vm10;
	v9 =	vsel vm11, v9, v7;
	vm10 =	vgt.s32 v11, v8  }
0x179: {  	v7 =	vsel vm4, v9, v7;
	vm4 =	vlt.s32 v12, v8;
	v9 =	vsel vm10, v11, v8  }
0x17a: {  	s24 =	sadd.s32 $0x10, s24;
	v7 =	vsel vm2, v10, v7;
	vm2 =	vmand vm7, vm4;
	v8 =	vsel vm8, v9, v8  }
0x17b: {  	s25 =	sadd.s32 $0x10, s25;
	v10 =	vperm.xlane v7, v2;
	v9 =	vld [tilespmem:s24+$0x0];
	v8 =	vsel vm2, v12, v8  }
0x17c: {  	v12 =	vperm.xlane v7, v0;
	v11 =	vld [tilespmem:s25+$0x0];
	v13 =	vperm.xlane v8, v0  }
0x17d: {  	vm2 =	vgt.s32 v10, v7;
	v14 =	vperm.xlane v8, v2  }
0x17e: {  	vm2 =	vmand vm5, vm2;
	vm4 =	vlt.s32 v12, v7;
	vm5 =	vgt.s32 v13, v8  }
.Ltmp12:
0x17f: {  	v12 =	vsel vm4, v12, v7;
	vm4 =	vlt.s32 v14, v8;
	v13 =	vsel vm5, v13, v8;
	(pc) =	sbr.rel @!p1 .LBB2_15-.Ltmp12, $4  }
0x180: {  	v7 =	vsel vm3, v12, v7;
	vm3 =	vmand vm6, vm4;
	v8 =	vsel vm9, v13, v8  }
0x181: {  	v7 =	vsel vm2, v10, v7;
	(xrf1) =	vsort.dscd.msk.f32 $0xffff, v9, v11;
	v8 =	vsel vm3, v14, v8  }
0x182: {  	vm3 =	veq.f32 v5, v6;
	vm4 =	vlt.s32 v7, v8  }
0x183: {  	s26 =	sadd.s32 $0xFFFFFFFF, s26;
	vm2 =	vlt.f32 v5, v6;
	vm3 =	vmand vm3, vm4  }
.LBB2_16:
0x184: {  	_ = 	snop  }
0x185: {  	vm2 =	vmor @p0 vm2, vm3  }
0x186: {  	v5 =	vsel @p0 vm2, v5, v6;
	v6 =	vsel @p0 vm2, v7, v8  }
0x187: {  	(xrf1) =	vsort.ascd.msk.f32 @p0 $0xffff, v5, v6;
	_ =	sdelay $0x7  }
0x188: {  	v5, v6, _ =	vpop (xrf1)  }
0x189: {  	v54 =	vperm.xlane v5, v2;
	v10 =	vperm.xlane v6, v0  }
0x18a: {  	v55 =	vperm.xlane v6, v2;
	v9 =	vperm.xlane v5, v0;
	_ =	sdelay $0x1  }
0x18b: {  	vm4 =	veq.f32 v5, v54;
	vm2 =	vgt.s32 v55, v6  }
0x18c: {  	vm5 =	veq.f32 v5, v9;
	vm6 =	vlt.s32 v10, v6;
	vm3 =	vmand vm4, vm0  }
0x18d: {  	v56 =	vsel vm6, v10, v6;
	vm7 =	vmand vm3, vm2;
	vm2 =	vmand vm5, vm1;
	v9, v10, _ =	vpop @p0 (xrf1)  }
0x18e: {  	v6 =	vsel vm2, v56, v6;
	v7 =	vperm.xlane @p0 v9, v0;
	v11 =	vperm.xlane @p0 v10, v2  }
0x18f: {  	v6 =	vsel vm7, v55, v6;
	v8 =	vperm.xlane @p0 v10, v0;
	v12 =	vperm.xlane @p0 v9, v2  }
0x190: {  	v13 =	vperm.xlane v6, v2;
	vm8 =	vlt.s32 @p0 v11, v10  }
0x191: {  	vm9 =	veq.f32 @p0 v9, v12;
	vm10 =	veq.f32 @p0 v9, v7;
	vm11 =	vgt.s32 @p0 v8, v10  }
0x192: {  	vm6 =	vmand @p0 vm9, vm0;
	vm7 =	vmand @p0 vm10, vm1;
	v7 =	vsel @p0 vm11, v8, v10  }
0x193: {  	v57 =	vperm.xlane v6, v0;
	vm8 =	vmand @p0 vm8, vm6;
	v7 =	vsel @p0 vm7, v7, v10  }
0x194: {  	vm4 =	vmand vm4, vm1;
	vm5 =	vmand vm5, vm0;
	v7 =	vsel @p0 vm8, v11, v7  }
0x195: {  	vm12 =	vgt.s32 v13, v6;
	vm11 =	vlt.s32 v57, v6;
	v10 =	vperm.xlane @p0 v7, v0  }
0x196: {  	vm12 =	vmand vm4, vm12;
	v8 =	vsel vm11, v57, v6;
	v11 =	vperm.xlane @p0 v7, v2  }
0x197: {  	v6 =	vsel vm5, v8, v6;
	vm8 =	vmand @p0 vm9, vm1;
	vm11 =	vgt.s32 @p0 v10, v7  }
0x198: {  	vm9 =	vmand @p0 vm10, vm0;
	vm13 =	vlt.s32 @p0 v11, v7;
	v8 =	vsel @p0 vm11, v10, v7  }
0x199: {  	v6 =	vsel vm12, v13, v6;
	vm10 =	vmand @p0 vm8, vm13;
	v7 =	vsel @p0 vm9, v8, v7  }
0x19a: {  	v58 =	vperm.xlane v6, v2;
	v7 =	vsel @p0 vm10, v11, v7  }
0x19b: {  	v59 =	vperm.xlane v6, v0;
	v11 =	vperm.xlane @p0 v7, v0  }
0x19c: {  	vm13 =	vgt.s32 v58, v6;
	v12 =	vperm.xlane @p0 v7, v2  }
0x19d: {  	vm14 =	vlt.s32 v59, v6;
	vm3 =	vmand vm3, vm13;
	vm10 =	vgt.s32 @p0 v11, v7  }
0x19e: {  	v10 =	vsel vm14, v59, v6;
	vm11 =	vlt.s32 @p0 v12, v7;
	v11 =	vsel @p0 vm10, v11, v7  }
0x19f: {  	v6 =	vsel vm2, v10, v6;
	vm2 =	vmand @p0 vm6, vm11;
	v7 =	vsel @p0 vm7, v11, v7  }
0x1a0: {  	v6 =	vsel vm3, v58, v6;
	v7 =	vsel @p0 vm2, v12, v7  }
0x1a1: {  	v60 =	vperm.xlane v6, v0;
	v10 =	vperm.xlane @p0 v7, v0  }
0x1a2: {  	v12 =	vperm.xlane @p0 v7, v2  }
0x1a3: {  	v8 =	vperm.xlane v6, v2;
	vm15 =	vlt.s32 v60, v6;
	vm3 =	vgt.s32 @p0 v10, v7  }
0x1a4: {  	v11 =	vsel vm15, v60, v6;
	vm7 =	vlt.s32 @p0 v12, v7;
	v10 =	vsel @p0 vm3, v10, v7  }
0x1a5: {  	vm2 =	vgt.s32 v8, v6;
	vm3 =	vmand @p0 vm8, vm7;
	v7 =	vsel @p0 vm9, v10, v7  }
0x1a6: {  	v6 =	vsel vm5, v11, v6;
	vm2 =	vmand vm4, vm2;
	v7 =	vsel @p0 vm3, v12, v7  }
0x1a7: {  	v4 =	vpsel p0, v9, v4;
	v6 =	vsel vm2, v8, v6;
	v3 =	vpsel p0, v7, v3  }
0x1a8: {  	vm2 =	veq.f32 v5, v4;
	vm3 =	vlt.s32 v6, v3  }
0x1a9: {  	vm8 =	vlt.f32 v5, v4;
	vm2 =	vmand vm2, vm3  }
0x1aa: {  	vm2 =	vmor vm8, vm2  }
0x1ab: {  	v4 =	vsel vm2, v5, v4;
	v3 =	vsel vm2, v6, v3  }
0x1ac: {  	(xrf1) =	vsort.ascd.msk.f32 $0xffff, v4, v3;
	_ =	sdelay $0xd  }
0x1ad: {  	v3, v4, _ =	vpop (xrf1)  }
0x1ae: {  	v5 =	vperm.xlane v3, v0;
	v61 =	vperm.xlane v4, v2  }
0x1af: {  	v62 =	vperm.xlane v4, v0;
	v63 =	vperm.xlane v3, v2  }
0x1b0: {  	vm2 =	vlt.s32 v61, v4  }
0x1b1: {  	vm3 =	veq.f32 v3, v63;
	vm9 =	veq.f32 v3, v5;
	vm10 =	vgt.s32 v62, v4  }
0x1b2: {  	vm11 =	vmand vm3, vm0;
	vm12 =	vmand vm9, vm1;
	v3 =	vsel vm10, v62, v4  }
0x1b3: {  	vm2 =	vmand vm2, vm11;
	v3 =	vsel vm12, v3, v4  }
0x1b4: {  	v3 =	vsel vm2, v61, v3  }
0x1b5: {  	v4 =	vperm.xlane v3, v0  }
0x1b6: {  	v5 =	vperm.xlane v3, v2  }
0x1b7: {  	vm2 =	vmand vm3, vm1;
	vm3 =	vgt.s32 v4, v3  }
0x1b8: {  	vm4 =	vmand vm9, vm0;
	vm13 =	vlt.s32 v5, v3;
	v4 =	vsel vm3, v4, v3  }
0x1b9: {  	vm3 =	vmand vm2, vm13;
	v3 =	vsel vm4, v4, v3  }
0x1ba: {  	v3 =	vsel vm3, v5, v3  }
0x1bb: {  	v4 =	vperm.xlane v3, v0  }
0x1bc: {  	v5 =	vperm.xlane v3, v2  }
0x1bd: {  	vm3 =	vgt.s32 v4, v3  }
0x1be: {  	vm14 =	vlt.s32 v5, v3;
	v4 =	vsel vm3, v4, v3  }
0x1bf: {  	vm3 =	vmand vm11, vm14;
	v3 =	vsel vm12, v4, v3  }
0x1c0: {  	v3 =	vsel vm3, v5, v3  }
0x1c1: {  	v4 =	vperm.xlane v3, v0  }
.Ltmp13:
0x1c2: {  	v5 =	vperm.xlane v3, v2;
	(pc) =	sbr.rel .LBB2_20-.Ltmp13, $4  }
0x1c3: {  	vm3 =	vgt.s32 v4, v3  }
0x1c4: {  	vm15 =	vlt.s32 v5, v3;
	v4 =	vsel vm3, v4, v3  }
0x1c5: {  	vm2 =	vmand vm2, vm15;
	v3 =	vsel vm4, v4, v3  }
0x1c6: {  	v3 =	vsel vm2, v5, v3  }
.LBB2_8:
0x1c7: {  	s25 =	simm.s32 $0xA500  }
0x1c8: {  	v5 =	vld [tilespmem:s25+$0x0];
	_ =	sdelay $0x4  }
0x1c9: {  	(v2sf) =	vpush v5, $0x0;
	_ =	sdelay $0xe  }
0x1ca: {  	s31 =	spop (v2sf)  }
0x1cb: {  	s25 =	sshll.u32 s31, $0x5  }
0x1cc: {  	v5 =	vld [tilespmem:s25+$0x0];
	_ =	sdelay $0x3  }
0x1cd: {  	v6 =	vor.u32 s25, v1  }
0x1ce: {  	(xrf1) =	vsort.dscd.msk.f32 $0xffff, v5, v6;
	_ =	sdelay $0xd  }
0x1cf: {  	v5, v6, _ =	vpop (xrf1)  }
0x1d0: {  	v7 =	vperm.xlane v5, v0;
	v8 =	vperm.xlane v6, v2  }
0x1d1: {  	v9 =	vperm.xlane v5, v2;
	v10 =	vperm.xlane v6, v0  }
0x1d2: {  	vm3 =	vgt.s32 v8, v6  }
0x1d3: {  	vm5 =	veq.f32 v5, v7;
	vm6 =	veq.f32 v5, v9;
	vm7 =	vlt.s32 v10, v6  }
0x1d4: {  	vm2 =	vmand vm5, vm1;
	vm4 =	vmand vm6, vm0;
	v7 =	vsel vm7, v10, v6  }
0x1d5: {  	vm3 =	vmand vm3, vm4;
	v6 =	vsel vm2, v7, v6  }
0x1d6: {  	v6 =	vsel vm3, v8, v6  }
0x1d7: {  	v7 =	vperm.xlane v6, v0  }
0x1d8: {  	p1 =	sgt.s32 s24, $0x1;
	v8 =	vperm.xlane v6, v2  }
.Ltmp14:
0x1d9: {  	vm3 =	vmand vm5, vm0;
	vm7 =	vlt.s32 v7, v6;
	(pc) =	sbr.rel @!p1 .LBB2_9-.Ltmp14, $4  }
0x1da: {  	vm5 =	vmand vm6, vm1;
	vm6 =	vgt.s32 v8, v6;
	v7 =	vsel vm7, v7, v6  }
0x1db: {  	vm6 =	vmand vm5, vm6;
	v6 =	vsel vm3, v7, v6  }
0x1dc: {  	v7 =	vsel vm6, v8, v6  }
0x1dd: {  	v4 =	vimm.f32 $+Inf;
	v3 =	vimm.s32 $0x0;
	p0 =	por $0x0, $0x0;
	s28 =	sor.u32 $0x10, s25;
	v6 =	vld [tilespmem:s25+$0x10];
	v8 =	vperm.xlane v7, v0  }
0x1de: {  	_ =	sdelay $0x1  }
0x1df: {  	v9 =	vperm.xlane v7, v2  }
0x1e0: {  	v10 =	vor.u32 s28, v1;
	vm6 =	vlt.s32 v8, v7  }
0x1e1: {  	vm7 =	vgt.s32 v9, v7;
	(xrf1) =	vsort.dscd.msk.f32 $0xffff, v6, v10;
	v6 =	vsel vm6, v8, v7  }
0x1e2: {  	vm4 =	vmand vm4, vm7;
	v6 =	vsel vm2, v6, v7  }
0x1e3: {  	v6 =	vsel vm4, v9, v6  }
0x1e4: {  	v7 =	vperm.xlane v6, v0  }
0x1e5: {  	v8 =	vperm.xlane v6, v2  }
0x1e6: {  	vm2 =	vlt.s32 v7, v6  }
0x1e7: {  	s25 =	simm.s32 $0xA501;
	vm4 =	vgt.s32 v8, v6;
	v7 =	vsel vm2, v7, v6  }
0x1e8: {  	v9 =	vld [tilespmem:s25+$0x0];
	vm2 =	vmand vm5, vm4;
	v6 =	vsel vm3, v7, v6  }
0x1e9: {  	v6 =	vsel vm2, v8, v6  }
0x1ea: {  	vm2 =	veq.f32 v5, v4;
	vm3 =	vlt.s32 v6, v3  }
0x1eb: {  	vm4 =	vlt.f32 v5, v4;
	vm2 =	vmand vm2, vm3  }
0x1ec: {  	vm2 =	vmor vm4, vm2  }
0x1ed: {  	(v2sf) =	vpush v9, $0x0;
	v5 =	vsel vm2, v5, v4  }
0x1ee: {  	v6 =	vsel vm2, v6, v3;
	_ =	sdelay $0x2  }
0x1ef: {  	(xrf1) =	vsort.ascd.msk.f32 $0xffff, v5, v6;
	v6, v5, _ =	vpop (xrf1)  }
0x1f0: {  	v7 =	vperm.xlane v6, v0;
	v8 =	vperm.xlane v5, v0  }
0x1f1: {  	v9 =	vperm.xlane v6, v2;
	v10 =	vperm.xlane v5, v2  }
0x1f2: {  	vm2 =	veq.f32 v6, v7  }
0x1f3: {  	vm6 =	veq.f32 v6, v9;
	vm3 =	vlt.s32 v8, v5;
	vm7 =	vgt.s32 v10, v5  }
0x1f4: {  	vm5 =	vmand vm2, vm1;
	vm4 =	vmand vm6, vm0;
	v7 =	vsel vm3, v8, v5  }
0x1f5: {  	vm3 =	vmand vm4, vm7;
	v5 =	vsel vm5, v7, v5  }
0x1f6: {  	v5 =	vsel vm3, v10, v5  }
0x1f7: {  	v7 =	vperm.xlane v5, v0  }
0x1f8: {  	v8 =	vperm.xlane v5, v2  }
0x1f9: {  	vm3 =	vmand vm2, vm0;
	vm7 =	vlt.s32 v7, v5  }
0x1fa: {  	s26 =	spop (v2sf);
	vm2 =	vmand vm6, vm1;
	vm6 =	vgt.s32 v8, v5;
	v7 =	vsel vm7, v7, v5  }
0x1fb: {  	s29 =	sshll.u32 s26, $0x5;
	vm6 =	vmand vm2, vm6;
	v5 =	vsel vm3, v7, v5  }
0x1fc: {  	v7 =	vld [tilespmem:s29+$0x0];
	v5 =	vsel vm6, v8, v5  }
0x1fd: {  	v8, v9, _ =	vpop (xrf1);
	v10 =	vperm.xlane v5, v0  }
0x1fe: {  	v11 =	vperm.xlane v8, v2;
	v12 =	vperm.xlane v8, v0  }
0x1ff: {  	v13 =	vperm.xlane v9, v0;
	v14 =	vperm.xlane v9, v2  }
0x200: {  	vm6 =	veq.f32 v8, v11;
	v11 =	vor.u32 s29, v1;
	vm9 =	veq.f32 v8, v12  }
0x201: {  	vm8 =	vgt.s32 v13, v9;
	vm10 =	vlt.s32 v14, v9;
	(xrf1) =	vsort.dscd.msk.f32 $0xffff, v7, v11  }
0x202: {  	vm7 =	vmand vm6, vm0;
	v7 =	vsel vm8, v13, v9;
	vm15 =	vmand vm9, vm1  }
0x203: {  	vm10 =	vmand vm10, vm7;
	v7 =	vsel vm15, v7, v9  }
0x204: {  	vm12 =	vlt.s32 v10, v5;
	v9 =	vperm.xlane v5, v2;
	v7 =	vsel vm10, v14, v7  }
0x205: {  	v10 =	vsel vm12, v10, v5;
	v11 =	vperm.xlane v7, v0  }
0x206: {  	v10 =	vsel vm5, v10, v5;
	vm5 =	vgt.s32 v9, v5;
	v5 =	vperm.xlane v7, v2  }
0x207: {  	vm4 =	vmand vm4, vm5;
	vm5 =	vmand vm6, vm1;
	vm13 =	vgt.s32 v11, v7  }
0x208: {  	vm6 =	vmand vm9, vm0;
	vm14 =	vlt.s32 v5, v7;
	v11 =	vsel vm13, v11, v7  }
0x209: {  	v9 =	vsel vm4, v9, v10;
	vm4 =	vmand vm5, vm14;
	v7 =	vsel vm6, v11, v7  }
0x20a: {  	v10 =	vperm.xlane v9, v0;
	v5 =	vsel vm4, v5, v7  }
0x20b: {  	v7 =	vperm.xlane v5, v0  }
0x20c: {  	vm4 =	vlt.s32 v10, v9;
	v11 =	vperm.xlane v5, v2  }
0x20d: {  	v56 =	vperm.xlane v9, v2;
	v10 =	vsel vm4, v10, v9;
	vm4 =	vgt.s32 v7, v5  }
0x20e: {  	v10 =	vsel vm3, v10, v9;
	vm3 =	vlt.s32 v11, v5;
	v7 =	vsel vm4, v7, v5  }
0x20f: {  	vm4 =	vgt.s32 v56, v9;
	vm3 =	vmand vm7, vm3;
	v7 =	vsel vm15, v7, v5;
	v5, v9, _ =	vpop (xrf1)  }
0x210: {  	v7 =	vsel vm3, v11, v7;
	v11 =	vperm.xlane v9, v2;
	v57 =	vperm.xlane v5, v0  }
0x211: {  	vm2 =	vmand vm2, vm4;
	v58 =	vperm.xlane v5, v2;
	v59 =	vperm.xlane v7, v0  }
0x212: {  	v10 =	vsel vm2, v56, v10;
	v15 =	vperm.xlane v9, v0;
	v60 =	vperm.xlane v7, v2  }
0x213: {  	vm3 =	vgt.s32 v11, v9;
	vm7 =	veq.f32 v5, v57;
	vm8 =	veq.f32 v5, v58  }
0x214: {  	vm15 =	vgt.s32 v59, v7;
	vm12 =	vlt.s32 v15, v9;
	vm13 =	vlt.s32 v60, v7  }
0x215: {  	vm2 =	vmand vm7, vm1;
	vm4 =	vmand vm8, vm0;
	v61 =	vsel vm15, v59, v7  }
0x216: {  	v62 =	vsel vm12, v15, v9;
	vm5 =	vmand vm5, vm13;
	v7 =	vsel vm6, v61, v7  }
0x217: {  	vm3 =	vmand vm3, vm4;
	v9 =	vsel vm2, v62, v9;
	v7 =	vsel vm5, v60, v7  }
0x218: {  	v9 =	vsel vm3, v11, v9;
	vm3 =	veq.f32 v6, v8;
	vm5 =	vlt.s32 v10, v7  }
0x219: {  	vm6 =	vlt.f32 v6, v8;
	vm14 =	vmand vm3, vm5  }
0x21a: {  	v11 =	vperm.xlane v9, v0;
	vm6 =	vmor vm6, vm14  }
0x21b: {  	p1 =	sgt.s32 s24, $0x2;
	v63 =	vperm.xlane v9, v2;
	v8 =	vsel vm6, v6, v8;
	v10 =	vsel vm6, v10, v7  }
.Ltmp15:
0x21c: {  	vm3 =	vmand vm7, vm0;
	vm7 =	vlt.s32 v11, v9;
	(xrf1) =	vsort.ascd.msk.f32 $0xffff, v8, v10;
	(pc) =	sbr.rel @!p1 .LBB2_19-.Ltmp15, $4  }
0x21d: {  	vm5 =	vmand vm8, vm1;
	vm15 =	vgt.s32 v63, v9;
	v11 =	vsel vm7, v11, v9  }
0x21e: {  	vm7 =	vmand vm5, vm15;
	v9 =	vsel vm3, v11, v9  }
0x21f: {  	v7 =	vsel vm7, v63, v9  }
0x220: {  	p0 =	por $0x1, $0x1;
	s26 =	simm.s32 $0x2;
	s28 =	sor.u32 $0x10, s29;
	v6 =	vld [tilespmem:s29+$0x10];
	v8 =	vperm.xlane v7, v0  }
.LBB2_18:
0x221: {  	_ = 	snop  }
0x222: {  	s26 =	sadd.s32 $0x1, s26  }
0x223: {  	p1 =	slt.s32 s26, s24;
	_ =	sdelay $0x6  }
0x224: {  	v9, v10, _ =	vpop (xrf1)  }
0x225: {  	v11 =	vperm.xlane v9, v0;
	v12 =	vperm.xlane v10, v0  }
0x226: {  	v13 =	vperm.xlane v9, v2  }
0x227: {  	v14 =	vperm.xlane v10, v2;
	vm8 =	veq.f32 v9, v11;
	vm6 =	vgt.s32 v12, v10  }
0x228: {  	vm9 =	veq.f32 v9, v13;
	v11 =	vsel vm6, v12, v10  }
0x229: {  	vm10 =	vmand vm9, vm0;
	vm6 =	vlt.s32 v14, v10;
	vm11 =	vmand vm8, vm1  }
0x22a: {  	vm6 =	vmand vm6, vm10;
	v10 =	vsel vm11, v11, v10  }
0x22b: {  	vm7 =	veq.f32 v5, v9;
	v10 =	vsel vm6, v14, v10  }
0x22c: {  	vm6 =	vlt.f32 v5, v9;
	v11 =	vperm.xlane v10, v0  }
0x22d: {  	v12 =	vperm.xlane v10, v2  }
0x22e: {  	vm8 =	vmand vm8, vm0;
	vm12 =	vgt.s32 v11, v10  }
0x22f: {  	vm9 =	vmand vm9, vm1;
	vm13 =	vlt.s32 v12, v10;
	v11 =	vsel vm12, v11, v10  }
0x230: {  	vm12 =	vmand vm9, vm13;
	v10 =	vsel vm8, v11, v10  }
0x231: {  	v13 =	vor.u32 s28, v1;
	v11 =	vperm.xlane v7, v2;
	v10 =	vsel vm12, v12, v10  }
0x232: {  	vm12 =	vlt.s32 v8, v7;
	(xrf1) =	vsort.dscd.msk.f32 $0xffff, v6, v13;
	v6 =	vperm.xlane v10, v0  }
0x233: {  	vm13 =	vgt.s32 v11, v7;
	v8 =	vsel vm12, v8, v7;
	v12 =	vperm.xlane v10, v2  }
0x234: {  	vm4 =	vmand vm4, vm13;
	v7 =	vsel vm2, v8, v7;
	vm2 =	vgt.s32 v6, v10  }
0x235: {  	v7 =	vsel vm4, v11, v7;
	vm4 =	vlt.s32 v12, v10;
	v6 =	vsel vm2, v6, v10  }
0x236: {  	v8 =	vperm.xlane v7, v0;
	vm2 =	vmand vm10, vm4;
	v6 =	vsel vm11, v6, v10  }
0x237: {  	v10 =	vperm.xlane v7, v2;
	v6 =	vsel vm2, v12, v6  }
0x238: {  	vm2 =	vlt.s32 v8, v7;
	v11 =	vperm.xlane v6, v0  }
0x239: {  	vm4 =	vgt.s32 v10, v7;
	v8 =	vsel vm2, v8, v7;
	v12 =	vperm.xlane v6, v2  }
0x23a: {  	s25 =	sadd.s32 $0x1, s25;
	vm2 =	vmand vm5, vm4;
	v7 =	vsel vm3, v8, v7;
	vm3 =	vgt.s32 v11, v6  }
0x23b: {  	v10 =	vsel vm2, v10, v7;
	vm2 =	vlt.s32 v12, v6;
	v8 =	vld [tilespmem:s25+$0x0];
	v7 =	vsel vm3, v11, v6  }
0x23c: {  	vm2 =	vmand vm9, vm2;
	v6 =	vsel vm8, v7, v6  }
0x23d: {  	v6 =	vsel vm2, v12, v6  }
0x23e: {  	vm2 =	vlt.s32 v10, v6  }
0x23f: {  	vm2 =	vmand vm7, vm2  }
0x240: {  	(v2sf) =	vpush v8, $0x0;
	vm2 =	vmor vm6, vm2;
	v7, v8, _ =	vpop (xrf1)  }
0x241: {  	v5 =	vsel vm2, v5, v9;
	v6 =	vsel vm2, v10, v6  }
0x242: {  	v9 =	vperm.xlane v7, v0;
	(xrf1) =	vsort.ascd.msk.f32 $0xffff, v5, v6  }
0x243: {  	v5 =	vperm.xlane v8, v0;
	v6 =	vperm.xlane v7, v2  }
0x244: {  	v10 =	vperm.xlane v8, v2;
	vm2 =	veq.f32 v7, v9  }
0x245: {  	vm6 =	veq.f32 v7, v6;
	vm5 =	vmand vm2, vm1;
	vm3 =	vlt.s32 v5, v8  }
0x246: {  	vm7 =	vgt.s32 v10, v8;
	vm4 =	vmand vm6, vm0;
	v5 =	vsel vm3, v5, v8  }
0x247: {  	vm3 =	vmand vm4, vm7;
	v5 =	vsel vm5, v5, v8  }
0x248: {  	v5 =	vsel vm3, v10, v5  }
0x249: {  	v6 =	vperm.xlane v5, v0  }
0x24a: {  	v8 =	vperm.xlane v5, v2  }
0x24b: {  	vm3 =	vmand vm2, vm0;
	vm7 =	vlt.s32 v6, v5  }
0x24c: {  	vm2 =	vmand vm6, vm1;
	vm6 =	vgt.s32 v8, v5;
	v6 =	vsel vm7, v6, v5  }
0x24d: {  	vm6 =	vmand vm2, vm6;
	v5 =	vsel vm3, v6, v5  }
0x24e: {  	v5 =	vsel vm6, v8, v5  }
0x24f: {  	v8 =	vperm.xlane v5, v0;
	s28 =	spop (v2sf)  }
0x250: {  	s29 =	sshll.u32 s28, $0x5;
	v9, v10, _ =	vpop (xrf1)  }
0x251: {  	vm6 =	vlt.s32 v8, v5;
	v11 =	vld [tilespmem:s29+$0x0];
	s28 =	sor.u32 $0x10, s29;
	v12 =	vperm.xlane v9, v2;
	v13 =	vperm.xlane v10, v2  }
0x252: {  	v14 =	vperm.xlane v9, v0;
	v15 =	vperm.xlane v10, v0;
	v8 =	vsel vm6, v8, v5;
	v6 =	vld [tilespmem:s29+$0x10]  }
0x253: {  	v8 =	vsel vm5, v8, v5;
	vm6 =	veq.f32 v9, v12;
	v12 =	vperm.xlane v5, v2  }
0x254: {  	vm9 =	veq.f32 v9, v14;
	vm5 =	vgt.s32 v15, v10;
	vm7 =	vmand vm6, vm0  }
0x255: {  	v14 =	vor.u32 s29, v1;
	v15 =	vsel vm5, v15, v10;
	vm5 =	vgt.s32 v12, v5  }
0x256: {  	vm10 =	vlt.s32 v13, v10;
	vm8 =	vmand vm9, vm1;
	(xrf1) =	vsort.dscd.msk.f32 $0xffff, v11, v14;
	vm4 =	vmand vm4, vm5  }
0x257: {  	v5 =	vsel vm8, v15, v10;
	vm5 =	vmand vm10, vm7;
	v8 =	vsel vm4, v12, v8  }
0x258: {  	v5 =	vsel vm5, v13, v5;
	v10 =	vperm.xlane v8, v0  }
0x259: {  	v11 =	vperm.xlane v5, v0;
	v12 =	vperm.xlane v5, v2  }
0x25a: {  	vm5 =	vmand vm6, vm1;
	vm6 =	vmand vm9, vm0;
	vm4 =	vlt.s32 v10, v8  }
0x25b: {  	vm9 =	vlt.s32 v12, v5;
	vm10 =	vgt.s32 v11, v5;
	v10 =	vsel vm4, v10, v8  }
0x25c: {  	vm4 =	vmand vm5, vm9;
	v11 =	vsel vm10, v11, v5;
	v10 =	vsel vm3, v10, v8  }
0x25d: {  	v5 =	vsel vm6, v11, v5  }
0x25e: {  	v5 =	vsel vm4, v12, v5  }
0x25f: {  	v11 =	vperm.xlane v5, v0  }
0x260: {  	v13 =	vperm.xlane v8, v2;
	v12 =	vperm.xlane v5, v2  }
0x261: {  	vm3 =	vgt.s32 v11, v5  }
0x262: {  	vm4 =	vlt.s32 v12, v5;
	v14 =	vsel vm3, v11, v5;
	vm3 =	vgt.s32 v13, v8  }
0x263: {  	vm4 =	vmand vm7, vm4;
	v8 =	vsel vm8, v14, v5;
	vm2 =	vmand vm2, vm3  }
0x264: {  	v8 =	vsel vm4, v12, v8;
	v10 =	vsel vm2, v13, v10;
	v5, v11, _ =	vpop (xrf1)  }
0x265: {  	v12 =	vperm.xlane v5, v0;
	v13 =	vperm.xlane v11, v2  }
0x266: {  	v15 =	vperm.xlane v8, v0;
	v14 =	vperm.xlane v5, v2  }
0x267: {  	vm8 =	vgt.s32 v13, v11;
	vm3 =	veq.f32 v5, v12;
	v12 =	vperm.xlane v8, v2  }
0x268: {  	vm9 =	vgt.s32 v15, v8;
	vm7 =	veq.f32 v5, v14;
	vm2 =	vmand vm3, vm1  }
0x269: {  	v14 =	vperm.xlane v11, v0;
	v15 =	vsel vm9, v15, v8;
	vm4 =	vmand vm7, vm0  }
0x26a: {  	vm8 =	vmand vm8, vm4;
	vm9 =	vlt.s32 v12, v8;
	v8 =	vsel vm6, v15, v8  }
0x26b: {  	vm6 =	vlt.s32 v14, v11;
	vm5 =	vmand vm5, vm9  }
0x26c: {  	v14 =	vsel vm6, v14, v11;
	v8 =	vsel vm5, v12, v8  }
0x26d: {  	v11 =	vsel vm2, v14, v11;
	vm5 =	veq.f32 v7, v9;
	vm6 =	vlt.s32 v10, v8  }
0x26e: {  	v11 =	vsel vm8, v13, v11;
	vm8 =	vlt.f32 v7, v9;
	vm5 =	vmand vm5, vm6  }
0x26f: {  	v12 =	vperm.xlane v11, v0;
	vm5 =	vmor vm8, vm5  }
0x270: {  	v13 =	vperm.xlane v11, v2;
	v7 =	vsel vm5, v7, v9;
	v8 =	vsel vm5, v10, v8  }
.Ltmp16:
0x271: {  	vm3 =	vmand vm3, vm0;
	vm6 =	vlt.s32 v12, v11;
	(xrf1) =	vsort.ascd.msk.f32 $0xffff, v7, v8;
	(pc) =	sbr.rel @p1 .LBB2_18-.Ltmp16, $4  }
0x272: {  	vm5 =	vmand vm7, vm1;
	vm7 =	vgt.s32 v13, v11;
	v7 =	vsel vm6, v12, v11  }
0x273: {  	vm6 =	vmand vm5, vm7;
	v7 =	vsel vm3, v7, v11  }
0x274: {  	v7 =	vsel vm6, v13, v7  }
0x275: {  	v8 =	vperm.xlane v7, v0  }
.LBB2_19:
0x276: {  	_ =	sdelay $0x8  }
0x277: {  	v9, v10, _ =	vpop @p0 (xrf1)  }
0x278: {  	v11 =	vperm.xlane @p0 v10, v0  }
0x279: {  	v12 =	vperm.xlane @p0 v9, v0;
	v13 =	vperm.xlane @p0 v9, v2  }
0x27a: {  	v14 =	vperm.xlane @p0 v10, v2;
	vm6 =	vgt.s32 @p0 v11, v10  }
0x27b: {  	vm7 =	veq.f32 @p0 v9, v12;
	vm8 =	veq.f32 @p0 v9, v13;
	v11 =	vsel @p0 vm6, v11, v10  }
0x27c: {  	vm9 =	vmand @p0 vm8, vm0;
	vm6 =	vlt.s32 @p0 v14, v10;
	vm10 =	vmand @p0 vm7, vm1  }
0x27d: {  	vm6 =	vmand @p0 vm6, vm9;
	v10 =	vsel @p0 vm10, v11, v10  }
0x27e: {  	v10 =	vsel @p0 vm6, v14, v10  }
0x27f: {  	v11 =	vperm.xlane @p0 v10, v0  }
0x280: {  	v12 =	vperm.xlane @p0 v10, v2  }
0x281: {  	vm6 =	vmand @p0 vm7, vm0;
	vm11 =	vgt.s32 @p0 v11, v10  }
0x282: {  	vm7 =	vmand @p0 vm8, vm1;
	vm8 =	vlt.s32 @p0 v12, v10;
	v11 =	vsel @p0 vm11, v11, v10  }
0x283: {  	vm8 =	vmand @p0 vm7, vm8;
	v10 =	vsel @p0 vm6, v11, v10  }
0x284: {  	v10 =	vsel @p0 vm8, v12, v10  }
0x285: {  	v38 =	vperm.xlane v7, v2;
	v12 =	vperm.xlane @p0 v10, v0  }
0x286: {  	vm14 =	vlt.s32 v8, v7;
	v13 =	vperm.xlane @p0 v10, v2  }
0x287: {  	vm15 =	vgt.s32 v38, v7;
	v8 =	vsel vm14, v8, v7;
	vm8 =	vgt.s32 @p0 v12, v10  }
0x288: {  	vm4 =	vmand vm4, vm15;
	vm11 =	vlt.s32 @p0 v13, v10;
	v12 =	vsel @p0 vm8, v12, v10  }
0x289: {  	v7 =	vsel vm2, v8, v7;
	vm2 =	vmand @p0 vm9, vm11;
	v8 =	vsel @p0 vm10, v12, v10  }
0x28a: {  	v7 =	vsel vm4, v38, v7;
	v8 =	vsel @p0 vm2, v13, v8  }
0x28b: {  	v40 =	vperm.xlane v7, v2;
	v11 =	vperm.xlane @p0 v8, v0  }
0x28c: {  	v39 =	vperm.xlane v7, v0;
	v13 =	vperm.xlane @p0 v8, v2  }
0x28d: {  	v41 =	vor.u32 s28, v1;
	vm12 =	vgt.s32 v40, v7;
	vm4 =	vgt.s32 @p0 v11, v8  }
0x28e: {  	vm2 =	vlt.s32 v39, v7;
	vm9 =	vlt.s32 @p0 v13, v8;
	v11 =	vsel @p0 vm4, v11, v8  }
0x28f: {  	(xrf1) =	vsort.dscd.msk.f32 $0xffff, v6, v41;
	v42 =	vsel vm2, v39, v7;
	vm2 =	vmand @p0 vm7, vm9;
	v8 =	vsel @p0 vm6, v11, v8  }
0x290: {  	vm13 =	vmand vm5, vm12;
	v6 =	vsel vm3, v42, v7;
	v7 =	vsel @p0 vm2, v13, v8  }
0x291: {  	v4 =	vpsel p0, v9, v4;
	v6 =	vsel vm13, v40, v6;
	v3 =	vpsel p0, v7, v3  }
0x292: {  	vm2 =	veq.f32 v5, v4;
	vm3 =	vlt.s32 v6, v3  }
0x293: {  	vm14 =	vlt.f32 v5, v4;
	vm2 =	vmand vm2, vm3  }
0x294: {  	vm2 =	vmor vm14, vm2  }
0x295: {  	v4 =	vsel vm2, v5, v4;
	v3 =	vsel vm2, v6, v3  }
0x296: {  	(xrf1) =	vsort.ascd.msk.f32 $0xffff, v4, v3;
	_ =	sdelay $0x6  }
0x297: {  	v3, v4, _ =	vpop (xrf1)  }
0x298: {  	v43 =	vperm.xlane v4, v0  }
0x299: {  	v5 =	vperm.xlane v3, v0  }
0x29a: {  	vm10 =	vlt.s32 v43, v4  }
0x29b: {  	v44 =	vperm.xlane v3, v2;
	vm15 =	veq.f32 v3, v5;
	v5 =	vsel vm10, v43, v4  }
0x29c: {  	v45 =	vperm.xlane v4, v2  }
0x29d: {  	vm8 =	veq.f32 v3, v44;
	vm2 =	vmand vm15, vm1  }
0x29e: {  	vm11 =	vgt.s32 v45, v4;
	vm3 =	vmand vm8, vm0;
	v4 =	vsel vm2, v5, v4;
	v5, v6, _ =	vpop (xrf1)  }
0x29f: {  	vm12 =	vmand vm3, vm11;
	v47 =	vperm.xlane v5, v2;
	v48 =	vperm.xlane v5, v0  }
0x2a0: {  	v4 =	vsel vm12, v45, v4;
	v49 =	vperm.xlane v6, v0;
	v51 =	vperm.xlane v6, v2  }
0x2a1: {  	vm5 =	vmand vm15, vm0;
	v46 =	vperm.xlane v4, v0;
	vm9 =	veq.f32 v5, v47  }
0x2a2: {  	vm10 =	veq.f32 v5, v48;
	vm13 =	vgt.s32 v49, v6;
	vm14 =	vlt.s32 v51, v6  }
0x2a3: {  	vm6 =	vmand vm9, vm0;
	v52 =	vsel vm13, v49, v6;
	vm7 =	vmand vm10, vm1  }
0x2a4: {  	v50 =	vperm.xlane v4, v2;
	vm11 =	vmand vm14, vm6;
	v6 =	vsel vm7, v52, v6  }
0x2a5: {  	vm4 =	vmand vm8, vm1;
	vm12 =	vlt.s32 v46, v4;
	v6 =	vsel vm11, v51, v6  }
0x2a6: {  	vm15 =	vgt.s32 v50, v4;
	v7 =	vsel vm12, v46, v4;
	v53 =	vperm.xlane v6, v0  }
0x2a7: {  	vm8 =	vmand vm4, vm15;
	v4 =	vsel vm5, v7, v4;
	v54 =	vperm.xlane v6, v2  }
0x2a8: {  	v4 =	vsel vm8, v50, v4;
	vm8 =	vmand vm9, vm1;
	vm11 =	vgt.s32 v53, v6  }
0x2a9: {  	vm12 =	vmand vm10, vm0;
	vm13 =	vlt.s32 v54, v6;
	v8 =	vsel vm11, v53, v6  }
0x2aa: {  	v55 =	vperm.xlane v4, v0;
	vm10 =	vmand vm8, vm13;
	v6 =	vsel vm12, v8, v6  }
0x2ab: {  	v56 =	vperm.xlane v4, v2;
	v6 =	vsel vm10, v54, v6  }
0x2ac: {  	vm14 =	vlt.s32 v55, v4;
	v7 =	vperm.xlane v6, v0  }
0x2ad: {  	vm15 =	vgt.s32 v56, v4;
	v9 =	vsel vm14, v55, v4;
	v57 =	vperm.xlane v6, v2  }
0x2ae: {  	v4 =	vsel vm2, v9, v4;
	vm2 =	vmand vm3, vm15;
	vm3 =	vgt.s32 v7, v6  }
0x2af: {  	v4 =	vsel vm2, v56, v4;
	vm2 =	vlt.s32 v57, v6;
	v7 =	vsel vm3, v7, v6  }
0x2b0: {  	vm2 =	vmand vm6, vm2;
	v6 =	vsel vm7, v7, v6  }
0x2b1: {  	v8 =	vperm.xlane v4, v0;
	v6 =	vsel vm2, v57, v6  }
0x2b2: {  	v59 =	vperm.xlane v4, v2;
	v58 =	vperm.xlane v6, v0  }
0x2b3: {  	vm2 =	vlt.s32 v8, v4;
	v10 =	vperm.xlane v6, v2  }
0x2b4: {  	vm3 =	vgt.s32 v59, v4;
	v8 =	vsel vm2, v8, v4;
	vm2 =	vgt.s32 v58, v6  }
0x2b5: {  	v8 =	vsel vm5, v8, v4;
	v4 =	vsel vm2, v58, v6;
	vm2 =	vlt.s32 v10, v6  }
0x2b6: {  	vm3 =	vmand vm4, vm3;
	v4 =	vsel vm12, v4, v6;
	vm2 =	vmand vm8, vm2  }
0x2b7: {  	v60 =	vsel vm3, v59, v8;
	v4 =	vsel vm2, v10, v4  }
0x2b8: {  	vm2 =	veq.f32 v3, v5;
	vm3 =	vlt.s32 v60, v4  }
0x2b9: {  	vm8 =	vlt.f32 v3, v5;
	vm2 =	vmand vm2, vm3  }
0x2ba: {  	vm2 =	vmor vm8, vm2  }
0x2bb: {  	v3 =	vsel vm2, v3, v5;
	v4 =	vsel vm2, v60, v4  }
0x2bc: {  	(xrf1) =	vsort.ascd.msk.f32 $0xffff, v3, v4;
	_ =	sdelay $0xd  }
0x2bd: {  	v3, v4, _ =	vpop (xrf1)  }
0x2be: {  	v5 =	vperm.xlane v4, v0;
	v61 =	vperm.xlane v3, v0  }
0x2bf: {  	v62 =	vperm.xlane v3, v2;
	v63 =	vperm.xlane v4, v2  }
0x2c0: {  	vm2 =	vgt.s32 v5, v4  }
0x2c1: {  	vm3 =	veq.f32 v3, v61;
	vm9 =	veq.f32 v3, v62;
	vm10 =	vlt.s32 v63, v4  }
0x2c2: {  	v3 =	vsel vm2, v5, v4;
	vm2 =	vmand vm9, vm0;
	vm11 =	vmand vm3, vm1  }
0x2c3: {  	vm5 =	vmand vm10, vm2;
	v3 =	vsel vm11, v3, v4  }
0x2c4: {  	v3 =	vsel vm5, v63, v3  }
0x2c5: {  	v4 =	vperm.xlane v3, v0  }
0x2c6: {  	v5 =	vperm.xlane v3, v2  }
0x2c7: {  	vm3 =	vmand vm3, vm0;
	vm5 =	vgt.s32 v4, v3  }
0x2c8: {  	vm4 =	vmand vm9, vm1;
	vm12 =	vlt.s32 v5, v3;
	v4 =	vsel vm5, v4, v3  }
0x2c9: {  	vm13 =	vmand vm4, vm12;
	v3 =	vsel vm3, v4, v3  }
0x2ca: {  	v3 =	vsel vm13, v5, v3  }
0x2cb: {  	v4 =	vperm.xlane v3, v0  }
0x2cc: {  	v5 =	vperm.xlane v3, v2  }
0x2cd: {  	vm5 =	vgt.s32 v4, v3  }
0x2ce: {  	vm14 =	vlt.s32 v5, v3;
	v4 =	vsel vm5, v4, v3  }
0x2cf: {  	vm2 =	vmand vm2, vm14;
	v3 =	vsel vm11, v4, v3  }
0x2d0: {  	v3 =	vsel vm2, v5, v3  }
0x2d1: {  	v4 =	vperm.xlane v3, v0  }
0x2d2: {  	v5 =	vperm.xlane v3, v2  }
0x2d3: {  	vm2 =	vgt.s32 v4, v3  }
0x2d4: {  	vm15 =	vlt.s32 v5, v3;
	v4 =	vsel vm2, v4, v3  }
0x2d5: {  	vm2 =	vmand vm4, vm15;
	v3 =	vsel vm3, v4, v3  }
0x2d6: {  	v3 =	vsel vm2, v5, v3  }
.LBB2_20:
0x2d7: {  	s23 =	sor.u32 $0x1, s23  }
0x2d8: {  	s24 =	sadd.s32 s23, s7  }
0x2d9: {  	s25 =	sshrl.u32 s24, $0x3  }
0x2da: {  	s24 =	sshll.u32 s24, $0x7;
	s26 =	smul.u32 $0x28000, s25  }
0x2db: {  	s28 =	sand.u32 $0x380, s24;
	s25 =	smul.u32 $0x1400, s25  }
0x2dc: {  	v3 =	vcvt.s32.f32 v3;
	s31 =	sshll.u32 s22, $0x5;
	s26 =	sor.u32 s28, s26  }
0x2dd: {  	s24 =	sand.u32 $0x3FFFFFE0, s31;
	s25 =	sor.u32 s28, s25;
	s26 =	sshrl.u32 s26, $0x3  }
0x2de: {  	s31 =	simm.s32 $0x0;
	[tilespmem:s24+$0xB100] =	vst v3;
	s25 =	sshrl.u32 s25, $0x3;
	s26 =	sadd.s32 s3, s26  }
0x2df: {  	[tilespmem:s31], [sflag:$0x1] =	stream.strided.gather [hbm4b:s26+s10], $0x5000, s11, s10, $0x38;
	[tilespmem:$0xD880] =	vst v63  }
0x2e0: {  	s25 =	sadd.s32 s4, s25  }
0x2e1: {  	[tilespmem:s12], [sflag:$0x3] =	stream.strided.gather [hbm4b:s25+s10], $0x280, s11, s10, $0x38;
	[tilespmem:$0xD880] =	vst v63  }
0x2e2: {  	_ =	swait.ge [sflag:s17], $0x5000  }
0x2e3: {  	[sflag:s17] =	ssyncset.done $0x0  }
0x2e4: {  	[sflag:s17] =	ssyncadd.s32 $0xFFFFB000  }
0x2e5: {  	_ =	swait.ge [sflag:s18], $0x280  }
0x2e6: {  	[sflag:s18] =	ssyncset.done $0x0  }
0x2e7: {  	[sflag:s18] =	ssyncadd.s32 $0xFFFFFD80  }
0x2e8: {  	v3 =	vld [tilespmem:$0xA280]  }
0x2e9: {  	v4 =	vld [tilespmem:$0xA290]  }
0x2ea: {  	v5 =	vld [tilespmem:$0xA2A0]  }
0x2eb: {  	v6 =	vld [tilespmem:$0xA2B0]  }
0x2ec: {  	v7 =	vld [tilespmem:$0xA2C0]  }
0x2ed: {  	v8 =	vld [tilespmem:$0xA2D0]  }
0x2ee: {  	v3 =	vmin.f32 v3, v4;
	v4 =	vld [tilespmem:$0xA2E0]  }
0x2ef: {  	v3 =	vmin.f32 v3, v5;
	v5 =	vld [tilespmem:$0xA2F0]  }
0x2f0: {  	v3 =	vmin.f32 v3, v6;
	v6 =	vld [tilespmem:$0xA300]  }
0x2f1: {  	v3 =	vmin.f32 v3, v7;
	v7 =	vld [tilespmem:$0xA310]  }
0x2f2: {  	v58 =	vld [tilespmem:$0xA320];
	v3 =	vmin.f32 v3, v8  }
0x2f3: {  	v3 =	vmin.f32 v3, v4;
	v4 =	vld [tilespmem:$0xA330]  }
0x2f4: {  	v3 =	vmin.f32 v3, v5;
	v5 =	vld [tilespmem:$0xA340]  }
0x2f5: {  	v3 =	vmin.f32 v3, v6;
	v6 =	vld [tilespmem:$0xA350]  }
0x2f6: {  	v3 =	vmin.f32 v3, v7;
	v7 =	vld [tilespmem:$0xA360]  }
0x2f7: {  	v59 =	vld [tilespmem:$0xA370];
	v3 =	vmin.f32 v3, v58  }
0x2f8: {  	v3 =	vmin.f32 v3, v4;
	v4 =	vld [tilespmem:$0xA380]  }
0x2f9: {  	v3 =	vmin.f32 v3, v5;
	v5 =	vld [tilespmem:$0xA390]  }
0x2fa: {  	v3 =	vmin.f32 v3, v6;
	v6 =	vld [tilespmem:$0xA3A0]  }
0x2fb: {  	v3 =	vmin.f32 v3, v7;
	v7 =	vld [tilespmem:$0xA3B0]  }
0x2fc: {  	v60 =	vld [tilespmem:$0xA3C0];
	v3 =	vmin.f32 v3, v59  }
0x2fd: {  	v3 =	vmin.f32 v3, v4;
	v4 =	vld [tilespmem:$0xA3D0]  }
0x2fe: {  	v3 =	vmin.f32 v3, v5;
	v5 =	vld [tilespmem:$0xA3E0]  }
0x2ff: {  	v3 =	vmin.f32 v3, v6;
	v6 =	vld [tilespmem:$0xA3F0]  }
0x300: {  	v3 =	vmin.f32 v3, v7;
	v7 =	vld [tilespmem:$0xA400]  }
0x301: {  	v61 =	vld [tilespmem:$0xA410];
	v3 =	vmin.f32 v3, v60  }
0x302: {  	v3 =	vmin.f32 v3, v4;
	v4 =	vld [tilespmem:$0xA420]  }
0x303: {  	v3 =	vmin.f32 v3, v5;
	v5 =	vld [tilespmem:$0xA430]  }
0x304: {  	v3 =	vmin.f32 v3, v6;
	v6 =	vld [tilespmem:$0xA440]  }
0x305: {  	v3 =	vmin.f32 v3, v7;
	v7 =	vld [tilespmem:$0xA450]  }
0x306: {  	v62 =	vld [tilespmem:$0xA460];
	v3 =	vmin.f32 v3, v61  }
0x307: {  	v3 =	vmin.f32 v3, v4;
	v4 =	vld [tilespmem:$0xA470]  }
0x308: {  	v3 =	vmin.f32 v3, v5;
	v5 =	vld [tilespmem:$0xA480]  }
0x309: {  	v3 =	vmin.f32 v3, v6;
	v6 =	vld [tilespmem:$0xA490]  }
0x30a: {  	v3 =	vmin.f32 v3, v7;
	v7 =	vld [tilespmem:$0xA4A0]  }
0x30b: {  	v63 =	vld [tilespmem:$0xA4B0];
	v3 =	vmin.f32 v3, v62  }
0x30c: {  	v3 =	vmin.f32 v3, v4;
	v4 =	vld [tilespmem:$0xA4C0]  }
0x30d: {  	v3 =	vmin.f32 v3, v5;
	v5 =	vld [tilespmem:$0xA4D0]  }
0x30e: {  	v3 =	vmin.f32 v3, v6;
	v6 =	vld [tilespmem:$0xA4E0]  }
0x30f: {  	v3 =	vmin.f32 v3, v7;
	v7 =	vld [tilespmem:$0xA4F0]  }
0x310: {  	v3 =	vmin.f32 v3, v63  }
0x311: {  	v3 =	vmin.f32 v3, v4  }
0x312: {  	v3 =	vmin.f32 v3, v5  }
0x313: {  	v3 =	vmin.f32 v3, v6  }
0x314: {  	v3 =	vmin.f32 v3, v7  }
0x315: {  	(xrf0) =	vmax.scan.msk.f32 $0xffff, v3;
	_ =	sdelay $0x5  }
0x316: {  	v3, _, _ =	vpop (xrf0)  }
0x317: {  	(v2sf) =	vpush v3, $0xF;
	_ =	sdelay $0xe  }
0x318: {  	s26 =	spop (v2sf)  }
0x319: {  	s25 =	sadd.f32 $9.999999740e-05, s26;
	_ =	sdelay $0x1  }
0x31a: {  	v3 =	vmov s25;
	s25 =	simm.s32 $0xA2A0  }
0x31b: {  	v4 =	vld [tilespmem:s25+$0xFFFFFFE0];
	_ =	sdelay $0x4  }
0x31c: {  	v5 =	vor.u32 s31, v1;
	vm2 =	vle.f32 v4, v3  }
0x31d: {  	[tilespmem:s31+$0xA500] =	vst.msk vm2, v5;
	v4 =	vmpcnt.ones.xlane vm2  }
0x31e: {  	v5 =	vld [tilespmem:s25+$0xFFFFFFF0]  }
0x31f: {  	(v2sf) =	vpush v4, $0x0;
	_ =	sdelay $0x3  }
0x320: {  	vm2 =	vle.f32 v5, v3  }
0x321: {  	v4 =	vmpcnt.ones.xlane vm2;
	_ =	sdelay $0x1  }
0x322: {  	(v2sf) =	vpush v4, $0x0;
	_ =	sdelay $0x7  }
0x323: {  	s24 =	simm.s32 $0x10;
	s31 =	spop (v2sf)  }
0x324: {  	v4 =	vor.u32 s24, v1;
	s26 =	sadd.s32 $0x0, s31  }
0x325: {  	[tilespmem:s26+$0xA500] =	vst.msk vm2, v4  }
0x326: {  	v4 =	vld [tilespmem:s25+$0x0];
	_ =	sdelay $0x3  }
0x327: {  	s31 =	simm.s32 $0x20;
	s28 =	spop (v2sf)  }
0x328: {  	s26 =	sadd.s32 s26, s28;
	vm2 =	vle.f32 v4, v3;
	v4 =	vor.u32 s31, v1  }
0x329: {  	[tilespmem:s26+$0xA500] =	vst.msk vm2, v4;
	v5 =	vmpcnt.ones.xlane vm2  }
0x32a: {  	v4 =	vld [tilespmem:s25+$0x10]  }
0x32b: {  	(v2sf) =	vpush v5, $0x0;
	_ =	sdelay $0x3  }
0x32c: {  	vm2 =	vle.f32 v4, v3  }
0x32d: {  	v4 =	vmpcnt.ones.xlane vm2;
	_ =	sdelay $0x1  }
0x32e: {  	(v2sf) =	vpush v4, $0x0;
	_ =	sdelay $0x7  }
0x32f: {  	s24 =	simm.s32 $0x30;
	s31 =	spop (v2sf)  }
0x330: {  	v4 =	vor.u32 s24, v1;
	s29 =	sadd.s32 s26, s31  }
0x331: {  	s25 =	simm.s32 $0xA2E0;
	[tilespmem:s29+$0xA500] =	vst.msk vm2, v4  }
0x332: {  	v5 =	vld [tilespmem:s25+$0xFFFFFFE0];
	_ =	sdelay $0x2  }
0x333: {  	s24 =	simm.s32 $0x40  }
0x334: {  	s28 =	simm.s32 $0x80;
	s26 =	simm.s32 $0x4;
	v4 =	vor.u32 s24, v1;
	s30 =	spop (v2sf)  }
.LBB2_21:
0x335: {  	v6 =	vor.u32 s28, v1;
	s26 =	sadd.s32 $0x4, s26;
	vm2 =	vle.f32 v5, v3;
	s29 =	sadd.s32 s29, s30  }
0x336: {  	p0 =	slt.u32 s26, $0x24;
	[tilespmem:s29+$0xA500] =	vst.msk vm2, v4;
	v5 =	vmpcnt.ones.xlane vm2;
	v4 =	vmov v6  }
0x337: {  	v6 =	vld [tilespmem:s25+$0xFFFFFFF0]  }
0x338: {  	(v2sf) =	vpush v5, $0x0;
	_ =	sdelay $0x3  }
0x339: {  	vm2 =	vle.f32 v6, v3  }
0x33a: {  	v5 =	vmpcnt.ones.xlane vm2;
	_ =	sdelay $0x1  }
0x33b: {  	(v2sf) =	vpush v5, $0x0;
	_ =	sdelay $0x7  }
0x33c: {  	s30 =	sadd.s32 $0x10, s24;
	s31 =	spop (v2sf)  }
0x33d: {  	v5 =	vor.u32 s30, v1;
	s29 =	sadd.s32 s29, s31  }
0x33e: {  	[tilespmem:s29+$0xA500] =	vst.msk vm2, v5  }
0x33f: {  	v5 =	vld [tilespmem:s25+$0x0];
	_ =	sdelay $0x3  }
0x340: {  	s30 =	sadd.s32 $0x20, s24;
	s31 =	spop (v2sf)  }
0x341: {  	s29 =	sadd.s32 s29, s31;
	vm2 =	vle.f32 v5, v3;
	v5 =	vor.u32 s30, v1  }
0x342: {  	[tilespmem:s29+$0xA500] =	vst.msk vm2, v5;
	v5 =	vmpcnt.ones.xlane vm2  }
0x343: {  	v6 =	vld [tilespmem:s25+$0x10]  }
0x344: {  	(v2sf) =	vpush v5, $0x0;
	_ =	sdelay $0x3  }
0x345: {  	vm2 =	vle.f32 v6, v3  }
0x346: {  	v5 =	vmpcnt.ones.xlane vm2;
	_ =	sdelay $0x1  }
0x347: {  	(v2sf) =	vpush v5, $0x0;
	_ =	sdelay $0x7  }
0x348: {  	s30 =	sadd.s32 $0x30, s24;
	s24 =	smov.u32 s28;
	s31 =	spop (v2sf)  }
0x349: {  	v5 =	vor.u32 s30, v1;
	s29 =	sadd.s32 s29, s31  }
0x34a: {  	s25 =	sadd.s32 $0x40, s25;
	[tilespmem:s29+$0xA500] =	vst.msk vm2, v5  }
.Ltmp17:
0x34b: {  	v5 =	vld [tilespmem:s25+$0xFFFFFFE0];
	(pc) =	sbr.rel @p0 .LBB2_21-.Ltmp17, $2  }
0x34c: {  	_ =	sdelay $0x2  }
0x34d: {  	s28 =	sadd.s32 $0x40, s28;
	s30 =	spop (v2sf)  }
0x34e: {  	vm2 =	vle.f32 v5, v3;
	s26 =	sadd.s32 s29, s30  }
0x34f: {  	[tilespmem:s26+$0xA500] =	vst.msk vm2, v4;
	v4 =	vmpcnt.ones.xlane vm2  }
0x350: {  	v5 =	vld [tilespmem:s25+$0xFFFFFFF0]  }
0x351: {  	(v2sf) =	vpush v4, $0x0;
	_ =	sdelay $0x3  }
0x352: {  	vm2 =	vle.f32 v5, v3  }
0x353: {  	v4 =	vmpcnt.ones.xlane vm2;
	_ =	sdelay $0x1  }
0x354: {  	(v2sf) =	vpush v4, $0x0;
	_ =	sdelay $0x7  }
0x355: {  	s28 =	sadd.s32 $0x10, s24;
	s29 =	spop (v2sf)  }
0x356: {  	v4 =	vor.u32 s28, v1;
	s26 =	sadd.s32 s26, s29  }
0x357: {  	[tilespmem:s26+$0xA500] =	vst.msk vm2, v4  }
0x358: {  	v4 =	vld [tilespmem:s25+$0x0];
	_ =	sdelay $0x3  }
0x359: {  	s31 =	sadd.s32 $0x20, s24;
	s29 =	spop (v2sf)  }
0x35a: {  	s26 =	sadd.s32 s26, s29;
	vm2 =	vle.f32 v4, v3;
	v4 =	vor.u32 s31, v1  }
0x35b: {  	[tilespmem:s26+$0xA500] =	vst.msk vm2, v4  }
0x35c: {  	v4 =	vld [tilespmem:s25+$0x10];
	_ =	sdelay $0x4  }
0x35d: {  	v5 =	vmpcnt.ones.xlane vm2;
	vm2 =	vle.f32 v4, v3  }
0x35e: {  	v4 =	vmpcnt.ones.xlane vm2  }
0x35f: {  	(v2sf) =	vpush v5, $0x0  }
0x360: {  	(v2sf) =	vpush v4, $0x0;
	_ =	sdelay $0xd  }
0x361: {  	s30 =	spop (v2sf)  }
0x362: {  	s25 =	sadd.s32 s26, s30;
	s31 =	spop (v2sf)  }
0x363: {  	s28 =	sadd.s32 $0x30, s24;
	s24 =	sadd.s32 s25, s31  }
0x364: {  	p0 =	sgt.s32 s24, $0x0  }
.Ltmp18:
0x365: {  	_ = 	snop;
	(pc) =	sbr.rel @!p0 .LBB2_28-.Ltmp18, $3  }
0x366: {  	_ =	sdelay $0x1  }
0x367: {  	v4 =	vor.u32 s28, v1  }
0x368: {  	s29 =	simm.s32 $0x0;
	[tilespmem:s25+$0xA500] =	vst.msk vm2, v4;
	s25 =	simm.s32 $0xA500  }
0x369: {  	v4 =	vld [tilespmem:s25+$0x0];
	_ =	sdelay $0x4  }
0x36a: {  	(v2sf) =	vpush v4, $0x0;
	_ =	sdelay $0xe  }
0x36b: {  	s26 =	spop (v2sf)  }
0x36c: {  	s28 =	sshll.u32 s26, $0x5  }
0x36d: {  	v4 =	vld [tilespmem:s28+$0x5000];
	_ =	sdelay $0x4  }
0x36e: {  	vm2 =	vle.f32 v4, v3  }
0x36f: {  	v5 =	vmpcnt.ones.xlane vm2;
	_ =	sdelay $0x1  }
0x370: {  	(v2sf) =	vpush v5, $0x0;
	_ =	sdelay $0x9  }
0x371: {  	p0 =	slt.s32 s29, $0x400;
	s30 =	simm.s32 $0x0  }
0x372: {  	s30 =	simm.s32 @!p0 $0x400;
	s26 =	sadd.s32 $0x1, s29  }
0x373: {  	p0 =	slt.s32 s26, s24;
	[tilespmem:s30+$0xA800] =	vst.msk vm2, v4;
	v4 =	vor.u32 s28, v1  }
.Ltmp19:
0x374: {  	[tilespmem:s30+$0xAC80] =	vst.msk vm2, v4;
	(pc) =	sbr.rel @!p0 .LBB2_25-.Ltmp19, $4  }
0x375: {  	v4 =	vld [tilespmem:s28+$0x5010]  }
0x376: {  	s31 =	spop (v2sf)  }
0x377: {  	s29 =	sadd.s32 s29, s31  }
0x378: {  	p1 =	slt.s32 s29, $0x400  }
.LBB2_24:
0x379: {  	s30 =	smov.u32 s29  }
0x37a: {  	s26 =	sadd.s32 $0x1, s26;
	s28 =	sor.u32 $0x10, s28;
	vm2 =	vle.f32 v4, v3;
	s30 =	simm.s32 @!p1 $0x400  }
0x37b: {  	p0 =	slt.s32 s26, s24;
	v5 =	vmpcnt.ones.xlane vm2;
	[tilespmem:s30+$0xA800] =	vst.msk vm2, v4;
	v4 =	vor.u32 s28, v1  }
0x37c: {  	s25 =	sadd.s32 $0x1, s25;
	[tilespmem:s30+$0xAC80] =	vst.msk vm2, v4  }
0x37d: {  	v4 =	vld [tilespmem:s25+$0x0];
	(v2sf) =	vpush v5, $0x0;
	_ =	sdelay $0x4  }
0x37e: {  	(v2sf) =	vpush v4, $0x0;
	_ =	sdelay $0x9  }
0x37f: {  	s28 =	spop (v2sf)  }
0x380: {  	s29 =	sadd.s32 s29, s28;
	_ =	sdelay $0x3  }
0x381: {  	s28 =	spop (v2sf)  }
0x382: {  	s28 =	sshll.u32 s28, $0x5  }
0x383: {  	v4 =	vld [tilespmem:s28+$0x5000];
	_ =	sdelay $0x4  }
0x384: {  	vm2 =	vle.f32 v4, v3  }
0x385: {  	v5 =	vmpcnt.ones.xlane vm2;
	_ =	sdelay $0x1  }
0x386: {  	(v2sf) =	vpush v5, $0x0;
	_ =	sdelay $0x8  }
0x387: {  	p1 =	slt.s32 s29, $0x400;
	s30 =	smov.u32 s29  }
0x388: {  	s30 =	simm.s32 @!p1 $0x400  }
0x389: {  	[tilespmem:s30+$0xA800] =	vst.msk vm2, v4;
	v4 =	vor.u32 s28, v1  }
0x38a: {  	[tilespmem:s30+$0xAC80] =	vst.msk vm2, v4  }
.Ltmp20:
0x38b: {  	v4 =	vld [tilespmem:s28+$0x5010];
	(pc) =	sbr.rel @p0 .LBB2_24-.Ltmp20, $4  }
0x38c: {  	_ = 	snop  }
0x38d: {  	s30 =	spop (v2sf)  }
0x38e: {  	s29 =	sadd.s32 s29, s30  }
0x38f: {  	p1 =	slt.s32 s29, $0x400  }
.LBB2_25:
0x390: {  	_ = 	snop  }
0x391: {  	vm2 =	vle.f32 v4, v3  }
0x392: {  	v3 =	vmpcnt.ones.xlane vm2;
	_ =	sdelay $0x1  }
0x393: {  	(v2sf) =	vpush v3, $0x0;
	_ =	sdelay $0xe  }
0x394: {  	s26 =	spop (v2sf)  }
0x395: {  	s25 =	smov.u32 s29;
	s29 =	sadd.s32 s29, s26  }
0x396: {  	p0 =	sgt.s32 s29, $0x400  }
.Ltmp21:
0x397: {  	_ = 	snop;
	(pc) =	sbr.rel @p0 .LBB2_26-.Ltmp21, $4  }
0x398: {  	_ = 	snop  }
0x399: {  	s28 =	sor.u32 $0x10, s28;
	s25 =	simm.s32 @!p1 $0x400  }
0x39a: {  	[tilespmem:s25+$0xA800] =	vst.msk vm2, v4;
	v3 =	vor.u32 s28, v1  }
0x39b: {  	[tilespmem:s25+$0xAC80] =	vst.msk vm2, v3  }
.LBB2_28:
0x39c: {  	s24 =	sadd.s32 $0xF, s29  }
0x39d: {  	s25 =	sand.u32 $0xF, s24  }
0x39e: {  	p1 =	slt.s32 s29, $0xFFFFFFF2;
	s31 =	sshra.s32 s24, $0x1F;
	p0 =	sne.s32 s25, $0x0  }
0x39f: {  	s25 =	sshrl.u32 s31, $0x1C;
	p0 =	por !p1, !p0  }
0x3a0: {  	s24 =	sadd.s32 s25, s24;
	s25 =	simm.s32 $0x1;
	p0 =	por !p0, !p0  }
0x3a1: {  	s24 =	sshra.s32 s24, $0x4;
	s25 =	simm.s32 @!p0 $0x0  }
0x3a2: {  	s24 =	ssub.s32 s24, s25  }
0x3a3: {  	p0 =	slt.s32 s24, $0x1  }
.Ltmp22:
0x3a4: {  	_ = 	snop;
	(pc) =	sbr.rel @p0 .LBB2_38-.Ltmp22, $4  }
0x3a5: {  	_ = 	snop  }
0x3a6: {  	v4 =	vimm.f32 $+Inf  }
0x3a7: {  	v3 =	vimm.s32 $0x0;
	[tilespmem:s29+$0xA800] =	vst v4  }
0x3a8: {  	[tilespmem:s29+$0xAC80] =	vst v3  }
0x3a9: {  	s25 =	simm.s32 $0xA800  }
0x3aa: {  	s26 =	simm.s32 $0xAC80;
	v5 =	vld [tilespmem:s25+$0x0]  }
0x3ab: {  	v6 =	vld [tilespmem:s26+$0x0];
	_ =	sdelay $0x2  }
0x3ac: {  	p1 =	seq.s32 s24, $0x1  }
.Ltmp23:
0x3ad: {  	_ = 	snop;
	(pc) =	sbr.rel @p1 .LBB2_30-.Ltmp23, $2  }
0x3ae: {  	(xrf1) =	vsort.dscd.msk.f32 $0xffff, v5, v6;
	_ =	sdelay $0x2  }
0x3af: {  	p0 =	por $0x0, $0x0;
	s26 =	sadd.s32 $0xFFFFFFFF, s24  }
0x3b0: {  	_ =	sdelay $0x9  }
0x3b1: {  	v5, v6, _ =	vpop (xrf1)  }
0x3b2: {  	v7 =	vperm.xlane v5, v2;
	v8 =	vperm.xlane v6, v2  }
0x3b3: {  	v9 =	vperm.xlane v5, v0;
	v10 =	vperm.xlane v6, v0  }
0x3b4: {  	vm2 =	veq.f32 v5, v7  }
0x3b5: {  	vm3 =	vgt.s32 v8, v6;
	vm4 =	veq.f32 v5, v9;
	vm5 =	vlt.s32 v10, v6  }
0x3b6: {  	vm6 =	vmand vm2, vm0;
	vm7 =	vmand vm4, vm1;
	v7 =	vsel vm5, v10, v6  }
0x3b7: {  	vm3 =	vmand vm6, vm3;
	v6 =	vsel vm7, v7, v6  }
0x3b8: {  	v6 =	vsel vm3, v8, v6  }
0x3b9: {  	v7 =	vperm.xlane v6, v0  }
0x3ba: {  	v8 =	vperm.xlane v6, v2  }
0x3bb: {  	vm2 =	vmand vm2, vm1;
	vm3 =	vlt.s32 v7, v6  }
0x3bc: {  	vm4 =	vmand vm4, vm0;
	vm5 =	vgt.s32 v8, v6;
	v7 =	vsel vm3, v7, v6  }
0x3bd: {  	vm3 =	vmand vm2, vm5;
	v6 =	vsel vm4, v7, v6  }
0x3be: {  	v6 =	vsel vm3, v8, v6  }
0x3bf: {  	v7 =	vperm.xlane v6, v0  }
0x3c0: {  	v8 =	vperm.xlane v6, v2  }
0x3c1: {  	vm3 =	vlt.s32 v7, v6  }
0x3c2: {  	s25 =	simm.s32 $0xAC90;
	vm5 =	vgt.s32 v8, v6;
	v7 =	vsel vm3, v7, v6  }
0x3c3: {  	s24 =	simm.s32 $0xA810;
	v10 =	vld [tilespmem:s25+$0x0];
	vm3 =	vmand vm6, vm5;
	v6 =	vsel vm7, v7, v6  }
0x3c4: {  	v6 =	vsel vm3, v8, v6;
	v8 =	vld [tilespmem:s24+$0x0]  }
0x3c5: {  	v7 =	vperm.xlane v6, v0  }
0x3c6: {  	v9 =	vperm.xlane v6, v2  }
0x3c7: {  	p1 =	seq.s32 s26, $0x1;
	vm3 =	vlt.s32 v7, v6  }
.Ltmp24:
0x3c8: {  	vm5 =	vgt.s32 v9, v6;
	v7 =	vsel vm3, v7, v6;
	(pc) =	sbr.rel @p1 .LBB2_32-.Ltmp24, $4  }
0x3c9: {  	vm2 =	vmand vm2, vm5;
	v6 =	vsel vm4, v7, v6;
	(xrf1) =	vsort.dscd.msk.f32 $0xffff, v8, v10  }
0x3ca: {  	v7 =	vsel vm2, v9, v6  }
0x3cb: {  	vm3 =	veq.f32 v5, v4;
	v8 =	vimm.s32 $0x0;
	vm4 =	vlt.s32 v7, v3  }
0x3cc: {  	s26 =	sadd.s32 $0xFFFFFFFF, s26;
	p0 =	por $0x1, $0x1;
	vm2 =	vlt.f32 v5, v4;
	v6 =	vimm.f32 $+Inf;
	vm3 =	vmand vm3, vm4  }
.LBB2_33:
0x3cd: {  	p1 =	seq.s32 s26, $0x1;
	vm2 =	vmor vm2, vm3  }
0x3ce: {  	v5 =	vsel vm2, v5, v6;
	v6 =	vsel vm2, v7, v8  }
0x3cf: {  	(xrf1) =	vsort.ascd.msk.f32 $0xffff, v5, v6;
	_ =	sdelay $0x8  }
0x3d0: {  	v5, v7, _ =	vpop (xrf1)  }
0x3d1: {  	v6 =	vperm.xlane v5, v2;
	v8 =	vperm.xlane v7, v2  }
0x3d2: {  	v9 =	vperm.xlane v5, v0;
	v11 =	vperm.xlane v7, v0  }
0x3d3: {  	vm3 =	veq.f32 v5, v6;
	vm4 =	vgt.s32 v8, v7  }
0x3d4: {  	vm6 =	veq.f32 v5, v9;
	vm5 =	vlt.s32 v11, v7;
	vm2 =	vmand vm3, vm0  }
0x3d5: {  	v9 =	vsel vm5, v11, v7;
	vm7 =	vmand vm2, vm4;
	vm4 =	vmand vm6, vm1;
	v6, v10, _ =	vpop (xrf1)  }
0x3d6: {  	v7 =	vsel vm4, v9, v7;
	v9 =	vperm.xlane v6, v0;
	v11 =	vperm.xlane v10, v2  }
0x3d7: {  	v12 =	vperm.xlane v6, v2;
	v7 =	vsel vm7, v8, v7;
	v8 =	vperm.xlane v10, v0  }
0x3d8: {  	v13 =	vperm.xlane v7, v2;
	vm5 =	vlt.s32 v11, v10  }
0x3d9: {  	vm9 =	veq.f32 v6, v12;
	vm10 =	veq.f32 v6, v9;
	vm11 =	vgt.s32 v8, v10  }
0x3da: {  	vm7 =	vmand vm9, vm0;
	vm8 =	vmand vm10, vm1;
	v8 =	vsel vm11, v8, v10  }
0x3db: {  	v9 =	vperm.xlane v7, v0;
	vm11 =	vmand vm5, vm7;
	v8 =	vsel vm8, v8, v10  }
0x3dc: {  	vm5 =	vmand vm3, vm1;
	vm3 =	vmand vm6, vm0;
	v8 =	vsel vm11, v11, v8  }
0x3dd: {  	vm6 =	vgt.s32 v13, v7;
	vm11 =	vlt.s32 v9, v7;
	v10 =	vperm.xlane v8, v0  }
0x3de: {  	vm12 =	vmand vm5, vm6;
	v9 =	vsel vm11, v9, v7;
	v11 =	vperm.xlane v8, v2  }
0x3df: {  	vm6 =	vmand vm9, vm1;
	v7 =	vsel vm3, v9, v7;
	vm11 =	vgt.s32 v10, v8  }
0x3e0: {  	vm9 =	vmand vm10, vm0;
	vm13 =	vlt.s32 v11, v8;
	v9 =	vsel vm11, v10, v8  }
0x3e1: {  	v7 =	vsel vm12, v13, v7;
	vm10 =	vmand vm6, vm13;
	v8 =	vsel vm9, v9, v8  }
0x3e2: {  	v10 =	vperm.xlane v7, v2;
	v9 =	vperm.xlane v7, v0;
	v8 =	vsel vm10, v11, v8  }
0x3e3: {  	v11 =	vperm.xlane v8, v0  }
0x3e4: {  	vm10 =	vgt.s32 v10, v7;
	vm11 =	vlt.s32 v9, v7;
	v12 =	vperm.xlane v8, v2  }
0x3e5: {  	vm2 =	vmand vm2, vm10;
	v9 =	vsel vm11, v9, v7;
	vm10 =	vgt.s32 v11, v8  }
0x3e6: {  	v7 =	vsel vm4, v9, v7;
	vm4 =	vlt.s32 v12, v8;
	v9 =	vsel vm10, v11, v8  }
0x3e7: {  	s24 =	sadd.s32 $0x10, s24;
	v7 =	vsel vm2, v10, v7;
	vm2 =	vmand vm7, vm4;
	v8 =	vsel vm8, v9, v8  }
0x3e8: {  	s25 =	sadd.s32 $0x10, s25;
	v10 =	vperm.xlane v7, v2;
	v9 =	vld [tilespmem:s24+$0x0];
	v8 =	vsel vm2, v12, v8  }
0x3e9: {  	v12 =	vperm.xlane v7, v0;
	v11 =	vld [tilespmem:s25+$0x0];
	v13 =	vperm.xlane v8, v0  }
0x3ea: {  	vm2 =	vgt.s32 v10, v7;
	v14 =	vperm.xlane v8, v2  }
0x3eb: {  	vm2 =	vmand vm5, vm2;
	vm4 =	vlt.s32 v12, v7;
	vm5 =	vgt.s32 v13, v8  }
.Ltmp25:
0x3ec: {  	v12 =	vsel vm4, v12, v7;
	vm4 =	vlt.s32 v14, v8;
	v13 =	vsel vm5, v13, v8;
	(pc) =	sbr.rel @!p1 .LBB2_33-.Ltmp25, $4  }
0x3ed: {  	v7 =	vsel vm3, v12, v7;
	vm3 =	vmand vm6, vm4;
	v8 =	vsel vm9, v13, v8  }
0x3ee: {  	v7 =	vsel vm2, v10, v7;
	(xrf1) =	vsort.dscd.msk.f32 $0xffff, v9, v11;
	v8 =	vsel vm3, v14, v8  }
0x3ef: {  	vm3 =	veq.f32 v5, v6;
	vm4 =	vlt.s32 v7, v8  }
0x3f0: {  	s26 =	sadd.s32 $0xFFFFFFFF, s26;
	vm2 =	vlt.f32 v5, v6;
	vm3 =	vmand vm3, vm4  }
.Ltmp26:
0x3f1: {  	_ = 	snop;
	(pc) =	sbr.rel .LBB2_34-.Ltmp26, $1  }
0x3f2: {  	_ =	sdelay $0x3  }
.LBB2_26:
0x3f3: {  	s25 =	simm.s32 $0xA500  }
0x3f4: {  	v5 =	vld [tilespmem:s25+$0x0];
	_ =	sdelay $0x4  }
0x3f5: {  	(v2sf) =	vpush v5, $0x0;
	_ =	sdelay $0xe  }
0x3f6: {  	s31 =	spop (v2sf)  }
0x3f7: {  	s25 =	sshll.u32 s31, $0x5  }
0x3f8: {  	v5 =	vld [tilespmem:s25+$0x5000];
	_ =	sdelay $0x3  }
0x3f9: {  	v6 =	vor.u32 s25, v1  }
0x3fa: {  	(xrf1) =	vsort.dscd.msk.f32 $0xffff, v5, v6;
	_ =	sdelay $0xd  }
0x3fb: {  	v5, v6, _ =	vpop (xrf1)  }
0x3fc: {  	v7 =	vperm.xlane v5, v0;
	v8 =	vperm.xlane v6, v2  }
0x3fd: {  	v9 =	vperm.xlane v5, v2;
	v10 =	vperm.xlane v6, v0  }
0x3fe: {  	vm3 =	vgt.s32 v8, v6  }
0x3ff: {  	vm5 =	veq.f32 v5, v7;
	vm6 =	veq.f32 v5, v9;
	vm7 =	vlt.s32 v10, v6  }
0x400: {  	vm2 =	vmand vm5, vm1;
	vm4 =	vmand vm6, vm0;
	v7 =	vsel vm7, v10, v6  }
0x401: {  	vm3 =	vmand vm3, vm4;
	v6 =	vsel vm2, v7, v6  }
0x402: {  	v6 =	vsel vm3, v8, v6  }
0x403: {  	v7 =	vperm.xlane v6, v0  }
0x404: {  	p1 =	sgt.s32 s24, $0x1;
	v8 =	vperm.xlane v6, v2  }
.Ltmp27:
0x405: {  	vm3 =	vmand vm5, vm0;
	vm7 =	vlt.s32 v7, v6;
	(pc) =	sbr.rel @!p1 .LBB2_27-.Ltmp27, $4  }
0x406: {  	vm5 =	vmand vm6, vm1;
	vm6 =	vgt.s32 v8, v6;
	v7 =	vsel vm7, v7, v6  }
0x407: {  	vm6 =	vmand vm5, vm6;
	v6 =	vsel vm3, v7, v6  }
0x408: {  	v7 =	vsel vm6, v8, v6  }
0x409: {  	v4 =	vimm.f32 $+Inf;
	v3 =	vimm.s32 $0x0;
	p0 =	por $0x0, $0x0;
	s28 =	sor.u32 $0x10, s25;
	v6 =	vld [tilespmem:s25+$0x5010];
	v8 =	vperm.xlane v7, v0  }
0x40a: {  	_ =	sdelay $0x1  }
0x40b: {  	v9 =	vperm.xlane v7, v2  }
0x40c: {  	v10 =	vor.u32 s28, v1;
	vm6 =	vlt.s32 v8, v7  }
0x40d: {  	vm7 =	vgt.s32 v9, v7;
	(xrf1) =	vsort.dscd.msk.f32 $0xffff, v6, v10;
	v6 =	vsel vm6, v8, v7  }
0x40e: {  	vm4 =	vmand vm4, vm7;
	v6 =	vsel vm2, v6, v7  }
0x40f: {  	v6 =	vsel vm4, v9, v6  }
0x410: {  	v7 =	vperm.xlane v6, v0  }
0x411: {  	v8 =	vperm.xlane v6, v2  }
0x412: {  	vm2 =	vlt.s32 v7, v6  }
0x413: {  	s25 =	simm.s32 $0xA501;
	vm4 =	vgt.s32 v8, v6;
	v7 =	vsel vm2, v7, v6  }
0x414: {  	v9 =	vld [tilespmem:s25+$0x0];
	vm2 =	vmand vm5, vm4;
	v6 =	vsel vm3, v7, v6  }
0x415: {  	v6 =	vsel vm2, v8, v6  }
0x416: {  	vm2 =	veq.f32 v5, v4;
	vm3 =	vlt.s32 v6, v3  }
0x417: {  	vm4 =	vlt.f32 v5, v4;
	vm2 =	vmand vm2, vm3  }
0x418: {  	vm2 =	vmor vm4, vm2  }
0x419: {  	(v2sf) =	vpush v9, $0x0;
	v5 =	vsel vm2, v5, v4  }
0x41a: {  	v6 =	vsel vm2, v6, v3;
	_ =	sdelay $0x2  }
0x41b: {  	(xrf1) =	vsort.ascd.msk.f32 $0xffff, v5, v6;
	v6, v5, _ =	vpop (xrf1)  }
0x41c: {  	v7 =	vperm.xlane v6, v0;
	v8 =	vperm.xlane v5, v0  }
0x41d: {  	v9 =	vperm.xlane v6, v2;
	v10 =	vperm.xlane v5, v2  }
0x41e: {  	vm2 =	veq.f32 v6, v7  }
0x41f: {  	vm6 =	veq.f32 v6, v9;
	vm3 =	vlt.s32 v8, v5;
	vm7 =	vgt.s32 v10, v5  }
0x420: {  	vm5 =	vmand vm2, vm1;
	vm4 =	vmand vm6, vm0;
	v7 =	vsel vm3, v8, v5  }
0x421: {  	vm3 =	vmand vm4, vm7;
	v5 =	vsel vm5, v7, v5  }
0x422: {  	v5 =	vsel vm3, v10, v5  }
0x423: {  	v7 =	vperm.xlane v5, v0  }
0x424: {  	v8 =	vperm.xlane v5, v2  }
0x425: {  	vm3 =	vmand vm2, vm0;
	vm7 =	vlt.s32 v7, v5  }
0x426: {  	s26 =	spop (v2sf);
	vm2 =	vmand vm6, vm1;
	vm6 =	vgt.s32 v8, v5;
	v7 =	vsel vm7, v7, v5  }
0x427: {  	s29 =	sshll.u32 s26, $0x5;
	vm6 =	vmand vm2, vm6;
	v5 =	vsel vm3, v7, v5  }
0x428: {  	v7 =	vld [tilespmem:s29+$0x5000];
	v5 =	vsel vm6, v8, v5  }
0x429: {  	v8, v9, _ =	vpop (xrf1);
	v10 =	vperm.xlane v5, v0  }
0x42a: {  	v11 =	vperm.xlane v8, v2;
	v12 =	vperm.xlane v8, v0  }
0x42b: {  	v13 =	vperm.xlane v9, v0;
	v14 =	vperm.xlane v9, v2  }
0x42c: {  	vm6 =	veq.f32 v8, v11;
	v11 =	vor.u32 s29, v1;
	vm9 =	veq.f32 v8, v12  }
0x42d: {  	vm8 =	vgt.s32 v13, v9;
	vm10 =	vlt.s32 v14, v9;
	(xrf1) =	vsort.dscd.msk.f32 $0xffff, v7, v11  }
0x42e: {  	vm7 =	vmand vm6, vm0;
	v7 =	vsel vm8, v13, v9;
	vm15 =	vmand vm9, vm1  }
0x42f: {  	vm10 =	vmand vm10, vm7;
	v7 =	vsel vm15, v7, v9  }
0x430: {  	vm12 =	vlt.s32 v10, v5;
	v9 =	vperm.xlane v5, v2;
	v7 =	vsel vm10, v14, v7  }
0x431: {  	v10 =	vsel vm12, v10, v5;
	v11 =	vperm.xlane v7, v0  }
0x432: {  	v10 =	vsel vm5, v10, v5;
	vm5 =	vgt.s32 v9, v5;
	v5 =	vperm.xlane v7, v2  }
0x433: {  	vm4 =	vmand vm4, vm5;
	vm5 =	vmand vm6, vm1;
	vm13 =	vgt.s32 v11, v7  }
0x434: {  	vm6 =	vmand vm9, vm0;
	vm14 =	vlt.s32 v5, v7;
	v11 =	vsel vm13, v11, v7  }
0x435: {  	v9 =	vsel vm4, v9, v10;
	vm4 =	vmand vm5, vm14;
	v7 =	vsel vm6, v11, v7  }
0x436: {  	v10 =	vperm.xlane v9, v0;
	v5 =	vsel vm4, v5, v7  }
0x437: {  	v7 =	vperm.xlane v5, v0  }
0x438: {  	vm4 =	vlt.s32 v10, v9;
	v11 =	vperm.xlane v5, v2  }
0x439: {  	v56 =	vperm.xlane v9, v2;
	v10 =	vsel vm4, v10, v9;
	vm4 =	vgt.s32 v7, v5  }
0x43a: {  	v10 =	vsel vm3, v10, v9;
	vm3 =	vlt.s32 v11, v5;
	v7 =	vsel vm4, v7, v5  }
0x43b: {  	vm4 =	vgt.s32 v56, v9;
	vm3 =	vmand vm7, vm3;
	v7 =	vsel vm15, v7, v5;
	v5, v9, _ =	vpop (xrf1)  }
0x43c: {  	v7 =	vsel vm3, v11, v7;
	v11 =	vperm.xlane v9, v2;
	v57 =	vperm.xlane v5, v0  }
0x43d: {  	vm2 =	vmand vm2, vm4;
	v58 =	vperm.xlane v5, v2;
	v59 =	vperm.xlane v7, v0  }
0x43e: {  	v10 =	vsel vm2, v56, v10;
	v15 =	vperm.xlane v9, v0;
	v60 =	vperm.xlane v7, v2  }
0x43f: {  	vm3 =	vgt.s32 v11, v9;
	vm7 =	veq.f32 v5, v57;
	vm8 =	veq.f32 v5, v58  }
0x440: {  	vm15 =	vgt.s32 v59, v7;
	vm12 =	vlt.s32 v15, v9;
	vm13 =	vlt.s32 v60, v7  }
0x441: {  	vm2 =	vmand vm7, vm1;
	vm4 =	vmand vm8, vm0;
	v61 =	vsel vm15, v59, v7  }
0x442: {  	v62 =	vsel vm12, v15, v9;
	vm5 =	vmand vm5, vm13;
	v7 =	vsel vm6, v61, v7  }
0x443: {  	vm3 =	vmand vm3, vm4;
	v9 =	vsel vm2, v62, v9;
	v7 =	vsel vm5, v60, v7  }
0x444: {  	v9 =	vsel vm3, v11, v9;
	vm3 =	veq.f32 v6, v8;
	vm5 =	vlt.s32 v10, v7  }
0x445: {  	vm6 =	vlt.f32 v6, v8;
	vm14 =	vmand vm3, vm5  }
0x446: {  	v11 =	vperm.xlane v9, v0;
	vm6 =	vmor vm6, vm14  }
0x447: {  	p1 =	sgt.s32 s24, $0x2;
	v63 =	vperm.xlane v9, v2;
	v8 =	vsel vm6, v6, v8;
	v10 =	vsel vm6, v10, v7  }
.Ltmp28:
0x448: {  	vm3 =	vmand vm7, vm0;
	vm7 =	vlt.s32 v11, v9;
	(xrf1) =	vsort.ascd.msk.f32 $0xffff, v8, v10;
	(pc) =	sbr.rel @!p1 .LBB2_37-.Ltmp28, $4  }
0x449: {  	vm5 =	vmand vm8, vm1;
	vm15 =	vgt.s32 v63, v9;
	v11 =	vsel vm7, v11, v9  }
0x44a: {  	vm7 =	vmand vm5, vm15;
	v9 =	vsel vm3, v11, v9  }
0x44b: {  	v7 =	vsel vm7, v63, v9  }
0x44c: {  	p0 =	por $0x1, $0x1;
	s26 =	simm.s32 $0x2;
	s28 =	sor.u32 $0x10, s29;
	v6 =	vld [tilespmem:s29+$0x5010];
	v8 =	vperm.xlane v7, v0  }
.LBB2_36:
0x44d: {  	_ = 	snop  }
0x44e: {  	s26 =	sadd.s32 $0x1, s26  }
0x44f: {  	p1 =	slt.s32 s26, s24;
	_ =	sdelay $0x6  }
0x450: {  	v9, v10, _ =	vpop (xrf1)  }
0x451: {  	v11 =	vperm.xlane v9, v0;
	v12 =	vperm.xlane v10, v0  }
0x452: {  	v13 =	vperm.xlane v9, v2  }
0x453: {  	v14 =	vperm.xlane v10, v2;
	vm8 =	veq.f32 v9, v11;
	vm6 =	vgt.s32 v12, v10  }
0x454: {  	vm9 =	veq.f32 v9, v13;
	v11 =	vsel vm6, v12, v10  }
0x455: {  	vm10 =	vmand vm9, vm0;
	vm6 =	vlt.s32 v14, v10;
	vm11 =	vmand vm8, vm1  }
0x456: {  	vm6 =	vmand vm6, vm10;
	v10 =	vsel vm11, v11, v10  }
0x457: {  	vm7 =	veq.f32 v5, v9;
	v10 =	vsel vm6, v14, v10  }
0x458: {  	vm6 =	vlt.f32 v5, v9;
	v11 =	vperm.xlane v10, v0  }
0x459: {  	v12 =	vperm.xlane v10, v2  }
0x45a: {  	vm8 =	vmand vm8, vm0;
	vm12 =	vgt.s32 v11, v10  }
0x45b: {  	vm9 =	vmand vm9, vm1;
	vm13 =	vlt.s32 v12, v10;
	v11 =	vsel vm12, v11, v10  }
0x45c: {  	vm12 =	vmand vm9, vm13;
	v10 =	vsel vm8, v11, v10  }
0x45d: {  	v13 =	vor.u32 s28, v1;
	v11 =	vperm.xlane v7, v2;
	v10 =	vsel vm12, v12, v10  }
0x45e: {  	vm12 =	vlt.s32 v8, v7;
	(xrf1) =	vsort.dscd.msk.f32 $0xffff, v6, v13;
	v6 =	vperm.xlane v10, v0  }
0x45f: {  	vm13 =	vgt.s32 v11, v7;
	v8 =	vsel vm12, v8, v7;
	v12 =	vperm.xlane v10, v2  }
0x460: {  	vm4 =	vmand vm4, vm13;
	v7 =	vsel vm2, v8, v7;
	vm2 =	vgt.s32 v6, v10  }
0x461: {  	v7 =	vsel vm4, v11, v7;
	vm4 =	vlt.s32 v12, v10;
	v6 =	vsel vm2, v6, v10  }
0x462: {  	v8 =	vperm.xlane v7, v0;
	vm2 =	vmand vm10, vm4;
	v6 =	vsel vm11, v6, v10  }
0x463: {  	v10 =	vperm.xlane v7, v2;
	v6 =	vsel vm2, v12, v6  }
0x464: {  	vm2 =	vlt.s32 v8, v7;
	v11 =	vperm.xlane v6, v0  }
0x465: {  	vm4 =	vgt.s32 v10, v7;
	v8 =	vsel vm2, v8, v7;
	v12 =	vperm.xlane v6, v2  }
0x466: {  	s25 =	sadd.s32 $0x1, s25;
	vm2 =	vmand vm5, vm4;
	v7 =	vsel vm3, v8, v7;
	vm3 =	vgt.s32 v11, v6  }
0x467: {  	v10 =	vsel vm2, v10, v7;
	vm2 =	vlt.s32 v12, v6;
	v8 =	vld [tilespmem:s25+$0x0];
	v7 =	vsel vm3, v11, v6  }
0x468: {  	vm2 =	vmand vm9, vm2;
	v6 =	vsel vm8, v7, v6  }
0x469: {  	v6 =	vsel vm2, v12, v6  }
0x46a: {  	vm2 =	vlt.s32 v10, v6  }
0x46b: {  	vm2 =	vmand vm7, vm2  }
0x46c: {  	(v2sf) =	vpush v8, $0x0;
	vm2 =	vmor vm6, vm2;
	v7, v8, _ =	vpop (xrf1)  }
0x46d: {  	v5 =	vsel vm2, v5, v9;
	v6 =	vsel vm2, v10, v6  }
0x46e: {  	v9 =	vperm.xlane v7, v0;
	(xrf1) =	vsort.ascd.msk.f32 $0xffff, v5, v6  }
0x46f: {  	v5 =	vperm.xlane v8, v0;
	v6 =	vperm.xlane v7, v2  }
0x470: {  	v10 =	vperm.xlane v8, v2;
	vm2 =	veq.f32 v7, v9  }
0x471: {  	vm6 =	veq.f32 v7, v6;
	vm5 =	vmand vm2, vm1;
	vm3 =	vlt.s32 v5, v8  }
0x472: {  	vm7 =	vgt.s32 v10, v8;
	vm4 =	vmand vm6, vm0;
	v5 =	vsel vm3, v5, v8  }
0x473: {  	vm3 =	vmand vm4, vm7;
	v5 =	vsel vm5, v5, v8  }
0x474: {  	v5 =	vsel vm3, v10, v5  }
0x475: {  	v6 =	vperm.xlane v5, v0  }
0x476: {  	v8 =	vperm.xlane v5, v2  }
0x477: {  	vm3 =	vmand vm2, vm0;
	vm7 =	vlt.s32 v6, v5  }
0x478: {  	vm2 =	vmand vm6, vm1;
	vm6 =	vgt.s32 v8, v5;
	v6 =	vsel vm7, v6, v5  }
0x479: {  	vm6 =	vmand vm2, vm6;
	v5 =	vsel vm3, v6, v5  }
0x47a: {  	v5 =	vsel vm6, v8, v5  }
0x47b: {  	v8 =	vperm.xlane v5, v0;
	s28 =	spop (v2sf)  }
0x47c: {  	s29 =	sshll.u32 s28, $0x5;
	v9, v10, _ =	vpop (xrf1)  }
0x47d: {  	vm6 =	vlt.s32 v8, v5;
	v11 =	vld [tilespmem:s29+$0x5000];
	s28 =	sor.u32 $0x10, s29;
	v12 =	vperm.xlane v9, v2;
	v13 =	vperm.xlane v10, v2  }
0x47e: {  	v14 =	vperm.xlane v9, v0;
	v15 =	vperm.xlane v10, v0;
	v8 =	vsel vm6, v8, v5;
	v6 =	vld [tilespmem:s29+$0x5010]  }
0x47f: {  	v8 =	vsel vm5, v8, v5;
	vm6 =	veq.f32 v9, v12;
	v12 =	vperm.xlane v5, v2  }
0x480: {  	vm9 =	veq.f32 v9, v14;
	vm5 =	vgt.s32 v15, v10;
	vm7 =	vmand vm6, vm0  }
0x481: {  	v14 =	vor.u32 s29, v1;
	v15 =	vsel vm5, v15, v10;
	vm5 =	vgt.s32 v12, v5  }
0x482: {  	vm10 =	vlt.s32 v13, v10;
	vm8 =	vmand vm9, vm1;
	(xrf1) =	vsort.dscd.msk.f32 $0xffff, v11, v14;
	vm4 =	vmand vm4, vm5  }
0x483: {  	v5 =	vsel vm8, v15, v10;
	vm5 =	vmand vm10, vm7;
	v8 =	vsel vm4, v12, v8  }
0x484: {  	v5 =	vsel vm5, v13, v5;
	v10 =	vperm.xlane v8, v0  }
0x485: {  	v11 =	vperm.xlane v5, v0;
	v12 =	vperm.xlane v5, v2  }
0x486: {  	vm5 =	vmand vm6, vm1;
	vm6 =	vmand vm9, vm0;
	vm4 =	vlt.s32 v10, v8  }
0x487: {  	vm9 =	vlt.s32 v12, v5;
	vm10 =	vgt.s32 v11, v5;
	v10 =	vsel vm4, v10, v8  }
0x488: {  	vm4 =	vmand vm5, vm9;
	v11 =	vsel vm10, v11, v5;
	v10 =	vsel vm3, v10, v8  }
0x489: {  	v5 =	vsel vm6, v11, v5  }
0x48a: {  	v5 =	vsel vm4, v12, v5  }
0x48b: {  	v11 =	vperm.xlane v5, v0  }
0x48c: {  	v13 =	vperm.xlane v8, v2;
	v12 =	vperm.xlane v5, v2  }
0x48d: {  	vm3 =	vgt.s32 v11, v5  }
0x48e: {  	vm4 =	vlt.s32 v12, v5;
	v14 =	vsel vm3, v11, v5;
	vm3 =	vgt.s32 v13, v8  }
0x48f: {  	vm4 =	vmand vm7, vm4;
	v8 =	vsel vm8, v14, v5;
	vm2 =	vmand vm2, vm3  }
0x490: {  	v8 =	vsel vm4, v12, v8;
	v10 =	vsel vm2, v13, v10;
	v5, v11, _ =	vpop (xrf1)  }
0x491: {  	v12 =	vperm.xlane v5, v0;
	v13 =	vperm.xlane v11, v2  }
0x492: {  	v15 =	vperm.xlane v8, v0;
	v14 =	vperm.xlane v5, v2  }
0x493: {  	vm8 =	vgt.s32 v13, v11;
	vm3 =	veq.f32 v5, v12;
	v12 =	vperm.xlane v8, v2  }
0x494: {  	vm9 =	vgt.s32 v15, v8;
	vm7 =	veq.f32 v5, v14;
	vm2 =	vmand vm3, vm1  }
0x495: {  	v14 =	vperm.xlane v11, v0;
	v15 =	vsel vm9, v15, v8;
	vm4 =	vmand vm7, vm0  }
0x496: {  	vm8 =	vmand vm8, vm4;
	vm9 =	vlt.s32 v12, v8;
	v8 =	vsel vm6, v15, v8  }
0x497: {  	vm6 =	vlt.s32 v14, v11;
	vm5 =	vmand vm5, vm9  }
0x498: {  	v14 =	vsel vm6, v14, v11;
	v8 =	vsel vm5, v12, v8  }
0x499: {  	v11 =	vsel vm2, v14, v11;
	vm5 =	veq.f32 v7, v9;
	vm6 =	vlt.s32 v10, v8  }
0x49a: {  	v11 =	vsel vm8, v13, v11;
	vm8 =	vlt.f32 v7, v9;
	vm5 =	vmand vm5, vm6  }
0x49b: {  	v12 =	vperm.xlane v11, v0;
	vm5 =	vmor vm8, vm5  }
0x49c: {  	v13 =	vperm.xlane v11, v2;
	v7 =	vsel vm5, v7, v9;
	v8 =	vsel vm5, v10, v8  }
.Ltmp29:
0x49d: {  	vm3 =	vmand vm3, vm0;
	vm6 =	vlt.s32 v12, v11;
	(xrf1) =	vsort.ascd.msk.f32 $0xffff, v7, v8;
	(pc) =	sbr.rel @p1 .LBB2_36-.Ltmp29, $4  }
0x49e: {  	vm5 =	vmand vm7, vm1;
	vm7 =	vgt.s32 v13, v11;
	v7 =	vsel vm6, v12, v11  }
0x49f: {  	vm6 =	vmand vm5, vm7;
	v7 =	vsel vm3, v7, v11  }
0x4a0: {  	v7 =	vsel vm6, v13, v7  }
0x4a1: {  	v8 =	vperm.xlane v7, v0  }
.LBB2_37:
0x4a2: {  	_ =	sdelay $0x8  }
0x4a3: {  	v9, v10, _ =	vpop @p0 (xrf1)  }
0x4a4: {  	v11 =	vperm.xlane @p0 v10, v0  }
0x4a5: {  	v12 =	vperm.xlane @p0 v9, v0;
	v13 =	vperm.xlane @p0 v9, v2  }
0x4a6: {  	v14 =	vperm.xlane @p0 v10, v2;
	vm6 =	vgt.s32 @p0 v11, v10  }
0x4a7: {  	vm7 =	veq.f32 @p0 v9, v12;
	vm8 =	veq.f32 @p0 v9, v13;
	v11 =	vsel @p0 vm6, v11, v10  }
0x4a8: {  	vm9 =	vmand @p0 vm8, vm0;
	vm6 =	vlt.s32 @p0 v14, v10;
	vm10 =	vmand @p0 vm7, vm1  }
0x4a9: {  	vm6 =	vmand @p0 vm6, vm9;
	v10 =	vsel @p0 vm10, v11, v10  }
0x4aa: {  	v10 =	vsel @p0 vm6, v14, v10  }
0x4ab: {  	v11 =	vperm.xlane @p0 v10, v0  }
0x4ac: {  	v12 =	vperm.xlane @p0 v10, v2  }
0x4ad: {  	vm6 =	vmand @p0 vm7, vm0;
	vm11 =	vgt.s32 @p0 v11, v10  }
0x4ae: {  	vm7 =	vmand @p0 vm8, vm1;
	vm8 =	vlt.s32 @p0 v12, v10;
	v11 =	vsel @p0 vm11, v11, v10  }
0x4af: {  	vm8 =	vmand @p0 vm7, vm8;
	v10 =	vsel @p0 vm6, v11, v10  }
0x4b0: {  	v10 =	vsel @p0 vm8, v12, v10  }
0x4b1: {  	v38 =	vperm.xlane v7, v2;
	v12 =	vperm.xlane @p0 v10, v0  }
0x4b2: {  	vm14 =	vlt.s32 v8, v7;
	v13 =	vperm.xlane @p0 v10, v2  }
0x4b3: {  	vm15 =	vgt.s32 v38, v7;
	v8 =	vsel vm14, v8, v7;
	vm8 =	vgt.s32 @p0 v12, v10  }
0x4b4: {  	vm4 =	vmand vm4, vm15;
	vm11 =	vlt.s32 @p0 v13, v10;
	v12 =	vsel @p0 vm8, v12, v10  }
0x4b5: {  	v7 =	vsel vm2, v8, v7;
	vm2 =	vmand @p0 vm9, vm11;
	v8 =	vsel @p0 vm10, v12, v10  }
0x4b6: {  	v7 =	vsel vm4, v38, v7;
	v8 =	vsel @p0 vm2, v13, v8  }
0x4b7: {  	v40 =	vperm.xlane v7, v2;
	v11 =	vperm.xlane @p0 v8, v0  }
0x4b8: {  	v39 =	vperm.xlane v7, v0;
	v13 =	vperm.xlane @p0 v8, v2  }
0x4b9: {  	v41 =	vor.u32 s28, v1;
	vm12 =	vgt.s32 v40, v7;
	vm4 =	vgt.s32 @p0 v11, v8  }
0x4ba: {  	vm2 =	vlt.s32 v39, v7;
	vm9 =	vlt.s32 @p0 v13, v8;
	v11 =	vsel @p0 vm4, v11, v8  }
0x4bb: {  	(xrf1) =	vsort.dscd.msk.f32 $0xffff, v6, v41;
	v42 =	vsel vm2, v39, v7;
	vm2 =	vmand @p0 vm7, vm9;
	v8 =	vsel @p0 vm6, v11, v8  }
0x4bc: {  	vm13 =	vmand vm5, vm12;
	v6 =	vsel vm3, v42, v7;
	v7 =	vsel @p0 vm2, v13, v8  }
0x4bd: {  	v4 =	vpsel p0, v9, v4;
	v6 =	vsel vm13, v40, v6;
	v3 =	vpsel p0, v7, v3  }
0x4be: {  	vm2 =	veq.f32 v5, v4;
	vm3 =	vlt.s32 v6, v3  }
0x4bf: {  	vm14 =	vlt.f32 v5, v4;
	vm2 =	vmand vm2, vm3  }
0x4c0: {  	vm2 =	vmor vm14, vm2  }
0x4c1: {  	v4 =	vsel vm2, v5, v4;
	v3 =	vsel vm2, v6, v3  }
0x4c2: {  	(xrf1) =	vsort.ascd.msk.f32 $0xffff, v4, v3;
	_ =	sdelay $0x6  }
0x4c3: {  	v3, v4, _ =	vpop (xrf1)  }
0x4c4: {  	v43 =	vperm.xlane v4, v0  }
0x4c5: {  	v5 =	vperm.xlane v3, v0  }
0x4c6: {  	vm10 =	vlt.s32 v43, v4  }
0x4c7: {  	v44 =	vperm.xlane v3, v2;
	vm15 =	veq.f32 v3, v5;
	v5 =	vsel vm10, v43, v4  }
0x4c8: {  	v45 =	vperm.xlane v4, v2  }
0x4c9: {  	vm8 =	veq.f32 v3, v44;
	vm2 =	vmand vm15, vm1  }
0x4ca: {  	vm11 =	vgt.s32 v45, v4;
	vm3 =	vmand vm8, vm0;
	v4 =	vsel vm2, v5, v4;
	v5, v6, _ =	vpop (xrf1)  }
0x4cb: {  	vm12 =	vmand vm3, vm11;
	v47 =	vperm.xlane v5, v2;
	v48 =	vperm.xlane v5, v0  }
0x4cc: {  	v4 =	vsel vm12, v45, v4;
	v49 =	vperm.xlane v6, v0;
	v51 =	vperm.xlane v6, v2  }
0x4cd: {  	vm5 =	vmand vm15, vm0;
	v46 =	vperm.xlane v4, v0;
	vm9 =	veq.f32 v5, v47  }
0x4ce: {  	vm10 =	veq.f32 v5, v48;
	vm13 =	vgt.s32 v49, v6;
	vm14 =	vlt.s32 v51, v6  }
0x4cf: {  	vm6 =	vmand vm9, vm0;
	v52 =	vsel vm13, v49, v6;
	vm7 =	vmand vm10, vm1  }
0x4d0: {  	v50 =	vperm.xlane v4, v2;
	vm11 =	vmand vm14, vm6;
	v6 =	vsel vm7, v52, v6  }
0x4d1: {  	vm4 =	vmand vm8, vm1;
	vm12 =	vlt.s32 v46, v4;
	v6 =	vsel vm11, v51, v6  }
0x4d2: {  	vm15 =	vgt.s32 v50, v4;
	v7 =	vsel vm12, v46, v4;
	v53 =	vperm.xlane v6, v0  }
0x4d3: {  	vm8 =	vmand vm4, vm15;
	v4 =	vsel vm5, v7, v4;
	v54 =	vperm.xlane v6, v2  }
0x4d4: {  	v4 =	vsel vm8, v50, v4;
	vm8 =	vmand vm9, vm1;
	vm11 =	vgt.s32 v53, v6  }
0x4d5: {  	vm12 =	vmand vm10, vm0;
	vm13 =	vlt.s32 v54, v6;
	v8 =	vsel vm11, v53, v6  }
0x4d6: {  	v55 =	vperm.xlane v4, v0;
	vm10 =	vmand vm8, vm13;
	v6 =	vsel vm12, v8, v6  }
0x4d7: {  	v56 =	vperm.xlane v4, v2;
	v6 =	vsel vm10, v54, v6  }
0x4d8: {  	vm14 =	vlt.s32 v55, v4;
	v7 =	vperm.xlane v6, v0  }
0x4d9: {  	vm15 =	vgt.s32 v56, v4;
	v9 =	vsel vm14, v55, v4;
	v57 =	vperm.xlane v6, v2  }
0x4da: {  	v4 =	vsel vm2, v9, v4;
	vm2 =	vmand vm3, vm15;
	vm3 =	vgt.s32 v7, v6  }
0x4db: {  	v4 =	vsel vm2, v56, v4;
	vm2 =	vlt.s32 v57, v6;
	v7 =	vsel vm3, v7, v6  }
0x4dc: {  	vm2 =	vmand vm6, vm2;
	v6 =	vsel vm7, v7, v6  }
0x4dd: {  	v8 =	vperm.xlane v4, v0;
	v6 =	vsel vm2, v57, v6  }
0x4de: {  	v59 =	vperm.xlane v4, v2;
	v58 =	vperm.xlane v6, v0  }
0x4df: {  	vm2 =	vlt.s32 v8, v4;
	v10 =	vperm.xlane v6, v2  }
0x4e0: {  	vm3 =	vgt.s32 v59, v4;
	v8 =	vsel vm2, v8, v4;
	vm2 =	vgt.s32 v58, v6  }
0x4e1: {  	v8 =	vsel vm5, v8, v4;
	v4 =	vsel vm2, v58, v6;
	vm2 =	vlt.s32 v10, v6  }
0x4e2: {  	vm3 =	vmand vm4, vm3;
	v4 =	vsel vm12, v4, v6;
	vm2 =	vmand vm8, vm2  }
0x4e3: {  	v60 =	vsel vm3, v59, v8;
	v4 =	vsel vm2, v10, v4  }
0x4e4: {  	vm2 =	veq.f32 v3, v5;
	vm3 =	vlt.s32 v60, v4  }
0x4e5: {  	vm8 =	vlt.f32 v3, v5;
	vm2 =	vmand vm2, vm3  }
0x4e6: {  	vm2 =	vmor vm8, vm2  }
0x4e7: {  	v3 =	vsel vm2, v3, v5;
	v4 =	vsel vm2, v60, v4  }
0x4e8: {  	(xrf1) =	vsort.ascd.msk.f32 $0xffff, v3, v4;
	_ =	sdelay $0xd  }
0x4e9: {  	v3, v4, _ =	vpop (xrf1)  }
0x4ea: {  	v5 =	vperm.xlane v4, v0;
	v61 =	vperm.xlane v3, v0  }
0x4eb: {  	v62 =	vperm.xlane v3, v2;
	v63 =	vperm.xlane v4, v2  }
0x4ec: {  	vm2 =	vgt.s32 v5, v4  }
0x4ed: {  	vm3 =	veq.f32 v3, v61;
	vm9 =	veq.f32 v3, v62;
	vm10 =	vlt.s32 v63, v4  }
0x4ee: {  	v3 =	vsel vm2, v5, v4;
	vm2 =	vmand vm9, vm0;
	vm11 =	vmand vm3, vm1  }
0x4ef: {  	vm5 =	vmand vm10, vm2;
	v3 =	vsel vm11, v3, v4  }
0x4f0: {  	v3 =	vsel vm5, v63, v3  }
0x4f1: {  	v4 =	vperm.xlane v3, v0  }
0x4f2: {  	v5 =	vperm.xlane v3, v2  }
0x4f3: {  	vm3 =	vmand vm3, vm0;
	vm5 =	vgt.s32 v4, v3  }
0x4f4: {  	vm4 =	vmand vm9, vm1;
	vm12 =	vlt.s32 v5, v3;
	v4 =	vsel vm5, v4, v3  }
0x4f5: {  	vm13 =	vmand vm4, vm12;
	v3 =	vsel vm3, v4, v3  }
0x4f6: {  	v3 =	vsel vm13, v5, v3  }
0x4f7: {  	v4 =	vperm.xlane v3, v0  }
0x4f8: {  	v5 =	vperm.xlane v3, v2  }
0x4f9: {  	vm5 =	vgt.s32 v4, v3  }
0x4fa: {  	vm14 =	vlt.s32 v5, v3;
	v4 =	vsel vm5, v4, v3  }
0x4fb: {  	vm2 =	vmand vm2, vm14;
	v3 =	vsel vm11, v4, v3  }
0x4fc: {  	v3 =	vsel vm2, v5, v3  }
0x4fd: {  	v4 =	vperm.xlane v3, v0  }
.Ltmp30:
0x4fe: {  	v5 =	vperm.xlane v3, v2;
	(pc) =	sbr.rel .LBB2_38-.Ltmp30, $4  }
0x4ff: {  	vm2 =	vgt.s32 v4, v3  }
0x500: {  	vm15 =	vlt.s32 v5, v3;
	v4 =	vsel vm2, v4, v3  }
0x501: {  	vm2 =	vmand vm4, vm15;
	v3 =	vsel vm3, v4, v3  }
0x502: {  	v3 =	vsel vm2, v5, v3  }
.LBB2_12:
.Ltmp31:
0x503: {  	(pc) =	sbr.rel .LBB2_16-.Ltmp31, $2  }
0x504: {  	_ =	sdelay $0x2  }
0x505: {  	v6 =	vimm.f32 $+Inf;
	v8 =	vimm.s32 $0x0  }
.LBB2_14:
.Ltmp32:
0x506: {  	(pc) =	sbr.rel .LBB2_16-.Ltmp32, $2  }
0x507: {  	_ =	sdelay $0x2  }
0x508: {  	v6 =	vimm.f32 $+Inf;
	v8 =	vimm.s32 $0x0  }
.LBB2_32:
.Ltmp33:
0x509: {  	(pc) =	sbr.rel .LBB2_34-.Ltmp33, $2  }
0x50a: {  	_ =	sdelay $0x2  }
0x50b: {  	v6 =	vimm.f32 $+Inf;
	v8 =	vimm.s32 $0x0  }
.LBB2_9:
.Ltmp34:
0x50c: {  	(pc) =	sbr.rel .LBB2_19-.Ltmp34, $2  }
0x50d: {  	_ =	sdelay $0x2  }
0x50e: {  	_ = 	snop  }
.LBB2_27:
.Ltmp35:
0x50f: {  	(pc) =	sbr.rel .LBB2_37-.Ltmp35, $2  }
0x510: {  	_ =	sdelay $0x2  }
0x511: {  	_ = 	snop  }
.LBB2_40:
0x512: {  	_ =	sfence.sel $0x180000  }
0x513: {  	[bflag:$0x0] =	sbarrier.arrive $0xFFFF  }
0x514: {  	p0 =	sne.s32 s0, $0x0;
	_ =	strace $0x90000047  }
0x515: {  	s0 =	sadd.s32 @!p0 $0x100000, s1;
	[bflag:$0x2] =	sbarrier.arrive $0xFFFF  }
0x516: {  	[sflag:s0] =	ssyncadd.tile.s32 @!p0 $0x1;
	_ =	shalt  }
.Lfunc_end2:
_tile_overlayer_lowered:
.L_overlay_start_2:
0x517: {  	(tag) =	ssettag $0x2  }
0x518: {  	s0 =	rddreg [dreg:$0x0];
	s2 =	stileid.u32  }
0x519: {  	s1 =	rddreg [dreg:$0x1];
	p0 =	sne.s32 s2, $0x0  }
0x51a: {  	s3 =	rddreg [dreg:$0x2];
	[bflag:$0x3] =	sbarrier.arrive $0xFFFF;
	s2 =	simm.s32 @!p0 $0x1C05  }
0x51b: {  	[timem:s3], [sflag:s2] =	dma.local @!p0 [hbm:s0], s1  }
0x51c: {  	s0 =	simm.s32 @!p0 $0x5  }
0x51d: {  	_ =	swait.ge @!p0 [sflag:s0], s1  }
0x51e: {  	s1 =	ssub.s32 @!p0 $0x0, s1;
	[sflag:s0] =	ssyncset.done @!p0 $0x0  }
0x51f: {  	[sflag:s0] =	ssyncadd.s32 @!p0 s1  }
0x520: {  	[bflag:$0x3] =	sbarrier.arrive $0xFFFF  }
0x521: {  	_ =	shalt  }

</sc_bundles>
